<compile_context>
chip_gen: v7x
topology: tpu7x:2x2x1
jax: 0.10.2.dev20260603
libtpu: 0.0.44.dev20260713+nightly
codegen_flags: <defaults>
</compile_context>

<pallas_src>
import functools

import jax
import jax.numpy as jnp
from jax import lax
from jax.experimental import pallas as pl
from jax.experimental.pallas import tpu as pltpu
from jax.experimental.pallas import tpu_sc as plsc

N = 10000
E = 320000
G = 64

NW = 32
CH = 128
NCH = 80
EP = NW * NCH * CH
NP = 10240
RPT = NP // 16

@functools.cache
def _sc_mesh():
    return plsc.VectorSubcoreMesh(
        core_axis_name="c", subcore_axis_name="s", num_cores=2, num_subcores=16
    )


def _zero_stage(stage_v, f):
    def zloop(i, _):
        for k in range(f // 16):
            stage_v[i, pl.ds(k * 16, 16)] = jnp.zeros((16,), jnp.float32)
        return _

    lax.fori_loop(0, RPT, zloop, None)


def _unpack_edges(pk_v, src_v, dst_v):

    def uloop(i, _):
        for k in range(CH // 16):
            v = pk_v[i, pl.ds(k * 16, 16)]
            src_v[i, pl.ds(k * 16, 16)] = v & 0xFFFF
            dst_v[i, pl.ds(k * 16, 16)] = v >> 16
        return _

    lax.fori_loop(0, NCH, uloop, None)


@functools.cache
def _make_deg():
    @functools.partial(
        pl.kernel,
        out_type=jax.ShapeDtypeStruct((2, NP, 16), jnp.float32),
        mesh=_sc_mesh(),
        compiler_params=pltpu.CompilerParams(use_tc_tiling_on_sc=False),
        scratch_types=[
            pltpu.VMEM((NCH, CH), jnp.int32),
            pltpu.VMEM((NCH, CH), jnp.int32),
            pltpu.VMEM((CH, 16), jnp.float32),
            pltpu.VMEM((RPT, 16), jnp.float32),
            pltpu.VMEM_SHARED((NP, 16), jnp.float32),
        ],
    )
    def deg_kernel(pk_hbm, out_hbm, pk_v, idx_v, ones_v, stage_v, acc_sh):
        c = lax.axis_index("c")
        s = lax.axis_index("s")
        w = c * 16 + s

        _zero_stage(stage_v, 16)

        def oloop(i, _):
            ones_v[i, :] = jnp.ones((16,), jnp.float32)
            return _

        lax.fori_loop(0, CH, oloop, None)

        pltpu.sync_copy(stage_v, acc_sh.at[pl.ds(s * RPT, RPT)])
        pltpu.sync_copy(pk_hbm.at[w], pk_v)
        _unpack_edges(pk_v, idx_v, idx_v)
        plsc.subcore_barrier()

        def body(j, _):
            pltpu.sync_copy(ones_v, acc_sh.at[idx_v.at[j]], add=True)
            return _

        lax.fori_loop(0, NCH, body, None)
        plsc.subcore_barrier()
        pltpu.sync_copy(acc_sh.at[pl.ds(s * RPT, RPT)],
                        out_hbm.at[c, pl.ds(s * RPT, RPT)])

    return deg_kernel


@functools.cache
def _make_agg(f, in_spmem):

    nbuf = 4

    @functools.partial(
        pl.kernel,
        out_type=jax.ShapeDtypeStruct((2, NP, f), jnp.float32),
        mesh=_sc_mesh(),
        compiler_params=pltpu.CompilerParams(use_tc_tiling_on_sc=False),
        scratch_types=[
            pltpu.VMEM((NCH, CH), jnp.int32),
            pltpu.VMEM((NCH, CH), jnp.int32),
            pltpu.VMEM((NCH, CH), jnp.int32),
            [pltpu.VMEM((CH, f), jnp.float32) for _ in range(nbuf)],
            [pltpu.SemaphoreType.DMA for _ in range(nbuf)],
            pltpu.VMEM_SHARED((NP, f), jnp.float32),
            (pltpu.VMEM_SHARED((N, f), jnp.float32) if in_spmem
             else pltpu.VMEM((16,), jnp.float32)),
        ],
    )
    def agg(table_hbm, pk_hbm, out_hbm, pk_v, src_v, dst_v, rows,
            sems, acc_sh, table_sh):
        c = lax.axis_index("c")
        s = lax.axis_index("s")
        w = c * 16 + s

        if in_spmem:
            tpt = N // 16
            pltpu.sync_copy(table_hbm.at[pl.ds(s * tpt, tpt)],
                            table_sh.at[pl.ds(s * tpt, tpt)])
        table = table_sh if in_spmem else table_hbm

        def zloop(i, _):
            for k in range(f // 16):
                rows[0][i, pl.ds(k * 16, 16)] = jnp.zeros((16,), jnp.float32)
            return _

        lax.fori_loop(0, CH, zloop, None)
        for r in range(RPT // CH):
            pltpu.sync_copy(rows[0], acc_sh.at[pl.ds(s * RPT + r * CH, CH)])
        pltpu.sync_copy(pk_hbm.at[w], pk_v)
        _unpack_edges(pk_v, src_v, dst_v)
        plsc.subcore_barrier()

        def body(jj, _):
            j = jj * nbuf
            cps = [
                pltpu.async_copy(table.at[src_v.at[j + b]], rows[b], sems[b])
                for b in range(nbuf)
            ]
            for b in range(nbuf):
                cps[b].wait()
                pltpu.sync_copy(rows[b], acc_sh.at[dst_v.at[j + b]], add=True)
            return _

        lax.fori_loop(0, NCH // nbuf, body, None)
        plsc.subcore_barrier()
        pltpu.sync_copy(acc_sh.at[pl.ds(s * RPT, RPT)],
                        out_hbm.at[c, pl.ds(s * RPT, RPT)])

    return agg


@functools.cache
def _make_agg2():

    f = 32
    nbuf = 4

    @functools.partial(
        pl.kernel,
        out_type=(jax.ShapeDtypeStruct((2, NP, f), jnp.float32),
                  jax.ShapeDtypeStruct((2, NP, f), jnp.float32)),
        mesh=_sc_mesh(),
        compiler_params=pltpu.CompilerParams(use_tc_tiling_on_sc=False),
        scratch_types=[
            pltpu.VMEM((NCH, CH), jnp.int32),
            pltpu.VMEM((NCH, CH), jnp.int32),
            pltpu.VMEM((NCH, CH), jnp.int32),
            [pltpu.VMEM((CH, f), jnp.float32) for _ in range(nbuf)],
            [pltpu.SemaphoreType.DMA for _ in range(nbuf)],
            pltpu.VMEM_SHARED((NP, f), jnp.float32),
            pltpu.VMEM_SHARED((N, f), jnp.float32),
        ],
    )
    def agg2(ta_hbm, tb_hbm, pk_hbm, outa_hbm, outb_hbm, pk_v, src_v, dst_v,
             rows, sems, acc_sh, table_sh):
        c = lax.axis_index("c")
        s = lax.axis_index("s")
        w = c * 16 + s
        tpt = N // 16

        def zero_rows0():
            def zloop(i, _):
                for k in range(f // 16):
                    rows[0][i, pl.ds(k * 16, 16)] = jnp.zeros((16,), jnp.float32)
                return _

            lax.fori_loop(0, CH, zloop, None)

        def zero_acc():
            for r in range(RPT // CH):
                pltpu.sync_copy(rows[0], acc_sh.at[pl.ds(s * RPT + r * CH, CH)])

        def edge_pass():
            def body(jj, _):
                j = jj * nbuf
                cps = [
                    pltpu.async_copy(table_sh.at[src_v.at[j + b]], rows[b],
                                     sems[b])
                    for b in range(nbuf)
                ]
                for b in range(nbuf):
                    cps[b].wait()
                    pltpu.sync_copy(rows[b], acc_sh.at[dst_v.at[j + b]],
                                    add=True)
                return _

            lax.fori_loop(0, NCH // nbuf, body, None)

        pltpu.sync_copy(ta_hbm.at[pl.ds(s * tpt, tpt)],
                        table_sh.at[pl.ds(s * tpt, tpt)])
        zero_rows0()
        zero_acc()
        pltpu.sync_copy(pk_hbm.at[w], pk_v)
        _unpack_edges(pk_v, src_v, dst_v)
        plsc.subcore_barrier()
        edge_pass()
        plsc.subcore_barrier()
        pltpu.sync_copy(acc_sh.at[pl.ds(s * RPT, RPT)],
                        outa_hbm.at[c, pl.ds(s * RPT, RPT)])
        zero_rows0()
        zero_acc()
        pltpu.sync_copy(tb_hbm.at[pl.ds(s * tpt, tpt)],
                        table_sh.at[pl.ds(s * tpt, tpt)])
        plsc.subcore_barrier()
        edge_pass()
        plsc.subcore_barrier()
        pltpu.sync_copy(acc_sh.at[pl.ds(s * RPT, RPT)],
                        outb_hbm.at[c, pl.ds(s * RPT, RPT)])

    return agg2


_BLK = 1000
_NBLK = N // _BLK

def _first_tc(x, W1, degp):

    def body(x_ref, w_ref, d0_ref, d1_ref, t_ref, dinv_ref):
        deg = d0_ref[0][:, :1] + d1_ref[0][:, :1] + 1.0
        dinv = lax.rsqrt(deg)
        xw = jnp.dot(x_ref[...], w_ref[...], preferred_element_type=jnp.float32)
        t_ref[...] = xw * dinv
        dinv_ref[...] = dinv

    return pl.pallas_call(
        body,
        grid=(_NBLK,),
        in_specs=[
            pl.BlockSpec((_BLK, 128), lambda i: (i, 0)),
            pl.BlockSpec((128, 16), lambda i: (0, 0)),
            pl.BlockSpec((1, _BLK, 16), lambda i: (0, i, 0)),
            pl.BlockSpec((1, _BLK, 16), lambda i: (1, i, 0)),
        ],
        out_specs=[
            pl.BlockSpec((_BLK, 16), lambda i: (i, 0)),
            pl.BlockSpec((_BLK, 1), lambda i: (i, 0)),
        ],
        out_shape=[
            jax.ShapeDtypeStruct((N, 16), jnp.float32),
            jax.ShapeDtypeStruct((N, 1), jnp.float32),
        ],
    )(x, W1, degp, degp)


def _mid_tc(accs, ts, dinv, b, Wn, f_in, f_out, nout):

    nin = len(ts)
    fh = f_in // nin
    fo = f_out // nout

    def body(*refs):
        a_refs = refs[: 2 * nin]
        t_refs = refs[2 * nin: 3 * nin]
        dinv_ref, b_ref, w_ref = refs[3 * nin: 3 * nin + 3]
        o_refs = refs[3 * nin + 3:]
        dinv = dinv_ref[...]
        parts = []
        for k in range(nin):
            hk = (dinv * (a_refs[2 * k][0] + a_refs[2 * k + 1][0] + t_refs[k][...])
                  + b_ref[:, k * fh:(k + 1) * fh])
            parts.append(hk)
        h = jnp.maximum(parts[0] if nin == 1 else jnp.concatenate(parts, axis=1), 0.0)
        for m in range(nout):
            o_refs[m][...] = jnp.dot(
                h, w_ref[:, m * fo:(m + 1) * fo],
                preferred_element_type=jnp.float32) * dinv

    in_specs = []
    args = []
    for k in range(nin):
        in_specs += [
            pl.BlockSpec((1, _BLK, fh), lambda i: (0, i, 0)),
            pl.BlockSpec((1, _BLK, fh), lambda i: (1, i, 0)),
        ]
        args += [accs[k], accs[k]]
    for k in range(nin):
        in_specs.append(pl.BlockSpec((_BLK, fh), lambda i: (i, 0)))
        args.append(ts[k])
    in_specs += [
        pl.BlockSpec((_BLK, 1), lambda i: (i, 0)),
        pl.BlockSpec((1, f_in), lambda i: (0, 0)),
        pl.BlockSpec((f_in, f_out), lambda i: (0, 0)),
    ]
    args += [dinv, b, Wn]
    out = pl.pallas_call(
        body,
        grid=(_NBLK,),
        in_specs=in_specs,
        out_specs=[pl.BlockSpec((_BLK, fo), lambda i: (i, 0))] * nout,
        out_shape=[jax.ShapeDtypeStruct((N, fo), jnp.float32)] * nout,
    )(*args)
    return out


def _final_tc(acc, t, dinv, b, batch2d):

    def body(a0_ref, a1_ref, t_ref, dinv_ref, b_ref, bt_ref, o_ref, pool_ref):
        i = pl.program_id(0)

        @pl.when(i == 0)
        def _():
            pool_ref[...] = jnp.full((16, G), -jnp.inf, jnp.float32)

        h = dinv_ref[...] * (a0_ref[0] + a1_ref[0] + t_ref[...]) + b_ref[...]
        row = i * _BLK + lax.broadcasted_iota(jnp.int32, (_BLK, 1), 0)
        mask = ((bt_ref[...] == lax.broadcasted_iota(jnp.int32, (1, G), 1))
                & (row < N))
        for f in range(16):
            cur = jnp.max(jnp.where(mask, h[:, f:f + 1], -jnp.inf), axis=0)
            pool_ref[f, :] = jnp.maximum(pool_ref[f, :], cur)

        @pl.when(i == _NBLK - 1)
        def _():
            p = pool_ref[...].T
            valid = lax.broadcasted_iota(jnp.int32, (G, 16), 1) < 10
            pm = jnp.where(valid, p, -jnp.inf)
            mx = jnp.max(pm, axis=1, keepdims=True)
            lse = jnp.log(jnp.sum(jnp.where(valid, jnp.exp(pm - mx), 0.0),
                                  axis=1, keepdims=True)) + mx
            o_ref[...] = (p - lse)[:, :10]

    return pl.pallas_call(
        body,
        grid=(_NBLK,),
        in_specs=[
            pl.BlockSpec((1, _BLK, 16), lambda i: (0, i, 0)),
            pl.BlockSpec((1, _BLK, 16), lambda i: (1, i, 0)),
            pl.BlockSpec((_BLK, 16), lambda i: (i, 0)),
            pl.BlockSpec((_BLK, 1), lambda i: (i, 0)),
            pl.BlockSpec((1, 16), lambda i: (0, 0)),
            pl.BlockSpec((_BLK, 1), lambda i: (i, 0)),
        ],
        out_specs=pl.BlockSpec((G, 10), lambda i: (0, 0)),
        out_shape=jax.ShapeDtypeStruct((G, 10), jnp.float32),
        scratch_shapes=[pltpu.VMEM((16, G), jnp.float32)],
    )(acc, acc, t, dinv, b, batch2d)


def kernel(x, edge_index, batch, W1, b1, W2, b2, W3, b3, W4, b4):
    src = edge_index[0]
    dst = edge_index[1]
    pad = EP - E
    packed = jnp.concatenate(
        [(dst << 16) | src, jnp.full((pad,), N << 16, jnp.int32)]
    ).reshape(NW, NCH, CH)

    degp = _make_deg()(packed)

    t1, dinv = _first_tc(x, W1, degp)
    a1 = _make_agg(16, True)(t1, packed)
    (t2,) = _mid_tc([a1], [t1], dinv, b1.reshape(1, 16), W2, 16, 32, 1)
    a2 = _make_agg(32, True)(t2, packed)
    t3a, t3b = _mid_tc([a2], [t2], dinv, b2.reshape(1, 32), W3, 32, 64, 2)
    a3a, a3b = _make_agg2()(t3a, t3b, packed)
    W4p = jnp.pad(W4, ((0, 0), (0, 6)))
    b4p = jnp.pad(b4, (0, 6))
    (t4,) = _mid_tc([a3a, a3b], [t3a, t3b], dinv, b3.reshape(1, 64), W4p,
                    64, 16, 1)
    a4 = _make_agg(16, True)(t4, packed)
    return _final_tc(a4, t4, dinv, b4p.reshape(1, 16), batch.reshape(N, 1))

# --- scband reference (transcript-rebuilt; emitter-appended) ---
"""Pipeline reference for scband-first-net-1434519076932 (READ-ONLY COPY).

The authoritative reference and input builder live on the scoring server;
editing this copy changes nothing except your own understanding.
"""

import jax, jax.numpy as jnp
import numpy as np

N = 10000
E = 320000
F_IN = 128
NUM_CLASSES = 10
G = 64


def setup_inputs(seed: int = 0) -> dict:
    key = jax.random.key(seed)
    ks = jax.random.split(key, 12)
    x = jax.random.normal(ks[0], (N, F_IN), dtype=jnp.float32)
    edge_index = jax.random.randint(ks[1], (2, E), 0, N, dtype=jnp.int32)
    batch = jnp.sort(jax.random.randint(ks[2], (N,), 0, G, dtype=jnp.int32))
    def glorot(k, fan_in, fan_out):
        lim = (6.0 / (fan_in + fan_out)) ** 0.5
        return jax.random.uniform(k, (fan_in, fan_out), dtype=jnp.float32, minval=-lim, maxval=lim)
    W1 = glorot(ks[3], F_IN, 16); b1 = jnp.zeros((16,), jnp.float32)
    W2 = glorot(ks[4], 16, 32);   b2 = jnp.zeros((32,), jnp.float32)
    W3 = glorot(ks[5], 32, 64);   b3 = jnp.zeros((64,), jnp.float32)
    W4 = glorot(ks[6], 64, NUM_CLASSES); b4 = jnp.zeros((NUM_CLASSES,), jnp.float32)
    return {"x": x, "edge_index": edge_index, "batch": batch,
            "W1": W1, "b1": b1, "W2": W2, "b2": b2,
            "W3": W3, "b3": b3, "W4": W4, "b4": b4}


def _gcn_conv(x, edge_index, W, b):
    # GCNConv: D^{-1/2} (A + I) D^{-1/2} X W + b
    src = edge_index[0]
    dst = edge_index[1]
    loop = jnp.arange(N, dtype=edge_index.dtype)
    s = jnp.concatenate([src, loop])
    d = jnp.concatenate([dst, loop])
    deg = jnp.zeros((N,), x.dtype).at[d].add(1.0)
    dinv = jnp.where(deg > 0, jax.lax.rsqrt(jnp.maximum(deg, 1e-12)), 0.0)
    norm = dinv[s] * dinv[d]
    xw = x @ W
    msg = jnp.take(xw, s, axis=0) * norm[:, None]
    out = jax.ops.segment_sum(msg, d, num_segments=N)
    return out + b


def reference(x, edge_index, batch, W1, b1, W2, b2, W3, b3, W4, b4):
    h = jax.nn.relu(_gcn_conv(x, edge_index, W1, b1))
    # dropout is identity in deterministic reference
    h = jax.nn.relu(_gcn_conv(h, edge_index, W2, b2))
    h = jax.nn.relu(_gcn_conv(h, edge_index, W3, b3))
    h = _gcn_conv(h, edge_index, W4, b4)
    pooled = jax.ops.segment_max(h, batch, num_segments=G)
    return jax.nn.log_softmax(pooled, axis=1)

if __name__ == "__main__":
    import jax
    _d = setup_inputs()
    print(jax.jit(kernel)(*tuple(_d.values())))

</pallas_src>

<mosaic_0001>
#map = affine_map<(d0, d1) -> (0, 0)>
#map1 = affine_map<(d0, d1) -> (0, 0, 0)>
module attributes {stable_mosaic.version = 14 : i64} {
  func.func @agg(%arg0: i32, %arg1: i32, %arg2: memref<10000x16xf32, #tpu.memory_space<hbm>>, %arg3: memref<32x80x128xi32, #tpu.memory_space<hbm>>, %arg4: memref<2x10240x16xf32, #tpu.memory_space<hbm>>, %arg5: memref<80x128xi32, #tpu.memory_space<vmem>>, %arg6: memref<80x128xi32, #tpu.memory_space<vmem>>, %arg7: memref<80x128xi32, #tpu.memory_space<vmem>>, %arg8: memref<128x16xf32, #tpu.memory_space<vmem>>, %arg9: memref<128x16xf32, #tpu.memory_space<vmem>>, %arg10: memref<128x16xf32, #tpu.memory_space<vmem>>, %arg11: memref<128x16xf32, #tpu.memory_space<vmem>>, %arg12: memref<!tpu.dma_semaphore, #tpu.memory_space<semaphore_mem>>, %arg13: memref<!tpu.dma_semaphore, #tpu.memory_space<semaphore_mem>>, %arg14: memref<!tpu.dma_semaphore, #tpu.memory_space<semaphore_mem>>, %arg15: memref<!tpu.dma_semaphore, #tpu.memory_space<semaphore_mem>>, %arg16: memref<10240x16xf32, #tpu.memory_space<vmem_shared>>, %arg17: memref<10000x16xf32, #tpu.memory_space<vmem_shared>>) attributes {dimension_semantics = [#tpu.dimension_semantics<core_parallel>, #tpu.dimension_semantics<subcore_parallel>], iteration_bounds = array<i64: 2, 16>, scalar_prefetch = 0 : i64, scratch_operands = 13 : i64, tpu.core_type = #tpu.core_type<sc_vector_subcore>, window_params = [{transform_indices = #map}, {transform_indices = #map1}, {transform_indices = #map1}]} {
    %mul3A = arith.constant 16 : i32
    %mul3A_0 = arith.muli %arg0, %mul3A : i32
    %add3A = arith.addi %mul3A_0, %arg1 : i32
    %mul3A_1 = arith.constant 625 : i32
    %mul3A_2 = arith.muli %arg1, %mul3A_1 : i32
    %mul3A_3 = arith.constant 625 : i32
    %mul3A_4 = arith.muli %arg1, %mul3A_3 : i32
    "tpu.region"() ({
      %run_scoped3A = tpu.sem_alloc : memref<!tpu.dma_semaphore, #tpu.memory_space<semaphore_mem>>
      %dma_start3A = arith.constant 0 : i32
      %dma_start3A_44 = tpu.memref_slice %arg17[%mul3A_4, %dma_start3A] : memref<10000x16xf32, #tpu.memory_space<vmem_shared>> -> memref<625x16xf32, #tpu.memory_space<vmem_shared>>
      %dma_start3A_45 = arith.constant 0 : i32
      %dma_start3A_46 = tpu.memref_slice %arg2[%mul3A_2, %dma_start3A_45] : memref<10000x16xf32, #tpu.memory_space<hbm>> -> memref<625x16xf32, #tpu.memory_space<hbm>>
      tpu.enqueue_dma source(%dma_start3A_46 : memref<625x16xf32, #tpu.memory_space<hbm>>) target(%dma_start3A_44 : memref<625x16xf32, #tpu.memory_space<vmem_shared>>) target_semaphore(%run_scoped3A : memref<!tpu.dma_semaphore, #tpu.memory_space<semaphore_mem>>)
      %dma_wait3A = arith.constant 0 : i32
      %dma_wait3A_47 = tpu.memref_slice %arg17[%mul3A_4, %dma_wait3A] : memref<10000x16xf32, #tpu.memory_space<vmem_shared>> -> memref<625x16xf32, #tpu.memory_space<vmem_shared>>
      %dma_wait3A_48 = arith.constant 0 : i32
      %dma_wait3A_49 = tpu.memref_slice %arg2[%mul3A_2, %dma_wait3A_48] : memref<10000x16xf32, #tpu.memory_space<hbm>> -> memref<625x16xf32, #tpu.memory_space<hbm>>
      tpu.wait_dma2 semaphore(%run_scoped3A : memref<!tpu.dma_semaphore, #tpu.memory_space<semaphore_mem>>) src(%dma_wait3A_49 : memref<625x16xf32, #tpu.memory_space<hbm>>) dst(%dma_wait3A_47 : memref<625x16xf32, #tpu.memory_space<vmem_shared>>)
      tpu.yield
    }) : () -> ()
    %scan3A = arith.constant 0 : i32
    %scan3A_5 = arith.constant 128 : i32
    %scan3A_6 = arith.addi %scan3A, %scan3A_5 : i32
    %scan3A_7 = arith.constant 1 : i32
    scf.for %scan3A_44 = %scan3A to %scan3A_6 step %scan3A_7  : i32 {
      %broadcast_in_dim3A = arith.constant 0.000000e+00 : f32
      %broadcast_in_dim3A_45 = vector.broadcast %broadcast_in_dim3A : f32 to vector<16xf32>
      %swap3A = arith.index_cast %scan3A_44 : i32 to index
      %swap3A_46 = arith.constant 0 : index
      %swap3A_47 = tpu.vector_load %arg8[%swap3A, %swap3A_46] {strides = array<i32>} : memref<128x16xf32, #tpu.memory_space<vmem>>, vector<1x16xf32>,
      %swap3A_48 = vector.shape_cast %swap3A_47 : vector<1x16xf32> to vector<16xf32>
      %swap3A_49 = vector.shape_cast %broadcast_in_dim3A_45 : vector<16xf32> to vector<1x16xf32>
      tpu.vector_store %arg8[%swap3A, %swap3A_46], %swap3A_49 {strides = array<i32>} : memref<128x16xf32, #tpu.memory_space<vmem>>, vector<1x16xf32>,
    }
    %scan3A_8 = arith.constant 128 : i32
    %mul3A_9 = arith.constant 640 : i32
    %mul3A_10 = arith.muli %arg1, %mul3A_9 : i32
    %add3A_11 = arith.constant 0 : i32
    %add3A_12 = arith.addi %mul3A_10, %add3A_11 : i32
    "tpu.region"() ({
      %run_scoped3A = tpu.sem_alloc : memref<!tpu.dma_semaphore, #tpu.memory_space<semaphore_mem>>
      %dma_start3A = arith.constant 0 : i32
      %dma_start3A_44 = tpu.memref_slice %arg16[%add3A_12, %dma_start3A] : memref<10240x16xf32, #tpu.memory_space<vmem_shared>> -> memref<128x16xf32, #tpu.memory_space<vmem_shared>>
      %dma_start3A_45 = arith.constant 0 : i32
      %dma_start3A_46 = tpu.memref_slice %arg16[%add3A_12, %dma_start3A_45] : memref<10240x16xf32, #tpu.memory_space<vmem_shared>> -> memref<128x16xf32, #tpu.memory_space<vmem_shared>>
      tpu.enqueue_dma source(%arg8 : memref<128x16xf32, #tpu.memory_space<vmem>>) target(%dma_start3A_46 : memref<128x16xf32, #tpu.memory_space<vmem_shared>>) target_semaphore(%run_scoped3A : memref<!tpu.dma_semaphore, #tpu.memory_space<semaphore_mem>>)
      %dma_wait3A = arith.constant 0 : i32
      %dma_wait3A_47 = tpu.memref_slice %arg16[%add3A_12, %dma_wait3A] : memref<10240x16xf32, #tpu.memory_space<vmem_shared>> -> memref<128x16xf32, #tpu.memory_space<vmem_shared>>
      %dma_wait3A_48 = arith.constant 0 : i32
      %dma_wait3A_49 = tpu.memref_slice %arg16[%add3A_12, %dma_wait3A_48] : memref<10240x16xf32, #tpu.memory_space<vmem_shared>> -> memref<128x16xf32, #tpu.memory_space<vmem_shared>>
      tpu.wait_dma2 semaphore(%run_scoped3A : memref<!tpu.dma_semaphore, #tpu.memory_space<semaphore_mem>>) src(%arg8 : memref<128x16xf32, #tpu.memory_space<vmem>>) dst(%dma_wait3A_49 : memref<128x16xf32, #tpu.memory_space<vmem_shared>>)
      tpu.yield
    }) : () -> ()
    %mul3A_13 = arith.constant 640 : i32
    %mul3A_14 = arith.muli %arg1, %mul3A_13 : i32
    %add3A_15 = arith.constant 128 : i32
    %add3A_16 = arith.addi %mul3A_14, %add3A_15 : i32
    "tpu.region"() ({
      %run_scoped3A = tpu.sem_alloc : memref<!tpu.dma_semaphore, #tpu.memory_space<semaphore_mem>>
      %dma_start3A = arith.constant 0 : i32
      %dma_start3A_44 = tpu.memref_slice %arg16[%add3A_16, %dma_start3A] : memref<10240x16xf32, #tpu.memory_space<vmem_shared>> -> memref<128x16xf32, #tpu.memory_space<vmem_shared>>
      %dma_start3A_45 = arith.constant 0 : i32
      %dma_start3A_46 = tpu.memref_slice %arg16[%add3A_16, %dma_start3A_45] : memref<10240x16xf32, #tpu.memory_space<vmem_shared>> -> memref<128x16xf32, #tpu.memory_space<vmem_shared>>
      tpu.enqueue_dma source(%arg8 : memref<128x16xf32, #tpu.memory_space<vmem>>) target(%dma_start3A_46 : memref<128x16xf32, #tpu.memory_space<vmem_shared>>) target_semaphore(%run_scoped3A : memref<!tpu.dma_semaphore, #tpu.memory_space<semaphore_mem>>)
      %dma_wait3A = arith.constant 0 : i32
      %dma_wait3A_47 = tpu.memref_slice %arg16[%add3A_16, %dma_wait3A] : memref<10240x16xf32, #tpu.memory_space<vmem_shared>> -> memref<128x16xf32, #tpu.memory_space<vmem_shared>>
      %dma_wait3A_48 = arith.constant 0 : i32
      %dma_wait3A_49 = tpu.memref_slice %arg16[%add3A_16, %dma_wait3A_48] : memref<10240x16xf32, #tpu.memory_space<vmem_shared>> -> memref<128x16xf32, #tpu.memory_space<vmem_shared>>
      tpu.wait_dma2 semaphore(%run_scoped3A : memref<!tpu.dma_semaphore, #tpu.memory_space<semaphore_mem>>) src(%arg8 : memref<128x16xf32, #tpu.memory_space<vmem>>) dst(%dma_wait3A_49 : memref<128x16xf32, #tpu.memory_space<vmem_shared>>)
      tpu.yield
    }) : () -> ()
    %mul3A_17 = arith.constant 640 : i32
    %mul3A_18 = arith.muli %arg1, %mul3A_17 : i32
    %add3A_19 = arith.constant 256 : i32
    %add3A_20 = arith.addi %mul3A_18, %add3A_19 : i32
    "tpu.region"() ({
      %run_scoped3A = tpu.sem_alloc : memref<!tpu.dma_semaphore, #tpu.memory_space<semaphore_mem>>
      %dma_start3A = arith.constant 0 : i32
      %dma_start3A_44 = tpu.memref_slice %arg16[%add3A_20, %dma_start3A] : memref<10240x16xf32, #tpu.memory_space<vmem_shared>> -> memref<128x16xf32, #tpu.memory_space<vmem_shared>>
      %dma_start3A_45 = arith.constant 0 : i32
      %dma_start3A_46 = tpu.memref_slice %arg16[%add3A_20, %dma_start3A_45] : memref<10240x16xf32, #tpu.memory_space<vmem_shared>> -> memref<128x16xf32, #tpu.memory_space<vmem_shared>>
      tpu.enqueue_dma source(%arg8 : memref<128x16xf32, #tpu.memory_space<vmem>>) target(%dma_start3A_46 : memref<128x16xf32, #tpu.memory_space<vmem_shared>>) target_semaphore(%run_scoped3A : memref<!tpu.dma_semaphore, #tpu.memory_space<semaphore_mem>>)
      %dma_wait3A = arith.constant 0 : i32
      %dma_wait3A_47 = tpu.memref_slice %arg16[%add3A_20, %dma_wait3A] : memref<10240x16xf32, #tpu.memory_space<vmem_shared>> -> memref<128x16xf32, #tpu.memory_space<vmem_shared>>
      %dma_wait3A_48 = arith.constant 0 : i32
      %dma_wait3A_49 = tpu.memref_slice %arg16[%add3A_20, %dma_wait3A_48] : memref<10240x16xf32, #tpu.memory_space<vmem_shared>> -> memref<128x16xf32, #tpu.memory_space<vmem_shared>>
      tpu.wait_dma2 semaphore(%run_scoped3A : memref<!tpu.dma_semaphore, #tpu.memory_space<semaphore_mem>>) src(%arg8 : memref<128x16xf32, #tpu.memory_space<vmem>>) dst(%dma_wait3A_49 : memref<128x16xf32, #tpu.memory_space<vmem_shared>>)
      tpu.yield
    }) : () -> ()
    %mul3A_21 = arith.constant 640 : i32
    %mul3A_22 = arith.muli %arg1, %mul3A_21 : i32
    %add3A_23 = arith.constant 384 : i32
    %add3A_24 = arith.addi %mul3A_22, %add3A_23 : i32
    "tpu.region"() ({
      %run_scoped3A = tpu.sem_alloc : memref<!tpu.dma_semaphore, #tpu.memory_space<semaphore_mem>>
      %dma_start3A = arith.constant 0 : i32
      %dma_start3A_44 = tpu.memref_slice %arg16[%add3A_24, %dma_start3A] : memref<10240x16xf32, #tpu.memory_space<vmem_shared>> -> memref<128x16xf32, #tpu.memory_space<vmem_shared>>
      %dma_start3A_45 = arith.constant 0 : i32
      %dma_start3A_46 = tpu.memref_slice %arg16[%add3A_24, %dma_start3A_45] : memref<10240x16xf32, #tpu.memory_space<vmem_shared>> -> memref<128x16xf32, #tpu.memory_space<vmem_shared>>
      tpu.enqueue_dma source(%arg8 : memref<128x16xf32, #tpu.memory_space<vmem>>) target(%dma_start3A_46 : memref<128x16xf32, #tpu.memory_space<vmem_shared>>) target_semaphore(%run_scoped3A : memref<!tpu.dma_semaphore, #tpu.memory_space<semaphore_mem>>)
      %dma_wait3A = arith.constant 0 : i32
      %dma_wait3A_47 = tpu.memref_slice %arg16[%add3A_24, %dma_wait3A] : memref<10240x16xf32, #tpu.memory_space<vmem_shared>> -> memref<128x16xf32, #tpu.memory_space<vmem_shared>>
      %dma_wait3A_48 = arith.constant 0 : i32
      %dma_wait3A_49 = tpu.memref_slice %arg16[%add3A_24, %dma_wait3A_48] : memref<10240x16xf32, #tpu.memory_space<vmem_shared>> -> memref<128x16xf32, #tpu.memory_space<vmem_shared>>
      tpu.wait_dma2 semaphore(%run_scoped3A : memref<!tpu.dma_semaphore, #tpu.memory_space<semaphore_mem>>) src(%arg8 : memref<128x16xf32, #tpu.memory_space<vmem>>) dst(%dma_wait3A_49 : memref<128x16xf32, #tpu.memory_space<vmem_shared>>)
      tpu.yield
    }) : () -> ()
    %mul3A_25 = arith.constant 640 : i32
    %mul3A_26 = arith.muli %arg1, %mul3A_25 : i32
    %add3A_27 = arith.constant 512 : i32
    %add3A_28 = arith.addi %mul3A_26, %add3A_27 : i32
    "tpu.region"() ({
      %run_scoped3A = tpu.sem_alloc : memref<!tpu.dma_semaphore, #tpu.memory_space<semaphore_mem>>
      %dma_start3A = arith.constant 0 : i32
      %dma_start3A_44 = tpu.memref_slice %arg16[%add3A_28, %dma_start3A] : memref<10240x16xf32, #tpu.memory_space<vmem_shared>> -> memref<128x16xf32, #tpu.memory_space<vmem_shared>>
      %dma_start3A_45 = arith.constant 0 : i32
      %dma_start3A_46 = tpu.memref_slice %arg16[%add3A_28, %dma_start3A_45] : memref<10240x16xf32, #tpu.memory_space<vmem_shared>> -> memref<128x16xf32, #tpu.memory_space<vmem_shared>>
      tpu.enqueue_dma source(%arg8 : memref<128x16xf32, #tpu.memory_space<vmem>>) target(%dma_start3A_46 : memref<128x16xf32, #tpu.memory_space<vmem_shared>>) target_semaphore(%run_scoped3A : memref<!tpu.dma_semaphore, #tpu.memory_space<semaphore_mem>>)
      %dma_wait3A = arith.constant 0 : i32
      %dma_wait3A_47 = tpu.memref_slice %arg16[%add3A_28, %dma_wait3A] : memref<10240x16xf32, #tpu.memory_space<vmem_shared>> -> memref<128x16xf32, #tpu.memory_space<vmem_shared>>
      %dma_wait3A_48 = arith.constant 0 : i32
      %dma_wait3A_49 = tpu.memref_slice %arg16[%add3A_28, %dma_wait3A_48] : memref<10240x16xf32, #tpu.memory_space<vmem_shared>> -> memref<128x16xf32, #tpu.memory_space<vmem_shared>>
      tpu.wait_dma2 semaphore(%run_scoped3A : memref<!tpu.dma_semaphore, #tpu.memory_space<semaphore_mem>>) src(%arg8 : memref<128x16xf32, #tpu.memory_space<vmem>>) dst(%dma_wait3A_49 : memref<128x16xf32, #tpu.memory_space<vmem_shared>>)
      tpu.yield
    }) : () -> ()
    "tpu.region"() ({
      %run_scoped3A = tpu.sem_alloc : memref<!tpu.dma_semaphore, #tpu.memory_space<semaphore_mem>>
      %dma_start3A = arith.constant 0 : i32
      %dma_start3A_44 = arith.constant 0 : i32
      %dma_start3A_45 = tpu.memref_slice %arg3[%add3A, %dma_start3A, %dma_start3A_44] : memref<32x80x128xi32, #tpu.memory_space<hbm>> -> memref<1x80x128xi32, #tpu.memory_space<hbm>>
      %dma_start3A_46 = tpu.memref_squeeze %dma_start3A_45 : memref<1x80x128xi32, #tpu.memory_space<hbm>> -> memref<80x128xi32, #tpu.memory_space<hbm>>
      %dma_start3A_47 = arith.constant 0 : i32
      %dma_start3A_48 = arith.constant 0 : i32
      %dma_start3A_49 = tpu.memref_slice %arg3[%add3A, %dma_start3A_47, %dma_start3A_48] : memref<32x80x128xi32, #tpu.memory_space<hbm>> -> memref<1x80x128xi32, #tpu.memory_space<hbm>>
      %dma_start3A_50 = tpu.memref_squeeze %dma_start3A_49 : memref<1x80x128xi32, #tpu.memory_space<hbm>> -> memref<80x128xi32, #tpu.memory_space<hbm>>
      tpu.enqueue_dma source(%dma_start3A_50 : memref<80x128xi32, #tpu.memory_space<hbm>>) target(%arg5 : memref<80x128xi32, #tpu.memory_space<vmem>>) target_semaphore(%run_scoped3A : memref<!tpu.dma_semaphore, #tpu.memory_space<semaphore_mem>>)
      %dma_wait3A = arith.constant 0 : i32
      %dma_wait3A_51 = arith.constant 0 : i32
      %dma_wait3A_52 = tpu.memref_slice %arg3[%add3A, %dma_wait3A, %dma_wait3A_51] : memref<32x80x128xi32, #tpu.memory_space<hbm>> -> memref<1x80x128xi32, #tpu.memory_space<hbm>>
      %dma_wait3A_53 = tpu.memref_squeeze %dma_wait3A_52 : memref<1x80x128xi32, #tpu.memory_space<hbm>> -> memref<80x128xi32, #tpu.memory_space<hbm>>
      %dma_wait3A_54 = arith.constant 0 : i32
      %dma_wait3A_55 = arith.constant 0 : i32
      %dma_wait3A_56 = tpu.memref_slice %arg3[%add3A, %dma_wait3A_54, %dma_wait3A_55] : memref<32x80x128xi32, #tpu.memory_space<hbm>> -> memref<1x80x128xi32, #tpu.memory_space<hbm>>
      %dma_wait3A_57 = tpu.memref_squeeze %dma_wait3A_56 : memref<1x80x128xi32, #tpu.memory_space<hbm>> -> memref<80x128xi32, #tpu.memory_space<hbm>>
      tpu.wait_dma2 semaphore(%run_scoped3A : memref<!tpu.dma_semaphore, #tpu.memory_space<semaphore_mem>>) src(%dma_wait3A_57 : memref<80x128xi32, #tpu.memory_space<hbm>>) dst(%arg5 : memref<80x128xi32, #tpu.memory_space<vmem>>)
      tpu.yield
    }) : () -> ()
    %scan3A_29 = arith.constant 0 : i32
    %scan3A_30 = arith.constant 80 : i32
    %scan3A_31 = arith.addi %scan3A_29, %scan3A_30 : i32
    %scan3A_32 = arith.constant 1 : i32
    scf.for %scan3A_44 = %scan3A_29 to %scan3A_31 step %scan3A_32  : i32 {
      %get3A = arith.index_cast %scan3A_44 : i32 to index
      %get3A_45 = arith.constant 0 : index
      %get3A_46 = tpu.vector_load %arg5[%get3A, %get3A_45] {strides = array<i32>} : memref<80x128xi32, #tpu.memory_space<vmem>>, vector<1x16xi32>,
      %get3A_47 = vector.shape_cast %get3A_46 : vector<1x16xi32> to vector<16xi32>
      %and3A = arith.constant 65535 : i32
      %and3A_48 = vector.broadcast %and3A : i32 to vector<16xi32>
      %and3A_49 = arith.andi %get3A_47, %and3A_48 : vector<16xi32>
      %swap3A = arith.index_cast %scan3A_44 : i32 to index
      %swap3A_50 = arith.constant 0 : index
      %swap3A_51 = tpu.vector_load %arg6[%swap3A, %swap3A_50] {strides = array<i32>} : memref<80x128xi32, #tpu.memory_space<vmem>>, vector<1x16xi32>,
      %swap3A_52 = vector.shape_cast %swap3A_51 : vector<1x16xi32> to vector<16xi32>
      %swap3A_53 = vector.shape_cast %and3A_49 : vector<16xi32> to vector<1x16xi32>
      tpu.vector_store %arg6[%swap3A, %swap3A_50], %swap3A_53 {strides = array<i32>} : memref<80x128xi32, #tpu.memory_space<vmem>>, vector<1x16xi32>,
      %shift_right_arithmetic3A = arith.constant 16 : i32
      %shift_right_arithmetic3A_54 = vector.broadcast %shift_right_arithmetic3A : i32 to vector<16xi32>
      %shift_right_arithmetic3A_55 = arith.shrsi %get3A_47, %shift_right_arithmetic3A_54 : vector<16xi32>
      %swap3A_56 = arith.index_cast %scan3A_44 : i32 to index
      %swap3A_57 = arith.constant 0 : index
      %swap3A_58 = tpu.vector_load %arg7[%swap3A_56, %swap3A_57] {strides = array<i32>} : memref<80x128xi32, #tpu.memory_space<vmem>>, vector<1x16xi32>,
      %swap3A_59 = vector.shape_cast %swap3A_58 : vector<1x16xi32> to vector<16xi32>
      %swap3A_60 = vector.shape_cast %shift_right_arithmetic3A_55 : vector<16xi32> to vector<1x16xi32>
      tpu.vector_store %arg7[%swap3A_56, %swap3A_57], %swap3A_60 {strides = array<i32>} : memref<80x128xi32, #tpu.memory_space<vmem>>, vector<1x16xi32>,
      %get3A_61 = arith.index_cast %scan3A_44 : i32 to index
      %get3A_62 = arith.constant 16 : index
      %get3A_63 = tpu.vector_load %arg5[%get3A_61, %get3A_62] {strides = array<i32>} : memref<80x128xi32, #tpu.memory_space<vmem>>, vector<1x16xi32>,
      %get3A_64 = vector.shape_cast %get3A_63 : vector<1x16xi32> to vector<16xi32>
      %and3A_65 = arith.constant 65535 : i32
      %and3A_66 = vector.broadcast %and3A_65 : i32 to vector<16xi32>
      %and3A_67 = arith.andi %get3A_64, %and3A_66 : vector<16xi32>
      %swap3A_68 = arith.index_cast %scan3A_44 : i32 to index
      %swap3A_69 = arith.constant 16 : index
      %swap3A_70 = tpu.vector_load %arg6[%swap3A_68, %swap3A_69] {strides = array<i32>} : memref<80x128xi32, #tpu.memory_space<vmem>>, vector<1x16xi32>,
      %swap3A_71 = vector.shape_cast %swap3A_70 : vector<1x16xi32> to vector<16xi32>
      %swap3A_72 = vector.shape_cast %and3A_67 : vector<16xi32> to vector<1x16xi32>
      tpu.vector_store %arg6[%swap3A_68, %swap3A_69], %swap3A_72 {strides = array<i32>} : memref<80x128xi32, #tpu.memory_space<vmem>>, vector<1x16xi32>,
      %shift_right_arithmetic3A_73 = arith.constant 16 : i32
      %shift_right_arithmetic3A_74 = vector.broadcast %shift_right_arithmetic3A_73 : i32 to vector<16xi32>
      %shift_right_arithmetic3A_75 = arith.shrsi %get3A_64, %shift_right_arithmetic3A_74 : vector<16xi32>
      %swap3A_76 = arith.index_cast %scan3A_44 : i32 to index
      %swap3A_77 = arith.constant 16 : index
      %swap3A_78 = tpu.vector_load %arg7[%swap3A_76, %swap3A_77] {strides = array<i32>} : memref<80x128xi32, #tpu.memory_space<vmem>>, vector<1x16xi32>,
      %swap3A_79 = vector.shape_cast %swap3A_78 : vector<1x16xi32> to vector<16xi32>
      %swap3A_80 = vector.shape_cast %shift_right_arithmetic3A_75 : vector<16xi32> to vector<1x16xi32>
      tpu.vector_store %arg7[%swap3A_76, %swap3A_77], %swap3A_80 {strides = array<i32>} : memref<80x128xi32, #tpu.memory_space<vmem>>, vector<1x16xi32>,
      %get3A_81 = arith.index_cast %scan3A_44 : i32 to index
      %get3A_82 = arith.constant 32 : index
      %get3A_83 = tpu.vector_load %arg5[%get3A_81, %get3A_82] {strides = array<i32>} : memref<80x128xi32, #tpu.memory_space<vmem>>, vector<1x16xi32>,
      %get3A_84 = vector.shape_cast %get3A_83 : vector<1x16xi32> to vector<16xi32>
      %and3A_85 = arith.constant 65535 : i32
      %and3A_86 = vector.broadcast %and3A_85 : i32 to vector<16xi32>
      %and3A_87 = arith.andi %get3A_84, %and3A_86 : vector<16xi32>
      %swap3A_88 = arith.index_cast %scan3A_44 : i32 to index
      %swap3A_89 = arith.constant 32 : index
      %swap3A_90 = tpu.vector_load %arg6[%swap3A_88, %swap3A_89] {strides = array<i32>} : memref<80x128xi32, #tpu.memory_space<vmem>>, vector<1x16xi32>,
      %swap3A_91 = vector.shape_cast %swap3A_90 : vector<1x16xi32> to vector<16xi32>
      %swap3A_92 = vector.shape_cast %and3A_87 : vector<16xi32> to vector<1x16xi32>
      tpu.vector_store %arg6[%swap3A_88, %swap3A_89], %swap3A_92 {strides = array<i32>} : memref<80x128xi32, #tpu.memory_space<vmem>>, vector<1x16xi32>,
      %shift_right_arithmetic3A_93 = arith.constant 16 : i32
      %shift_right_arithmetic3A_94 = vector.broadcast %shift_right_arithmetic3A_93 : i32 to vector<16xi32>
      %shift_right_arithmetic3A_95 = arith.shrsi %get3A_84, %shift_right_arithmetic3A_94 : vector<16xi32>
      %swap3A_96 = arith.index_cast %scan3A_44 : i32 to index
      %swap3A_97 = arith.constant 32 : index
      %swap3A_98 = tpu.vector_load %arg7[%swap3A_96, %swap3A_97] {strides = array<i32>} : memref<80x128xi32, #tpu.memory_space<vmem>>, vector<1x16xi32>,
      %swap3A_99 = vector.shape_cast %swap3A_98 : vector<1x16xi32> to vector<16xi32>
      %swap3A_100 = vector.shape_cast %shift_right_arithmetic3A_95 : vector<16xi32> to vector<1x16xi32>
      tpu.vector_store %arg7[%swap3A_96, %swap3A_97], %swap3A_100 {strides = array<i32>} : memref<80x128xi32, #tpu.memory_space<vmem>>, vector<1x16xi32>,
      %get3A_101 = arith.index_cast %scan3A_44 : i32 to index
      %get3A_102 = arith.constant 48 : index
      %get3A_103 = tpu.vector_load %arg5[%get3A_101, %get3A_102] {strides = array<i32>} : memref<80x128xi32, #tpu.memory_space<vmem>>, vector<1x16xi32>,
      %get3A_104 = vector.shape_cast %get3A_103 : vector<1x16xi32> to vector<16xi32>
      %and3A_105 = arith.constant 65535 : i32
      %and3A_106 = vector.broadcast %and3A_105 : i32 to vector<16xi32>
      %and3A_107 = arith.andi %get3A_104, %and3A_106 : vector<16xi32>
      %swap3A_108 = arith.index_cast %scan3A_44 : i32 to index
      %swap3A_109 = arith.constant 48 : index
      %swap3A_110 = tpu.vector_load %arg6[%swap3A_108, %swap3A_109] {strides = array<i32>} : memref<80x128xi32, #tpu.memory_space<vmem>>, vector<1x16xi32>,
      %swap3A_111 = vector.shape_cast %swap3A_110 : vector<1x16xi32> to vector<16xi32>
      %swap3A_112 = vector.shape_cast %and3A_107 : vector<16xi32> to vector<1x16xi32>
      tpu.vector_store %arg6[%swap3A_108, %swap3A_109], %swap3A_112 {strides = array<i32>} : memref<80x128xi32, #tpu.memory_space<vmem>>, vector<1x16xi32>,
      %shift_right_arithmetic3A_113 = arith.constant 16 : i32
      %shift_right_arithmetic3A_114 = vector.broadcast %shift_right_arithmetic3A_113 : i32 to vector<16xi32>
      %shift_right_arithmetic3A_115 = arith.shrsi %get3A_104, %shift_right_arithmetic3A_114 : vector<16xi32>
      %swap3A_116 = arith.index_cast %scan3A_44 : i32 to index
      %swap3A_117 = arith.constant 48 : index
      %swap3A_118 = tpu.vector_load %arg7[%swap3A_116, %swap3A_117] {strides = array<i32>} : memref<80x128xi32, #tpu.memory_space<vmem>>, vector<1x16xi32>,
      %swap3A_119 = vector.shape_cast %swap3A_118 : vector<1x16xi32> to vector<16xi32>
      %swap3A_120 = vector.shape_cast %shift_right_arithmetic3A_115 : vector<16xi32> to vector<1x16xi32>
      tpu.vector_store %arg7[%swap3A_116, %swap3A_117], %swap3A_120 {strides = array<i32>} : memref<80x128xi32, #tpu.memory_space<vmem>>, vector<1x16xi32>,
      %get3A_121 = arith.index_cast %scan3A_44 : i32 to index
      %get3A_122 = arith.constant 64 : index
      %get3A_123 = tpu.vector_load %arg5[%get3A_121, %get3A_122] {strides = array<i32>} : memref<80x128xi32, #tpu.memory_space<vmem>>, vector<1x16xi32>,
      %get3A_124 = vector.shape_cast %get3A_123 : vector<1x16xi32> to vector<16xi32>
      %and3A_125 = arith.constant 65535 : i32
      %and3A_126 = vector.broadcast %and3A_125 : i32 to vector<16xi32>
      %and3A_127 = arith.andi %get3A_124, %and3A_126 : vector<16xi32>
      %swap3A_128 = arith.index_cast %scan3A_44 : i32 to index
      %swap3A_129 = arith.constant 64 : index
      %swap3A_130 = tpu.vector_load %arg6[%swap3A_128, %swap3A_129] {strides = array<i32>} : memref<80x128xi32, #tpu.memory_space<vmem>>, vector<1x16xi32>,
      %swap3A_131 = vector.shape_cast %swap3A_130 : vector<1x16xi32> to vector<16xi32>
      %swap3A_132 = vector.shape_cast %and3A_127 : vector<16xi32> to vector<1x16xi32>
      tpu.vector_store %arg6[%swap3A_128, %swap3A_129], %swap3A_132 {strides = array<i32>} : memref<80x128xi32, #tpu.memory_space<vmem>>, vector<1x16xi32>,
      %shift_right_arithmetic3A_133 = arith.constant 16 : i32
      %shift_right_arithmetic3A_134 = vector.broadcast %shift_right_arithmetic3A_133 : i32 to vector<16xi32>
      %shift_right_arithmetic3A_135 = arith.shrsi %get3A_124, %shift_right_arithmetic3A_134 : vector<16xi32>
      %swap3A_136 = arith.index_cast %scan3A_44 : i32 to index
      %swap3A_137 = arith.constant 64 : index
      %swap3A_138 = tpu.vector_load %arg7[%swap3A_136, %swap3A_137] {strides = array<i32>} : memref<80x128xi32, #tpu.memory_space<vmem>>, vector<1x16xi32>,
      %swap3A_139 = vector.shape_cast %swap3A_138 : vector<1x16xi32> to vector<16xi32>
      %swap3A_140 = vector.shape_cast %shift_right_arithmetic3A_135 : vector<16xi32> to vector<1x16xi32>
      tpu.vector_store %arg7[%swap3A_136, %swap3A_137], %swap3A_140 {strides = array<i32>} : memref<80x128xi32, #tpu.memory_space<vmem>>, vector<1x16xi32>,
      %get3A_141 = arith.index_cast %scan3A_44 : i32 to index
      %get3A_142 = arith.constant 80 : index
      %get3A_143 = tpu.vector_load %arg5[%get3A_141, %get3A_142] {strides = array<i32>} : memref<80x128xi32, #tpu.memory_space<vmem>>, vector<1x16xi32>,
      %get3A_144 = vector.shape_cast %get3A_143 : vector<1x16xi32> to vector<16xi32>
      %and3A_145 = arith.constant 65535 : i32
      %and3A_146 = vector.broadcast %and3A_145 : i32 to vector<16xi32>
      %and3A_147 = arith.andi %get3A_144, %and3A_146 : vector<16xi32>
      %swap3A_148 = arith.index_cast %scan3A_44 : i32 to index
      %swap3A_149 = arith.constant 80 : index
      %swap3A_150 = tpu.vector_load %arg6[%swap3A_148, %swap3A_149] {strides = array<i32>} : memref<80x128xi32, #tpu.memory_space<vmem>>, vector<1x16xi32>,
      %swap3A_151 = vector.shape_cast %swap3A_150 : vector<1x16xi32> to vector<16xi32>
      %swap3A_152 = vector.shape_cast %and3A_147 : vector<16xi32> to vector<1x16xi32>
      tpu.vector_store %arg6[%swap3A_148, %swap3A_149], %swap3A_152 {strides = array<i32>} : memref<80x128xi32, #tpu.memory_space<vmem>>, vector<1x16xi32>,
      %shift_right_arithmetic3A_153 = arith.constant 16 : i32
      %shift_right_arithmetic3A_154 = vector.broadcast %shift_right_arithmetic3A_153 : i32 to vector<16xi32>
      %shift_right_arithmetic3A_155 = arith.shrsi %get3A_144, %shift_right_arithmetic3A_154 : vector<16xi32>
      %swap3A_156 = arith.index_cast %scan3A_44 : i32 to index
      %swap3A_157 = arith.constant 80 : index
      %swap3A_158 = tpu.vector_load %arg7[%swap3A_156, %swap3A_157] {strides = array<i32>} : memref<80x128xi32, #tpu.memory_space<vmem>>, vector<1x16xi32>,
      %swap3A_159 = vector.shape_cast %swap3A_158 : vector<1x16xi32> to vector<16xi32>
      %swap3A_160 = vector.shape_cast %shift_right_arithmetic3A_155 : vector<16xi32> to vector<1x16xi32>
      tpu.vector_store %arg7[%swap3A_156, %swap3A_157], %swap3A_160 {strides = array<i32>} : memref<80x128xi32, #tpu.memory_space<vmem>>, vector<1x16xi32>,
      %get3A_161 = arith.index_cast %scan3A_44 : i32 to index
      %get3A_162 = arith.constant 96 : index
      %get3A_163 = tpu.vector_load %arg5[%get3A_161, %get3A_162] {strides = array<i32>} : memref<80x128xi32, #tpu.memory_space<vmem>>, vector<1x16xi32>,
      %get3A_164 = vector.shape_cast %get3A_163 : vector<1x16xi32> to vector<16xi32>
      %and3A_165 = arith.constant 65535 : i32
      %and3A_166 = vector.broadcast %and3A_165 : i32 to vector<16xi32>
      %and3A_167 = arith.andi %get3A_164, %and3A_166 : vector<16xi32>
      %swap3A_168 = arith.index_cast %scan3A_44 : i32 to index
      %swap3A_169 = arith.constant 96 : index
      %swap3A_170 = tpu.vector_load %arg6[%swap3A_168, %swap3A_169] {strides = array<i32>} : memref<80x128xi32, #tpu.memory_space<vmem>>, vector<1x16xi32>,
      %swap3A_171 = vector.shape_cast %swap3A_170 : vector<1x16xi32> to vector<16xi32>
      %swap3A_172 = vector.shape_cast %and3A_167 : vector<16xi32> to vector<1x16xi32>
      tpu.vector_store %arg6[%swap3A_168, %swap3A_169], %swap3A_172 {strides = array<i32>} : memref<80x128xi32, #tpu.memory_space<vmem>>, vector<1x16xi32>,
      %shift_right_arithmetic3A_173 = arith.constant 16 : i32
      %shift_right_arithmetic3A_174 = vector.broadcast %shift_right_arithmetic3A_173 : i32 to vector<16xi32>
      %shift_right_arithmetic3A_175 = arith.shrsi %get3A_164, %shift_right_arithmetic3A_174 : vector<16xi32>
      %swap3A_176 = arith.index_cast %scan3A_44 : i32 to index
      %swap3A_177 = arith.constant 96 : index
      %swap3A_178 = tpu.vector_load %arg7[%swap3A_176, %swap3A_177] {strides = array<i32>} : memref<80x128xi32, #tpu.memory_space<vmem>>, vector<1x16xi32>,
      %swap3A_179 = vector.shape_cast %swap3A_178 : vector<1x16xi32> to vector<16xi32>
      %swap3A_180 = vector.shape_cast %shift_right_arithmetic3A_175 : vector<16xi32> to vector<1x16xi32>
      tpu.vector_store %arg7[%swap3A_176, %swap3A_177], %swap3A_180 {strides = array<i32>} : memref<80x128xi32, #tpu.memory_space<vmem>>, vector<1x16xi32>,
      %get3A_181 = arith.index_cast %scan3A_44 : i32 to index
      %get3A_182 = arith.constant 112 : index
      %get3A_183 = tpu.vector_load %arg5[%get3A_181, %get3A_182] {strides = array<i32>} : memref<80x128xi32, #tpu.memory_space<vmem>>, vector<1x16xi32>,
      %get3A_184 = vector.shape_cast %get3A_183 : vector<1x16xi32> to vector<16xi32>
      %and3A_185 = arith.constant 65535 : i32
      %and3A_186 = vector.broadcast %and3A_185 : i32 to vector<16xi32>
      %and3A_187 = arith.andi %get3A_184, %and3A_186 : vector<16xi32>
      %swap3A_188 = arith.index_cast %scan3A_44 : i32 to index
      %swap3A_189 = arith.constant 112 : index
      %swap3A_190 = tpu.vector_load %arg6[%swap3A_188, %swap3A_189] {strides = array<i32>} : memref<80x128xi32, #tpu.memory_space<vmem>>, vector<1x16xi32>,
      %swap3A_191 = vector.shape_cast %swap3A_190 : vector<1x16xi32> to vector<16xi32>
      %swap3A_192 = vector.shape_cast %and3A_187 : vector<16xi32> to vector<1x16xi32>
      tpu.vector_store %arg6[%swap3A_188, %swap3A_189], %swap3A_192 {strides = array<i32>} : memref<80x128xi32, #tpu.memory_space<vmem>>, vector<1x16xi32>,
      %shift_right_arithmetic3A_193 = arith.constant 16 : i32
      %shift_right_arithmetic3A_194 = vector.broadcast %shift_right_arithmetic3A_193 : i32 to vector<16xi32>
      %shift_right_arithmetic3A_195 = arith.shrsi %get3A_184, %shift_right_arithmetic3A_194 : vector<16xi32>
      %swap3A_196 = arith.index_cast %scan3A_44 : i32 to index
      %swap3A_197 = arith.constant 112 : index
      %swap3A_198 = tpu.vector_load %arg7[%swap3A_196, %swap3A_197] {strides = array<i32>} : memref<80x128xi32, #tpu.memory_space<vmem>>, vector<1x16xi32>,
      %swap3A_199 = vector.shape_cast %swap3A_198 : vector<1x16xi32> to vector<16xi32>
      %swap3A_200 = vector.shape_cast %shift_right_arithmetic3A_195 : vector<16xi32> to vector<1x16xi32>
      tpu.vector_store %arg7[%swap3A_196, %swap3A_197], %swap3A_200 {strides = array<i32>} : memref<80x128xi32, #tpu.memory_space<vmem>>, vector<1x16xi32>,
    }
    %scan3A_33 = arith.constant 80 : i32
    %barrier3A = arith.constant 0 : index
    tpu.barrier barrier_id(%barrier3A)
    %scan3A_34 = arith.constant 0 : i32
    %scan3A_35 = arith.constant 20 : i32
    %scan3A_36 = arith.addi %scan3A_34, %scan3A_35 : i32
    %scan3A_37 = arith.constant 1 : i32
    scf.for %scan3A_44 = %scan3A_34 to %scan3A_36 step %scan3A_37  : i32 {
      %mul3A_45 = arith.constant 4 : i32
      %mul3A_46 = arith.muli %scan3A_44, %mul3A_45 : i32
      %add3A_47 = arith.constant 0 : i32
      %add3A_48 = arith.addi %mul3A_46, %add3A_47 : i32
      %dma_start3A = arith.constant 0 : i32
      %dma_start3A_49 = tpu.memref_slice %arg6[%add3A_48, %dma_start3A] : memref<80x128xi32, #tpu.memory_space<vmem>> -> memref<1x128xi32, #tpu.memory_space<vmem>>
      %dma_start3A_50 = tpu.memref_squeeze %dma_start3A_49 : memref<1x128xi32, #tpu.memory_space<vmem>> -> memref<128xi32, #tpu.memory_space<vmem>>
      %dma_start3A_51 = arith.constant 0 : i32
      %dma_start3A_52 = arith.constant 0 : i32
      %dma_start3A_53 = tpu.memref_slice %arg17[%dma_start3A_51, %dma_start3A_52] : memref<10000x16xf32, #tpu.memory_space<vmem_shared>> -> memref<10000x16xf32, #tpu.memory_space<vmem_shared>>
      tpu.enqueue_indirect_dma source(%dma_start3A_53 : memref<10000x16xf32, #tpu.memory_space<vmem_shared>>) target(%arg8 : memref<128x16xf32, #tpu.memory_space<vmem>>) offsets(%dma_start3A_50 : memref<128xi32, #tpu.memory_space<vmem>>) semaphore(%arg12 : memref<!tpu.dma_semaphore, #tpu.memory_space<semaphore_mem>>)
      %add3A_54 = arith.constant 1 : i32
      %add3A_55 = arith.addi %mul3A_46, %add3A_54 : i32
      %dma_start3A_56 = arith.constant 0 : i32
      %dma_start3A_57 = tpu.memref_slice %arg6[%add3A_55, %dma_start3A_56] : memref<80x128xi32, #tpu.memory_space<vmem>> -> memref<1x128xi32, #tpu.memory_space<vmem>>
      %dma_start3A_58 = tpu.memref_squeeze %dma_start3A_57 : memref<1x128xi32, #tpu.memory_space<vmem>> -> memref<128xi32, #tpu.memory_space<vmem>>
      %dma_start3A_59 = arith.constant 0 : i32
      %dma_start3A_60 = arith.constant 0 : i32
      %dma_start3A_61 = tpu.memref_slice %arg17[%dma_start3A_59, %dma_start3A_60] : memref<10000x16xf32, #tpu.memory_space<vmem_shared>> -> memref<10000x16xf32, #tpu.memory_space<vmem_shared>>
      tpu.enqueue_indirect_dma source(%dma_start3A_61 : memref<10000x16xf32, #tpu.memory_space<vmem_shared>>) target(%arg9 : memref<128x16xf32, #tpu.memory_space<vmem>>) offsets(%dma_start3A_58 : memref<128xi32, #tpu.memory_space<vmem>>) semaphore(%arg13 : memref<!tpu.dma_semaphore, #tpu.memory_space<semaphore_mem>>)
      %add3A_62 = arith.constant 2 : i32
      %add3A_63 = arith.addi %mul3A_46, %add3A_62 : i32
      %dma_start3A_64 = arith.constant 0 : i32
      %dma_start3A_65 = tpu.memref_slice %arg6[%add3A_63, %dma_start3A_64] : memref<80x128xi32, #tpu.memory_space<vmem>> -> memref<1x128xi32, #tpu.memory_space<vmem>>
      %dma_start3A_66 = tpu.memref_squeeze %dma_start3A_65 : memref<1x128xi32, #tpu.memory_space<vmem>> -> memref<128xi32, #tpu.memory_space<vmem>>
      %dma_start3A_67 = arith.constant 0 : i32
      %dma_start3A_68 = arith.constant 0 : i32
      %dma_start3A_69 = tpu.memref_slice %arg17[%dma_start3A_67, %dma_start3A_68] : memref<10000x16xf32, #tpu.memory_space<vmem_shared>> -> memref<10000x16xf32, #tpu.memory_space<vmem_shared>>
      tpu.enqueue_indirect_dma source(%dma_start3A_69 : memref<10000x16xf32, #tpu.memory_space<vmem_shared>>) target(%arg10 : memref<128x16xf32, #tpu.memory_space<vmem>>) offsets(%dma_start3A_66 : memref<128xi32, #tpu.memory_space<vmem>>) semaphore(%arg14 : memref<!tpu.dma_semaphore, #tpu.memory_space<semaphore_mem>>)
      %add3A_70 = arith.constant 3 : i32
      %add3A_71 = arith.addi %mul3A_46, %add3A_70 : i32
      %dma_start3A_72 = arith.constant 0 : i32
      %dma_start3A_73 = tpu.memref_slice %arg6[%add3A_71, %dma_start3A_72] : memref<80x128xi32, #tpu.memory_space<vmem>> -> memref<1x128xi32, #tpu.memory_space<vmem>>
      %dma_start3A_74 = tpu.memref_squeeze %dma_start3A_73 : memref<1x128xi32, #tpu.memory_space<vmem>> -> memref<128xi32, #tpu.memory_space<vmem>>
      %dma_start3A_75 = arith.constant 0 : i32
      %dma_start3A_76 = arith.constant 0 : i32
      %dma_start3A_77 = tpu.memref_slice %arg17[%dma_start3A_75, %dma_start3A_76] : memref<10000x16xf32, #tpu.memory_space<vmem_shared>> -> memref<10000x16xf32, #tpu.memory_space<vmem_shared>>
      tpu.enqueue_indirect_dma source(%dma_start3A_77 : memref<10000x16xf32, #tpu.memory_space<vmem_shared>>) target(%arg11 : memref<128x16xf32, #tpu.memory_space<vmem>>) offsets(%dma_start3A_74 : memref<128xi32, #tpu.memory_space<vmem>>) semaphore(%arg15 : memref<!tpu.dma_semaphore, #tpu.memory_space<semaphore_mem>>)
      %dma_wait3A = arith.constant 0 : i32
      %dma_wait3A_78 = tpu.memref_slice %arg6[%add3A_48, %dma_wait3A] : memref<80x128xi32, #tpu.memory_space<vmem>> -> memref<1x128xi32, #tpu.memory_space<vmem>>
      %dma_wait3A_79 = tpu.memref_squeeze %dma_wait3A_78 : memref<1x128xi32, #tpu.memory_space<vmem>> -> memref<128xi32, #tpu.memory_space<vmem>>
      %dma_wait3A_80 = arith.constant 0 : i32
      %dma_wait3A_81 = arith.constant 0 : i32
      %dma_wait3A_82 = tpu.memref_slice %arg17[%dma_wait3A_80, %dma_wait3A_81] : memref<10000x16xf32, #tpu.memory_space<vmem_shared>> -> memref<10000x16xf32, #tpu.memory_space<vmem_shared>>
      tpu.wait_indirect_dma semaphore(%arg12 : memref<!tpu.dma_semaphore, #tpu.memory_space<semaphore_mem>>) src(%dma_wait3A_82 : memref<10000x16xf32, #tpu.memory_space<vmem_shared>>) dst(%arg8 : memref<128x16xf32, #tpu.memory_space<vmem>>)
      %add3A_83 = arith.constant 0 : i32
      %add3A_84 = arith.addi %mul3A_46, %add3A_83 : i32
      "tpu.region"() ({
        %run_scoped3A = tpu.sem_alloc : memref<!tpu.dma_semaphore, #tpu.memory_space<semaphore_mem>>
        %dma_start3A_109 = arith.constant 0 : i32
        %dma_start3A_110 = tpu.memref_slice %arg7[%add3A_84, %dma_start3A_109] : memref<80x128xi32, #tpu.memory_space<vmem>> -> memref<1x128xi32, #tpu.memory_space<vmem>>
        %dma_start3A_111 = tpu.memref_squeeze %dma_start3A_110 : memref<1x128xi32, #tpu.memory_space<vmem>> -> memref<128xi32, #tpu.memory_space<vmem>>
        %dma_start3A_112 = arith.constant 0 : i32
        %dma_start3A_113 = arith.constant 0 : i32
        %dma_start3A_114 = tpu.memref_slice %arg16[%dma_start3A_112, %dma_start3A_113] : memref<10240x16xf32, #tpu.memory_space<vmem_shared>> -> memref<10240x16xf32, #tpu.memory_space<vmem_shared>>
        tpu.enqueue_indirect_dma source(%arg8 : memref<128x16xf32, #tpu.memory_space<vmem>>) target(%dma_start3A_114 : memref<10240x16xf32, #tpu.memory_space<vmem_shared>>) offsets(%dma_start3A_111 : memref<128xi32, #tpu.memory_space<vmem>>) semaphore(%run_scoped3A : memref<!tpu.dma_semaphore, #tpu.memory_space<semaphore_mem>>) {add = true}
        %dma_wait3A_115 = arith.constant 0 : i32
        %dma_wait3A_116 = tpu.memref_slice %arg7[%add3A_84, %dma_wait3A_115] : memref<80x128xi32, #tpu.memory_space<vmem>> -> memref<1x128xi32, #tpu.memory_space<vmem>>
        %dma_wait3A_117 = tpu.memref_squeeze %dma_wait3A_116 : memref<1x128xi32, #tpu.memory_space<vmem>> -> memref<128xi32, #tpu.memory_space<vmem>>
        %dma_wait3A_118 = arith.constant 0 : i32
        %dma_wait3A_119 = arith.constant 0 : i32
        %dma_wait3A_120 = tpu.memref_slice %arg16[%dma_wait3A_118, %dma_wait3A_119] : memref<10240x16xf32, #tpu.memory_space<vmem_shared>> -> memref<10240x16xf32, #tpu.memory_space<vmem_shared>>
        tpu.wait_indirect_dma semaphore(%run_scoped3A : memref<!tpu.dma_semaphore, #tpu.memory_space<semaphore_mem>>) src(%arg8 : memref<128x16xf32, #tpu.memory_space<vmem>>) dst(%dma_wait3A_120 : memref<10240x16xf32, #tpu.memory_space<vmem_shared>>)
        tpu.yield
      }) : () -> ()
      %dma_wait3A_85 = arith.constant 0 : i32
      %dma_wait3A_86 = tpu.memref_slice %arg6[%add3A_55, %dma_wait3A_85] : memref<80x128xi32, #tpu.memory_space<vmem>> -> memref<1x128xi32, #tpu.memory_space<vmem>>
      %dma_wait3A_87 = tpu.memref_squeeze %dma_wait3A_86 : memref<1x128xi32, #tpu.memory_space<vmem>> -> memref<128xi32, #tpu.memory_space<vmem>>
      %dma_wait3A_88 = arith.constant 0 : i32
      %dma_wait3A_89 = arith.constant 0 : i32
      %dma_wait3A_90 = tpu.memref_slice %arg17[%dma_wait3A_88, %dma_wait3A_89] : memref<10000x16xf32, #tpu.memory_space<vmem_shared>> -> memref<10000x16xf32, #tpu.memory_space<vmem_shared>>
      tpu.wait_indirect_dma semaphore(%arg13 : memref<!tpu.dma_semaphore, #tpu.memory_space<semaphore_mem>>) src(%dma_wait3A_90 : memref<10000x16xf32, #tpu.memory_space<vmem_shared>>) dst(%arg9 : memref<128x16xf32, #tpu.memory_space<vmem>>)
      %add3A_91 = arith.constant 1 : i32
      %add3A_92 = arith.addi %mul3A_46, %add3A_91 : i32
      "tpu.region"() ({
        %run_scoped3A = tpu.sem_alloc : memref<!tpu.dma_semaphore, #tpu.memory_space<semaphore_mem>>
        %dma_start3A_109 = arith.constant 0 : i32
        %dma_start3A_110 = tpu.memref_slice %arg7[%add3A_92, %dma_start3A_109] : memref<80x128xi32, #tpu.memory_space<vmem>> -> memref<1x128xi32, #tpu.memory_space<vmem>>
        %dma_start3A_111 = tpu.memref_squeeze %dma_start3A_110 : memref<1x128xi32, #tpu.memory_space<vmem>> -> memref<128xi32, #tpu.memory_space<vmem>>
        %dma_start3A_112 = arith.constant 0 : i32
        %dma_start3A_113 = arith.constant 0 : i32
        %dma_start3A_114 = tpu.memref_slice %arg16[%dma_start3A_112, %dma_start3A_113] : memref<10240x16xf32, #tpu.memory_space<vmem_shared>> -> memref<10240x16xf32, #tpu.memory_space<vmem_shared>>
        tpu.enqueue_indirect_dma source(%arg9 : memref<128x16xf32, #tpu.memory_space<vmem>>) target(%dma_start3A_114 : memref<10240x16xf32, #tpu.memory_space<vmem_shared>>) offsets(%dma_start3A_111 : memref<128xi32, #tpu.memory_space<vmem>>) semaphore(%run_scoped3A : memref<!tpu.dma_semaphore, #tpu.memory_space<semaphore_mem>>) {add = true}
        %dma_wait3A_115 = arith.constant 0 : i32
        %dma_wait3A_116 = tpu.memref_slice %arg7[%add3A_92, %dma_wait3A_115] : memref<80x128xi32, #tpu.memory_space<vmem>> -> memref<1x128xi32, #tpu.memory_space<vmem>>
        %dma_wait3A_117 = tpu.memref_squeeze %dma_wait3A_116 : memref<1x128xi32, #tpu.memory_space<vmem>> -> memref<128xi32, #tpu.memory_space<vmem>>
        %dma_wait3A_118 = arith.constant 0 : i32
        %dma_wait3A_119 = arith.constant 0 : i32
        %dma_wait3A_120 = tpu.memref_slice %arg16[%dma_wait3A_118, %dma_wait3A_119] : memref<10240x16xf32, #tpu.memory_space<vmem_shared>> -> memref<10240x16xf32, #tpu.memory_space<vmem_shared>>
        tpu.wait_indirect_dma semaphore(%run_scoped3A : memref<!tpu.dma_semaphore, #tpu.memory_space<semaphore_mem>>) src(%arg9 : memref<128x16xf32, #tpu.memory_space<vmem>>) dst(%dma_wait3A_120 : memref<10240x16xf32, #tpu.memory_space<vmem_shared>>)
        tpu.yield
      }) : () -> ()
      %dma_wait3A_93 = arith.constant 0 : i32
      %dma_wait3A_94 = tpu.memref_slice %arg6[%add3A_63, %dma_wait3A_93] : memref<80x128xi32, #tpu.memory_space<vmem>> -> memref<1x128xi32, #tpu.memory_space<vmem>>
      %dma_wait3A_95 = tpu.memref_squeeze %dma_wait3A_94 : memref<1x128xi32, #tpu.memory_space<vmem>> -> memref<128xi32, #tpu.memory_space<vmem>>
      %dma_wait3A_96 = arith.constant 0 : i32
      %dma_wait3A_97 = arith.constant 0 : i32
      %dma_wait3A_98 = tpu.memref_slice %arg17[%dma_wait3A_96, %dma_wait3A_97] : memref<10000x16xf32, #tpu.memory_space<vmem_shared>> -> memref<10000x16xf32, #tpu.memory_space<vmem_shared>>
      tpu.wait_indirect_dma semaphore(%arg14 : memref<!tpu.dma_semaphore, #tpu.memory_space<semaphore_mem>>) src(%dma_wait3A_98 : memref<10000x16xf32, #tpu.memory_space<vmem_shared>>) dst(%arg10 : memref<128x16xf32, #tpu.memory_space<vmem>>)
      %add3A_99 = arith.constant 2 : i32
      %add3A_100 = arith.addi %mul3A_46, %add3A_99 : i32
      "tpu.region"() ({
        %run_scoped3A = tpu.sem_alloc : memref<!tpu.dma_semaphore, #tpu.memory_space<semaphore_mem>>
        %dma_start3A_109 = arith.constant 0 : i32
        %dma_start3A_110 = tpu.memref_slice %arg7[%add3A_100, %dma_start3A_109] : memref<80x128xi32, #tpu.memory_space<vmem>> -> memref<1x128xi32, #tpu.memory_space<vmem>>
        %dma_start3A_111 = tpu.memref_squeeze %dma_start3A_110 : memref<1x128xi32, #tpu.memory_space<vmem>> -> memref<128xi32, #tpu.memory_space<vmem>>
        %dma_start3A_112 = arith.constant 0 : i32
        %dma_start3A_113 = arith.constant 0 : i32
        %dma_start3A_114 = tpu.memref_slice %arg16[%dma_start3A_112, %dma_start3A_113] : memref<10240x16xf32, #tpu.memory_space<vmem_shared>> -> memref<10240x16xf32, #tpu.memory_space<vmem_shared>>
        tpu.enqueue_indirect_dma source(%arg10 : memref<128x16xf32, #tpu.memory_space<vmem>>) target(%dma_start3A_114 : memref<10240x16xf32, #tpu.memory_space<vmem_shared>>) offsets(%dma_start3A_111 : memref<128xi32, #tpu.memory_space<vmem>>) semaphore(%run_scoped3A : memref<!tpu.dma_semaphore, #tpu.memory_space<semaphore_mem>>) {add = true}
        %dma_wait3A_115 = arith.constant 0 : i32
        %dma_wait3A_116 = tpu.memref_slice %arg7[%add3A_100, %dma_wait3A_115] : memref<80x128xi32, #tpu.memory_space<vmem>> -> memref<1x128xi32, #tpu.memory_space<vmem>>
        %dma_wait3A_117 = tpu.memref_squeeze %dma_wait3A_116 : memref<1x128xi32, #tpu.memory_space<vmem>> -> memref<128xi32, #tpu.memory_space<vmem>>
        %dma_wait3A_118 = arith.constant 0 : i32
        %dma_wait3A_119 = arith.constant 0 : i32
        %dma_wait3A_120 = tpu.memref_slice %arg16[%dma_wait3A_118, %dma_wait3A_119] : memref<10240x16xf32, #tpu.memory_space<vmem_shared>> -> memref<10240x16xf32, #tpu.memory_space<vmem_shared>>
        tpu.wait_indirect_dma semaphore(%run_scoped3A : memref<!tpu.dma_semaphore, #tpu.memory_space<semaphore_mem>>) src(%arg10 : memref<128x16xf32, #tpu.memory_space<vmem>>) dst(%dma_wait3A_120 : memref<10240x16xf32, #tpu.memory_space<vmem_shared>>)
        tpu.yield
      }) : () -> ()
      %dma_wait3A_101 = arith.constant 0 : i32
      %dma_wait3A_102 = tpu.memref_slice %arg6[%add3A_71, %dma_wait3A_101] : memref<80x128xi32, #tpu.memory_space<vmem>> -> memref<1x128xi32, #tpu.memory_space<vmem>>
      %dma_wait3A_103 = tpu.memref_squeeze %dma_wait3A_102 : memref<1x128xi32, #tpu.memory_space<vmem>> -> memref<128xi32, #tpu.memory_space<vmem>>
      %dma_wait3A_104 = arith.constant 0 : i32
      %dma_wait3A_105 = arith.constant 0 : i32
      %dma_wait3A_106 = tpu.memref_slice %arg17[%dma_wait3A_104, %dma_wait3A_105] : memref<10000x16xf32, #tpu.memory_space<vmem_shared>> -> memref<10000x16xf32, #tpu.memory_space<vmem_shared>>
      tpu.wait_indirect_dma semaphore(%arg15 : memref<!tpu.dma_semaphore, #tpu.memory_space<semaphore_mem>>) src(%dma_wait3A_106 : memref<10000x16xf32, #tpu.memory_space<vmem_shared>>) dst(%arg11 : memref<128x16xf32, #tpu.memory_space<vmem>>)
      %add3A_107 = arith.constant 3 : i32
      %add3A_108 = arith.addi %mul3A_46, %add3A_107 : i32
      "tpu.region"() ({
        %run_scoped3A = tpu.sem_alloc : memref<!tpu.dma_semaphore, #tpu.memory_space<semaphore_mem>>
        %dma_start3A_109 = arith.constant 0 : i32
        %dma_start3A_110 = tpu.memref_slice %arg7[%add3A_108, %dma_start3A_109] : memref<80x128xi32, #tpu.memory_space<vmem>> -> memref<1x128xi32, #tpu.memory_space<vmem>>
        %dma_start3A_111 = tpu.memref_squeeze %dma_start3A_110 : memref<1x128xi32, #tpu.memory_space<vmem>> -> memref<128xi32, #tpu.memory_space<vmem>>
        %dma_start3A_112 = arith.constant 0 : i32
        %dma_start3A_113 = arith.constant 0 : i32
        %dma_start3A_114 = tpu.memref_slice %arg16[%dma_start3A_112, %dma_start3A_113] : memref<10240x16xf32, #tpu.memory_space<vmem_shared>> -> memref<10240x16xf32, #tpu.memory_space<vmem_shared>>
        tpu.enqueue_indirect_dma source(%arg11 : memref<128x16xf32, #tpu.memory_space<vmem>>) target(%dma_start3A_114 : memref<10240x16xf32, #tpu.memory_space<vmem_shared>>) offsets(%dma_start3A_111 : memref<128xi32, #tpu.memory_space<vmem>>) semaphore(%run_scoped3A : memref<!tpu.dma_semaphore, #tpu.memory_space<semaphore_mem>>) {add = true}
        %dma_wait3A_115 = arith.constant 0 : i32
        %dma_wait3A_116 = tpu.memref_slice %arg7[%add3A_108, %dma_wait3A_115] : memref<80x128xi32, #tpu.memory_space<vmem>> -> memref<1x128xi32, #tpu.memory_space<vmem>>
        %dma_wait3A_117 = tpu.memref_squeeze %dma_wait3A_116 : memref<1x128xi32, #tpu.memory_space<vmem>> -> memref<128xi32, #tpu.memory_space<vmem>>
        %dma_wait3A_118 = arith.constant 0 : i32
        %dma_wait3A_119 = arith.constant 0 : i32
        %dma_wait3A_120 = tpu.memref_slice %arg16[%dma_wait3A_118, %dma_wait3A_119] : memref<10240x16xf32, #tpu.memory_space<vmem_shared>> -> memref<10240x16xf32, #tpu.memory_space<vmem_shared>>
        tpu.wait_indirect_dma semaphore(%run_scoped3A : memref<!tpu.dma_semaphore, #tpu.memory_space<semaphore_mem>>) src(%arg11 : memref<128x16xf32, #tpu.memory_space<vmem>>) dst(%dma_wait3A_120 : memref<10240x16xf32, #tpu.memory_space<vmem_shared>>)
        tpu.yield
      }) : () -> ()
    }
    %scan3A_38 = arith.constant 20 : i32
    %barrier3A_39 = arith.constant 0 : index
    tpu.barrier barrier_id(%barrier3A_39)
    %mul3A_40 = arith.constant 640 : i32
    %mul3A_41 = arith.muli %arg1, %mul3A_40 : i32
    %mul3A_42 = arith.constant 640 : i32
    %mul3A_43 = arith.muli %arg1, %mul3A_42 : i32
    "tpu.region"() ({
      %run_scoped3A = tpu.sem_alloc : memref<!tpu.dma_semaphore, #tpu.memory_space<semaphore_mem>>
      %dma_start3A = arith.constant 0 : i32
      %dma_start3A_44 = tpu.memref_slice %arg4[%arg0, %mul3A_43, %dma_start3A] : memref<2x10240x16xf32, #tpu.memory_space<hbm>> -> memref<1x640x16xf32, #tpu.memory_space<hbm>>
      %dma_start3A_45 = tpu.memref_squeeze %dma_start3A_44 : memref<1x640x16xf32, #tpu.memory_space<hbm>> -> memref<640x16xf32, #tpu.memory_space<hbm>>
      %dma_start3A_46 = arith.constant 0 : i32
      %dma_start3A_47 = tpu.memref_slice %arg16[%mul3A_41, %dma_start3A_46] : memref<10240x16xf32, #tpu.memory_space<vmem_shared>> -> memref<640x16xf32, #tpu.memory_space<vmem_shared>>
      tpu.enqueue_dma source(%dma_start3A_47 : memref<640x16xf32, #tpu.memory_space<vmem_shared>>) target(%dma_start3A_45 : memref<640x16xf32, #tpu.memory_space<hbm>>) target_semaphore(%run_scoped3A : memref<!tpu.dma_semaphore, #tpu.memory_space<semaphore_mem>>)
      %dma_wait3A = arith.constant 0 : i32
      %dma_wait3A_48 = tpu.memref_slice %arg4[%arg0, %mul3A_43, %dma_wait3A] : memref<2x10240x16xf32, #tpu.memory_space<hbm>> -> memref<1x640x16xf32, #tpu.memory_space<hbm>>
      %dma_wait3A_49 = tpu.memref_squeeze %dma_wait3A_48 : memref<1x640x16xf32, #tpu.memory_space<hbm>> -> memref<640x16xf32, #tpu.memory_space<hbm>>
      %dma_wait3A_50 = arith.constant 0 : i32
      %dma_wait3A_51 = tpu.memref_slice %arg16[%mul3A_41, %dma_wait3A_50] : memref<10240x16xf32, #tpu.memory_space<vmem_shared>> -> memref<640x16xf32, #tpu.memory_space<vmem_shared>>
      tpu.wait_dma2 semaphore(%run_scoped3A : memref<!tpu.dma_semaphore, #tpu.memory_space<semaphore_mem>>) src(%dma_wait3A_51 : memref<640x16xf32, #tpu.memory_space<vmem_shared>>) dst(%dma_wait3A_49 : memref<640x16xf32, #tpu.memory_space<hbm>>)
      tpu.yield
    }) : () -> ()
    return
  }
}

#map = affine_map<(d0, d1) -> (0, 0)>
#map1 = affine_map<(d0, d1) -> (0, 0, 0)>
module attributes {stable_mosaic.version = 14 : i64} {
  func.func @agg(%arg0: i32, %arg1: i32, %arg2: memref<10000x32xf32, #tpu.memory_space<hbm>>, %arg3: memref<32x80x128xi32, #tpu.memory_space<hbm>>, %arg4: memref<2x10240x32xf32, #tpu.memory_space<hbm>>, %arg5: memref<80x128xi32, #tpu.memory_space<vmem>>, %arg6: memref<80x128xi32, #tpu.memory_space<vmem>>, %arg7: memref<80x128xi32, #tpu.memory_space<vmem>>, %arg8: memref<128x32xf32, #tpu.memory_space<vmem>>, %arg9: memref<128x32xf32, #tpu.memory_space<vmem>>, %arg10: memref<128x32xf32, #tpu.memory_space<vmem>>, %arg11: memref<128x32xf32, #tpu.memory_space<vmem>>, %arg12: memref<!tpu.dma_semaphore, #tpu.memory_space<semaphore_mem>>, %arg13: memref<!tpu.dma_semaphore, #tpu.memory_space<semaphore_mem>>, %arg14: memref<!tpu.dma_semaphore, #tpu.memory_space<semaphore_mem>>, %arg15: memref<!tpu.dma_semaphore, #tpu.memory_space<semaphore_mem>>, %arg16: memref<10240x32xf32, #tpu.memory_space<vmem_shared>>, %arg17: memref<10000x32xf32, #tpu.memory_space<vmem_shared>>) attributes {dimension_semantics = [#tpu.dimension_semantics<core_parallel>, #tpu.dimension_semantics<subcore_parallel>], iteration_bounds = array<i64: 2, 16>, scalar_prefetch = 0 : i64, scratch_operands = 13 : i64, tpu.core_type = #tpu.core_type<sc_vector_subcore>, window_params = [{transform_indices = #map}, {transform_indices = #map1}, {transform_indices = #map1}]} {
    %mul3A = arith.constant 16 : i32
    %mul3A_0 = arith.muli %arg0, %mul3A : i32
    %add3A = arith.addi %mul3A_0, %arg1 : i32
    %mul3A_1 = arith.constant 625 : i32
    %mul3A_2 = arith.muli %arg1, %mul3A_1 : i32
    %mul3A_3 = arith.constant 625 : i32
    %mul3A_4 = arith.muli %arg1, %mul3A_3 : i32
    "tpu.region"() ({
      %run_scoped3A = tpu.sem_alloc : memref<!tpu.dma_semaphore, #tpu.memory_space<semaphore_mem>>
      %dma_start3A = arith.constant 0 : i32
      %dma_start3A_44 = tpu.memref_slice %arg17[%mul3A_4, %dma_start3A] : memref<10000x32xf32, #tpu.memory_space<vmem_shared>> -> memref<625x32xf32, #tpu.memory_space<vmem_shared>>
      %dma_start3A_45 = arith.constant 0 : i32
      %dma_start3A_46 = tpu.memref_slice %arg2[%mul3A_2, %dma_start3A_45] : memref<10000x32xf32, #tpu.memory_space<hbm>> -> memref<625x32xf32, #tpu.memory_space<hbm>>
      tpu.enqueue_dma source(%dma_start3A_46 : memref<625x32xf32, #tpu.memory_space<hbm>>) target(%dma_start3A_44 : memref<625x32xf32, #tpu.memory_space<vmem_shared>>) target_semaphore(%run_scoped3A : memref<!tpu.dma_semaphore, #tpu.memory_space<semaphore_mem>>)
      %dma_wait3A = arith.constant 0 : i32
      %dma_wait3A_47 = tpu.memref_slice %arg17[%mul3A_4, %dma_wait3A] : memref<10000x32xf32, #tpu.memory_space<vmem_shared>> -> memref<625x32xf32, #tpu.memory_space<vmem_shared>>
      %dma_wait3A_48 = arith.constant 0 : i32
      %dma_wait3A_49 = tpu.memref_slice %arg2[%mul3A_2, %dma_wait3A_48] : memref<10000x32xf32, #tpu.memory_space<hbm>> -> memref<625x32xf32, #tpu.memory_space<hbm>>
      tpu.wait_dma2 semaphore(%run_scoped3A : memref<!tpu.dma_semaphore, #tpu.memory_space<semaphore_mem>>) src(%dma_wait3A_49 : memref<625x32xf32, #tpu.memory_space<hbm>>) dst(%dma_wait3A_47 : memref<625x32xf32, #tpu.memory_space<vmem_shared>>)
      tpu.yield
    }) : () -> ()
    %scan3A = arith.constant 0 : i32
    %scan3A_5 = arith.constant 128 : i32
    %scan3A_6 = arith.addi %scan3A, %scan3A_5 : i32
    %scan3A_7 = arith.constant 1 : i32
    scf.for %scan3A_44 = %scan3A to %scan3A_6 step %scan3A_7  : i32 {
      %broadcast_in_dim3A = arith.constant 0.000000e+00 : f32
      %broadcast_in_dim3A_45 = vector.broadcast %broadcast_in_dim3A : f32 to vector<16xf32>
      %swap3A = arith.index_cast %scan3A_44 : i32 to index
      %swap3A_46 = arith.constant 0 : index
      %swap3A_47 = tpu.vector_load %arg8[%swap3A, %swap3A_46] {strides = array<i32>} : memref<128x32xf32, #tpu.memory_space<vmem>>, vector<1x16xf32>,
      %swap3A_48 = vector.shape_cast %swap3A_47 : vector<1x16xf32> to vector<16xf32>
      %swap3A_49 = vector.shape_cast %broadcast_in_dim3A_45 : vector<16xf32> to vector<1x16xf32>
      tpu.vector_store %arg8[%swap3A, %swap3A_46], %swap3A_49 {strides = array<i32>} : memref<128x32xf32, #tpu.memory_space<vmem>>, vector<1x16xf32>,
      %broadcast_in_dim3A_50 = arith.constant 0.000000e+00 : f32
      %broadcast_in_dim3A_51 = vector.broadcast %broadcast_in_dim3A_50 : f32 to vector<16xf32>
      %swap3A_52 = arith.index_cast %scan3A_44 : i32 to index
      %swap3A_53 = arith.constant 16 : index
      %swap3A_54 = tpu.vector_load %arg8[%swap3A_52, %swap3A_53] {strides = array<i32>} : memref<128x32xf32, #tpu.memory_space<vmem>>, vector<1x16xf32>,
      %swap3A_55 = vector.shape_cast %swap3A_54 : vector<1x16xf32> to vector<16xf32>
      %swap3A_56 = vector.shape_cast %broadcast_in_dim3A_51 : vector<16xf32> to vector<1x16xf32>
      tpu.vector_store %arg8[%swap3A_52, %swap3A_53], %swap3A_56 {strides = array<i32>} : memref<128x32xf32, #tpu.memory_space<vmem>>, vector<1x16xf32>,
    }
    %scan3A_8 = arith.constant 128 : i32
    %mul3A_9 = arith.constant 640 : i32
    %mul3A_10 = arith.muli %arg1, %mul3A_9 : i32
    %add3A_11 = arith.constant 0 : i32
    %add3A_12 = arith.addi %mul3A_10, %add3A_11 : i32
    "tpu.region"() ({
      %run_scoped3A = tpu.sem_alloc : memref<!tpu.dma_semaphore, #tpu.memory_space<semaphore_mem>>
      %dma_start3A = arith.constant 0 : i32
      %dma_start3A_44 = tpu.memref_slice %arg16[%add3A_12, %dma_start3A] : memref<10240x32xf32, #tpu.memory_space<vmem_shared>> -> memref<128x32xf32, #tpu.memory_space<vmem_shared>>
      %dma_start3A_45 = arith.constant 0 : i32
      %dma_start3A_46 = tpu.memref_slice %arg16[%add3A_12, %dma_start3A_45] : memref<10240x32xf32, #tpu.memory_space<vmem_shared>> -> memref<128x32xf32, #tpu.memory_space<vmem_shared>>
      tpu.enqueue_dma source(%arg8 : memref<128x32xf32, #tpu.memory_space<vmem>>) target(%dma_start3A_46 : memref<128x32xf32, #tpu.memory_space<vmem_shared>>) target_semaphore(%run_scoped3A : memref<!tpu.dma_semaphore, #tpu.memory_space<semaphore_mem>>)
      %dma_wait3A = arith.constant 0 : i32
      %dma_wait3A_47 = tpu.memref_slice %arg16[%add3A_12, %dma_wait3A] : memref<10240x32xf32, #tpu.memory_space<vmem_shared>> -> memref<128x32xf32, #tpu.memory_space<vmem_shared>>
      %dma_wait3A_48 = arith.constant 0 : i32
      %dma_wait3A_49 = tpu.memref_slice %arg16[%add3A_12, %dma_wait3A_48] : memref<10240x32xf32, #tpu.memory_space<vmem_shared>> -> memref<128x32xf32, #tpu.memory_space<vmem_shared>>
      tpu.wait_dma2 semaphore(%run_scoped3A : memref<!tpu.dma_semaphore, #tpu.memory_space<semaphore_mem>>) src(%arg8 : memref<128x32xf32, #tpu.memory_space<vmem>>) dst(%dma_wait3A_49 : memref<128x32xf32, #tpu.memory_space<vmem_shared>>)
      tpu.yield
    }) : () -> ()
    %mul3A_13 = arith.constant 640 : i32
    %mul3A_14 = arith.muli %arg1, %mul3A_13 : i32
    %add3A_15 = arith.constant 128 : i32
    %add3A_16 = arith.addi %mul3A_14, %add3A_15 : i32
    "tpu.region"() ({
      %run_scoped3A = tpu.sem_alloc : memref<!tpu.dma_semaphore, #tpu.memory_space<semaphore_mem>>
      %dma_start3A = arith.constant 0 : i32
      %dma_start3A_44 = tpu.memref_slice %arg16[%add3A_16, %dma_start3A] : memref<10240x32xf32, #tpu.memory_space<vmem_shared>> -> memref<128x32xf32, #tpu.memory_space<vmem_shared>>
      %dma_start3A_45 = arith.constant 0 : i32
      %dma_start3A_46 = tpu.memref_slice %arg16[%add3A_16, %dma_start3A_45] : memref<10240x32xf32, #tpu.memory_space<vmem_shared>> -> memref<128x32xf32, #tpu.memory_space<vmem_shared>>
      tpu.enqueue_dma source(%arg8 : memref<128x32xf32, #tpu.memory_space<vmem>>) target(%dma_start3A_46 : memref<128x32xf32, #tpu.memory_space<vmem_shared>>) target_semaphore(%run_scoped3A : memref<!tpu.dma_semaphore, #tpu.memory_space<semaphore_mem>>)
      %dma_wait3A = arith.constant 0 : i32
      %dma_wait3A_47 = tpu.memref_slice %arg16[%add3A_16, %dma_wait3A] : memref<10240x32xf32, #tpu.memory_space<vmem_shared>> -> memref<128x32xf32, #tpu.memory_space<vmem_shared>>
      %dma_wait3A_48 = arith.constant 0 : i32
      %dma_wait3A_49 = tpu.memref_slice %arg16[%add3A_16, %dma_wait3A_48] : memref<10240x32xf32, #tpu.memory_space<vmem_shared>> -> memref<128x32xf32, #tpu.memory_space<vmem_shared>>
      tpu.wait_dma2 semaphore(%run_scoped3A : memref<!tpu.dma_semaphore, #tpu.memory_space<semaphore_mem>>) src(%arg8 : memref<128x32xf32, #tpu.memory_space<vmem>>) dst(%dma_wait3A_49 : memref<128x32xf32, #tpu.memory_space<vmem_shared>>)
      tpu.yield
    }) : () -> ()
    %mul3A_17 = arith.constant 640 : i32
    %mul3A_18 = arith.muli %arg1, %mul3A_17 : i32
    %add3A_19 = arith.constant 256 : i32
    %add3A_20 = arith.addi %mul3A_18, %add3A_19 : i32
    "tpu.region"() ({
      %run_scoped3A = tpu.sem_alloc : memref<!tpu.dma_semaphore, #tpu.memory_space<semaphore_mem>>
      %dma_start3A = arith.constant 0 : i32
      %dma_start3A_44 = tpu.memref_slice %arg16[%add3A_20, %dma_start3A] : memref<10240x32xf32, #tpu.memory_space<vmem_shared>> -> memref<128x32xf32, #tpu.memory_space<vmem_shared>>
      %dma_start3A_45 = arith.constant 0 : i32
      %dma_start3A_46 = tpu.memref_slice %arg16[%add3A_20, %dma_start3A_45] : memref<10240x32xf32, #tpu.memory_space<vmem_shared>> -> memref<128x32xf32, #tpu.memory_space<vmem_shared>>
      tpu.enqueue_dma source(%arg8 : memref<128x32xf32, #tpu.memory_space<vmem>>) target(%dma_start3A_46 : memref<128x32xf32, #tpu.memory_space<vmem_shared>>) target_semaphore(%run_scoped3A : memref<!tpu.dma_semaphore, #tpu.memory_space<semaphore_mem>>)
      %dma_wait3A = arith.constant 0 : i32
      %dma_wait3A_47 = tpu.memref_slice %arg16[%add3A_20, %dma_wait3A] : memref<10240x32xf32, #tpu.memory_space<vmem_shared>> -> memref<128x32xf32, #tpu.memory_space<vmem_shared>>
      %dma_wait3A_48 = arith.constant 0 : i32
      %dma_wait3A_49 = tpu.memref_slice %arg16[%add3A_20, %dma_wait3A_48] : memref<10240x32xf32, #tpu.memory_space<vmem_shared>> -> memref<128x32xf32, #tpu.memory_space<vmem_shared>>
      tpu.wait_dma2 semaphore(%run_scoped3A : memref<!tpu.dma_semaphore, #tpu.memory_space<semaphore_mem>>) src(%arg8 : memref<128x32xf32, #tpu.memory_space<vmem>>) dst(%dma_wait3A_49 : memref<128x32xf32, #tpu.memory_space<vmem_shared>>)
      tpu.yield
    }) : () -> ()
    %mul3A_21 = arith.constant 640 : i32
    %mul3A_22 = arith.muli %arg1, %mul3A_21 : i32
    %add3A_23 = arith.constant 384 : i32
    %add3A_24 = arith.addi %mul3A_22, %add3A_23 : i32
    "tpu.region"() ({
      %run_scoped3A = tpu.sem_alloc : memref<!tpu.dma_semaphore, #tpu.memory_space<semaphore_mem>>
      %dma_start3A = arith.constant 0 : i32
      %dma_start3A_44 = tpu.memref_slice %arg16[%add3A_24, %dma_start3A] : memref<10240x32xf32, #tpu.memory_space<vmem_shared>> -> memref<128x32xf32, #tpu.memory_space<vmem_shared>>
      %dma_start3A_45 = arith.constant 0 : i32
      %dma_start3A_46 = tpu.memref_slice %arg16[%add3A_24, %dma_start3A_45] : memref<10240x32xf32, #tpu.memory_space<vmem_shared>> -> memref<128x32xf32, #tpu.memory_space<vmem_shared>>
      tpu.enqueue_dma source(%arg8 : memref<128x32xf32, #tpu.memory_space<vmem>>) target(%dma_start3A_46 : memref<128x32xf32, #tpu.memory_space<vmem_shared>>) target_semaphore(%run_scoped3A : memref<!tpu.dma_semaphore, #tpu.memory_space<semaphore_mem>>)
      %dma_wait3A = arith.constant 0 : i32
      %dma_wait3A_47 = tpu.memref_slice %arg16[%add3A_24, %dma_wait3A] : memref<10240x32xf32, #tpu.memory_space<vmem_shared>> -> memref<128x32xf32, #tpu.memory_space<vmem_shared>>
      %dma_wait3A_48 = arith.constant 0 : i32
      %dma_wait3A_49 = tpu.memref_slice %arg16[%add3A_24, %dma_wait3A_48] : memref<10240x32xf32, #tpu.memory_space<vmem_shared>> -> memref<128x32xf32, #tpu.memory_space<vmem_shared>>
      tpu.wait_dma2 semaphore(%run_scoped3A : memref<!tpu.dma_semaphore, #tpu.memory_space<semaphore_mem>>) src(%arg8 : memref<128x32xf32, #tpu.memory_space<vmem>>) dst(%dma_wait3A_49 : memref<128x32xf32, #tpu.memory_space<vmem_shared>>)
      tpu.yield
    }) : () -> ()
    %mul3A_25 = arith.constant 640 : i32
    %mul3A_26 = arith.muli %arg1, %mul3A_25 : i32
    %add3A_27 = arith.constant 512 : i32
    %add3A_28 = arith.addi %mul3A_26, %add3A_27 : i32
    "tpu.region"() ({
      %run_scoped3A = tpu.sem_alloc : memref<!tpu.dma_semaphore, #tpu.memory_space<semaphore_mem>>
      %dma_start3A = arith.constant 0 : i32
      %dma_start3A_44 = tpu.memref_slice %arg16[%add3A_28, %dma_start3A] : memref<10240x32xf32, #tpu.memory_space<vmem_shared>> -> memref<128x32xf32, #tpu.memory_space<vmem_shared>>
      %dma_start3A_45 = arith.constant 0 : i32
      %dma_start3A_46 = tpu.memref_slice %arg16[%add3A_28, %dma_start3A_45] : memref<10240x32xf32, #tpu.memory_space<vmem_shared>> -> memref<128x32xf32, #tpu.memory_space<vmem_shared>>
      tpu.enqueue_dma source(%arg8 : memref<128x32xf32, #tpu.memory_space<vmem>>) target(%dma_start3A_46 : memref<128x32xf32, #tpu.memory_space<vmem_shared>>) target_semaphore(%run_scoped3A : memref<!tpu.dma_semaphore, #tpu.memory_space<semaphore_mem>>)
      %dma_wait3A = arith.constant 0 : i32
      %dma_wait3A_47 = tpu.memref_slice %arg16[%add3A_28, %dma_wait3A] : memref<10240x32xf32, #tpu.memory_space<vmem_shared>> -> memref<128x32xf32, #tpu.memory_space<vmem_shared>>
      %dma_wait3A_48 = arith.constant 0 : i32
      %dma_wait3A_49 = tpu.memref_slice %arg16[%add3A_28, %dma_wait3A_48] : memref<10240x32xf32, #tpu.memory_space<vmem_shared>> -> memref<128x32xf32, #tpu.memory_space<vmem_shared>>
      tpu.wait_dma2 semaphore(%run_scoped3A : memref<!tpu.dma_semaphore, #tpu.memory_space<semaphore_mem>>) src(%arg8 : memref<128x32xf32, #tpu.memory_space<vmem>>) dst(%dma_wait3A_49 : memref<128x32xf32, #tpu.memory_space<vmem_shared>>)
      tpu.yield
    }) : () -> ()
    "tpu.region"() ({
      %run_scoped3A = tpu.sem_alloc : memref<!tpu.dma_semaphore, #tpu.memory_space<semaphore_mem>>
      %dma_start3A = arith.constant 0 : i32
      %dma_start3A_44 = arith.constant 0 : i32
      %dma_start3A_45 = tpu.memref_slice %arg3[%add3A, %dma_start3A, %dma_start3A_44] : memref<32x80x128xi32, #tpu.memory_space<hbm>> -> memref<1x80x128xi32, #tpu.memory_space<hbm>>
      %dma_start3A_46 = tpu.memref_squeeze %dma_start3A_45 : memref<1x80x128xi32, #tpu.memory_space<hbm>> -> memref<80x128xi32, #tpu.memory_space<hbm>>
      %dma_start3A_47 = arith.constant 0 : i32
      %dma_start3A_48 = arith.constant 0 : i32
      %dma_start3A_49 = tpu.memref_slice %arg3[%add3A, %dma_start3A_47, %dma_start3A_48] : memref<32x80x128xi32, #tpu.memory_space<hbm>> -> memref<1x80x128xi32, #tpu.memory_space<hbm>>
      %dma_start3A_50 = tpu.memref_squeeze %dma_start3A_49 : memref<1x80x128xi32, #tpu.memory_space<hbm>> -> memref<80x128xi32, #tpu.memory_space<hbm>>
      tpu.enqueue_dma source(%dma_start3A_50 : memref<80x128xi32, #tpu.memory_space<hbm>>) target(%arg5 : memref<80x128xi32, #tpu.memory_space<vmem>>) target_semaphore(%run_scoped3A : memref<!tpu.dma_semaphore, #tpu.memory_space<semaphore_mem>>)
      %dma_wait3A = arith.constant 0 : i32
      %dma_wait3A_51 = arith.constant 0 : i32
      %dma_wait3A_52 = tpu.memref_slice %arg3[%add3A, %dma_wait3A, %dma_wait3A_51] : memref<32x80x128xi32, #tpu.memory_space<hbm>> -> memref<1x80x128xi32, #tpu.memory_space<hbm>>
      %dma_wait3A_53 = tpu.memref_squeeze %dma_wait3A_52 : memref<1x80x128xi32, #tpu.memory_space<hbm>> -> memref<80x128xi32, #tpu.memory_space<hbm>>
      %dma_wait3A_54 = arith.constant 0 : i32
      %dma_wait3A_55 = arith.constant 0 : i32
      %dma_wait3A_56 = tpu.memref_slice %arg3[%add3A, %dma_wait3A_54, %dma_wait3A_55] : memref<32x80x128xi32, #tpu.memory_space<hbm>> -> memref<1x80x128xi32, #tpu.memory_space<hbm>>
      %dma_wait3A_57 = tpu.memref_squeeze %dma_wait3A_56 : memref<1x80x128xi32, #tpu.memory_space<hbm>> -> memref<80x128xi32, #tpu.memory_space<hbm>>
      tpu.wait_dma2 semaphore(%run_scoped3A : memref<!tpu.dma_semaphore, #tpu.memory_space<semaphore_mem>>) src(%dma_wait3A_57 : memref<80x128xi32, #tpu.memory_space<hbm>>) dst(%arg5 : memref<80x128xi32, #tpu.memory_space<vmem>>)
      tpu.yield
    }) : () -> ()
    %scan3A_29 = arith.constant 0 : i32
    %scan3A_30 = arith.constant 80 : i32
    %scan3A_31 = arith.addi %scan3A_29, %scan3A_30 : i32
    %scan3A_32 = arith.constant 1 : i32
    scf.for %scan3A_44 = %scan3A_29 to %scan3A_31 step %scan3A_32  : i32 {
      %get3A = arith.index_cast %scan3A_44 : i32 to index
      %get3A_45 = arith.constant 0 : index
      %get3A_46 = tpu.vector_load %arg5[%get3A, %get3A_45] {strides = array<i32>} : memref<80x128xi32, #tpu.memory_space<vmem>>, vector<1x16xi32>,
      %get3A_47 = vector.shape_cast %get3A_46 : vector<1x16xi32> to vector<16xi32>
      %and3A = arith.constant 65535 : i32
      %and3A_48 = vector.broadcast %and3A : i32 to vector<16xi32>
      %and3A_49 = arith.andi %get3A_47, %and3A_48 : vector<16xi32>
      %swap3A = arith.index_cast %scan3A_44 : i32 to index
      %swap3A_50 = arith.constant 0 : index
      %swap3A_51 = tpu.vector_load %arg6[%swap3A, %swap3A_50] {strides = array<i32>} : memref<80x128xi32, #tpu.memory_space<vmem>>, vector<1x16xi32>,
      %swap3A_52 = vector.shape_cast %swap3A_51 : vector<1x16xi32> to vector<16xi32>
      %swap3A_53 = vector.shape_cast %and3A_49 : vector<16xi32> to vector<1x16xi32>
      tpu.vector_store %arg6[%swap3A, %swap3A_50], %swap3A_53 {strides = array<i32>} : memref<80x128xi32, #tpu.memory_space<vmem>>, vector<1x16xi32>,
      %shift_right_arithmetic3A = arith.constant 16 : i32
      %shift_right_arithmetic3A_54 = vector.broadcast %shift_right_arithmetic3A : i32 to vector<16xi32>
      %shift_right_arithmetic3A_55 = arith.shrsi %get3A_47, %shift_right_arithmetic3A_54 : vector<16xi32>
      %swap3A_56 = arith.index_cast %scan3A_44 : i32 to index
      %swap3A_57 = arith.constant 0 : index
      %swap3A_58 = tpu.vector_load %arg7[%swap3A_56, %swap3A_57] {strides = array<i32>} : memref<80x128xi32, #tpu.memory_space<vmem>>, vector<1x16xi32>,
      %swap3A_59 = vector.shape_cast %swap3A_58 : vector<1x16xi32> to vector<16xi32>
      %swap3A_60 = vector.shape_cast %shift_right_arithmetic3A_55 : vector<16xi32> to vector<1x16xi32>
      tpu.vector_store %arg7[%swap3A_56, %swap3A_57], %swap3A_60 {strides = array<i32>} : memref<80x128xi32, #tpu.memory_space<vmem>>, vector<1x16xi32>,
      %get3A_61 = arith.index_cast %scan3A_44 : i32 to index
      %get3A_62 = arith.constant 16 : index
      %get3A_63 = tpu.vector_load %arg5[%get3A_61, %get3A_62] {strides = array<i32>} : memref<80x128xi32, #tpu.memory_space<vmem>>, vector<1x16xi32>,
      %get3A_64 = vector.shape_cast %get3A_63 : vector<1x16xi32> to vector<16xi32>
      %and3A_65 = arith.constant 65535 : i32
      %and3A_66 = vector.broadcast %and3A_65 : i32 to vector<16xi32>
      %and3A_67 = arith.andi %get3A_64, %and3A_66 : vector<16xi32>
      %swap3A_68 = arith.index_cast %scan3A_44 : i32 to index
      %swap3A_69 = arith.constant 16 : index
      %swap3A_70 = tpu.vector_load %arg6[%swap3A_68, %swap3A_69] {strides = array<i32>} : memref<80x128xi32, #tpu.memory_space<vmem>>, vector<1x16xi32>,
      %swap3A_71 = vector.shape_cast %swap3A_70 : vector<1x16xi32> to vector<16xi32>
      %swap3A_72 = vector.shape_cast %and3A_67 : vector<16xi32> to vector<1x16xi32>
      tpu.vector_store %arg6[%swap3A_68, %swap3A_69], %swap3A_72 {strides = array<i32>} : memref<80x128xi32, #tpu.memory_space<vmem>>, vector<1x16xi32>,
      %shift_right_arithmetic3A_73 = arith.constant 16 : i32
      %shift_right_arithmetic3A_74 = vector.broadcast %shift_right_arithmetic3A_73 : i32 to vector<16xi32>
      %shift_right_arithmetic3A_75 = arith.shrsi %get3A_64, %shift_right_arithmetic3A_74 : vector<16xi32>
      %swap3A_76 = arith.index_cast %scan3A_44 : i32 to index
      %swap3A_77 = arith.constant 16 : index
      %swap3A_78 = tpu.vector_load %arg7[%swap3A_76, %swap3A_77] {strides = array<i32>} : memref<80x128xi32, #tpu.memory_space<vmem>>, vector<1x16xi32>,
      %swap3A_79 = vector.shape_cast %swap3A_78 : vector<1x16xi32> to vector<16xi32>
      %swap3A_80 = vector.shape_cast %shift_right_arithmetic3A_75 : vector<16xi32> to vector<1x16xi32>
      tpu.vector_store %arg7[%swap3A_76, %swap3A_77], %swap3A_80 {strides = array<i32>} : memref<80x128xi32, #tpu.memory_space<vmem>>, vector<1x16xi32>,
      %get3A_81 = arith.index_cast %scan3A_44 : i32 to index
      %get3A_82 = arith.constant 32 : index
      %get3A_83 = tpu.vector_load %arg5[%get3A_81, %get3A_82] {strides = array<i32>} : memref<80x128xi32, #tpu.memory_space<vmem>>, vector<1x16xi32>,
      %get3A_84 = vector.shape_cast %get3A_83 : vector<1x16xi32> to vector<16xi32>
      %and3A_85 = arith.constant 65535 : i32
      %and3A_86 = vector.broadcast %and3A_85 : i32 to vector<16xi32>
      %and3A_87 = arith.andi %get3A_84, %and3A_86 : vector<16xi32>
      %swap3A_88 = arith.index_cast %scan3A_44 : i32 to index
      %swap3A_89 = arith.constant 32 : index
      %swap3A_90 = tpu.vector_load %arg6[%swap3A_88, %swap3A_89] {strides = array<i32>} : memref<80x128xi32, #tpu.memory_space<vmem>>, vector<1x16xi32>,
      %swap3A_91 = vector.shape_cast %swap3A_90 : vector<1x16xi32> to vector<16xi32>
      %swap3A_92 = vector.shape_cast %and3A_87 : vector<16xi32> to vector<1x16xi32>
      tpu.vector_store %arg6[%swap3A_88, %swap3A_89], %swap3A_92 {strides = array<i32>} : memref<80x128xi32, #tpu.memory_space<vmem>>, vector<1x16xi32>,
      %shift_right_arithmetic3A_93 = arith.constant 16 : i32
      %shift_right_arithmetic3A_94 = vector.broadcast %shift_right_arithmetic3A_93 : i32 to vector<16xi32>
      %shift_right_arithmetic3A_95 = arith.shrsi %get3A_84, %shift_right_arithmetic3A_94 : vector<16xi32>
      %swap3A_96 = arith.index_cast %scan3A_44 : i32 to index
      %swap3A_97 = arith.constant 32 : index
      %swap3A_98 = tpu.vector_load %arg7[%swap3A_96, %swap3A_97] {strides = array<i32>} : memref<80x128xi32, #tpu.memory_space<vmem>>, vector<1x16xi32>,
      %swap3A_99 = vector.shape_cast %swap3A_98 : vector<1x16xi32> to vector<16xi32>
      %swap3A_100 = vector.shape_cast %shift_right_arithmetic3A_95 : vector<16xi32> to vector<1x16xi32>
      tpu.vector_store %arg7[%swap3A_96, %swap3A_97], %swap3A_100 {strides = array<i32>} : memref<80x128xi32, #tpu.memory_space<vmem>>, vector<1x16xi32>,
      %get3A_101 = arith.index_cast %scan3A_44 : i32 to index
      %get3A_102 = arith.constant 48 : index
      %get3A_103 = tpu.vector_load %arg5[%get3A_101, %get3A_102] {strides = array<i32>} : memref<80x128xi32, #tpu.memory_space<vmem>>, vector<1x16xi32>,
      %get3A_104 = vector.shape_cast %get3A_103 : vector<1x16xi32> to vector<16xi32>
      %and3A_105 = arith.constant 65535 : i32
      %and3A_106 = vector.broadcast %and3A_105 : i32 to vector<16xi32>
      %and3A_107 = arith.andi %get3A_104, %and3A_106 : vector<16xi32>
      %swap3A_108 = arith.index_cast %scan3A_44 : i32 to index
      %swap3A_109 = arith.constant 48 : index
      %swap3A_110 = tpu.vector_load %arg6[%swap3A_108, %swap3A_109] {strides = array<i32>} : memref<80x128xi32, #tpu.memory_space<vmem>>, vector<1x16xi32>,
      %swap3A_111 = vector.shape_cast %swap3A_110 : vector<1x16xi32> to vector<16xi32>
      %swap3A_112 = vector.shape_cast %and3A_107 : vector<16xi32> to vector<1x16xi32>
      tpu.vector_store %arg6[%swap3A_108, %swap3A_109], %swap3A_112 {strides = array<i32>} : memref<80x128xi32, #tpu.memory_space<vmem>>, vector<1x16xi32>,
      %shift_right_arithmetic3A_113 = arith.constant 16 : i32
      %shift_right_arithmetic3A_114 = vector.broadcast %shift_right_arithmetic3A_113 : i32 to vector<16xi32>
      %shift_right_arithmetic3A_115 = arith.shrsi %get3A_104, %shift_right_arithmetic3A_114 : vector<16xi32>
      %swap3A_116 = arith.index_cast %scan3A_44 : i32 to index
      %swap3A_117 = arith.constant 48 : index
      %swap3A_118 = tpu.vector_load %arg7[%swap3A_116, %swap3A_117] {strides = array<i32>} : memref<80x128xi32, #tpu.memory_space<vmem>>, vector<1x16xi32>,
      %swap3A_119 = vector.shape_cast %swap3A_118 : vector<1x16xi32> to vector<16xi32>
      %swap3A_120 = vector.shape_cast %shift_right_arithmetic3A_115 : vector<16xi32> to vector<1x16xi32>
      tpu.vector_store %arg7[%swap3A_116, %swap3A_117], %swap3A_120 {strides = array<i32>} : memref<80x128xi32, #tpu.memory_space<vmem>>, vector<1x16xi32>,
      %get3A_121 = arith.index_cast %scan3A_44 : i32 to index
      %get3A_122 = arith.constant 64 : index
      %get3A_123 = tpu.vector_load %arg5[%get3A_121, %get3A_122] {strides = array<i32>} : memref<80x128xi32, #tpu.memory_space<vmem>>, vector<1x16xi32>,
      %get3A_124 = vector.shape_cast %get3A_123 : vector<1x16xi32> to vector<16xi32>
      %and3A_125 = arith.constant 65535 : i32
      %and3A_126 = vector.broadcast %and3A_125 : i32 to vector<16xi32>
      %and3A_127 = arith.andi %get3A_124, %and3A_126 : vector<16xi32>
      %swap3A_128 = arith.index_cast %scan3A_44 : i32 to index
      %swap3A_129 = arith.constant 64 : index
      %swap3A_130 = tpu.vector_load %arg6[%swap3A_128, %swap3A_129] {strides = array<i32>} : memref<80x128xi32, #tpu.memory_space<vmem>>, vector<1x16xi32>,
      %swap3A_131 = vector.shape_cast %swap3A_130 : vector<1x16xi32> to vector<16xi32>
      %swap3A_132 = vector.shape_cast %and3A_127 : vector<16xi32> to vector<1x16xi32>
      tpu.vector_store %arg6[%swap3A_128, %swap3A_129], %swap3A_132 {strides = array<i32>} : memref<80x128xi32, #tpu.memory_space<vmem>>, vector<1x16xi32>,
      %shift_right_arithmetic3A_133 = arith.constant 16 : i32
      %shift_right_arithmetic3A_134 = vector.broadcast %shift_right_arithmetic3A_133 : i32 to vector<16xi32>
      %shift_right_arithmetic3A_135 = arith.shrsi %get3A_124, %shift_right_arithmetic3A_134 : vector<16xi32>
      %swap3A_136 = arith.index_cast %scan3A_44 : i32 to index
      %swap3A_137 = arith.constant 64 : index
      %swap3A_138 = tpu.vector_load %arg7[%swap3A_136, %swap3A_137] {strides = array<i32>} : memref<80x128xi32, #tpu.memory_space<vmem>>, vector<1x16xi32>,
      %swap3A_139 = vector.shape_cast %swap3A_138 : vector<1x16xi32> to vector<16xi32>
      %swap3A_140 = vector.shape_cast %shift_right_arithmetic3A_135 : vector<16xi32> to vector<1x16xi32>
      tpu.vector_store %arg7[%swap3A_136, %swap3A_137], %swap3A_140 {strides = array<i32>} : memref<80x128xi32, #tpu.memory_space<vmem>>, vector<1x16xi32>,
      %get3A_141 = arith.index_cast %scan3A_44 : i32 to index
      %get3A_142 = arith.constant 80 : index
      %get3A_143 = tpu.vector_load %arg5[%get3A_141, %get3A_142] {strides = array<i32>} : memref<80x128xi32, #tpu.memory_space<vmem>>, vector<1x16xi32>,
      %get3A_144 = vector.shape_cast %get3A_143 : vector<1x16xi32> to vector<16xi32>
      %and3A_145 = arith.constant 65535 : i32
      %and3A_146 = vector.broadcast %and3A_145 : i32 to vector<16xi32>
      %and3A_147 = arith.andi %get3A_144, %and3A_146 : vector<16xi32>
      %swap3A_148 = arith.index_cast %scan3A_44 : i32 to index
      %swap3A_149 = arith.constant 80 : index
      %swap3A_150 = tpu.vector_load %arg6[%swap3A_148, %swap3A_149] {strides = array<i32>} : memref<80x128xi32, #tpu.memory_space<vmem>>, vector<1x16xi32>,
      %swap3A_151 = vector.shape_cast %swap3A_150 : vector<1x16xi32> to vector<16xi32>
      %swap3A_152 = vector.shape_cast %and3A_147 : vector<16xi32> to vector<1x16xi32>
      tpu.vector_store %arg6[%swap3A_148, %swap3A_149], %swap3A_152 {strides = array<i32>} : memref<80x128xi32, #tpu.memory_space<vmem>>, vector<1x16xi32>,
      %shift_right_arithmetic3A_153 = arith.constant 16 : i32
      %shift_right_arithmetic3A_154 = vector.broadcast %shift_right_arithmetic3A_153 : i32 to vector<16xi32>
      %shift_right_arithmetic3A_155 = arith.shrsi %get3A_144, %shift_right_arithmetic3A_154 : vector<16xi32>
      %swap3A_156 = arith.index_cast %scan3A_44 : i32 to index
      %swap3A_157 = arith.constant 80 : index
      %swap3A_158 = tpu.vector_load %arg7[%swap3A_156, %swap3A_157] {strides = array<i32>} : memref<80x128xi32, #tpu.memory_space<vmem>>, vector<1x16xi32>,
      %swap3A_159 = vector.shape_cast %swap3A_158 : vector<1x16xi32> to vector<16xi32>
      %swap3A_160 = vector.shape_cast %shift_right_arithmetic3A_155 : vector<16xi32> to vector<1x16xi32>
      tpu.vector_store %arg7[%swap3A_156, %swap3A_157], %swap3A_160 {strides = array<i32>} : memref<80x128xi32, #tpu.memory_space<vmem>>, vector<1x16xi32>,
      %get3A_161 = arith.index_cast %scan3A_44 : i32 to index
      %get3A_162 = arith.constant 96 : index
      %get3A_163 = tpu.vector_load %arg5[%get3A_161, %get3A_162] {strides = array<i32>} : memref<80x128xi32, #tpu.memory_space<vmem>>, vector<1x16xi32>,
      %get3A_164 = vector.shape_cast %get3A_163 : vector<1x16xi32> to vector<16xi32>
      %and3A_165 = arith.constant 65535 : i32
      %and3A_166 = vector.broadcast %and3A_165 : i32 to vector<16xi32>
      %and3A_167 = arith.andi %get3A_164, %and3A_166 : vector<16xi32>
      %swap3A_168 = arith.index_cast %scan3A_44 : i32 to index
      %swap3A_169 = arith.constant 96 : index
      %swap3A_170 = tpu.vector_load %arg6[%swap3A_168, %swap3A_169] {strides = array<i32>} : memref<80x128xi32, #tpu.memory_space<vmem>>, vector<1x16xi32>,
      %swap3A_171 = vector.shape_cast %swap3A_170 : vector<1x16xi32> to vector<16xi32>
      %swap3A_172 = vector.shape_cast %and3A_167 : vector<16xi32> to vector<1x16xi32>
      tpu.vector_store %arg6[%swap3A_168, %swap3A_169], %swap3A_172 {strides = array<i32>} : memref<80x128xi32, #tpu.memory_space<vmem>>, vector<1x16xi32>,
      %shift_right_arithmetic3A_173 = arith.constant 16 : i32
      %shift_right_arithmetic3A_174 = vector.broadcast %shift_right_arithmetic3A_173 : i32 to vector<16xi32>
      %shift_right_arithmetic3A_175 = arith.shrsi %get3A_164, %shift_right_arithmetic3A_174 : vector<16xi32>
      %swap3A_176 = arith.index_cast %scan3A_44 : i32 to index
      %swap3A_177 = arith.constant 96 : index
      %swap3A_178 = tpu.vector_load %arg7[%swap3A_176, %swap3A_177] {strides = array<i32>} : memref<80x128xi32, #tpu.memory_space<vmem>>, vector<1x16xi32>,
      %swap3A_179 = vector.shape_cast %swap3A_178 : vector<1x16xi32> to vector<16xi32>
      %swap3A_180 = vector.shape_cast %shift_right_arithmetic3A_175 : vector<16xi32> to vector<1x16xi32>
      tpu.vector_store %arg7[%swap3A_176, %swap3A_177], %swap3A_180 {strides = array<i32>} : memref<80x128xi32, #tpu.memory_space<vmem>>, vector<1x16xi32>,
      %get3A_181 = arith.index_cast %scan3A_44 : i32 to index
      %get3A_182 = arith.constant 112 : index
      %get3A_183 = tpu.vector_load %arg5[%get3A_181, %get3A_182] {strides = array<i32>} : memref<80x128xi32, #tpu.memory_space<vmem>>, vector<1x16xi32>,
      %get3A_184 = vector.shape_cast %get3A_183 : vector<1x16xi32> to vector<16xi32>
      %and3A_185 = arith.constant 65535 : i32
      %and3A_186 = vector.broadcast %and3A_185 : i32 to vector<16xi32>
      %and3A_187 = arith.andi %get3A_184, %and3A_186 : vector<16xi32>
      %swap3A_188 = arith.index_cast %scan3A_44 : i32 to index
      %swap3A_189 = arith.constant 112 : index
      %swap3A_190 = tpu.vector_load %arg6[%swap3A_188, %swap3A_189] {strides = array<i32>} : memref<80x128xi32, #tpu.memory_space<vmem>>, vector<1x16xi32>,
      %swap3A_191 = vector.shape_cast %swap3A_190 : vector<1x16xi32> to vector<16xi32>
      %swap3A_192 = vector.shape_cast %and3A_187 : vector<16xi32> to vector<1x16xi32>
      tpu.vector_store %arg6[%swap3A_188, %swap3A_189], %swap3A_192 {strides = array<i32>} : memref<80x128xi32, #tpu.memory_space<vmem>>, vector<1x16xi32>,
      %shift_right_arithmetic3A_193 = arith.constant 16 : i32
      %shift_right_arithmetic3A_194 = vector.broadcast %shift_right_arithmetic3A_193 : i32 to vector<16xi32>
      %shift_right_arithmetic3A_195 = arith.shrsi %get3A_184, %shift_right_arithmetic3A_194 : vector<16xi32>
      %swap3A_196 = arith.index_cast %scan3A_44 : i32 to index
      %swap3A_197 = arith.constant 112 : index
      %swap3A_198 = tpu.vector_load %arg7[%swap3A_196, %swap3A_197] {strides = array<i32>} : memref<80x128xi32, #tpu.memory_space<vmem>>, vector<1x16xi32>,
      %swap3A_199 = vector.shape_cast %swap3A_198 : vector<1x16xi32> to vector<16xi32>
      %swap3A_200 = vector.shape_cast %shift_right_arithmetic3A_195 : vector<16xi32> to vector<1x16xi32>
      tpu.vector_store %arg7[%swap3A_196, %swap3A_197], %swap3A_200 {strides = array<i32>} : memref<80x128xi32, #tpu.memory_space<vmem>>, vector<1x16xi32>,
    }
    %scan3A_33 = arith.constant 80 : i32
    %barrier3A = arith.constant 0 : index
    tpu.barrier barrier_id(%barrier3A)
    %scan3A_34 = arith.constant 0 : i32
    %scan3A_35 = arith.constant 20 : i32
    %scan3A_36 = arith.addi %scan3A_34, %scan3A_35 : i32
    %scan3A_37 = arith.constant 1 : i32
    scf.for %scan3A_44 = %scan3A_34 to %scan3A_36 step %scan3A_37  : i32 {
      %mul3A_45 = arith.constant 4 : i32
      %mul3A_46 = arith.muli %scan3A_44, %mul3A_45 : i32
      %add3A_47 = arith.constant 0 : i32
      %add3A_48 = arith.addi %mul3A_46, %add3A_47 : i32
      %dma_start3A = arith.constant 0 : i32
      %dma_start3A_49 = tpu.memref_slice %arg6[%add3A_48, %dma_start3A] : memref<80x128xi32, #tpu.memory_space<vmem>> -> memref<1x128xi32, #tpu.memory_space<vmem>>
      %dma_start3A_50 = tpu.memref_squeeze %dma_start3A_49 : memref<1x128xi32, #tpu.memory_space<vmem>> -> memref<128xi32, #tpu.memory_space<vmem>>
      %dma_start3A_51 = arith.constant 0 : i32
      %dma_start3A_52 = arith.constant 0 : i32
      %dma_start3A_53 = tpu.memref_slice %arg17[%dma_start3A_51, %dma_start3A_52] : memref<10000x32xf32, #tpu.memory_space<vmem_shared>> -> memref<10000x32xf32, #tpu.memory_space<vmem_shared>>
      tpu.enqueue_indirect_dma source(%dma_start3A_53 : memref<10000x32xf32, #tpu.memory_space<vmem_shared>>) target(%arg8 : memref<128x32xf32, #tpu.memory_space<vmem>>) offsets(%dma_start3A_50 : memref<128xi32, #tpu.memory_space<vmem>>) semaphore(%arg12 : memref<!tpu.dma_semaphore, #tpu.memory_space<semaphore_mem>>)
      %add3A_54 = arith.constant 1 : i32
      %add3A_55 = arith.addi %mul3A_46, %add3A_54 : i32
      %dma_start3A_56 = arith.constant 0 : i32
      %dma_start3A_57 = tpu.memref_slice %arg6[%add3A_55, %dma_start3A_56] : memref<80x128xi32, #tpu.memory_space<vmem>> -> memref<1x128xi32, #tpu.memory_space<vmem>>
      %dma_start3A_58 = tpu.memref_squeeze %dma_start3A_57 : memref<1x128xi32, #tpu.memory_space<vmem>> -> memref<128xi32, #tpu.memory_space<vmem>>
      %dma_start3A_59 = arith.constant 0 : i32
      %dma_start3A_60 = arith.constant 0 : i32
      %dma_start3A_61 = tpu.memref_slice %arg17[%dma_start3A_59, %dma_start3A_60] : memref<10000x32xf32, #tpu.memory_space<vmem_shared>> -> memref<10000x32xf32, #tpu.memory_space<vmem_shared>>
      tpu.enqueue_indirect_dma source(%dma_start3A_61 : memref<10000x32xf32, #tpu.memory_space<vmem_shared>>) target(%arg9 : memref<128x32xf32, #tpu.memory_space<vmem>>) offsets(%dma_start3A_58 : memref<128xi32, #tpu.memory_space<vmem>>) semaphore(%arg13 : memref<!tpu.dma_semaphore, #tpu.memory_space<semaphore_mem>>)
      %add3A_62 = arith.constant 2 : i32
      %add3A_63 = arith.addi %mul3A_46, %add3A_62 : i32
      %dma_start3A_64 = arith.constant 0 : i32
      %dma_start3A_65 = tpu.memref_slice %arg6[%add3A_63, %dma_start3A_64] : memref<80x128xi32, #tpu.memory_space<vmem>> -> memref<1x128xi32, #tpu.memory_space<vmem>>
      %dma_start3A_66 = tpu.memref_squeeze %dma_start3A_65 : memref<1x128xi32, #tpu.memory_space<vmem>> -> memref<128xi32, #tpu.memory_space<vmem>>
      %dma_start3A_67 = arith.constant 0 : i32
      %dma_start3A_68 = arith.constant 0 : i32
      %dma_start3A_69 = tpu.memref_slice %arg17[%dma_start3A_67, %dma_start3A_68] : memref<10000x32xf32, #tpu.memory_space<vmem_shared>> -> memref<10000x32xf32, #tpu.memory_space<vmem_shared>>
      tpu.enqueue_indirect_dma source(%dma_start3A_69 : memref<10000x32xf32, #tpu.memory_space<vmem_shared>>) target(%arg10 : memref<128x32xf32, #tpu.memory_space<vmem>>) offsets(%dma_start3A_66 : memref<128xi32, #tpu.memory_space<vmem>>) semaphore(%arg14 : memref<!tpu.dma_semaphore, #tpu.memory_space<semaphore_mem>>)
      %add3A_70 = arith.constant 3 : i32
      %add3A_71 = arith.addi %mul3A_46, %add3A_70 : i32
      %dma_start3A_72 = arith.constant 0 : i32
      %dma_start3A_73 = tpu.memref_slice %arg6[%add3A_71, %dma_start3A_72] : memref<80x128xi32, #tpu.memory_space<vmem>> -> memref<1x128xi32, #tpu.memory_space<vmem>>
      %dma_start3A_74 = tpu.memref_squeeze %dma_start3A_73 : memref<1x128xi32, #tpu.memory_space<vmem>> -> memref<128xi32, #tpu.memory_space<vmem>>
      %dma_start3A_75 = arith.constant 0 : i32
      %dma_start3A_76 = arith.constant 0 : i32
      %dma_start3A_77 = tpu.memref_slice %arg17[%dma_start3A_75, %dma_start3A_76] : memref<10000x32xf32, #tpu.memory_space<vmem_shared>> -> memref<10000x32xf32, #tpu.memory_space<vmem_shared>>
      tpu.enqueue_indirect_dma source(%dma_start3A_77 : memref<10000x32xf32, #tpu.memory_space<vmem_shared>>) target(%arg11 : memref<128x32xf32, #tpu.memory_space<vmem>>) offsets(%dma_start3A_74 : memref<128xi32, #tpu.memory_space<vmem>>) semaphore(%arg15 : memref<!tpu.dma_semaphore, #tpu.memory_space<semaphore_mem>>)
      %dma_wait3A = arith.constant 0 : i32
      %dma_wait3A_78 = tpu.memref_slice %arg6[%add3A_48, %dma_wait3A] : memref<80x128xi32, #tpu.memory_space<vmem>> -> memref<1x128xi32, #tpu.memory_space<vmem>>
      %dma_wait3A_79 = tpu.memref_squeeze %dma_wait3A_78 : memref<1x128xi32, #tpu.memory_space<vmem>> -> memref<128xi32, #tpu.memory_space<vmem>>
      %dma_wait3A_80 = arith.constant 0 : i32
      %dma_wait3A_81 = arith.constant 0 : i32
      %dma_wait3A_82 = tpu.memref_slice %arg17[%dma_wait3A_80, %dma_wait3A_81] : memref<10000x32xf32, #tpu.memory_space<vmem_shared>> -> memref<10000x32xf32, #tpu.memory_space<vmem_shared>>
      tpu.wait_indirect_dma semaphore(%arg12 : memref<!tpu.dma_semaphore, #tpu.memory_space<semaphore_mem>>) src(%dma_wait3A_82 : memref<10000x32xf32, #tpu.memory_space<vmem_shared>>) dst(%arg8 : memref<128x32xf32, #tpu.memory_space<vmem>>)
      %add3A_83 = arith.constant 0 : i32
      %add3A_84 = arith.addi %mul3A_46, %add3A_83 : i32
      "tpu.region"() ({
        %run_scoped3A = tpu.sem_alloc : memref<!tpu.dma_semaphore, #tpu.memory_space<semaphore_mem>>
        %dma_start3A_109 = arith.constant 0 : i32
        %dma_start3A_110 = tpu.memref_slice %arg7[%add3A_84, %dma_start3A_109] : memref<80x128xi32, #tpu.memory_space<vmem>> -> memref<1x128xi32, #tpu.memory_space<vmem>>
        %dma_start3A_111 = tpu.memref_squeeze %dma_start3A_110 : memref<1x128xi32, #tpu.memory_space<vmem>> -> memref<128xi32, #tpu.memory_space<vmem>>
        %dma_start3A_112 = arith.constant 0 : i32
        %dma_start3A_113 = arith.constant 0 : i32
        %dma_start3A_114 = tpu.memref_slice %arg16[%dma_start3A_112, %dma_start3A_113] : memref<10240x32xf32, #tpu.memory_space<vmem_shared>> -> memref<10240x32xf32, #tpu.memory_space<vmem_shared>>
        tpu.enqueue_indirect_dma source(%arg8 : memref<128x32xf32, #tpu.memory_space<vmem>>) target(%dma_start3A_114 : memref<10240x32xf32, #tpu.memory_space<vmem_shared>>) offsets(%dma_start3A_111 : memref<128xi32, #tpu.memory_space<vmem>>) semaphore(%run_scoped3A : memref<!tpu.dma_semaphore, #tpu.memory_space<semaphore_mem>>) {add = true}
        %dma_wait3A_115 = arith.constant 0 : i32
        %dma_wait3A_116 = tpu.memref_slice %arg7[%add3A_84, %dma_wait3A_115] : memref<80x128xi32, #tpu.memory_space<vmem>> -> memref<1x128xi32, #tpu.memory_space<vmem>>
        %dma_wait3A_117 = tpu.memref_squeeze %dma_wait3A_116 : memref<1x128xi32, #tpu.memory_space<vmem>> -> memref<128xi32, #tpu.memory_space<vmem>>
        %dma_wait3A_118 = arith.constant 0 : i32
        %dma_wait3A_119 = arith.constant 0 : i32
        %dma_wait3A_120 = tpu.memref_slice %arg16[%dma_wait3A_118, %dma_wait3A_119] : memref<10240x32xf32, #tpu.memory_space<vmem_shared>> -> memref<10240x32xf32, #tpu.memory_space<vmem_shared>>
        tpu.wait_indirect_dma semaphore(%run_scoped3A : memref<!tpu.dma_semaphore, #tpu.memory_space<semaphore_mem>>) src(%arg8 : memref<128x32xf32, #tpu.memory_space<vmem>>) dst(%dma_wait3A_120 : memref<10240x32xf32, #tpu.memory_space<vmem_shared>>)
        tpu.yield
      }) : () -> ()
      %dma_wait3A_85 = arith.constant 0 : i32
      %dma_wait3A_86 = tpu.memref_slice %arg6[%add3A_55, %dma_wait3A_85] : memref<80x128xi32, #tpu.memory_space<vmem>> -> memref<1x128xi32, #tpu.memory_space<vmem>>
      %dma_wait3A_87 = tpu.memref_squeeze %dma_wait3A_86 : memref<1x128xi32, #tpu.memory_space<vmem>> -> memref<128xi32, #tpu.memory_space<vmem>>
      %dma_wait3A_88 = arith.constant 0 : i32
      %dma_wait3A_89 = arith.constant 0 : i32
      %dma_wait3A_90 = tpu.memref_slice %arg17[%dma_wait3A_88, %dma_wait3A_89] : memref<10000x32xf32, #tpu.memory_space<vmem_shared>> -> memref<10000x32xf32, #tpu.memory_space<vmem_shared>>
      tpu.wait_indirect_dma semaphore(%arg13 : memref<!tpu.dma_semaphore, #tpu.memory_space<semaphore_mem>>) src(%dma_wait3A_90 : memref<10000x32xf32, #tpu.memory_space<vmem_shared>>) dst(%arg9 : memref<128x32xf32, #tpu.memory_space<vmem>>)
      %add3A_91 = arith.constant 1 : i32
      %add3A_92 = arith.addi %mul3A_46, %add3A_91 : i32
      "tpu.region"() ({
        %run_scoped3A = tpu.sem_alloc : memref<!tpu.dma_semaphore, #tpu.memory_space<semaphore_mem>>
        %dma_start3A_109 = arith.constant 0 : i32
        %dma_start3A_110 = tpu.memref_slice %arg7[%add3A_92, %dma_start3A_109] : memref<80x128xi32, #tpu.memory_space<vmem>> -> memref<1x128xi32, #tpu.memory_space<vmem>>
        %dma_start3A_111 = tpu.memref_squeeze %dma_start3A_110 : memref<1x128xi32, #tpu.memory_space<vmem>> -> memref<128xi32, #tpu.memory_space<vmem>>
        %dma_start3A_112 = arith.constant 0 : i32
        %dma_start3A_113 = arith.constant 0 : i32
        %dma_start3A_114 = tpu.memref_slice %arg16[%dma_start3A_112, %dma_start3A_113] : memref<10240x32xf32, #tpu.memory_space<vmem_shared>> -> memref<10240x32xf32, #tpu.memory_space<vmem_shared>>
        tpu.enqueue_indirect_dma source(%arg9 : memref<128x32xf32, #tpu.memory_space<vmem>>) target(%dma_start3A_114 : memref<10240x32xf32, #tpu.memory_space<vmem_shared>>) offsets(%dma_start3A_111 : memref<128xi32, #tpu.memory_space<vmem>>) semaphore(%run_scoped3A : memref<!tpu.dma_semaphore, #tpu.memory_space<semaphore_mem>>) {add = true}
        %dma_wait3A_115 = arith.constant 0 : i32
        %dma_wait3A_116 = tpu.memref_slice %arg7[%add3A_92, %dma_wait3A_115] : memref<80x128xi32, #tpu.memory_space<vmem>> -> memref<1x128xi32, #tpu.memory_space<vmem>>
        %dma_wait3A_117 = tpu.memref_squeeze %dma_wait3A_116 : memref<1x128xi32, #tpu.memory_space<vmem>> -> memref<128xi32, #tpu.memory_space<vmem>>
        %dma_wait3A_118 = arith.constant 0 : i32
        %dma_wait3A_119 = arith.constant 0 : i32
        %dma_wait3A_120 = tpu.memref_slice %arg16[%dma_wait3A_118, %dma_wait3A_119] : memref<10240x32xf32, #tpu.memory_space<vmem_shared>> -> memref<10240x32xf32, #tpu.memory_space<vmem_shared>>
        tpu.wait_indirect_dma semaphore(%run_scoped3A : memref<!tpu.dma_semaphore, #tpu.memory_space<semaphore_mem>>) src(%arg9 : memref<128x32xf32, #tpu.memory_space<vmem>>) dst(%dma_wait3A_120 : memref<10240x32xf32, #tpu.memory_space<vmem_shared>>)
        tpu.yield
      }) : () -> ()
      %dma_wait3A_93 = arith.constant 0 : i32
      %dma_wait3A_94 = tpu.memref_slice %arg6[%add3A_63, %dma_wait3A_93] : memref<80x128xi32, #tpu.memory_space<vmem>> -> memref<1x128xi32, #tpu.memory_space<vmem>>
      %dma_wait3A_95 = tpu.memref_squeeze %dma_wait3A_94 : memref<1x128xi32, #tpu.memory_space<vmem>> -> memref<128xi32, #tpu.memory_space<vmem>>
      %dma_wait3A_96 = arith.constant 0 : i32
      %dma_wait3A_97 = arith.constant 0 : i32
      %dma_wait3A_98 = tpu.memref_slice %arg17[%dma_wait3A_96, %dma_wait3A_97] : memref<10000x32xf32, #tpu.memory_space<vmem_shared>> -> memref<10000x32xf32, #tpu.memory_space<vmem_shared>>
      tpu.wait_indirect_dma semaphore(%arg14 : memref<!tpu.dma_semaphore, #tpu.memory_space<semaphore_mem>>) src(%dma_wait3A_98 : memref<10000x32xf32, #tpu.memory_space<vmem_shared>>) dst(%arg10 : memref<128x32xf32, #tpu.memory_space<vmem>>)
      %add3A_99 = arith.constant 2 : i32
      %add3A_100 = arith.addi %mul3A_46, %add3A_99 : i32
      "tpu.region"() ({
        %run_scoped3A = tpu.sem_alloc : memref<!tpu.dma_semaphore, #tpu.memory_space<semaphore_mem>>
        %dma_start3A_109 = arith.constant 0 : i32
        %dma_start3A_110 = tpu.memref_slice %arg7[%add3A_100, %dma_start3A_109] : memref<80x128xi32, #tpu.memory_space<vmem>> -> memref<1x128xi32, #tpu.memory_space<vmem>>
        %dma_start3A_111 = tpu.memref_squeeze %dma_start3A_110 : memref<1x128xi32, #tpu.memory_space<vmem>> -> memref<128xi32, #tpu.memory_space<vmem>>
        %dma_start3A_112 = arith.constant 0 : i32
        %dma_start3A_113 = arith.constant 0 : i32
        %dma_start3A_114 = tpu.memref_slice %arg16[%dma_start3A_112, %dma_start3A_113] : memref<10240x32xf32, #tpu.memory_space<vmem_shared>> -> memref<10240x32xf32, #tpu.memory_space<vmem_shared>>
        tpu.enqueue_indirect_dma source(%arg10 : memref<128x32xf32, #tpu.memory_space<vmem>>) target(%dma_start3A_114 : memref<10240x32xf32, #tpu.memory_space<vmem_shared>>) offsets(%dma_start3A_111 : memref<128xi32, #tpu.memory_space<vmem>>) semaphore(%run_scoped3A : memref<!tpu.dma_semaphore, #tpu.memory_space<semaphore_mem>>) {add = true}
        %dma_wait3A_115 = arith.constant 0 : i32
        %dma_wait3A_116 = tpu.memref_slice %arg7[%add3A_100, %dma_wait3A_115] : memref<80x128xi32, #tpu.memory_space<vmem>> -> memref<1x128xi32, #tpu.memory_space<vmem>>
        %dma_wait3A_117 = tpu.memref_squeeze %dma_wait3A_116 : memref<1x128xi32, #tpu.memory_space<vmem>> -> memref<128xi32, #tpu.memory_space<vmem>>
        %dma_wait3A_118 = arith.constant 0 : i32
        %dma_wait3A_119 = arith.constant 0 : i32
        %dma_wait3A_120 = tpu.memref_slice %arg16[%dma_wait3A_118, %dma_wait3A_119] : memref<10240x32xf32, #tpu.memory_space<vmem_shared>> -> memref<10240x32xf32, #tpu.memory_space<vmem_shared>>
        tpu.wait_indirect_dma semaphore(%run_scoped3A : memref<!tpu.dma_semaphore, #tpu.memory_space<semaphore_mem>>) src(%arg10 : memref<128x32xf32, #tpu.memory_space<vmem>>) dst(%dma_wait3A_120 : memref<10240x32xf32, #tpu.memory_space<vmem_shared>>)
        tpu.yield
      }) : () -> ()
      %dma_wait3A_101 = arith.constant 0 : i32
      %dma_wait3A_102 = tpu.memref_slice %arg6[%add3A_71, %dma_wait3A_101] : memref<80x128xi32, #tpu.memory_space<vmem>> -> memref<1x128xi32, #tpu.memory_space<vmem>>
      %dma_wait3A_103 = tpu.memref_squeeze %dma_wait3A_102 : memref<1x128xi32, #tpu.memory_space<vmem>> -> memref<128xi32, #tpu.memory_space<vmem>>
      %dma_wait3A_104 = arith.constant 0 : i32
      %dma_wait3A_105 = arith.constant 0 : i32
      %dma_wait3A_106 = tpu.memref_slice %arg17[%dma_wait3A_104, %dma_wait3A_105] : memref<10000x32xf32, #tpu.memory_space<vmem_shared>> -> memref<10000x32xf32, #tpu.memory_space<vmem_shared>>
      tpu.wait_indirect_dma semaphore(%arg15 : memref<!tpu.dma_semaphore, #tpu.memory_space<semaphore_mem>>) src(%dma_wait3A_106 : memref<10000x32xf32, #tpu.memory_space<vmem_shared>>) dst(%arg11 : memref<128x32xf32, #tpu.memory_space<vmem>>)
      %add3A_107 = arith.constant 3 : i32
      %add3A_108 = arith.addi %mul3A_46, %add3A_107 : i32
      "tpu.region"() ({
        %run_scoped3A = tpu.sem_alloc : memref<!tpu.dma_semaphore, #tpu.memory_space<semaphore_mem>>
        %dma_start3A_109 = arith.constant 0 : i32
        %dma_start3A_110 = tpu.memref_slice %arg7[%add3A_108, %dma_start3A_109] : memref<80x128xi32, #tpu.memory_space<vmem>> -> memref<1x128xi32, #tpu.memory_space<vmem>>
        %dma_start3A_111 = tpu.memref_squeeze %dma_start3A_110 : memref<1x128xi32, #tpu.memory_space<vmem>> -> memref<128xi32, #tpu.memory_space<vmem>>
        %dma_start3A_112 = arith.constant 0 : i32
        %dma_start3A_113 = arith.constant 0 : i32
        %dma_start3A_114 = tpu.memref_slice %arg16[%dma_start3A_112, %dma_start3A_113] : memref<10240x32xf32, #tpu.memory_space<vmem_shared>> -> memref<10240x32xf32, #tpu.memory_space<vmem_shared>>
        tpu.enqueue_indirect_dma source(%arg11 : memref<128x32xf32, #tpu.memory_space<vmem>>) target(%dma_start3A_114 : memref<10240x32xf32, #tpu.memory_space<vmem_shared>>) offsets(%dma_start3A_111 : memref<128xi32, #tpu.memory_space<vmem>>) semaphore(%run_scoped3A : memref<!tpu.dma_semaphore, #tpu.memory_space<semaphore_mem>>) {add = true}
        %dma_wait3A_115 = arith.constant 0 : i32
        %dma_wait3A_116 = tpu.memref_slice %arg7[%add3A_108, %dma_wait3A_115] : memref<80x128xi32, #tpu.memory_space<vmem>> -> memref<1x128xi32, #tpu.memory_space<vmem>>
        %dma_wait3A_117 = tpu.memref_squeeze %dma_wait3A_116 : memref<1x128xi32, #tpu.memory_space<vmem>> -> memref<128xi32, #tpu.memory_space<vmem>>
        %dma_wait3A_118 = arith.constant 0 : i32
        %dma_wait3A_119 = arith.constant 0 : i32
        %dma_wait3A_120 = tpu.memref_slice %arg16[%dma_wait3A_118, %dma_wait3A_119] : memref<10240x32xf32, #tpu.memory_space<vmem_shared>> -> memref<10240x32xf32, #tpu.memory_space<vmem_shared>>
        tpu.wait_indirect_dma semaphore(%run_scoped3A : memref<!tpu.dma_semaphore, #tpu.memory_space<semaphore_mem>>) src(%arg11 : memref<128x32xf32, #tpu.memory_space<vmem>>) dst(%dma_wait3A_120 : memref<10240x32xf32, #tpu.memory_space<vmem_shared>>)
        tpu.yield
      }) : () -> ()
    }
    %scan3A_38 = arith.constant 20 : i32
    %barrier3A_39 = arith.constant 0 : index
    tpu.barrier barrier_id(%barrier3A_39)
    %mul3A_40 = arith.constant 640 : i32
    %mul3A_41 = arith.muli %arg1, %mul3A_40 : i32
    %mul3A_42 = arith.constant 640 : i32
    %mul3A_43 = arith.muli %arg1, %mul3A_42 : i32
    "tpu.region"() ({
      %run_scoped3A = tpu.sem_alloc : memref<!tpu.dma_semaphore, #tpu.memory_space<semaphore_mem>>
      %dma_start3A = arith.constant 0 : i32
      %dma_start3A_44 = tpu.memref_slice %arg4[%arg0, %mul3A_43, %dma_start3A] : memref<2x10240x32xf32, #tpu.memory_space<hbm>> -> memref<1x640x32xf32, #tpu.memory_space<hbm>>
      %dma_start3A_45 = tpu.memref_squeeze %dma_start3A_44 : memref<1x640x32xf32, #tpu.memory_space<hbm>> -> memref<640x32xf32, #tpu.memory_space<hbm>>
      %dma_start3A_46 = arith.constant 0 : i32
      %dma_start3A_47 = tpu.memref_slice %arg16[%mul3A_41, %dma_start3A_46] : memref<10240x32xf32, #tpu.memory_space<vmem_shared>> -> memref<640x32xf32, #tpu.memory_space<vmem_shared>>
      tpu.enqueue_dma source(%dma_start3A_47 : memref<640x32xf32, #tpu.memory_space<vmem_shared>>) target(%dma_start3A_45 : memref<640x32xf32, #tpu.memory_space<hbm>>) target_semaphore(%run_scoped3A : memref<!tpu.dma_semaphore, #tpu.memory_space<semaphore_mem>>)
      %dma_wait3A = arith.constant 0 : i32
      %dma_wait3A_48 = tpu.memref_slice %arg4[%arg0, %mul3A_43, %dma_wait3A] : memref<2x10240x32xf32, #tpu.memory_space<hbm>> -> memref<1x640x32xf32, #tpu.memory_space<hbm>>
      %dma_wait3A_49 = tpu.memref_squeeze %dma_wait3A_48 : memref<1x640x32xf32, #tpu.memory_space<hbm>> -> memref<640x32xf32, #tpu.memory_space<hbm>>
      %dma_wait3A_50 = arith.constant 0 : i32
      %dma_wait3A_51 = tpu.memref_slice %arg16[%mul3A_41, %dma_wait3A_50] : memref<10240x32xf32, #tpu.memory_space<vmem_shared>> -> memref<640x32xf32, #tpu.memory_space<vmem_shared>>
      tpu.wait_dma2 semaphore(%run_scoped3A : memref<!tpu.dma_semaphore, #tpu.memory_space<semaphore_mem>>) src(%dma_wait3A_51 : memref<640x32xf32, #tpu.memory_space<vmem_shared>>) dst(%dma_wait3A_49 : memref<640x32xf32, #tpu.memory_space<hbm>>)
      tpu.yield
    }) : () -> ()
    return
  }
}

#map = affine_map<(d0, d1) -> (0, 0, 0)>
module attributes {stable_mosaic.version = 14 : i64} {
  func.func @deg_kernel(%arg0: i32, %arg1: i32, %arg2: memref<32x80x128xi32, #tpu.memory_space<hbm>>, %arg3: memref<2x10240x16xf32, #tpu.memory_space<hbm>>, %arg4: memref<80x128xi32, #tpu.memory_space<vmem>>, %arg5: memref<80x128xi32, #tpu.memory_space<vmem>>, %arg6: memref<128x16xf32, #tpu.memory_space<vmem>>, %arg7: memref<640x16xf32, #tpu.memory_space<vmem>>, %arg8: memref<10240x16xf32, #tpu.memory_space<vmem_shared>>) attributes {dimension_semantics = [#tpu.dimension_semantics<core_parallel>, #tpu.dimension_semantics<subcore_parallel>], iteration_bounds = array<i64: 2, 16>, scalar_prefetch = 0 : i64, scratch_operands = 5 : i64, tpu.core_type = #tpu.core_type<sc_vector_subcore>, window_params = [{transform_indices = #map}, {transform_indices = #map}]} {
    %mul3A = arith.constant 16 : i32
    %mul3A_0 = arith.muli %arg0, %mul3A : i32
    %add3A = arith.addi %mul3A_0, %arg1 : i32
    %scan3A = arith.constant 0 : i32
    %scan3A_1 = arith.constant 640 : i32
    %scan3A_2 = arith.addi %scan3A, %scan3A_1 : i32
    %scan3A_3 = arith.constant 1 : i32
    scf.for %scan3A_27 = %scan3A to %scan3A_2 step %scan3A_3  : i32 {
      %broadcast_in_dim3A = arith.constant 0.000000e+00 : f32
      %broadcast_in_dim3A_28 = vector.broadcast %broadcast_in_dim3A : f32 to vector<16xf32>
      %swap3A = arith.index_cast %scan3A_27 : i32 to index
      %swap3A_29 = arith.constant 0 : index
      %swap3A_30 = tpu.vector_load %arg7[%swap3A, %swap3A_29] {strides = array<i32>} : memref<640x16xf32, #tpu.memory_space<vmem>>, vector<1x16xf32>,
      %swap3A_31 = vector.shape_cast %swap3A_30 : vector<1x16xf32> to vector<16xf32>
      %swap3A_32 = vector.shape_cast %broadcast_in_dim3A_28 : vector<16xf32> to vector<1x16xf32>
      tpu.vector_store %arg7[%swap3A, %swap3A_29], %swap3A_32 {strides = array<i32>} : memref<640x16xf32, #tpu.memory_space<vmem>>, vector<1x16xf32>,
    }
    %scan3A_4 = arith.constant 640 : i32
    %scan3A_5 = arith.constant 0 : i32
    %scan3A_6 = arith.constant 128 : i32
    %scan3A_7 = arith.addi %scan3A_5, %scan3A_6 : i32
    %scan3A_8 = arith.constant 1 : i32
    scf.for %scan3A_27 = %scan3A_5 to %scan3A_7 step %scan3A_8  : i32 {
      %broadcast_in_dim3A = arith.constant 1.000000e+00 : f32
      %broadcast_in_dim3A_28 = vector.broadcast %broadcast_in_dim3A : f32 to vector<16xf32>
      %swap3A = arith.index_cast %scan3A_27 : i32 to index
      %swap3A_29 = arith.constant 0 : index
      %swap3A_30 = tpu.vector_load %arg6[%swap3A, %swap3A_29] {strides = array<i32>} : memref<128x16xf32, #tpu.memory_space<vmem>>, vector<1x16xf32>,
      %swap3A_31 = vector.shape_cast %swap3A_30 : vector<1x16xf32> to vector<16xf32>
      %swap3A_32 = vector.shape_cast %broadcast_in_dim3A_28 : vector<16xf32> to vector<1x16xf32>
      tpu.vector_store %arg6[%swap3A, %swap3A_29], %swap3A_32 {strides = array<i32>} : memref<128x16xf32, #tpu.memory_space<vmem>>, vector<1x16xf32>,
    }
    %scan3A_9 = arith.constant 128 : i32
    %mul3A_10 = arith.constant 640 : i32
    %mul3A_11 = arith.muli %arg1, %mul3A_10 : i32
    "tpu.region"() ({
      %run_scoped3A = tpu.sem_alloc : memref<!tpu.dma_semaphore, #tpu.memory_space<semaphore_mem>>
      %dma_start3A = arith.constant 0 : i32
      %dma_start3A_27 = tpu.memref_slice %arg8[%mul3A_11, %dma_start3A] : memref<10240x16xf32, #tpu.memory_space<vmem_shared>> -> memref<640x16xf32, #tpu.memory_space<vmem_shared>>
      %dma_start3A_28 = arith.constant 0 : i32
      %dma_start3A_29 = tpu.memref_slice %arg8[%mul3A_11, %dma_start3A_28] : memref<10240x16xf32, #tpu.memory_space<vmem_shared>> -> memref<640x16xf32, #tpu.memory_space<vmem_shared>>
      tpu.enqueue_dma source(%arg7 : memref<640x16xf32, #tpu.memory_space<vmem>>) target(%dma_start3A_29 : memref<640x16xf32, #tpu.memory_space<vmem_shared>>) target_semaphore(%run_scoped3A : memref<!tpu.dma_semaphore, #tpu.memory_space<semaphore_mem>>)
      %dma_wait3A = arith.constant 0 : i32
      %dma_wait3A_30 = tpu.memref_slice %arg8[%mul3A_11, %dma_wait3A] : memref<10240x16xf32, #tpu.memory_space<vmem_shared>> -> memref<640x16xf32, #tpu.memory_space<vmem_shared>>
      %dma_wait3A_31 = arith.constant 0 : i32
      %dma_wait3A_32 = tpu.memref_slice %arg8[%mul3A_11, %dma_wait3A_31] : memref<10240x16xf32, #tpu.memory_space<vmem_shared>> -> memref<640x16xf32, #tpu.memory_space<vmem_shared>>
      tpu.wait_dma2 semaphore(%run_scoped3A : memref<!tpu.dma_semaphore, #tpu.memory_space<semaphore_mem>>) src(%arg7 : memref<640x16xf32, #tpu.memory_space<vmem>>) dst(%dma_wait3A_32 : memref<640x16xf32, #tpu.memory_space<vmem_shared>>)
      tpu.yield
    }) : () -> ()
    "tpu.region"() ({
      %run_scoped3A = tpu.sem_alloc : memref<!tpu.dma_semaphore, #tpu.memory_space<semaphore_mem>>
      %dma_start3A = arith.constant 0 : i32
      %dma_start3A_27 = arith.constant 0 : i32
      %dma_start3A_28 = tpu.memref_slice %arg2[%add3A, %dma_start3A, %dma_start3A_27] : memref<32x80x128xi32, #tpu.memory_space<hbm>> -> memref<1x80x128xi32, #tpu.memory_space<hbm>>
      %dma_start3A_29 = tpu.memref_squeeze %dma_start3A_28 : memref<1x80x128xi32, #tpu.memory_space<hbm>> -> memref<80x128xi32, #tpu.memory_space<hbm>>
      %dma_start3A_30 = arith.constant 0 : i32
      %dma_start3A_31 = arith.constant 0 : i32
      %dma_start3A_32 = tpu.memref_slice %arg2[%add3A, %dma_start3A_30, %dma_start3A_31] : memref<32x80x128xi32, #tpu.memory_space<hbm>> -> memref<1x80x128xi32, #tpu.memory_space<hbm>>
      %dma_start3A_33 = tpu.memref_squeeze %dma_start3A_32 : memref<1x80x128xi32, #tpu.memory_space<hbm>> -> memref<80x128xi32, #tpu.memory_space<hbm>>
      tpu.enqueue_dma source(%dma_start3A_33 : memref<80x128xi32, #tpu.memory_space<hbm>>) target(%arg4 : memref<80x128xi32, #tpu.memory_space<vmem>>) target_semaphore(%run_scoped3A : memref<!tpu.dma_semaphore, #tpu.memory_space<semaphore_mem>>)
      %dma_wait3A = arith.constant 0 : i32
      %dma_wait3A_34 = arith.constant 0 : i32
      %dma_wait3A_35 = tpu.memref_slice %arg2[%add3A, %dma_wait3A, %dma_wait3A_34] : memref<32x80x128xi32, #tpu.memory_space<hbm>> -> memref<1x80x128xi32, #tpu.memory_space<hbm>>
      %dma_wait3A_36 = tpu.memref_squeeze %dma_wait3A_35 : memref<1x80x128xi32, #tpu.memory_space<hbm>> -> memref<80x128xi32, #tpu.memory_space<hbm>>
      %dma_wait3A_37 = arith.constant 0 : i32
      %dma_wait3A_38 = arith.constant 0 : i32
      %dma_wait3A_39 = tpu.memref_slice %arg2[%add3A, %dma_wait3A_37, %dma_wait3A_38] : memref<32x80x128xi32, #tpu.memory_space<hbm>> -> memref<1x80x128xi32, #tpu.memory_space<hbm>>
      %dma_wait3A_40 = tpu.memref_squeeze %dma_wait3A_39 : memref<1x80x128xi32, #tpu.memory_space<hbm>> -> memref<80x128xi32, #tpu.memory_space<hbm>>
      tpu.wait_dma2 semaphore(%run_scoped3A : memref<!tpu.dma_semaphore, #tpu.memory_space<semaphore_mem>>) src(%dma_wait3A_40 : memref<80x128xi32, #tpu.memory_space<hbm>>) dst(%arg4 : memref<80x128xi32, #tpu.memory_space<vmem>>)
      tpu.yield
    }) : () -> ()
    %scan3A_12 = arith.constant 0 : i32
    %scan3A_13 = arith.constant 80 : i32
    %scan3A_14 = arith.addi %scan3A_12, %scan3A_13 : i32
    %scan3A_15 = arith.constant 1 : i32
    scf.for %scan3A_27 = %scan3A_12 to %scan3A_14 step %scan3A_15  : i32 {
      %get3A = arith.index_cast %scan3A_27 : i32 to index
      %get3A_28 = arith.constant 0 : index
      %get3A_29 = tpu.vector_load %arg4[%get3A, %get3A_28] {strides = array<i32>} : memref<80x128xi32, #tpu.memory_space<vmem>>, vector<1x16xi32>,
      %get3A_30 = vector.shape_cast %get3A_29 : vector<1x16xi32> to vector<16xi32>
      %and3A = arith.constant 65535 : i32
      %and3A_31 = vector.broadcast %and3A : i32 to vector<16xi32>
      %and3A_32 = arith.andi %get3A_30, %and3A_31 : vector<16xi32>
      %swap3A = arith.index_cast %scan3A_27 : i32 to index
      %swap3A_33 = arith.constant 0 : index
      %swap3A_34 = tpu.vector_load %arg5[%swap3A, %swap3A_33] {strides = array<i32>} : memref<80x128xi32, #tpu.memory_space<vmem>>, vector<1x16xi32>,
      %swap3A_35 = vector.shape_cast %swap3A_34 : vector<1x16xi32> to vector<16xi32>
      %swap3A_36 = vector.shape_cast %and3A_32 : vector<16xi32> to vector<1x16xi32>
      tpu.vector_store %arg5[%swap3A, %swap3A_33], %swap3A_36 {strides = array<i32>} : memref<80x128xi32, #tpu.memory_space<vmem>>, vector<1x16xi32>,
      %shift_right_arithmetic3A = arith.constant 16 : i32
      %shift_right_arithmetic3A_37 = vector.broadcast %shift_right_arithmetic3A : i32 to vector<16xi32>
      %shift_right_arithmetic3A_38 = arith.shrsi %get3A_30, %shift_right_arithmetic3A_37 : vector<16xi32>
      %swap3A_39 = arith.index_cast %scan3A_27 : i32 to index
      %swap3A_40 = arith.constant 0 : index
      %swap3A_41 = tpu.vector_load %arg5[%swap3A_39, %swap3A_40] {strides = array<i32>} : memref<80x128xi32, #tpu.memory_space<vmem>>, vector<1x16xi32>,
      %swap3A_42 = vector.shape_cast %swap3A_41 : vector<1x16xi32> to vector<16xi32>
      %swap3A_43 = vector.shape_cast %shift_right_arithmetic3A_38 : vector<16xi32> to vector<1x16xi32>
      tpu.vector_store %arg5[%swap3A_39, %swap3A_40], %swap3A_43 {strides = array<i32>} : memref<80x128xi32, #tpu.memory_space<vmem>>, vector<1x16xi32>,
      %get3A_44 = arith.index_cast %scan3A_27 : i32 to index
      %get3A_45 = arith.constant 16 : index
      %get3A_46 = tpu.vector_load %arg4[%get3A_44, %get3A_45] {strides = array<i32>} : memref<80x128xi32, #tpu.memory_space<vmem>>, vector<1x16xi32>,
      %get3A_47 = vector.shape_cast %get3A_46 : vector<1x16xi32> to vector<16xi32>
      %and3A_48 = arith.constant 65535 : i32
      %and3A_49 = vector.broadcast %and3A_48 : i32 to vector<16xi32>
      %and3A_50 = arith.andi %get3A_47, %and3A_49 : vector<16xi32>
      %swap3A_51 = arith.index_cast %scan3A_27 : i32 to index
      %swap3A_52 = arith.constant 16 : index
      %swap3A_53 = tpu.vector_load %arg5[%swap3A_51, %swap3A_52] {strides = array<i32>} : memref<80x128xi32, #tpu.memory_space<vmem>>, vector<1x16xi32>,
      %swap3A_54 = vector.shape_cast %swap3A_53 : vector<1x16xi32> to vector<16xi32>
      %swap3A_55 = vector.shape_cast %and3A_50 : vector<16xi32> to vector<1x16xi32>
      tpu.vector_store %arg5[%swap3A_51, %swap3A_52], %swap3A_55 {strides = array<i32>} : memref<80x128xi32, #tpu.memory_space<vmem>>, vector<1x16xi32>,
      %shift_right_arithmetic3A_56 = arith.constant 16 : i32
      %shift_right_arithmetic3A_57 = vector.broadcast %shift_right_arithmetic3A_56 : i32 to vector<16xi32>
      %shift_right_arithmetic3A_58 = arith.shrsi %get3A_47, %shift_right_arithmetic3A_57 : vector<16xi32>
      %swap3A_59 = arith.index_cast %scan3A_27 : i32 to index
      %swap3A_60 = arith.constant 16 : index
      %swap3A_61 = tpu.vector_load %arg5[%swap3A_59, %swap3A_60] {strides = array<i32>} : memref<80x128xi32, #tpu.memory_space<vmem>>, vector<1x16xi32>,
      %swap3A_62 = vector.shape_cast %swap3A_61 : vector<1x16xi32> to vector<16xi32>
      %swap3A_63 = vector.shape_cast %shift_right_arithmetic3A_58 : vector<16xi32> to vector<1x16xi32>
      tpu.vector_store %arg5[%swap3A_59, %swap3A_60], %swap3A_63 {strides = array<i32>} : memref<80x128xi32, #tpu.memory_space<vmem>>, vector<1x16xi32>,
      %get3A_64 = arith.index_cast %scan3A_27 : i32 to index
      %get3A_65 = arith.constant 32 : index
      %get3A_66 = tpu.vector_load %arg4[%get3A_64, %get3A_65] {strides = array<i32>} : memref<80x128xi32, #tpu.memory_space<vmem>>, vector<1x16xi32>,
      %get3A_67 = vector.shape_cast %get3A_66 : vector<1x16xi32> to vector<16xi32>
      %and3A_68 = arith.constant 65535 : i32
      %and3A_69 = vector.broadcast %and3A_68 : i32 to vector<16xi32>
      %and3A_70 = arith.andi %get3A_67, %and3A_69 : vector<16xi32>
      %swap3A_71 = arith.index_cast %scan3A_27 : i32 to index
      %swap3A_72 = arith.constant 32 : index
      %swap3A_73 = tpu.vector_load %arg5[%swap3A_71, %swap3A_72] {strides = array<i32>} : memref<80x128xi32, #tpu.memory_space<vmem>>, vector<1x16xi32>,
      %swap3A_74 = vector.shape_cast %swap3A_73 : vector<1x16xi32> to vector<16xi32>
      %swap3A_75 = vector.shape_cast %and3A_70 : vector<16xi32> to vector<1x16xi32>
      tpu.vector_store %arg5[%swap3A_71, %swap3A_72], %swap3A_75 {strides = array<i32>} : memref<80x128xi32, #tpu.memory_space<vmem>>, vector<1x16xi32>,
      %shift_right_arithmetic3A_76 = arith.constant 16 : i32
      %shift_right_arithmetic3A_77 = vector.broadcast %shift_right_arithmetic3A_76 : i32 to vector<16xi32>
      %shift_right_arithmetic3A_78 = arith.shrsi %get3A_67, %shift_right_arithmetic3A_77 : vector<16xi32>
      %swap3A_79 = arith.index_cast %scan3A_27 : i32 to index
      %swap3A_80 = arith.constant 32 : index
      %swap3A_81 = tpu.vector_load %arg5[%swap3A_79, %swap3A_80] {strides = array<i32>} : memref<80x128xi32, #tpu.memory_space<vmem>>, vector<1x16xi32>,
      %swap3A_82 = vector.shape_cast %swap3A_81 : vector<1x16xi32> to vector<16xi32>
      %swap3A_83 = vector.shape_cast %shift_right_arithmetic3A_78 : vector<16xi32> to vector<1x16xi32>
      tpu.vector_store %arg5[%swap3A_79, %swap3A_80], %swap3A_83 {strides = array<i32>} : memref<80x128xi32, #tpu.memory_space<vmem>>, vector<1x16xi32>,
      %get3A_84 = arith.index_cast %scan3A_27 : i32 to index
      %get3A_85 = arith.constant 48 : index
      %get3A_86 = tpu.vector_load %arg4[%get3A_84, %get3A_85] {strides = array<i32>} : memref<80x128xi32, #tpu.memory_space<vmem>>, vector<1x16xi32>,
      %get3A_87 = vector.shape_cast %get3A_86 : vector<1x16xi32> to vector<16xi32>
      %and3A_88 = arith.constant 65535 : i32
      %and3A_89 = vector.broadcast %and3A_88 : i32 to vector<16xi32>
      %and3A_90 = arith.andi %get3A_87, %and3A_89 : vector<16xi32>
      %swap3A_91 = arith.index_cast %scan3A_27 : i32 to index
      %swap3A_92 = arith.constant 48 : index
      %swap3A_93 = tpu.vector_load %arg5[%swap3A_91, %swap3A_92] {strides = array<i32>} : memref<80x128xi32, #tpu.memory_space<vmem>>, vector<1x16xi32>,
      %swap3A_94 = vector.shape_cast %swap3A_93 : vector<1x16xi32> to vector<16xi32>
      %swap3A_95 = vector.shape_cast %and3A_90 : vector<16xi32> to vector<1x16xi32>
      tpu.vector_store %arg5[%swap3A_91, %swap3A_92], %swap3A_95 {strides = array<i32>} : memref<80x128xi32, #tpu.memory_space<vmem>>, vector<1x16xi32>,
      %shift_right_arithmetic3A_96 = arith.constant 16 : i32
      %shift_right_arithmetic3A_97 = vector.broadcast %shift_right_arithmetic3A_96 : i32 to vector<16xi32>
      %shift_right_arithmetic3A_98 = arith.shrsi %get3A_87, %shift_right_arithmetic3A_97 : vector<16xi32>
      %swap3A_99 = arith.index_cast %scan3A_27 : i32 to index
      %swap3A_100 = arith.constant 48 : index
      %swap3A_101 = tpu.vector_load %arg5[%swap3A_99, %swap3A_100] {strides = array<i32>} : memref<80x128xi32, #tpu.memory_space<vmem>>, vector<1x16xi32>,
      %swap3A_102 = vector.shape_cast %swap3A_101 : vector<1x16xi32> to vector<16xi32>
      %swap3A_103 = vector.shape_cast %shift_right_arithmetic3A_98 : vector<16xi32> to vector<1x16xi32>
      tpu.vector_store %arg5[%swap3A_99, %swap3A_100], %swap3A_103 {strides = array<i32>} : memref<80x128xi32, #tpu.memory_space<vmem>>, vector<1x16xi32>,
      %get3A_104 = arith.index_cast %scan3A_27 : i32 to index
      %get3A_105 = arith.constant 64 : index
      %get3A_106 = tpu.vector_load %arg4[%get3A_104, %get3A_105] {strides = array<i32>} : memref<80x128xi32, #tpu.memory_space<vmem>>, vector<1x16xi32>,
      %get3A_107 = vector.shape_cast %get3A_106 : vector<1x16xi32> to vector<16xi32>
      %and3A_108 = arith.constant 65535 : i32
      %and3A_109 = vector.broadcast %and3A_108 : i32 to vector<16xi32>
      %and3A_110 = arith.andi %get3A_107, %and3A_109 : vector<16xi32>
      %swap3A_111 = arith.index_cast %scan3A_27 : i32 to index
      %swap3A_112 = arith.constant 64 : index
      %swap3A_113 = tpu.vector_load %arg5[%swap3A_111, %swap3A_112] {strides = array<i32>} : memref<80x128xi32, #tpu.memory_space<vmem>>, vector<1x16xi32>,
      %swap3A_114 = vector.shape_cast %swap3A_113 : vector<1x16xi32> to vector<16xi32>
      %swap3A_115 = vector.shape_cast %and3A_110 : vector<16xi32> to vector<1x16xi32>
      tpu.vector_store %arg5[%swap3A_111, %swap3A_112], %swap3A_115 {strides = array<i32>} : memref<80x128xi32, #tpu.memory_space<vmem>>, vector<1x16xi32>,
      %shift_right_arithmetic3A_116 = arith.constant 16 : i32
      %shift_right_arithmetic3A_117 = vector.broadcast %shift_right_arithmetic3A_116 : i32 to vector<16xi32>
      %shift_right_arithmetic3A_118 = arith.shrsi %get3A_107, %shift_right_arithmetic3A_117 : vector<16xi32>
      %swap3A_119 = arith.index_cast %scan3A_27 : i32 to index
      %swap3A_120 = arith.constant 64 : index
      %swap3A_121 = tpu.vector_load %arg5[%swap3A_119, %swap3A_120] {strides = array<i32>} : memref<80x128xi32, #tpu.memory_space<vmem>>, vector<1x16xi32>,
      %swap3A_122 = vector.shape_cast %swap3A_121 : vector<1x16xi32> to vector<16xi32>
      %swap3A_123 = vector.shape_cast %shift_right_arithmetic3A_118 : vector<16xi32> to vector<1x16xi32>
      tpu.vector_store %arg5[%swap3A_119, %swap3A_120], %swap3A_123 {strides = array<i32>} : memref<80x128xi32, #tpu.memory_space<vmem>>, vector<1x16xi32>,
      %get3A_124 = arith.index_cast %scan3A_27 : i32 to index
      %get3A_125 = arith.constant 80 : index
      %get3A_126 = tpu.vector_load %arg4[%get3A_124, %get3A_125] {strides = array<i32>} : memref<80x128xi32, #tpu.memory_space<vmem>>, vector<1x16xi32>,
      %get3A_127 = vector.shape_cast %get3A_126 : vector<1x16xi32> to vector<16xi32>
      %and3A_128 = arith.constant 65535 : i32
      %and3A_129 = vector.broadcast %and3A_128 : i32 to vector<16xi32>
      %and3A_130 = arith.andi %get3A_127, %and3A_129 : vector<16xi32>
      %swap3A_131 = arith.index_cast %scan3A_27 : i32 to index
      %swap3A_132 = arith.constant 80 : index
      %swap3A_133 = tpu.vector_load %arg5[%swap3A_131, %swap3A_132] {strides = array<i32>} : memref<80x128xi32, #tpu.memory_space<vmem>>, vector<1x16xi32>,
      %swap3A_134 = vector.shape_cast %swap3A_133 : vector<1x16xi32> to vector<16xi32>
      %swap3A_135 = vector.shape_cast %and3A_130 : vector<16xi32> to vector<1x16xi32>
      tpu.vector_store %arg5[%swap3A_131, %swap3A_132], %swap3A_135 {strides = array<i32>} : memref<80x128xi32, #tpu.memory_space<vmem>>, vector<1x16xi32>,
      %shift_right_arithmetic3A_136 = arith.constant 16 : i32
      %shift_right_arithmetic3A_137 = vector.broadcast %shift_right_arithmetic3A_136 : i32 to vector<16xi32>
      %shift_right_arithmetic3A_138 = arith.shrsi %get3A_127, %shift_right_arithmetic3A_137 : vector<16xi32>
      %swap3A_139 = arith.index_cast %scan3A_27 : i32 to index
      %swap3A_140 = arith.constant 80 : index
      %swap3A_141 = tpu.vector_load %arg5[%swap3A_139, %swap3A_140] {strides = array<i32>} : memref<80x128xi32, #tpu.memory_space<vmem>>, vector<1x16xi32>,
      %swap3A_142 = vector.shape_cast %swap3A_141 : vector<1x16xi32> to vector<16xi32>
      %swap3A_143 = vector.shape_cast %shift_right_arithmetic3A_138 : vector<16xi32> to vector<1x16xi32>
      tpu.vector_store %arg5[%swap3A_139, %swap3A_140], %swap3A_143 {strides = array<i32>} : memref<80x128xi32, #tpu.memory_space<vmem>>, vector<1x16xi32>,
      %get3A_144 = arith.index_cast %scan3A_27 : i32 to index
      %get3A_145 = arith.constant 96 : index
      %get3A_146 = tpu.vector_load %arg4[%get3A_144, %get3A_145] {strides = array<i32>} : memref<80x128xi32, #tpu.memory_space<vmem>>, vector<1x16xi32>,
      %get3A_147 = vector.shape_cast %get3A_146 : vector<1x16xi32> to vector<16xi32>
      %and3A_148 = arith.constant 65535 : i32
      %and3A_149 = vector.broadcast %and3A_148 : i32 to vector<16xi32>
      %and3A_150 = arith.andi %get3A_147, %and3A_149 : vector<16xi32>
      %swap3A_151 = arith.index_cast %scan3A_27 : i32 to index
      %swap3A_152 = arith.constant 96 : index
      %swap3A_153 = tpu.vector_load %arg5[%swap3A_151, %swap3A_152] {strides = array<i32>} : memref<80x128xi32, #tpu.memory_space<vmem>>, vector<1x16xi32>,
      %swap3A_154 = vector.shape_cast %swap3A_153 : vector<1x16xi32> to vector<16xi32>
      %swap3A_155 = vector.shape_cast %and3A_150 : vector<16xi32> to vector<1x16xi32>
      tpu.vector_store %arg5[%swap3A_151, %swap3A_152], %swap3A_155 {strides = array<i32>} : memref<80x128xi32, #tpu.memory_space<vmem>>, vector<1x16xi32>,
      %shift_right_arithmetic3A_156 = arith.constant 16 : i32
      %shift_right_arithmetic3A_157 = vector.broadcast %shift_right_arithmetic3A_156 : i32 to vector<16xi32>
      %shift_right_arithmetic3A_158 = arith.shrsi %get3A_147, %shift_right_arithmetic3A_157 : vector<16xi32>
      %swap3A_159 = arith.index_cast %scan3A_27 : i32 to index
      %swap3A_160 = arith.constant 96 : index
      %swap3A_161 = tpu.vector_load %arg5[%swap3A_159, %swap3A_160] {strides = array<i32>} : memref<80x128xi32, #tpu.memory_space<vmem>>, vector<1x16xi32>,
      %swap3A_162 = vector.shape_cast %swap3A_161 : vector<1x16xi32> to vector<16xi32>
      %swap3A_163 = vector.shape_cast %shift_right_arithmetic3A_158 : vector<16xi32> to vector<1x16xi32>
      tpu.vector_store %arg5[%swap3A_159, %swap3A_160], %swap3A_163 {strides = array<i32>} : memref<80x128xi32, #tpu.memory_space<vmem>>, vector<1x16xi32>,
      %get3A_164 = arith.index_cast %scan3A_27 : i32 to index
      %get3A_165 = arith.constant 112 : index
      %get3A_166 = tpu.vector_load %arg4[%get3A_164, %get3A_165] {strides = array<i32>} : memref<80x128xi32, #tpu.memory_space<vmem>>, vector<1x16xi32>,
      %get3A_167 = vector.shape_cast %get3A_166 : vector<1x16xi32> to vector<16xi32>
      %and3A_168 = arith.constant 65535 : i32
      %and3A_169 = vector.broadcast %and3A_168 : i32 to vector<16xi32>
      %and3A_170 = arith.andi %get3A_167, %and3A_169 : vector<16xi32>
      %swap3A_171 = arith.index_cast %scan3A_27 : i32 to index
      %swap3A_172 = arith.constant 112 : index
      %swap3A_173 = tpu.vector_load %arg5[%swap3A_171, %swap3A_172] {strides = array<i32>} : memref<80x128xi32, #tpu.memory_space<vmem>>, vector<1x16xi32>,
      %swap3A_174 = vector.shape_cast %swap3A_173 : vector<1x16xi32> to vector<16xi32>
      %swap3A_175 = vector.shape_cast %and3A_170 : vector<16xi32> to vector<1x16xi32>
      tpu.vector_store %arg5[%swap3A_171, %swap3A_172], %swap3A_175 {strides = array<i32>} : memref<80x128xi32, #tpu.memory_space<vmem>>, vector<1x16xi32>,
      %shift_right_arithmetic3A_176 = arith.constant 16 : i32
      %shift_right_arithmetic3A_177 = vector.broadcast %shift_right_arithmetic3A_176 : i32 to vector<16xi32>
      %shift_right_arithmetic3A_178 = arith.shrsi %get3A_167, %shift_right_arithmetic3A_177 : vector<16xi32>
      %swap3A_179 = arith.index_cast %scan3A_27 : i32 to index
      %swap3A_180 = arith.constant 112 : index
      %swap3A_181 = tpu.vector_load %arg5[%swap3A_179, %swap3A_180] {strides = array<i32>} : memref<80x128xi32, #tpu.memory_space<vmem>>, vector<1x16xi32>,
      %swap3A_182 = vector.shape_cast %swap3A_181 : vector<1x16xi32> to vector<16xi32>
      %swap3A_183 = vector.shape_cast %shift_right_arithmetic3A_178 : vector<16xi32> to vector<1x16xi32>
      tpu.vector_store %arg5[%swap3A_179, %swap3A_180], %swap3A_183 {strides = array<i32>} : memref<80x128xi32, #tpu.memory_space<vmem>>, vector<1x16xi32>,
    }
    %scan3A_16 = arith.constant 80 : i32
    %barrier3A = arith.constant 0 : index
    tpu.barrier barrier_id(%barrier3A)
    %scan3A_17 = arith.constant 0 : i32
    %scan3A_18 = arith.constant 80 : i32
    %scan3A_19 = arith.addi %scan3A_17, %scan3A_18 : i32
    %scan3A_20 = arith.constant 1 : i32
    scf.for %scan3A_27 = %scan3A_17 to %scan3A_19 step %scan3A_20  : i32 {
      "tpu.region"() ({
        %run_scoped3A = tpu.sem_alloc : memref<!tpu.dma_semaphore, #tpu.memory_space<semaphore_mem>>
        %dma_start3A = arith.constant 0 : i32
        %dma_start3A_28 = tpu.memref_slice %arg5[%scan3A_27, %dma_start3A] : memref<80x128xi32, #tpu.memory_space<vmem>> -> memref<1x128xi32, #tpu.memory_space<vmem>>
        %dma_start3A_29 = tpu.memref_squeeze %dma_start3A_28 : memref<1x128xi32, #tpu.memory_space<vmem>> -> memref<128xi32, #tpu.memory_space<vmem>>
        %dma_start3A_30 = arith.constant 0 : i32
        %dma_start3A_31 = arith.constant 0 : i32
        %dma_start3A_32 = tpu.memref_slice %arg8[%dma_start3A_30, %dma_start3A_31] : memref<10240x16xf32, #tpu.memory_space<vmem_shared>> -> memref<10240x16xf32, #tpu.memory_space<vmem_shared>>
        tpu.enqueue_indirect_dma source(%arg6 : memref<128x16xf32, #tpu.memory_space<vmem>>) target(%dma_start3A_32 : memref<10240x16xf32, #tpu.memory_space<vmem_shared>>) offsets(%dma_start3A_29 : memref<128xi32, #tpu.memory_space<vmem>>) semaphore(%run_scoped3A : memref<!tpu.dma_semaphore, #tpu.memory_space<semaphore_mem>>) {add = true}
        %dma_wait3A = arith.constant 0 : i32
        %dma_wait3A_33 = tpu.memref_slice %arg5[%scan3A_27, %dma_wait3A] : memref<80x128xi32, #tpu.memory_space<vmem>> -> memref<1x128xi32, #tpu.memory_space<vmem>>
        %dma_wait3A_34 = tpu.memref_squeeze %dma_wait3A_33 : memref<1x128xi32, #tpu.memory_space<vmem>> -> memref<128xi32, #tpu.memory_space<vmem>>
        %dma_wait3A_35 = arith.constant 0 : i32
        %dma_wait3A_36 = arith.constant 0 : i32
        %dma_wait3A_37 = tpu.memref_slice %arg8[%dma_wait3A_35, %dma_wait3A_36] : memref<10240x16xf32, #tpu.memory_space<vmem_shared>> -> memref<10240x16xf32, #tpu.memory_space<vmem_shared>>
        tpu.wait_indirect_dma semaphore(%run_scoped3A : memref<!tpu.dma_semaphore, #tpu.memory_space<semaphore_mem>>) src(%arg6 : memref<128x16xf32, #tpu.memory_space<vmem>>) dst(%dma_wait3A_37 : memref<10240x16xf32, #tpu.memory_space<vmem_shared>>)
        tpu.yield
      }) : () -> ()
    }
    %scan3A_21 = arith.constant 80 : i32
    %barrier3A_22 = arith.constant 0 : index
    tpu.barrier barrier_id(%barrier3A_22)
    %mul3A_23 = arith.constant 640 : i32
    %mul3A_24 = arith.muli %arg1, %mul3A_23 : i32
    %mul3A_25 = arith.constant 640 : i32
    %mul3A_26 = arith.muli %arg1, %mul3A_25 : i32
    "tpu.region"() ({
      %run_scoped3A = tpu.sem_alloc : memref<!tpu.dma_semaphore, #tpu.memory_space<semaphore_mem>>
      %dma_start3A = arith.constant 0 : i32
      %dma_start3A_27 = tpu.memref_slice %arg3[%arg0, %mul3A_26, %dma_start3A] : memref<2x10240x16xf32, #tpu.memory_space<hbm>> -> memref<1x640x16xf32, #tpu.memory_space<hbm>>
      %dma_start3A_28 = tpu.memref_squeeze %dma_start3A_27 : memref<1x640x16xf32, #tpu.memory_space<hbm>> -> memref<640x16xf32, #tpu.memory_space<hbm>>
      %dma_start3A_29 = arith.constant 0 : i32
      %dma_start3A_30 = tpu.memref_slice %arg8[%mul3A_24, %dma_start3A_29] : memref<10240x16xf32, #tpu.memory_space<vmem_shared>> -> memref<640x16xf32, #tpu.memory_space<vmem_shared>>
      tpu.enqueue_dma source(%dma_start3A_30 : memref<640x16xf32, #tpu.memory_space<vmem_shared>>) target(%dma_start3A_28 : memref<640x16xf32, #tpu.memory_space<hbm>>) target_semaphore(%run_scoped3A : memref<!tpu.dma_semaphore, #tpu.memory_space<semaphore_mem>>)
      %dma_wait3A = arith.constant 0 : i32
      %dma_wait3A_31 = tpu.memref_slice %arg3[%arg0, %mul3A_26, %dma_wait3A] : memref<2x10240x16xf32, #tpu.memory_space<hbm>> -> memref<1x640x16xf32, #tpu.memory_space<hbm>>
      %dma_wait3A_32 = tpu.memref_squeeze %dma_wait3A_31 : memref<1x640x16xf32, #tpu.memory_space<hbm>> -> memref<640x16xf32, #tpu.memory_space<hbm>>
      %dma_wait3A_33 = arith.constant 0 : i32
      %dma_wait3A_34 = tpu.memref_slice %arg8[%mul3A_24, %dma_wait3A_33] : memref<10240x16xf32, #tpu.memory_space<vmem_shared>> -> memref<640x16xf32, #tpu.memory_space<vmem_shared>>
      tpu.wait_dma2 semaphore(%run_scoped3A : memref<!tpu.dma_semaphore, #tpu.memory_space<semaphore_mem>>) src(%dma_wait3A_34 : memref<640x16xf32, #tpu.memory_space<vmem_shared>>) dst(%dma_wait3A_32 : memref<640x16xf32, #tpu.memory_space<hbm>>)
      tpu.yield
    }) : () -> ()
    return
  }
}

#map = affine_map<(d0, d1) -> (0, 0)>
#map1 = affine_map<(d0, d1) -> (0, 0, 0)>
module attributes {stable_mosaic.version = 14 : i64} {
  func.func @agg2(%arg0: i32, %arg1: i32, %arg2: memref<10000x32xf32, #tpu.memory_space<hbm>>, %arg3: memref<10000x32xf32, #tpu.memory_space<hbm>>, %arg4: memref<32x80x128xi32, #tpu.memory_space<hbm>>, %arg5: memref<2x10240x32xf32, #tpu.memory_space<hbm>>, %arg6: memref<2x10240x32xf32, #tpu.memory_space<hbm>>, %arg7: memref<80x128xi32, #tpu.memory_space<vmem>>, %arg8: memref<80x128xi32, #tpu.memory_space<vmem>>, %arg9: memref<80x128xi32, #tpu.memory_space<vmem>>, %arg10: memref<128x32xf32, #tpu.memory_space<vmem>>, %arg11: memref<128x32xf32, #tpu.memory_space<vmem>>, %arg12: memref<128x32xf32, #tpu.memory_space<vmem>>, %arg13: memref<128x32xf32, #tpu.memory_space<vmem>>, %arg14: memref<!tpu.dma_semaphore, #tpu.memory_space<semaphore_mem>>, %arg15: memref<!tpu.dma_semaphore, #tpu.memory_space<semaphore_mem>>, %arg16: memref<!tpu.dma_semaphore, #tpu.memory_space<semaphore_mem>>, %arg17: memref<!tpu.dma_semaphore, #tpu.memory_space<semaphore_mem>>, %arg18: memref<10240x32xf32, #tpu.memory_space<vmem_shared>>, %arg19: memref<10000x32xf32, #tpu.memory_space<vmem_shared>>) attributes {dimension_semantics = [#tpu.dimension_semantics<core_parallel>, #tpu.dimension_semantics<subcore_parallel>], iteration_bounds = array<i64: 2, 16>, scalar_prefetch = 0 : i64, scratch_operands = 13 : i64, tpu.core_type = #tpu.core_type<sc_vector_subcore>, window_params = [{transform_indices = #map}, {transform_indices = #map}, {transform_indices = #map1}, {transform_indices = #map1}, {transform_indices = #map1}]} {
    %mul3A = arith.constant 16 : i32
    %mul3A_0 = arith.muli %arg0, %mul3A : i32
    %add3A = arith.addi %mul3A_0, %arg1 : i32
    %mul3A_1 = arith.constant 625 : i32
    %mul3A_2 = arith.muli %arg1, %mul3A_1 : i32
    %mul3A_3 = arith.constant 625 : i32
    %mul3A_4 = arith.muli %arg1, %mul3A_3 : i32
    "tpu.region"() ({
      %run_scoped3A = tpu.sem_alloc : memref<!tpu.dma_semaphore, #tpu.memory_space<semaphore_mem>>
      %dma_start3A = arith.constant 0 : i32
      %dma_start3A_84 = tpu.memref_slice %arg19[%mul3A_4, %dma_start3A] : memref<10000x32xf32, #tpu.memory_space<vmem_shared>> -> memref<625x32xf32, #tpu.memory_space<vmem_shared>>
      %dma_start3A_85 = arith.constant 0 : i32
      %dma_start3A_86 = tpu.memref_slice %arg2[%mul3A_2, %dma_start3A_85] : memref<10000x32xf32, #tpu.memory_space<hbm>> -> memref<625x32xf32, #tpu.memory_space<hbm>>
      tpu.enqueue_dma source(%dma_start3A_86 : memref<625x32xf32, #tpu.memory_space<hbm>>) target(%dma_start3A_84 : memref<625x32xf32, #tpu.memory_space<vmem_shared>>) target_semaphore(%run_scoped3A : memref<!tpu.dma_semaphore, #tpu.memory_space<semaphore_mem>>)
      %dma_wait3A = arith.constant 0 : i32
      %dma_wait3A_87 = tpu.memref_slice %arg19[%mul3A_4, %dma_wait3A] : memref<10000x32xf32, #tpu.memory_space<vmem_shared>> -> memref<625x32xf32, #tpu.memory_space<vmem_shared>>
      %dma_wait3A_88 = arith.constant 0 : i32
      %dma_wait3A_89 = tpu.memref_slice %arg2[%mul3A_2, %dma_wait3A_88] : memref<10000x32xf32, #tpu.memory_space<hbm>> -> memref<625x32xf32, #tpu.memory_space<hbm>>
      tpu.wait_dma2 semaphore(%run_scoped3A : memref<!tpu.dma_semaphore, #tpu.memory_space<semaphore_mem>>) src(%dma_wait3A_89 : memref<625x32xf32, #tpu.memory_space<hbm>>) dst(%dma_wait3A_87 : memref<625x32xf32, #tpu.memory_space<vmem_shared>>)
      tpu.yield
    }) : () -> ()
    %scan3A = arith.constant 0 : i32
    %scan3A_5 = arith.constant 128 : i32
    %scan3A_6 = arith.addi %scan3A, %scan3A_5 : i32
    %scan3A_7 = arith.constant 1 : i32
    scf.for %scan3A_84 = %scan3A to %scan3A_6 step %scan3A_7  : i32 {
      %broadcast_in_dim3A = arith.constant 0.000000e+00 : f32
      %broadcast_in_dim3A_85 = vector.broadcast %broadcast_in_dim3A : f32 to vector<16xf32>
      %swap3A = arith.index_cast %scan3A_84 : i32 to index
      %swap3A_86 = arith.constant 0 : index
      %swap3A_87 = tpu.vector_load %arg10[%swap3A, %swap3A_86] {strides = array<i32>} : memref<128x32xf32, #tpu.memory_space<vmem>>, vector<1x16xf32>,
      %swap3A_88 = vector.shape_cast %swap3A_87 : vector<1x16xf32> to vector<16xf32>
      %swap3A_89 = vector.shape_cast %broadcast_in_dim3A_85 : vector<16xf32> to vector<1x16xf32>
      tpu.vector_store %arg10[%swap3A, %swap3A_86], %swap3A_89 {strides = array<i32>} : memref<128x32xf32, #tpu.memory_space<vmem>>, vector<1x16xf32>,
      %broadcast_in_dim3A_90 = arith.constant 0.000000e+00 : f32
      %broadcast_in_dim3A_91 = vector.broadcast %broadcast_in_dim3A_90 : f32 to vector<16xf32>
      %swap3A_92 = arith.index_cast %scan3A_84 : i32 to index
      %swap3A_93 = arith.constant 16 : index
      %swap3A_94 = tpu.vector_load %arg10[%swap3A_92, %swap3A_93] {strides = array<i32>} : memref<128x32xf32, #tpu.memory_space<vmem>>, vector<1x16xf32>,
      %swap3A_95 = vector.shape_cast %swap3A_94 : vector<1x16xf32> to vector<16xf32>
      %swap3A_96 = vector.shape_cast %broadcast_in_dim3A_91 : vector<16xf32> to vector<1x16xf32>
      tpu.vector_store %arg10[%swap3A_92, %swap3A_93], %swap3A_96 {strides = array<i32>} : memref<128x32xf32, #tpu.memory_space<vmem>>, vector<1x16xf32>,
    }
    %scan3A_8 = arith.constant 128 : i32
    %mul3A_9 = arith.constant 640 : i32
    %mul3A_10 = arith.muli %arg1, %mul3A_9 : i32
    %add3A_11 = arith.constant 0 : i32
    %add3A_12 = arith.addi %mul3A_10, %add3A_11 : i32
    "tpu.region"() ({
      %run_scoped3A = tpu.sem_alloc : memref<!tpu.dma_semaphore, #tpu.memory_space<semaphore_mem>>
      %dma_start3A = arith.constant 0 : i32
      %dma_start3A_84 = tpu.memref_slice %arg18[%add3A_12, %dma_start3A] : memref<10240x32xf32, #tpu.memory_space<vmem_shared>> -> memref<128x32xf32, #tpu.memory_space<vmem_shared>>
      %dma_start3A_85 = arith.constant 0 : i32
      %dma_start3A_86 = tpu.memref_slice %arg18[%add3A_12, %dma_start3A_85] : memref<10240x32xf32, #tpu.memory_space<vmem_shared>> -> memref<128x32xf32, #tpu.memory_space<vmem_shared>>
      tpu.enqueue_dma source(%arg10 : memref<128x32xf32, #tpu.memory_space<vmem>>) target(%dma_start3A_86 : memref<128x32xf32, #tpu.memory_space<vmem_shared>>) target_semaphore(%run_scoped3A : memref<!tpu.dma_semaphore, #tpu.memory_space<semaphore_mem>>)
      %dma_wait3A = arith.constant 0 : i32
      %dma_wait3A_87 = tpu.memref_slice %arg18[%add3A_12, %dma_wait3A] : memref<10240x32xf32, #tpu.memory_space<vmem_shared>> -> memref<128x32xf32, #tpu.memory_space<vmem_shared>>
      %dma_wait3A_88 = arith.constant 0 : i32
      %dma_wait3A_89 = tpu.memref_slice %arg18[%add3A_12, %dma_wait3A_88] : memref<10240x32xf32, #tpu.memory_space<vmem_shared>> -> memref<128x32xf32, #tpu.memory_space<vmem_shared>>
      tpu.wait_dma2 semaphore(%run_scoped3A : memref<!tpu.dma_semaphore, #tpu.memory_space<semaphore_mem>>) src(%arg10 : memref<128x32xf32, #tpu.memory_space<vmem>>) dst(%dma_wait3A_89 : memref<128x32xf32, #tpu.memory_space<vmem_shared>>)
      tpu.yield
    }) : () -> ()
    %mul3A_13 = arith.constant 640 : i32
    %mul3A_14 = arith.muli %arg1, %mul3A_13 : i32
    %add3A_15 = arith.constant 128 : i32
    %add3A_16 = arith.addi %mul3A_14, %add3A_15 : i32
    "tpu.region"() ({
      %run_scoped3A = tpu.sem_alloc : memref<!tpu.dma_semaphore, #tpu.memory_space<semaphore_mem>>
      %dma_start3A = arith.constant 0 : i32
      %dma_start3A_84 = tpu.memref_slice %arg18[%add3A_16, %dma_start3A] : memref<10240x32xf32, #tpu.memory_space<vmem_shared>> -> memref<128x32xf32, #tpu.memory_space<vmem_shared>>
      %dma_start3A_85 = arith.constant 0 : i32
      %dma_start3A_86 = tpu.memref_slice %arg18[%add3A_16, %dma_start3A_85] : memref<10240x32xf32, #tpu.memory_space<vmem_shared>> -> memref<128x32xf32, #tpu.memory_space<vmem_shared>>
      tpu.enqueue_dma source(%arg10 : memref<128x32xf32, #tpu.memory_space<vmem>>) target(%dma_start3A_86 : memref<128x32xf32, #tpu.memory_space<vmem_shared>>) target_semaphore(%run_scoped3A : memref<!tpu.dma_semaphore, #tpu.memory_space<semaphore_mem>>)
      %dma_wait3A = arith.constant 0 : i32
      %dma_wait3A_87 = tpu.memref_slice %arg18[%add3A_16, %dma_wait3A] : memref<10240x32xf32, #tpu.memory_space<vmem_shared>> -> memref<128x32xf32, #tpu.memory_space<vmem_shared>>
      %dma_wait3A_88 = arith.constant 0 : i32
      %dma_wait3A_89 = tpu.memref_slice %arg18[%add3A_16, %dma_wait3A_88] : memref<10240x32xf32, #tpu.memory_space<vmem_shared>> -> memref<128x32xf32, #tpu.memory_space<vmem_shared>>
      tpu.wait_dma2 semaphore(%run_scoped3A : memref<!tpu.dma_semaphore, #tpu.memory_space<semaphore_mem>>) src(%arg10 : memref<128x32xf32, #tpu.memory_space<vmem>>) dst(%dma_wait3A_89 : memref<128x32xf32, #tpu.memory_space<vmem_shared>>)
      tpu.yield
    }) : () -> ()
    %mul3A_17 = arith.constant 640 : i32
    %mul3A_18 = arith.muli %arg1, %mul3A_17 : i32
    %add3A_19 = arith.constant 256 : i32
    %add3A_20 = arith.addi %mul3A_18, %add3A_19 : i32
    "tpu.region"() ({
      %run_scoped3A = tpu.sem_alloc : memref<!tpu.dma_semaphore, #tpu.memory_space<semaphore_mem>>
      %dma_start3A = arith.constant 0 : i32
      %dma_start3A_84 = tpu.memref_slice %arg18[%add3A_20, %dma_start3A] : memref<10240x32xf32, #tpu.memory_space<vmem_shared>> -> memref<128x32xf32, #tpu.memory_space<vmem_shared>>
      %dma_start3A_85 = arith.constant 0 : i32
      %dma_start3A_86 = tpu.memref_slice %arg18[%add3A_20, %dma_start3A_85] : memref<10240x32xf32, #tpu.memory_space<vmem_shared>> -> memref<128x32xf32, #tpu.memory_space<vmem_shared>>
      tpu.enqueue_dma source(%arg10 : memref<128x32xf32, #tpu.memory_space<vmem>>) target(%dma_start3A_86 : memref<128x32xf32, #tpu.memory_space<vmem_shared>>) target_semaphore(%run_scoped3A : memref<!tpu.dma_semaphore, #tpu.memory_space<semaphore_mem>>)
      %dma_wait3A = arith.constant 0 : i32
      %dma_wait3A_87 = tpu.memref_slice %arg18[%add3A_20, %dma_wait3A] : memref<10240x32xf32, #tpu.memory_space<vmem_shared>> -> memref<128x32xf32, #tpu.memory_space<vmem_shared>>
      %dma_wait3A_88 = arith.constant 0 : i32
      %dma_wait3A_89 = tpu.memref_slice %arg18[%add3A_20, %dma_wait3A_88] : memref<10240x32xf32, #tpu.memory_space<vmem_shared>> -> memref<128x32xf32, #tpu.memory_space<vmem_shared>>
      tpu.wait_dma2 semaphore(%run_scoped3A : memref<!tpu.dma_semaphore, #tpu.memory_space<semaphore_mem>>) src(%arg10 : memref<128x32xf32, #tpu.memory_space<vmem>>) dst(%dma_wait3A_89 : memref<128x32xf32, #tpu.memory_space<vmem_shared>>)
      tpu.yield
    }) : () -> ()
    %mul3A_21 = arith.constant 640 : i32
    %mul3A_22 = arith.muli %arg1, %mul3A_21 : i32
    %add3A_23 = arith.constant 384 : i32
    %add3A_24 = arith.addi %mul3A_22, %add3A_23 : i32
    "tpu.region"() ({
      %run_scoped3A = tpu.sem_alloc : memref<!tpu.dma_semaphore, #tpu.memory_space<semaphore_mem>>
      %dma_start3A = arith.constant 0 : i32
      %dma_start3A_84 = tpu.memref_slice %arg18[%add3A_24, %dma_start3A] : memref<10240x32xf32, #tpu.memory_space<vmem_shared>> -> memref<128x32xf32, #tpu.memory_space<vmem_shared>>
      %dma_start3A_85 = arith.constant 0 : i32
      %dma_start3A_86 = tpu.memref_slice %arg18[%add3A_24, %dma_start3A_85] : memref<10240x32xf32, #tpu.memory_space<vmem_shared>> -> memref<128x32xf32, #tpu.memory_space<vmem_shared>>
      tpu.enqueue_dma source(%arg10 : memref<128x32xf32, #tpu.memory_space<vmem>>) target(%dma_start3A_86 : memref<128x32xf32, #tpu.memory_space<vmem_shared>>) target_semaphore(%run_scoped3A : memref<!tpu.dma_semaphore, #tpu.memory_space<semaphore_mem>>)
      %dma_wait3A = arith.constant 0 : i32
      %dma_wait3A_87 = tpu.memref_slice %arg18[%add3A_24, %dma_wait3A] : memref<10240x32xf32, #tpu.memory_space<vmem_shared>> -> memref<128x32xf32, #tpu.memory_space<vmem_shared>>
      %dma_wait3A_88 = arith.constant 0 : i32
      %dma_wait3A_89 = tpu.memref_slice %arg18[%add3A_24, %dma_wait3A_88] : memref<10240x32xf32, #tpu.memory_space<vmem_shared>> -> memref<128x32xf32, #tpu.memory_space<vmem_shared>>
      tpu.wait_dma2 semaphore(%run_scoped3A : memref<!tpu.dma_semaphore, #tpu.memory_space<semaphore_mem>>) src(%arg10 : memref<128x32xf32, #tpu.memory_space<vmem>>) dst(%dma_wait3A_89 : memref<128x32xf32, #tpu.memory_space<vmem_shared>>)
      tpu.yield
    }) : () -> ()
    %mul3A_25 = arith.constant 640 : i32
    %mul3A_26 = arith.muli %arg1, %mul3A_25 : i32
    %add3A_27 = arith.constant 512 : i32
    %add3A_28 = arith.addi %mul3A_26, %add3A_27 : i32
    "tpu.region"() ({
      %run_scoped3A = tpu.sem_alloc : memref<!tpu.dma_semaphore, #tpu.memory_space<semaphore_mem>>
      %dma_start3A = arith.constant 0 : i32
      %dma_start3A_84 = tpu.memref_slice %arg18[%add3A_28, %dma_start3A] : memref<10240x32xf32, #tpu.memory_space<vmem_shared>> -> memref<128x32xf32, #tpu.memory_space<vmem_shared>>
      %dma_start3A_85 = arith.constant 0 : i32
      %dma_start3A_86 = tpu.memref_slice %arg18[%add3A_28, %dma_start3A_85] : memref<10240x32xf32, #tpu.memory_space<vmem_shared>> -> memref<128x32xf32, #tpu.memory_space<vmem_shared>>
      tpu.enqueue_dma source(%arg10 : memref<128x32xf32, #tpu.memory_space<vmem>>) target(%dma_start3A_86 : memref<128x32xf32, #tpu.memory_space<vmem_shared>>) target_semaphore(%run_scoped3A : memref<!tpu.dma_semaphore, #tpu.memory_space<semaphore_mem>>)
      %dma_wait3A = arith.constant 0 : i32
      %dma_wait3A_87 = tpu.memref_slice %arg18[%add3A_28, %dma_wait3A] : memref<10240x32xf32, #tpu.memory_space<vmem_shared>> -> memref<128x32xf32, #tpu.memory_space<vmem_shared>>
      %dma_wait3A_88 = arith.constant 0 : i32
      %dma_wait3A_89 = tpu.memref_slice %arg18[%add3A_28, %dma_wait3A_88] : memref<10240x32xf32, #tpu.memory_space<vmem_shared>> -> memref<128x32xf32, #tpu.memory_space<vmem_shared>>
      tpu.wait_dma2 semaphore(%run_scoped3A : memref<!tpu.dma_semaphore, #tpu.memory_space<semaphore_mem>>) src(%arg10 : memref<128x32xf32, #tpu.memory_space<vmem>>) dst(%dma_wait3A_89 : memref<128x32xf32, #tpu.memory_space<vmem_shared>>)
      tpu.yield
    }) : () -> ()
    "tpu.region"() ({
      %run_scoped3A = tpu.sem_alloc : memref<!tpu.dma_semaphore, #tpu.memory_space<semaphore_mem>>
      %dma_start3A = arith.constant 0 : i32
      %dma_start3A_84 = arith.constant 0 : i32
      %dma_start3A_85 = tpu.memref_slice %arg4[%add3A, %dma_start3A, %dma_start3A_84] : memref<32x80x128xi32, #tpu.memory_space<hbm>> -> memref<1x80x128xi32, #tpu.memory_space<hbm>>
      %dma_start3A_86 = tpu.memref_squeeze %dma_start3A_85 : memref<1x80x128xi32, #tpu.memory_space<hbm>> -> memref<80x128xi32, #tpu.memory_space<hbm>>
      %dma_start3A_87 = arith.constant 0 : i32
      %dma_start3A_88 = arith.constant 0 : i32
      %dma_start3A_89 = tpu.memref_slice %arg4[%add3A, %dma_start3A_87, %dma_start3A_88] : memref<32x80x128xi32, #tpu.memory_space<hbm>> -> memref<1x80x128xi32, #tpu.memory_space<hbm>>
      %dma_start3A_90 = tpu.memref_squeeze %dma_start3A_89 : memref<1x80x128xi32, #tpu.memory_space<hbm>> -> memref<80x128xi32, #tpu.memory_space<hbm>>
      tpu.enqueue_dma source(%dma_start3A_90 : memref<80x128xi32, #tpu.memory_space<hbm>>) target(%arg7 : memref<80x128xi32, #tpu.memory_space<vmem>>) target_semaphore(%run_scoped3A : memref<!tpu.dma_semaphore, #tpu.memory_space<semaphore_mem>>)
      %dma_wait3A = arith.constant 0 : i32
      %dma_wait3A_91 = arith.constant 0 : i32
      %dma_wait3A_92 = tpu.memref_slice %arg4[%add3A, %dma_wait3A, %dma_wait3A_91] : memref<32x80x128xi32, #tpu.memory_space<hbm>> -> memref<1x80x128xi32, #tpu.memory_space<hbm>>
      %dma_wait3A_93 = tpu.memref_squeeze %dma_wait3A_92 : memref<1x80x128xi32, #tpu.memory_space<hbm>> -> memref<80x128xi32, #tpu.memory_space<hbm>>
      %dma_wait3A_94 = arith.constant 0 : i32
      %dma_wait3A_95 = arith.constant 0 : i32
      %dma_wait3A_96 = tpu.memref_slice %arg4[%add3A, %dma_wait3A_94, %dma_wait3A_95] : memref<32x80x128xi32, #tpu.memory_space<hbm>> -> memref<1x80x128xi32, #tpu.memory_space<hbm>>
      %dma_wait3A_97 = tpu.memref_squeeze %dma_wait3A_96 : memref<1x80x128xi32, #tpu.memory_space<hbm>> -> memref<80x128xi32, #tpu.memory_space<hbm>>
      tpu.wait_dma2 semaphore(%run_scoped3A : memref<!tpu.dma_semaphore, #tpu.memory_space<semaphore_mem>>) src(%dma_wait3A_97 : memref<80x128xi32, #tpu.memory_space<hbm>>) dst(%arg7 : memref<80x128xi32, #tpu.memory_space<vmem>>)
      tpu.yield
    }) : () -> ()
    %scan3A_29 = arith.constant 0 : i32
    %scan3A_30 = arith.constant 80 : i32
    %scan3A_31 = arith.addi %scan3A_29, %scan3A_30 : i32
    %scan3A_32 = arith.constant 1 : i32
    scf.for %scan3A_84 = %scan3A_29 to %scan3A_31 step %scan3A_32  : i32 {
      %get3A = arith.index_cast %scan3A_84 : i32 to index
      %get3A_85 = arith.constant 0 : index
      %get3A_86 = tpu.vector_load %arg7[%get3A, %get3A_85] {strides = array<i32>} : memref<80x128xi32, #tpu.memory_space<vmem>>, vector<1x16xi32>,
      %get3A_87 = vector.shape_cast %get3A_86 : vector<1x16xi32> to vector<16xi32>
      %and3A = arith.constant 65535 : i32
      %and3A_88 = vector.broadcast %and3A : i32 to vector<16xi32>
      %and3A_89 = arith.andi %get3A_87, %and3A_88 : vector<16xi32>
      %swap3A = arith.index_cast %scan3A_84 : i32 to index
      %swap3A_90 = arith.constant 0 : index
      %swap3A_91 = tpu.vector_load %arg8[%swap3A, %swap3A_90] {strides = array<i32>} : memref<80x128xi32, #tpu.memory_space<vmem>>, vector<1x16xi32>,
      %swap3A_92 = vector.shape_cast %swap3A_91 : vector<1x16xi32> to vector<16xi32>
      %swap3A_93 = vector.shape_cast %and3A_89 : vector<16xi32> to vector<1x16xi32>
      tpu.vector_store %arg8[%swap3A, %swap3A_90], %swap3A_93 {strides = array<i32>} : memref<80x128xi32, #tpu.memory_space<vmem>>, vector<1x16xi32>,
      %shift_right_arithmetic3A = arith.constant 16 : i32
      %shift_right_arithmetic3A_94 = vector.broadcast %shift_right_arithmetic3A : i32 to vector<16xi32>
      %shift_right_arithmetic3A_95 = arith.shrsi %get3A_87, %shift_right_arithmetic3A_94 : vector<16xi32>
      %swap3A_96 = arith.index_cast %scan3A_84 : i32 to index
      %swap3A_97 = arith.constant 0 : index
      %swap3A_98 = tpu.vector_load %arg9[%swap3A_96, %swap3A_97] {strides = array<i32>} : memref<80x128xi32, #tpu.memory_space<vmem>>, vector<1x16xi32>,
      %swap3A_99 = vector.shape_cast %swap3A_98 : vector<1x16xi32> to vector<16xi32>
      %swap3A_100 = vector.shape_cast %shift_right_arithmetic3A_95 : vector<16xi32> to vector<1x16xi32>
      tpu.vector_store %arg9[%swap3A_96, %swap3A_97], %swap3A_100 {strides = array<i32>} : memref<80x128xi32, #tpu.memory_space<vmem>>, vector<1x16xi32>,
      %get3A_101 = arith.index_cast %scan3A_84 : i32 to index
      %get3A_102 = arith.constant 16 : index
      %get3A_103 = tpu.vector_load %arg7[%get3A_101, %get3A_102] {strides = array<i32>} : memref<80x128xi32, #tpu.memory_space<vmem>>, vector<1x16xi32>,
      %get3A_104 = vector.shape_cast %get3A_103 : vector<1x16xi32> to vector<16xi32>
      %and3A_105 = arith.constant 65535 : i32
      %and3A_106 = vector.broadcast %and3A_105 : i32 to vector<16xi32>
      %and3A_107 = arith.andi %get3A_104, %and3A_106 : vector<16xi32>
      %swap3A_108 = arith.index_cast %scan3A_84 : i32 to index
      %swap3A_109 = arith.constant 16 : index
      %swap3A_110 = tpu.vector_load %arg8[%swap3A_108, %swap3A_109] {strides = array<i32>} : memref<80x128xi32, #tpu.memory_space<vmem>>, vector<1x16xi32>,
      %swap3A_111 = vector.shape_cast %swap3A_110 : vector<1x16xi32> to vector<16xi32>
      %swap3A_112 = vector.shape_cast %and3A_107 : vector<16xi32> to vector<1x16xi32>
      tpu.vector_store %arg8[%swap3A_108, %swap3A_109], %swap3A_112 {strides = array<i32>} : memref<80x128xi32, #tpu.memory_space<vmem>>, vector<1x16xi32>,
      %shift_right_arithmetic3A_113 = arith.constant 16 : i32
      %shift_right_arithmetic3A_114 = vector.broadcast %shift_right_arithmetic3A_113 : i32 to vector<16xi32>
      %shift_right_arithmetic3A_115 = arith.shrsi %get3A_104, %shift_right_arithmetic3A_114 : vector<16xi32>
      %swap3A_116 = arith.index_cast %scan3A_84 : i32 to index
      %swap3A_117 = arith.constant 16 : index
      %swap3A_118 = tpu.vector_load %arg9[%swap3A_116, %swap3A_117] {strides = array<i32>} : memref<80x128xi32, #tpu.memory_space<vmem>>, vector<1x16xi32>,
      %swap3A_119 = vector.shape_cast %swap3A_118 : vector<1x16xi32> to vector<16xi32>
      %swap3A_120 = vector.shape_cast %shift_right_arithmetic3A_115 : vector<16xi32> to vector<1x16xi32>
      tpu.vector_store %arg9[%swap3A_116, %swap3A_117], %swap3A_120 {strides = array<i32>} : memref<80x128xi32, #tpu.memory_space<vmem>>, vector<1x16xi32>,
      %get3A_121 = arith.index_cast %scan3A_84 : i32 to index
      %get3A_122 = arith.constant 32 : index
      %get3A_123 = tpu.vector_load %arg7[%get3A_121, %get3A_122] {strides = array<i32>} : memref<80x128xi32, #tpu.memory_space<vmem>>, vector<1x16xi32>,
      %get3A_124 = vector.shape_cast %get3A_123 : vector<1x16xi32> to vector<16xi32>
      %and3A_125 = arith.constant 65535 : i32
      %and3A_126 = vector.broadcast %and3A_125 : i32 to vector<16xi32>
      %and3A_127 = arith.andi %get3A_124, %and3A_126 : vector<16xi32>
      %swap3A_128 = arith.index_cast %scan3A_84 : i32 to index
      %swap3A_129 = arith.constant 32 : index
      %swap3A_130 = tpu.vector_load %arg8[%swap3A_128, %swap3A_129] {strides = array<i32>} : memref<80x128xi32, #tpu.memory_space<vmem>>, vector<1x16xi32>,
      %swap3A_131 = vector.shape_cast %swap3A_130 : vector<1x16xi32> to vector<16xi32>
      %swap3A_132 = vector.shape_cast %and3A_127 : vector<16xi32> to vector<1x16xi32>
      tpu.vector_store %arg8[%swap3A_128, %swap3A_129], %swap3A_132 {strides = array<i32>} : memref<80x128xi32, #tpu.memory_space<vmem>>, vector<1x16xi32>,
      %shift_right_arithmetic3A_133 = arith.constant 16 : i32
      %shift_right_arithmetic3A_134 = vector.broadcast %shift_right_arithmetic3A_133 : i32 to vector<16xi32>
      %shift_right_arithmetic3A_135 = arith.shrsi %get3A_124, %shift_right_arithmetic3A_134 : vector<16xi32>
      %swap3A_136 = arith.index_cast %scan3A_84 : i32 to index
      %swap3A_137 = arith.constant 32 : index
      %swap3A_138 = tpu.vector_load %arg9[%swap3A_136, %swap3A_137] {strides = array<i32>} : memref<80x128xi32, #tpu.memory_space<vmem>>, vector<1x16xi32>,
      %swap3A_139 = vector.shape_cast %swap3A_138 : vector<1x16xi32> to vector<16xi32>
      %swap3A_140 = vector.shape_cast %shift_right_arithmetic3A_135 : vector<16xi32> to vector<1x16xi32>
      tpu.vector_store %arg9[%swap3A_136, %swap3A_137], %swap3A_140 {strides = array<i32>} : memref<80x128xi32, #tpu.memory_space<vmem>>, vector<1x16xi32>,
      %get3A_141 = arith.index_cast %scan3A_84 : i32 to index
      %get3A_142 = arith.constant 48 : index
      %get3A_143 = tpu.vector_load %arg7[%get3A_141, %get3A_142] {strides = array<i32>} : memref<80x128xi32, #tpu.memory_space<vmem>>, vector<1x16xi32>,
      %get3A_144 = vector.shape_cast %get3A_143 : vector<1x16xi32> to vector<16xi32>
      %and3A_145 = arith.constant 65535 : i32
      %and3A_146 = vector.broadcast %and3A_145 : i32 to vector<16xi32>
      %and3A_147 = arith.andi %get3A_144, %and3A_146 : vector<16xi32>
      %swap3A_148 = arith.index_cast %scan3A_84 : i32 to index
      %swap3A_149 = arith.constant 48 : index
      %swap3A_150 = tpu.vector_load %arg8[%swap3A_148, %swap3A_149] {strides = array<i32>} : memref<80x128xi32, #tpu.memory_space<vmem>>, vector<1x16xi32>,
      %swap3A_151 = vector.shape_cast %swap3A_150 : vector<1x16xi32> to vector<16xi32>
      %swap3A_152 = vector.shape_cast %and3A_147 : vector<16xi32> to vector<1x16xi32>
      tpu.vector_store %arg8[%swap3A_148, %swap3A_149], %swap3A_152 {strides = array<i32>} : memref<80x128xi32, #tpu.memory_space<vmem>>, vector<1x16xi32>,
      %shift_right_arithmetic3A_153 = arith.constant 16 : i32
      %shift_right_arithmetic3A_154 = vector.broadcast %shift_right_arithmetic3A_153 : i32 to vector<16xi32>
      %shift_right_arithmetic3A_155 = arith.shrsi %get3A_144, %shift_right_arithmetic3A_154 : vector<16xi32>
      %swap3A_156 = arith.index_cast %scan3A_84 : i32 to index
      %swap3A_157 = arith.constant 48 : index
      %swap3A_158 = tpu.vector_load %arg9[%swap3A_156, %swap3A_157] {strides = array<i32>} : memref<80x128xi32, #tpu.memory_space<vmem>>, vector<1x16xi32>,
      %swap3A_159 = vector.shape_cast %swap3A_158 : vector<1x16xi32> to vector<16xi32>
      %swap3A_160 = vector.shape_cast %shift_right_arithmetic3A_155 : vector<16xi32> to vector<1x16xi32>
      tpu.vector_store %arg9[%swap3A_156, %swap3A_157], %swap3A_160 {strides = array<i32>} : memref<80x128xi32, #tpu.memory_space<vmem>>, vector<1x16xi32>,
      %get3A_161 = arith.index_cast %scan3A_84 : i32 to index
      %get3A_162 = arith.constant 64 : index
      %get3A_163 = tpu.vector_load %arg7[%get3A_161, %get3A_162] {strides = array<i32>} : memref<80x128xi32, #tpu.memory_space<vmem>>, vector<1x16xi32>,
      %get3A_164 = vector.shape_cast %get3A_163 : vector<1x16xi32> to vector<16xi32>
      %and3A_165 = arith.constant 65535 : i32
      %and3A_166 = vector.broadcast %and3A_165 : i32 to vector<16xi32>
      %and3A_167 = arith.andi %get3A_164, %and3A_166 : vector<16xi32>
      %swap3A_168 = arith.index_cast %scan3A_84 : i32 to index
      %swap3A_169 = arith.constant 64 : index
      %swap3A_170 = tpu.vector_load %arg8[%swap3A_168, %swap3A_169] {strides = array<i32>} : memref<80x128xi32, #tpu.memory_space<vmem>>, vector<1x16xi32>,
      %swap3A_171 = vector.shape_cast %swap3A_170 : vector<1x16xi32> to vector<16xi32>
      %swap3A_172 = vector.shape_cast %and3A_167 : vector<16xi32> to vector<1x16xi32>
      tpu.vector_store %arg8[%swap3A_168, %swap3A_169], %swap3A_172 {strides = array<i32>} : memref<80x128xi32, #tpu.memory_space<vmem>>, vector<1x16xi32>,
      %shift_right_arithmetic3A_173 = arith.constant 16 : i32
      %shift_right_arithmetic3A_174 = vector.broadcast %shift_right_arithmetic3A_173 : i32 to vector<16xi32>
      %shift_right_arithmetic3A_175 = arith.shrsi %get3A_164, %shift_right_arithmetic3A_174 : vector<16xi32>
      %swap3A_176 = arith.index_cast %scan3A_84 : i32 to index
      %swap3A_177 = arith.constant 64 : index
      %swap3A_178 = tpu.vector_load %arg9[%swap3A_176, %swap3A_177] {strides = array<i32>} : memref<80x128xi32, #tpu.memory_space<vmem>>, vector<1x16xi32>,
      %swap3A_179 = vector.shape_cast %swap3A_178 : vector<1x16xi32> to vector<16xi32>
      %swap3A_180 = vector.shape_cast %shift_right_arithmetic3A_175 : vector<16xi32> to vector<1x16xi32>
      tpu.vector_store %arg9[%swap3A_176, %swap3A_177], %swap3A_180 {strides = array<i32>} : memref<80x128xi32, #tpu.memory_space<vmem>>, vector<1x16xi32>,
      %get3A_181 = arith.index_cast %scan3A_84 : i32 to index
      %get3A_182 = arith.constant 80 : index
      %get3A_183 = tpu.vector_load %arg7[%get3A_181, %get3A_182] {strides = array<i32>} : memref<80x128xi32, #tpu.memory_space<vmem>>, vector<1x16xi32>,
      %get3A_184 = vector.shape_cast %get3A_183 : vector<1x16xi32> to vector<16xi32>
      %and3A_185 = arith.constant 65535 : i32
      %and3A_186 = vector.broadcast %and3A_185 : i32 to vector<16xi32>
      %and3A_187 = arith.andi %get3A_184, %and3A_186 : vector<16xi32>
      %swap3A_188 = arith.index_cast %scan3A_84 : i32 to index
      %swap3A_189 = arith.constant 80 : index
      %swap3A_190 = tpu.vector_load %arg8[%swap3A_188, %swap3A_189] {strides = array<i32>} : memref<80x128xi32, #tpu.memory_space<vmem>>, vector<1x16xi32>,
      %swap3A_191 = vector.shape_cast %swap3A_190 : vector<1x16xi32> to vector<16xi32>
      %swap3A_192 = vector.shape_cast %and3A_187 : vector<16xi32> to vector<1x16xi32>
      tpu.vector_store %arg8[%swap3A_188, %swap3A_189], %swap3A_192 {strides = array<i32>} : memref<80x128xi32, #tpu.memory_space<vmem>>, vector<1x16xi32>,
      %shift_right_arithmetic3A_193 = arith.constant 16 : i32
      %shift_right_arithmetic3A_194 = vector.broadcast %shift_right_arithmetic3A_193 : i32 to vector<16xi32>
      %shift_right_arithmetic3A_195 = arith.shrsi %get3A_184, %shift_right_arithmetic3A_194 : vector<16xi32>
      %swap3A_196 = arith.index_cast %scan3A_84 : i32 to index
      %swap3A_197 = arith.constant 80 : index
      %swap3A_198 = tpu.vector_load %arg9[%swap3A_196, %swap3A_197] {strides = array<i32>} : memref<80x128xi32, #tpu.memory_space<vmem>>, vector<1x16xi32>,
      %swap3A_199 = vector.shape_cast %swap3A_198 : vector<1x16xi32> to vector<16xi32>
      %swap3A_200 = vector.shape_cast %shift_right_arithmetic3A_195 : vector<16xi32> to vector<1x16xi32>
      tpu.vector_store %arg9[%swap3A_196, %swap3A_197], %swap3A_200 {strides = array<i32>} : memref<80x128xi32, #tpu.memory_space<vmem>>, vector<1x16xi32>,
      %get3A_201 = arith.index_cast %scan3A_84 : i32 to index
      %get3A_202 = arith.constant 96 : index
      %get3A_203 = tpu.vector_load %arg7[%get3A_201, %get3A_202] {strides = array<i32>} : memref<80x128xi32, #tpu.memory_space<vmem>>, vector<1x16xi32>,
      %get3A_204 = vector.shape_cast %get3A_203 : vector<1x16xi32> to vector<16xi32>
      %and3A_205 = arith.constant 65535 : i32
      %and3A_206 = vector.broadcast %and3A_205 : i32 to vector<16xi32>
      %and3A_207 = arith.andi %get3A_204, %and3A_206 : vector<16xi32>
      %swap3A_208 = arith.index_cast %scan3A_84 : i32 to index
      %swap3A_209 = arith.constant 96 : index
      %swap3A_210 = tpu.vector_load %arg8[%swap3A_208, %swap3A_209] {strides = array<i32>} : memref<80x128xi32, #tpu.memory_space<vmem>>, vector<1x16xi32>,
      %swap3A_211 = vector.shape_cast %swap3A_210 : vector<1x16xi32> to vector<16xi32>
      %swap3A_212 = vector.shape_cast %and3A_207 : vector<16xi32> to vector<1x16xi32>
      tpu.vector_store %arg8[%swap3A_208, %swap3A_209], %swap3A_212 {strides = array<i32>} : memref<80x128xi32, #tpu.memory_space<vmem>>, vector<1x16xi32>,
      %shift_right_arithmetic3A_213 = arith.constant 16 : i32
      %shift_right_arithmetic3A_214 = vector.broadcast %shift_right_arithmetic3A_213 : i32 to vector<16xi32>
      %shift_right_arithmetic3A_215 = arith.shrsi %get3A_204, %shift_right_arithmetic3A_214 : vector<16xi32>
      %swap3A_216 = arith.index_cast %scan3A_84 : i32 to index
      %swap3A_217 = arith.constant 96 : index
      %swap3A_218 = tpu.vector_load %arg9[%swap3A_216, %swap3A_217] {strides = array<i32>} : memref<80x128xi32, #tpu.memory_space<vmem>>, vector<1x16xi32>,
      %swap3A_219 = vector.shape_cast %swap3A_218 : vector<1x16xi32> to vector<16xi32>
      %swap3A_220 = vector.shape_cast %shift_right_arithmetic3A_215 : vector<16xi32> to vector<1x16xi32>
      tpu.vector_store %arg9[%swap3A_216, %swap3A_217], %swap3A_220 {strides = array<i32>} : memref<80x128xi32, #tpu.memory_space<vmem>>, vector<1x16xi32>,
      %get3A_221 = arith.index_cast %scan3A_84 : i32 to index
      %get3A_222 = arith.constant 112 : index
      %get3A_223 = tpu.vector_load %arg7[%get3A_221, %get3A_222] {strides = array<i32>} : memref<80x128xi32, #tpu.memory_space<vmem>>, vector<1x16xi32>,
      %get3A_224 = vector.shape_cast %get3A_223 : vector<1x16xi32> to vector<16xi32>
      %and3A_225 = arith.constant 65535 : i32
      %and3A_226 = vector.broadcast %and3A_225 : i32 to vector<16xi32>
      %and3A_227 = arith.andi %get3A_224, %and3A_226 : vector<16xi32>
      %swap3A_228 = arith.index_cast %scan3A_84 : i32 to index
      %swap3A_229 = arith.constant 112 : index
      %swap3A_230 = tpu.vector_load %arg8[%swap3A_228, %swap3A_229] {strides = array<i32>} : memref<80x128xi32, #tpu.memory_space<vmem>>, vector<1x16xi32>,
      %swap3A_231 = vector.shape_cast %swap3A_230 : vector<1x16xi32> to vector<16xi32>
      %swap3A_232 = vector.shape_cast %and3A_227 : vector<16xi32> to vector<1x16xi32>
      tpu.vector_store %arg8[%swap3A_228, %swap3A_229], %swap3A_232 {strides = array<i32>} : memref<80x128xi32, #tpu.memory_space<vmem>>, vector<1x16xi32>,
      %shift_right_arithmetic3A_233 = arith.constant 16 : i32
      %shift_right_arithmetic3A_234 = vector.broadcast %shift_right_arithmetic3A_233 : i32 to vector<16xi32>
      %shift_right_arithmetic3A_235 = arith.shrsi %get3A_224, %shift_right_arithmetic3A_234 : vector<16xi32>
      %swap3A_236 = arith.index_cast %scan3A_84 : i32 to index
      %swap3A_237 = arith.constant 112 : index
      %swap3A_238 = tpu.vector_load %arg9[%swap3A_236, %swap3A_237] {strides = array<i32>} : memref<80x128xi32, #tpu.memory_space<vmem>>, vector<1x16xi32>,
      %swap3A_239 = vector.shape_cast %swap3A_238 : vector<1x16xi32> to vector<16xi32>
      %swap3A_240 = vector.shape_cast %shift_right_arithmetic3A_235 : vector<16xi32> to vector<1x16xi32>
      tpu.vector_store %arg9[%swap3A_236, %swap3A_237], %swap3A_240 {strides = array<i32>} : memref<80x128xi32, #tpu.memory_space<vmem>>, vector<1x16xi32>,
    }
    %scan3A_33 = arith.constant 80 : i32
    %barrier3A = arith.constant 0 : index
    tpu.barrier barrier_id(%barrier3A)
    %scan3A_34 = arith.constant 0 : i32
    %scan3A_35 = arith.constant 20 : i32
    %scan3A_36 = arith.addi %scan3A_34, %scan3A_35 : i32
    %scan3A_37 = arith.constant 1 : i32
    scf.for %scan3A_84 = %scan3A_34 to %scan3A_36 step %scan3A_37  : i32 {
      %mul3A_85 = arith.constant 4 : i32
      %mul3A_86 = arith.muli %scan3A_84, %mul3A_85 : i32
      %add3A_87 = arith.constant 0 : i32
      %add3A_88 = arith.addi %mul3A_86, %add3A_87 : i32
      %dma_start3A = arith.constant 0 : i32
      %dma_start3A_89 = tpu.memref_slice %arg8[%add3A_88, %dma_start3A] : memref<80x128xi32, #tpu.memory_space<vmem>> -> memref<1x128xi32, #tpu.memory_space<vmem>>
      %dma_start3A_90 = tpu.memref_squeeze %dma_start3A_89 : memref<1x128xi32, #tpu.memory_space<vmem>> -> memref<128xi32, #tpu.memory_space<vmem>>
      %dma_start3A_91 = arith.constant 0 : i32
      %dma_start3A_92 = arith.constant 0 : i32
      %dma_start3A_93 = tpu.memref_slice %arg19[%dma_start3A_91, %dma_start3A_92] : memref<10000x32xf32, #tpu.memory_space<vmem_shared>> -> memref<10000x32xf32, #tpu.memory_space<vmem_shared>>
      tpu.enqueue_indirect_dma source(%dma_start3A_93 : memref<10000x32xf32, #tpu.memory_space<vmem_shared>>) target(%arg10 : memref<128x32xf32, #tpu.memory_space<vmem>>) offsets(%dma_start3A_90 : memref<128xi32, #tpu.memory_space<vmem>>) semaphore(%arg14 : memref<!tpu.dma_semaphore, #tpu.memory_space<semaphore_mem>>)
      %add3A_94 = arith.constant 1 : i32
      %add3A_95 = arith.addi %mul3A_86, %add3A_94 : i32
      %dma_start3A_96 = arith.constant 0 : i32
      %dma_start3A_97 = tpu.memref_slice %arg8[%add3A_95, %dma_start3A_96] : memref<80x128xi32, #tpu.memory_space<vmem>> -> memref<1x128xi32, #tpu.memory_space<vmem>>
      %dma_start3A_98 = tpu.memref_squeeze %dma_start3A_97 : memref<1x128xi32, #tpu.memory_space<vmem>> -> memref<128xi32, #tpu.memory_space<vmem>>
      %dma_start3A_99 = arith.constant 0 : i32
      %dma_start3A_100 = arith.constant 0 : i32
      %dma_start3A_101 = tpu.memref_slice %arg19[%dma_start3A_99, %dma_start3A_100] : memref<10000x32xf32, #tpu.memory_space<vmem_shared>> -> memref<10000x32xf32, #tpu.memory_space<vmem_shared>>
      tpu.enqueue_indirect_dma source(%dma_start3A_101 : memref<10000x32xf32, #tpu.memory_space<vmem_shared>>) target(%arg11 : memref<128x32xf32, #tpu.memory_space<vmem>>) offsets(%dma_start3A_98 : memref<128xi32, #tpu.memory_space<vmem>>) semaphore(%arg15 : memref<!tpu.dma_semaphore, #tpu.memory_space<semaphore_mem>>)
      %add3A_102 = arith.constant 2 : i32
      %add3A_103 = arith.addi %mul3A_86, %add3A_102 : i32
      %dma_start3A_104 = arith.constant 0 : i32
      %dma_start3A_105 = tpu.memref_slice %arg8[%add3A_103, %dma_start3A_104] : memref<80x128xi32, #tpu.memory_space<vmem>> -> memref<1x128xi32, #tpu.memory_space<vmem>>
      %dma_start3A_106 = tpu.memref_squeeze %dma_start3A_105 : memref<1x128xi32, #tpu.memory_space<vmem>> -> memref<128xi32, #tpu.memory_space<vmem>>
      %dma_start3A_107 = arith.constant 0 : i32
      %dma_start3A_108 = arith.constant 0 : i32
      %dma_start3A_109 = tpu.memref_slice %arg19[%dma_start3A_107, %dma_start3A_108] : memref<10000x32xf32, #tpu.memory_space<vmem_shared>> -> memref<10000x32xf32, #tpu.memory_space<vmem_shared>>
      tpu.enqueue_indirect_dma source(%dma_start3A_109 : memref<10000x32xf32, #tpu.memory_space<vmem_shared>>) target(%arg12 : memref<128x32xf32, #tpu.memory_space<vmem>>) offsets(%dma_start3A_106 : memref<128xi32, #tpu.memory_space<vmem>>) semaphore(%arg16 : memref<!tpu.dma_semaphore, #tpu.memory_space<semaphore_mem>>)
      %add3A_110 = arith.constant 3 : i32
      %add3A_111 = arith.addi %mul3A_86, %add3A_110 : i32
      %dma_start3A_112 = arith.constant 0 : i32
      %dma_start3A_113 = tpu.memref_slice %arg8[%add3A_111, %dma_start3A_112] : memref<80x128xi32, #tpu.memory_space<vmem>> -> memref<1x128xi32, #tpu.memory_space<vmem>>
      %dma_start3A_114 = tpu.memref_squeeze %dma_start3A_113 : memref<1x128xi32, #tpu.memory_space<vmem>> -> memref<128xi32, #tpu.memory_space<vmem>>
      %dma_start3A_115 = arith.constant 0 : i32
      %dma_start3A_116 = arith.constant 0 : i32
      %dma_start3A_117 = tpu.memref_slice %arg19[%dma_start3A_115, %dma_start3A_116] : memref<10000x32xf32, #tpu.memory_space<vmem_shared>> -> memref<10000x32xf32, #tpu.memory_space<vmem_shared>>
      tpu.enqueue_indirect_dma source(%dma_start3A_117 : memref<10000x32xf32, #tpu.memory_space<vmem_shared>>) target(%arg13 : memref<128x32xf32, #tpu.memory_space<vmem>>) offsets(%dma_start3A_114 : memref<128xi32, #tpu.memory_space<vmem>>) semaphore(%arg17 : memref<!tpu.dma_semaphore, #tpu.memory_space<semaphore_mem>>)
      %dma_wait3A = arith.constant 0 : i32
      %dma_wait3A_118 = tpu.memref_slice %arg8[%add3A_88, %dma_wait3A] : memref<80x128xi32, #tpu.memory_space<vmem>> -> memref<1x128xi32, #tpu.memory_space<vmem>>
      %dma_wait3A_119 = tpu.memref_squeeze %dma_wait3A_118 : memref<1x128xi32, #tpu.memory_space<vmem>> -> memref<128xi32, #tpu.memory_space<vmem>>
      %dma_wait3A_120 = arith.constant 0 : i32
      %dma_wait3A_121 = arith.constant 0 : i32
      %dma_wait3A_122 = tpu.memref_slice %arg19[%dma_wait3A_120, %dma_wait3A_121] : memref<10000x32xf32, #tpu.memory_space<vmem_shared>> -> memref<10000x32xf32, #tpu.memory_space<vmem_shared>>
      tpu.wait_indirect_dma semaphore(%arg14 : memref<!tpu.dma_semaphore, #tpu.memory_space<semaphore_mem>>) src(%dma_wait3A_122 : memref<10000x32xf32, #tpu.memory_space<vmem_shared>>) dst(%arg10 : memref<128x32xf32, #tpu.memory_space<vmem>>)
      %add3A_123 = arith.constant 0 : i32
      %add3A_124 = arith.addi %mul3A_86, %add3A_123 : i32
      "tpu.region"() ({
        %run_scoped3A = tpu.sem_alloc : memref<!tpu.dma_semaphore, #tpu.memory_space<semaphore_mem>>
        %dma_start3A_149 = arith.constant 0 : i32
        %dma_start3A_150 = tpu.memref_slice %arg9[%add3A_124, %dma_start3A_149] : memref<80x128xi32, #tpu.memory_space<vmem>> -> memref<1x128xi32, #tpu.memory_space<vmem>>
        %dma_start3A_151 = tpu.memref_squeeze %dma_start3A_150 : memref<1x128xi32, #tpu.memory_space<vmem>> -> memref<128xi32, #tpu.memory_space<vmem>>
        %dma_start3A_152 = arith.constant 0 : i32
        %dma_start3A_153 = arith.constant 0 : i32
        %dma_start3A_154 = tpu.memref_slice %arg18[%dma_start3A_152, %dma_start3A_153] : memref<10240x32xf32, #tpu.memory_space<vmem_shared>> -> memref<10240x32xf32, #tpu.memory_space<vmem_shared>>
        tpu.enqueue_indirect_dma source(%arg10 : memref<128x32xf32, #tpu.memory_space<vmem>>) target(%dma_start3A_154 : memref<10240x32xf32, #tpu.memory_space<vmem_shared>>) offsets(%dma_start3A_151 : memref<128xi32, #tpu.memory_space<vmem>>) semaphore(%run_scoped3A : memref<!tpu.dma_semaphore, #tpu.memory_space<semaphore_mem>>) {add = true}
        %dma_wait3A_155 = arith.constant 0 : i32
        %dma_wait3A_156 = tpu.memref_slice %arg9[%add3A_124, %dma_wait3A_155] : memref<80x128xi32, #tpu.memory_space<vmem>> -> memref<1x128xi32, #tpu.memory_space<vmem>>
        %dma_wait3A_157 = tpu.memref_squeeze %dma_wait3A_156 : memref<1x128xi32, #tpu.memory_space<vmem>> -> memref<128xi32, #tpu.memory_space<vmem>>
        %dma_wait3A_158 = arith.constant 0 : i32
        %dma_wait3A_159 = arith.constant 0 : i32
        %dma_wait3A_160 = tpu.memref_slice %arg18[%dma_wait3A_158, %dma_wait3A_159] : memref<10240x32xf32, #tpu.memory_space<vmem_shared>> -> memref<10240x32xf32, #tpu.memory_space<vmem_shared>>
        tpu.wait_indirect_dma semaphore(%run_scoped3A : memref<!tpu.dma_semaphore, #tpu.memory_space<semaphore_mem>>) src(%arg10 : memref<128x32xf32, #tpu.memory_space<vmem>>) dst(%dma_wait3A_160 : memref<10240x32xf32, #tpu.memory_space<vmem_shared>>)
        tpu.yield
      }) : () -> ()
      %dma_wait3A_125 = arith.constant 0 : i32
      %dma_wait3A_126 = tpu.memref_slice %arg8[%add3A_95, %dma_wait3A_125] : memref<80x128xi32, #tpu.memory_space<vmem>> -> memref<1x128xi32, #tpu.memory_space<vmem>>
      %dma_wait3A_127 = tpu.memref_squeeze %dma_wait3A_126 : memref<1x128xi32, #tpu.memory_space<vmem>> -> memref<128xi32, #tpu.memory_space<vmem>>
      %dma_wait3A_128 = arith.constant 0 : i32
      %dma_wait3A_129 = arith.constant 0 : i32
      %dma_wait3A_130 = tpu.memref_slice %arg19[%dma_wait3A_128, %dma_wait3A_129] : memref<10000x32xf32, #tpu.memory_space<vmem_shared>> -> memref<10000x32xf32, #tpu.memory_space<vmem_shared>>
      tpu.wait_indirect_dma semaphore(%arg15 : memref<!tpu.dma_semaphore, #tpu.memory_space<semaphore_mem>>) src(%dma_wait3A_130 : memref<10000x32xf32, #tpu.memory_space<vmem_shared>>) dst(%arg11 : memref<128x32xf32, #tpu.memory_space<vmem>>)
      %add3A_131 = arith.constant 1 : i32
      %add3A_132 = arith.addi %mul3A_86, %add3A_131 : i32
      "tpu.region"() ({
        %run_scoped3A = tpu.sem_alloc : memref<!tpu.dma_semaphore, #tpu.memory_space<semaphore_mem>>
        %dma_start3A_149 = arith.constant 0 : i32
        %dma_start3A_150 = tpu.memref_slice %arg9[%add3A_132, %dma_start3A_149] : memref<80x128xi32, #tpu.memory_space<vmem>> -> memref<1x128xi32, #tpu.memory_space<vmem>>
        %dma_start3A_151 = tpu.memref_squeeze %dma_start3A_150 : memref<1x128xi32, #tpu.memory_space<vmem>> -> memref<128xi32, #tpu.memory_space<vmem>>
        %dma_start3A_152 = arith.constant 0 : i32
        %dma_start3A_153 = arith.constant 0 : i32
        %dma_start3A_154 = tpu.memref_slice %arg18[%dma_start3A_152, %dma_start3A_153] : memref<10240x32xf32, #tpu.memory_space<vmem_shared>> -> memref<10240x32xf32, #tpu.memory_space<vmem_shared>>
        tpu.enqueue_indirect_dma source(%arg11 : memref<128x32xf32, #tpu.memory_space<vmem>>) target(%dma_start3A_154 : memref<10240x32xf32, #tpu.memory_space<vmem_shared>>) offsets(%dma_start3A_151 : memref<128xi32, #tpu.memory_space<vmem>>) semaphore(%run_scoped3A : memref<!tpu.dma_semaphore, #tpu.memory_space<semaphore_mem>>) {add = true}
        %dma_wait3A_155 = arith.constant 0 : i32
        %dma_wait3A_156 = tpu.memref_slice %arg9[%add3A_132, %dma_wait3A_155] : memref<80x128xi32, #tpu.memory_space<vmem>> -> memref<1x128xi32, #tpu.memory_space<vmem>>
        %dma_wait3A_157 = tpu.memref_squeeze %dma_wait3A_156 : memref<1x128xi32, #tpu.memory_space<vmem>> -> memref<128xi32, #tpu.memory_space<vmem>>
        %dma_wait3A_158 = arith.constant 0 : i32
        %dma_wait3A_159 = arith.constant 0 : i32
        %dma_wait3A_160 = tpu.memref_slice %arg18[%dma_wait3A_158, %dma_wait3A_159] : memref<10240x32xf32, #tpu.memory_space<vmem_shared>> -> memref<10240x32xf32, #tpu.memory_space<vmem_shared>>
        tpu.wait_indirect_dma semaphore(%run_scoped3A : memref<!tpu.dma_semaphore, #tpu.memory_space<semaphore_mem>>) src(%arg11 : memref<128x32xf32, #tpu.memory_space<vmem>>) dst(%dma_wait3A_160 : memref<10240x32xf32, #tpu.memory_space<vmem_shared>>)
        tpu.yield
      }) : () -> ()
      %dma_wait3A_133 = arith.constant 0 : i32
      %dma_wait3A_134 = tpu.memref_slice %arg8[%add3A_103, %dma_wait3A_133] : memref<80x128xi32, #tpu.memory_space<vmem>> -> memref<1x128xi32, #tpu.memory_space<vmem>>
      %dma_wait3A_135 = tpu.memref_squeeze %dma_wait3A_134 : memref<1x128xi32, #tpu.memory_space<vmem>> -> memref<128xi32, #tpu.memory_space<vmem>>
      %dma_wait3A_136 = arith.constant 0 : i32
      %dma_wait3A_137 = arith.constant 0 : i32
      %dma_wait3A_138 = tpu.memref_slice %arg19[%dma_wait3A_136, %dma_wait3A_137] : memref<10000x32xf32, #tpu.memory_space<vmem_shared>> -> memref<10000x32xf32, #tpu.memory_space<vmem_shared>>
      tpu.wait_indirect_dma semaphore(%arg16 : memref<!tpu.dma_semaphore, #tpu.memory_space<semaphore_mem>>) src(%dma_wait3A_138 : memref<10000x32xf32, #tpu.memory_space<vmem_shared>>) dst(%arg12 : memref<128x32xf32, #tpu.memory_space<vmem>>)
      %add3A_139 = arith.constant 2 : i32
      %add3A_140 = arith.addi %mul3A_86, %add3A_139 : i32
      "tpu.region"() ({
        %run_scoped3A = tpu.sem_alloc : memref<!tpu.dma_semaphore, #tpu.memory_space<semaphore_mem>>
        %dma_start3A_149 = arith.constant 0 : i32
        %dma_start3A_150 = tpu.memref_slice %arg9[%add3A_140, %dma_start3A_149] : memref<80x128xi32, #tpu.memory_space<vmem>> -> memref<1x128xi32, #tpu.memory_space<vmem>>
        %dma_start3A_151 = tpu.memref_squeeze %dma_start3A_150 : memref<1x128xi32, #tpu.memory_space<vmem>> -> memref<128xi32, #tpu.memory_space<vmem>>
        %dma_start3A_152 = arith.constant 0 : i32
        %dma_start3A_153 = arith.constant 0 : i32
        %dma_start3A_154 = tpu.memref_slice %arg18[%dma_start3A_152, %dma_start3A_153] : memref<10240x32xf32, #tpu.memory_space<vmem_shared>> -> memref<10240x32xf32, #tpu.memory_space<vmem_shared>>
        tpu.enqueue_indirect_dma source(%arg12 : memref<128x32xf32, #tpu.memory_space<vmem>>) target(%dma_start3A_154 : memref<10240x32xf32, #tpu.memory_space<vmem_shared>>) offsets(%dma_start3A_151 : memref<128xi32, #tpu.memory_space<vmem>>) semaphore(%run_scoped3A : memref<!tpu.dma_semaphore, #tpu.memory_space<semaphore_mem>>) {add = true}
        %dma_wait3A_155 = arith.constant 0 : i32
        %dma_wait3A_156 = tpu.memref_slice %arg9[%add3A_140, %dma_wait3A_155] : memref<80x128xi32, #tpu.memory_space<vmem>> -> memref<1x128xi32, #tpu.memory_space<vmem>>
        %dma_wait3A_157 = tpu.memref_squeeze %dma_wait3A_156 : memref<1x128xi32, #tpu.memory_space<vmem>> -> memref<128xi32, #tpu.memory_space<vmem>>
        %dma_wait3A_158 = arith.constant 0 : i32
        %dma_wait3A_159 = arith.constant 0 : i32
        %dma_wait3A_160 = tpu.memref_slice %arg18[%dma_wait3A_158, %dma_wait3A_159] : memref<10240x32xf32, #tpu.memory_space<vmem_shared>> -> memref<10240x32xf32, #tpu.memory_space<vmem_shared>>
        tpu.wait_indirect_dma semaphore(%run_scoped3A : memref<!tpu.dma_semaphore, #tpu.memory_space<semaphore_mem>>) src(%arg12 : memref<128x32xf32, #tpu.memory_space<vmem>>) dst(%dma_wait3A_160 : memref<10240x32xf32, #tpu.memory_space<vmem_shared>>)
        tpu.yield
      }) : () -> ()
      %dma_wait3A_141 = arith.constant 0 : i32
      %dma_wait3A_142 = tpu.memref_slice %arg8[%add3A_111, %dma_wait3A_141] : memref<80x128xi32, #tpu.memory_space<vmem>> -> memref<1x128xi32, #tpu.memory_space<vmem>>
      %dma_wait3A_143 = tpu.memref_squeeze %dma_wait3A_142 : memref<1x128xi32, #tpu.memory_space<vmem>> -> memref<128xi32, #tpu.memory_space<vmem>>
      %dma_wait3A_144 = arith.constant 0 : i32
      %dma_wait3A_145 = arith.constant 0 : i32
      %dma_wait3A_146 = tpu.memref_slice %arg19[%dma_wait3A_144, %dma_wait3A_145] : memref<10000x32xf32, #tpu.memory_space<vmem_shared>> -> memref<10000x32xf32, #tpu.memory_space<vmem_shared>>
      tpu.wait_indirect_dma semaphore(%arg17 : memref<!tpu.dma_semaphore, #tpu.memory_space<semaphore_mem>>) src(%dma_wait3A_146 : memref<10000x32xf32, #tpu.memory_space<vmem_shared>>) dst(%arg13 : memref<128x32xf32, #tpu.memory_space<vmem>>)
      %add3A_147 = arith.constant 3 : i32
      %add3A_148 = arith.addi %mul3A_86, %add3A_147 : i32
      "tpu.region"() ({
        %run_scoped3A = tpu.sem_alloc : memref<!tpu.dma_semaphore, #tpu.memory_space<semaphore_mem>>
        %dma_start3A_149 = arith.constant 0 : i32
        %dma_start3A_150 = tpu.memref_slice %arg9[%add3A_148, %dma_start3A_149] : memref<80x128xi32, #tpu.memory_space<vmem>> -> memref<1x128xi32, #tpu.memory_space<vmem>>
        %dma_start3A_151 = tpu.memref_squeeze %dma_start3A_150 : memref<1x128xi32, #tpu.memory_space<vmem>> -> memref<128xi32, #tpu.memory_space<vmem>>
        %dma_start3A_152 = arith.constant 0 : i32
        %dma_start3A_153 = arith.constant 0 : i32
        %dma_start3A_154 = tpu.memref_slice %arg18[%dma_start3A_152, %dma_start3A_153] : memref<10240x32xf32, #tpu.memory_space<vmem_shared>> -> memref<10240x32xf32, #tpu.memory_space<vmem_shared>>
        tpu.enqueue_indirect_dma source(%arg13 : memref<128x32xf32, #tpu.memory_space<vmem>>) target(%dma_start3A_154 : memref<10240x32xf32, #tpu.memory_space<vmem_shared>>) offsets(%dma_start3A_151 : memref<128xi32, #tpu.memory_space<vmem>>) semaphore(%run_scoped3A : memref<!tpu.dma_semaphore, #tpu.memory_space<semaphore_mem>>) {add = true}
        %dma_wait3A_155 = arith.constant 0 : i32
        %dma_wait3A_156 = tpu.memref_slice %arg9[%add3A_148, %dma_wait3A_155] : memref<80x128xi32, #tpu.memory_space<vmem>> -> memref<1x128xi32, #tpu.memory_space<vmem>>
        %dma_wait3A_157 = tpu.memref_squeeze %dma_wait3A_156 : memref<1x128xi32, #tpu.memory_space<vmem>> -> memref<128xi32, #tpu.memory_space<vmem>>
        %dma_wait3A_158 = arith.constant 0 : i32
        %dma_wait3A_159 = arith.constant 0 : i32
        %dma_wait3A_160 = tpu.memref_slice %arg18[%dma_wait3A_158, %dma_wait3A_159] : memref<10240x32xf32, #tpu.memory_space<vmem_shared>> -> memref<10240x32xf32, #tpu.memory_space<vmem_shared>>
        tpu.wait_indirect_dma semaphore(%run_scoped3A : memref<!tpu.dma_semaphore, #tpu.memory_space<semaphore_mem>>) src(%arg13 : memref<128x32xf32, #tpu.memory_space<vmem>>) dst(%dma_wait3A_160 : memref<10240x32xf32, #tpu.memory_space<vmem_shared>>)
        tpu.yield
      }) : () -> ()
    }
    %scan3A_38 = arith.constant 20 : i32
    %barrier3A_39 = arith.constant 0 : index
    tpu.barrier barrier_id(%barrier3A_39)
    %mul3A_40 = arith.constant 640 : i32
    %mul3A_41 = arith.muli %arg1, %mul3A_40 : i32
    %mul3A_42 = arith.constant 640 : i32
    %mul3A_43 = arith.muli %arg1, %mul3A_42 : i32
    "tpu.region"() ({
      %run_scoped3A = tpu.sem_alloc : memref<!tpu.dma_semaphore, #tpu.memory_space<semaphore_mem>>
      %dma_start3A = arith.constant 0 : i32
      %dma_start3A_84 = tpu.memref_slice %arg5[%arg0, %mul3A_43, %dma_start3A] : memref<2x10240x32xf32, #tpu.memory_space<hbm>> -> memref<1x640x32xf32, #tpu.memory_space<hbm>>
      %dma_start3A_85 = tpu.memref_squeeze %dma_start3A_84 : memref<1x640x32xf32, #tpu.memory_space<hbm>> -> memref<640x32xf32, #tpu.memory_space<hbm>>
      %dma_start3A_86 = arith.constant 0 : i32
      %dma_start3A_87 = tpu.memref_slice %arg18[%mul3A_41, %dma_start3A_86] : memref<10240x32xf32, #tpu.memory_space<vmem_shared>> -> memref<640x32xf32, #tpu.memory_space<vmem_shared>>
      tpu.enqueue_dma source(%dma_start3A_87 : memref<640x32xf32, #tpu.memory_space<vmem_shared>>) target(%dma_start3A_85 : memref<640x32xf32, #tpu.memory_space<hbm>>) target_semaphore(%run_scoped3A : memref<!tpu.dma_semaphore, #tpu.memory_space<semaphore_mem>>)
      %dma_wait3A = arith.constant 0 : i32
      %dma_wait3A_88 = tpu.memref_slice %arg5[%arg0, %mul3A_43, %dma_wait3A] : memref<2x10240x32xf32, #tpu.memory_space<hbm>> -> memref<1x640x32xf32, #tpu.memory_space<hbm>>
      %dma_wait3A_89 = tpu.memref_squeeze %dma_wait3A_88 : memref<1x640x32xf32, #tpu.memory_space<hbm>> -> memref<640x32xf32, #tpu.memory_space<hbm>>
      %dma_wait3A_90 = arith.constant 0 : i32
      %dma_wait3A_91 = tpu.memref_slice %arg18[%mul3A_41, %dma_wait3A_90] : memref<10240x32xf32, #tpu.memory_space<vmem_shared>> -> memref<640x32xf32, #tpu.memory_space<vmem_shared>>
      tpu.wait_dma2 semaphore(%run_scoped3A : memref<!tpu.dma_semaphore, #tpu.memory_space<semaphore_mem>>) src(%dma_wait3A_91 : memref<640x32xf32, #tpu.memory_space<vmem_shared>>) dst(%dma_wait3A_89 : memref<640x32xf32, #tpu.memory_space<hbm>>)
      tpu.yield
    }) : () -> ()
    %scan3A_44 = arith.constant 0 : i32
    %scan3A_45 = arith.constant 128 : i32
    %scan3A_46 = arith.addi %scan3A_44, %scan3A_45 : i32
    %scan3A_47 = arith.constant 1 : i32
    scf.for %scan3A_84 = %scan3A_44 to %scan3A_46 step %scan3A_47  : i32 {
      %broadcast_in_dim3A = arith.constant 0.000000e+00 : f32
      %broadcast_in_dim3A_85 = vector.broadcast %broadcast_in_dim3A : f32 to vector<16xf32>
      %swap3A = arith.index_cast %scan3A_84 : i32 to index
      %swap3A_86 = arith.constant 0 : index
      %swap3A_87 = tpu.vector_load %arg10[%swap3A, %swap3A_86] {strides = array<i32>} : memref<128x32xf32, #tpu.memory_space<vmem>>, vector<1x16xf32>,
      %swap3A_88 = vector.shape_cast %swap3A_87 : vector<1x16xf32> to vector<16xf32>
      %swap3A_89 = vector.shape_cast %broadcast_in_dim3A_85 : vector<16xf32> to vector<1x16xf32>
      tpu.vector_store %arg10[%swap3A, %swap3A_86], %swap3A_89 {strides = array<i32>} : memref<128x32xf32, #tpu.memory_space<vmem>>, vector<1x16xf32>,
      %broadcast_in_dim3A_90 = arith.constant 0.000000e+00 : f32
      %broadcast_in_dim3A_91 = vector.broadcast %broadcast_in_dim3A_90 : f32 to vector<16xf32>
      %swap3A_92 = arith.index_cast %scan3A_84 : i32 to index
      %swap3A_93 = arith.constant 16 : index
      %swap3A_94 = tpu.vector_load %arg10[%swap3A_92, %swap3A_93] {strides = array<i32>} : memref<128x32xf32, #tpu.memory_space<vmem>>, vector<1x16xf32>,
      %swap3A_95 = vector.shape_cast %swap3A_94 : vector<1x16xf32> to vector<16xf32>
      %swap3A_96 = vector.shape_cast %broadcast_in_dim3A_91 : vector<16xf32> to vector<1x16xf32>
      tpu.vector_store %arg10[%swap3A_92, %swap3A_93], %swap3A_96 {strides = array<i32>} : memref<128x32xf32, #tpu.memory_space<vmem>>, vector<1x16xf32>,
    }
    %scan3A_48 = arith.constant 128 : i32
    %mul3A_49 = arith.constant 640 : i32
    %mul3A_50 = arith.muli %arg1, %mul3A_49 : i32
    %add3A_51 = arith.constant 0 : i32
    %add3A_52 = arith.addi %mul3A_50, %add3A_51 : i32
    "tpu.region"() ({
      %run_scoped3A = tpu.sem_alloc : memref<!tpu.dma_semaphore, #tpu.memory_space<semaphore_mem>>
      %dma_start3A = arith.constant 0 : i32
      %dma_start3A_84 = tpu.memref_slice %arg18[%add3A_52, %dma_start3A] : memref<10240x32xf32, #tpu.memory_space<vmem_shared>> -> memref<128x32xf32, #tpu.memory_space<vmem_shared>>
      %dma_start3A_85 = arith.constant 0 : i32
      %dma_start3A_86 = tpu.memref_slice %arg18[%add3A_52, %dma_start3A_85] : memref<10240x32xf32, #tpu.memory_space<vmem_shared>> -> memref<128x32xf32, #tpu.memory_space<vmem_shared>>
      tpu.enqueue_dma source(%arg10 : memref<128x32xf32, #tpu.memory_space<vmem>>) target(%dma_start3A_86 : memref<128x32xf32, #tpu.memory_space<vmem_shared>>) target_semaphore(%run_scoped3A : memref<!tpu.dma_semaphore, #tpu.memory_space<semaphore_mem>>)
      %dma_wait3A = arith.constant 0 : i32
      %dma_wait3A_87 = tpu.memref_slice %arg18[%add3A_52, %dma_wait3A] : memref<10240x32xf32, #tpu.memory_space<vmem_shared>> -> memref<128x32xf32, #tpu.memory_space<vmem_shared>>
      %dma_wait3A_88 = arith.constant 0 : i32
      %dma_wait3A_89 = tpu.memref_slice %arg18[%add3A_52, %dma_wait3A_88] : memref<10240x32xf32, #tpu.memory_space<vmem_shared>> -> memref<128x32xf32, #tpu.memory_space<vmem_shared>>
      tpu.wait_dma2 semaphore(%run_scoped3A : memref<!tpu.dma_semaphore, #tpu.memory_space<semaphore_mem>>) src(%arg10 : memref<128x32xf32, #tpu.memory_space<vmem>>) dst(%dma_wait3A_89 : memref<128x32xf32, #tpu.memory_space<vmem_shared>>)
      tpu.yield
    }) : () -> ()
    %mul3A_53 = arith.constant 640 : i32
    %mul3A_54 = arith.muli %arg1, %mul3A_53 : i32
    %add3A_55 = arith.constant 128 : i32
    %add3A_56 = arith.addi %mul3A_54, %add3A_55 : i32
    "tpu.region"() ({
      %run_scoped3A = tpu.sem_alloc : memref<!tpu.dma_semaphore, #tpu.memory_space<semaphore_mem>>
      %dma_start3A = arith.constant 0 : i32
      %dma_start3A_84 = tpu.memref_slice %arg18[%add3A_56, %dma_start3A] : memref<10240x32xf32, #tpu.memory_space<vmem_shared>> -> memref<128x32xf32, #tpu.memory_space<vmem_shared>>
      %dma_start3A_85 = arith.constant 0 : i32
      %dma_start3A_86 = tpu.memref_slice %arg18[%add3A_56, %dma_start3A_85] : memref<10240x32xf32, #tpu.memory_space<vmem_shared>> -> memref<128x32xf32, #tpu.memory_space<vmem_shared>>
      tpu.enqueue_dma source(%arg10 : memref<128x32xf32, #tpu.memory_space<vmem>>) target(%dma_start3A_86 : memref<128x32xf32, #tpu.memory_space<vmem_shared>>) target_semaphore(%run_scoped3A : memref<!tpu.dma_semaphore, #tpu.memory_space<semaphore_mem>>)
      %dma_wait3A = arith.constant 0 : i32
      %dma_wait3A_87 = tpu.memref_slice %arg18[%add3A_56, %dma_wait3A] : memref<10240x32xf32, #tpu.memory_space<vmem_shared>> -> memref<128x32xf32, #tpu.memory_space<vmem_shared>>
      %dma_wait3A_88 = arith.constant 0 : i32
      %dma_wait3A_89 = tpu.memref_slice %arg18[%add3A_56, %dma_wait3A_88] : memref<10240x32xf32, #tpu.memory_space<vmem_shared>> -> memref<128x32xf32, #tpu.memory_space<vmem_shared>>
      tpu.wait_dma2 semaphore(%run_scoped3A : memref<!tpu.dma_semaphore, #tpu.memory_space<semaphore_mem>>) src(%arg10 : memref<128x32xf32, #tpu.memory_space<vmem>>) dst(%dma_wait3A_89 : memref<128x32xf32, #tpu.memory_space<vmem_shared>>)
      tpu.yield
    }) : () -> ()
    %mul3A_57 = arith.constant 640 : i32
    %mul3A_58 = arith.muli %arg1, %mul3A_57 : i32
    %add3A_59 = arith.constant 256 : i32
    %add3A_60 = arith.addi %mul3A_58, %add3A_59 : i32
    "tpu.region"() ({
      %run_scoped3A = tpu.sem_alloc : memref<!tpu.dma_semaphore, #tpu.memory_space<semaphore_mem>>
      %dma_start3A = arith.constant 0 : i32
      %dma_start3A_84 = tpu.memref_slice %arg18[%add3A_60, %dma_start3A] : memref<10240x32xf32, #tpu.memory_space<vmem_shared>> -> memref<128x32xf32, #tpu.memory_space<vmem_shared>>
      %dma_start3A_85 = arith.constant 0 : i32
      %dma_start3A_86 = tpu.memref_slice %arg18[%add3A_60, %dma_start3A_85] : memref<10240x32xf32, #tpu.memory_space<vmem_shared>> -> memref<128x32xf32, #tpu.memory_space<vmem_shared>>
      tpu.enqueue_dma source(%arg10 : memref<128x32xf32, #tpu.memory_space<vmem>>) target(%dma_start3A_86 : memref<128x32xf32, #tpu.memory_space<vmem_shared>>) target_semaphore(%run_scoped3A : memref<!tpu.dma_semaphore, #tpu.memory_space<semaphore_mem>>)
      %dma_wait3A = arith.constant 0 : i32
      %dma_wait3A_87 = tpu.memref_slice %arg18[%add3A_60, %dma_wait3A] : memref<10240x32xf32, #tpu.memory_space<vmem_shared>> -> memref<128x32xf32, #tpu.memory_space<vmem_shared>>
      %dma_wait3A_88 = arith.constant 0 : i32
      %dma_wait3A_89 = tpu.memref_slice %arg18[%add3A_60, %dma_wait3A_88] : memref<10240x32xf32, #tpu.memory_space<vmem_shared>> -> memref<128x32xf32, #tpu.memory_space<vmem_shared>>
      tpu.wait_dma2 semaphore(%run_scoped3A : memref<!tpu.dma_semaphore, #tpu.memory_space<semaphore_mem>>) src(%arg10 : memref<128x32xf32, #tpu.memory_space<vmem>>) dst(%dma_wait3A_89 : memref<128x32xf32, #tpu.memory_space<vmem_shared>>)
      tpu.yield
    }) : () -> ()
    %mul3A_61 = arith.constant 640 : i32
    %mul3A_62 = arith.muli %arg1, %mul3A_61 : i32
    %add3A_63 = arith.constant 384 : i32
    %add3A_64 = arith.addi %mul3A_62, %add3A_63 : i32
    "tpu.region"() ({
      %run_scoped3A = tpu.sem_alloc : memref<!tpu.dma_semaphore, #tpu.memory_space<semaphore_mem>>
      %dma_start3A = arith.constant 0 : i32
      %dma_start3A_84 = tpu.memref_slice %arg18[%add3A_64, %dma_start3A] : memref<10240x32xf32, #tpu.memory_space<vmem_shared>> -> memref<128x32xf32, #tpu.memory_space<vmem_shared>>
      %dma_start3A_85 = arith.constant 0 : i32
      %dma_start3A_86 = tpu.memref_slice %arg18[%add3A_64, %dma_start3A_85] : memref<10240x32xf32, #tpu.memory_space<vmem_shared>> -> memref<128x32xf32, #tpu.memory_space<vmem_shared>>
      tpu.enqueue_dma source(%arg10 : memref<128x32xf32, #tpu.memory_space<vmem>>) target(%dma_start3A_86 : memref<128x32xf32, #tpu.memory_space<vmem_shared>>) target_semaphore(%run_scoped3A : memref<!tpu.dma_semaphore, #tpu.memory_space<semaphore_mem>>)
      %dma_wait3A = arith.constant 0 : i32
      %dma_wait3A_87 = tpu.memref_slice %arg18[%add3A_64, %dma_wait3A] : memref<10240x32xf32, #tpu.memory_space<vmem_shared>> -> memref<128x32xf32, #tpu.memory_space<vmem_shared>>
      %dma_wait3A_88 = arith.constant 0 : i32
      %dma_wait3A_89 = tpu.memref_slice %arg18[%add3A_64, %dma_wait3A_88] : memref<10240x32xf32, #tpu.memory_space<vmem_shared>> -> memref<128x32xf32, #tpu.memory_space<vmem_shared>>
      tpu.wait_dma2 semaphore(%run_scoped3A : memref<!tpu.dma_semaphore, #tpu.memory_space<semaphore_mem>>) src(%arg10 : memref<128x32xf32, #tpu.memory_space<vmem>>) dst(%dma_wait3A_89 : memref<128x32xf32, #tpu.memory_space<vmem_shared>>)
      tpu.yield
    }) : () -> ()
    %mul3A_65 = arith.constant 640 : i32
    %mul3A_66 = arith.muli %arg1, %mul3A_65 : i32
    %add3A_67 = arith.constant 512 : i32
    %add3A_68 = arith.addi %mul3A_66, %add3A_67 : i32
    "tpu.region"() ({
      %run_scoped3A = tpu.sem_alloc : memref<!tpu.dma_semaphore, #tpu.memory_space<semaphore_mem>>
      %dma_start3A = arith.constant 0 : i32
      %dma_start3A_84 = tpu.memref_slice %arg18[%add3A_68, %dma_start3A] : memref<10240x32xf32, #tpu.memory_space<vmem_shared>> -> memref<128x32xf32, #tpu.memory_space<vmem_shared>>
      %dma_start3A_85 = arith.constant 0 : i32
      %dma_start3A_86 = tpu.memref_slice %arg18[%add3A_68, %dma_start3A_85] : memref<10240x32xf32, #tpu.memory_space<vmem_shared>> -> memref<128x32xf32, #tpu.memory_space<vmem_shared>>
      tpu.enqueue_dma source(%arg10 : memref<128x32xf32, #tpu.memory_space<vmem>>) target(%dma_start3A_86 : memref<128x32xf32, #tpu.memory_space<vmem_shared>>) target_semaphore(%run_scoped3A : memref<!tpu.dma_semaphore, #tpu.memory_space<semaphore_mem>>)
      %dma_wait3A = arith.constant 0 : i32
      %dma_wait3A_87 = tpu.memref_slice %arg18[%add3A_68, %dma_wait3A] : memref<10240x32xf32, #tpu.memory_space<vmem_shared>> -> memref<128x32xf32, #tpu.memory_space<vmem_shared>>
      %dma_wait3A_88 = arith.constant 0 : i32
      %dma_wait3A_89 = tpu.memref_slice %arg18[%add3A_68, %dma_wait3A_88] : memref<10240x32xf32, #tpu.memory_space<vmem_shared>> -> memref<128x32xf32, #tpu.memory_space<vmem_shared>>
      tpu.wait_dma2 semaphore(%run_scoped3A : memref<!tpu.dma_semaphore, #tpu.memory_space<semaphore_mem>>) src(%arg10 : memref<128x32xf32, #tpu.memory_space<vmem>>) dst(%dma_wait3A_89 : memref<128x32xf32, #tpu.memory_space<vmem_shared>>)
      tpu.yield
    }) : () -> ()
    %mul3A_69 = arith.constant 625 : i32
    %mul3A_70 = arith.muli %arg1, %mul3A_69 : i32
    %mul3A_71 = arith.constant 625 : i32
    %mul3A_72 = arith.muli %arg1, %mul3A_71 : i32
    "tpu.region"() ({
      %run_scoped3A = tpu.sem_alloc : memref<!tpu.dma_semaphore, #tpu.memory_space<semaphore_mem>>
      %dma_start3A = arith.constant 0 : i32
      %dma_start3A_84 = tpu.memref_slice %arg19[%mul3A_72, %dma_start3A] : memref<10000x32xf32, #tpu.memory_space<vmem_shared>> -> memref<625x32xf32, #tpu.memory_space<vmem_shared>>
      %dma_start3A_85 = arith.constant 0 : i32
      %dma_start3A_86 = tpu.memref_slice %arg3[%mul3A_70, %dma_start3A_85] : memref<10000x32xf32, #tpu.memory_space<hbm>> -> memref<625x32xf32, #tpu.memory_space<hbm>>
      tpu.enqueue_dma source(%dma_start3A_86 : memref<625x32xf32, #tpu.memory_space<hbm>>) target(%dma_start3A_84 : memref<625x32xf32, #tpu.memory_space<vmem_shared>>) target_semaphore(%run_scoped3A : memref<!tpu.dma_semaphore, #tpu.memory_space<semaphore_mem>>)
      %dma_wait3A = arith.constant 0 : i32
      %dma_wait3A_87 = tpu.memref_slice %arg19[%mul3A_72, %dma_wait3A] : memref<10000x32xf32, #tpu.memory_space<vmem_shared>> -> memref<625x32xf32, #tpu.memory_space<vmem_shared>>
      %dma_wait3A_88 = arith.constant 0 : i32
      %dma_wait3A_89 = tpu.memref_slice %arg3[%mul3A_70, %dma_wait3A_88] : memref<10000x32xf32, #tpu.memory_space<hbm>> -> memref<625x32xf32, #tpu.memory_space<hbm>>
      tpu.wait_dma2 semaphore(%run_scoped3A : memref<!tpu.dma_semaphore, #tpu.memory_space<semaphore_mem>>) src(%dma_wait3A_89 : memref<625x32xf32, #tpu.memory_space<hbm>>) dst(%dma_wait3A_87 : memref<625x32xf32, #tpu.memory_space<vmem_shared>>)
      tpu.yield
    }) : () -> ()
    %barrier3A_73 = arith.constant 0 : index
    tpu.barrier barrier_id(%barrier3A_73)
    %scan3A_74 = arith.constant 0 : i32
    %scan3A_75 = arith.constant 20 : i32
    %scan3A_76 = arith.addi %scan3A_74, %scan3A_75 : i32
    %scan3A_77 = arith.constant 1 : i32
    scf.for %scan3A_84 = %scan3A_74 to %scan3A_76 step %scan3A_77  : i32 {
      %mul3A_85 = arith.constant 4 : i32
      %mul3A_86 = arith.muli %scan3A_84, %mul3A_85 : i32
      %add3A_87 = arith.constant 0 : i32
      %add3A_88 = arith.addi %mul3A_86, %add3A_87 : i32
      %dma_start3A = arith.constant 0 : i32
      %dma_start3A_89 = tpu.memref_slice %arg8[%add3A_88, %dma_start3A] : memref<80x128xi32, #tpu.memory_space<vmem>> -> memref<1x128xi32, #tpu.memory_space<vmem>>
      %dma_start3A_90 = tpu.memref_squeeze %dma_start3A_89 : memref<1x128xi32, #tpu.memory_space<vmem>> -> memref<128xi32, #tpu.memory_space<vmem>>
      %dma_start3A_91 = arith.constant 0 : i32
      %dma_start3A_92 = arith.constant 0 : i32
      %dma_start3A_93 = tpu.memref_slice %arg19[%dma_start3A_91, %dma_start3A_92] : memref<10000x32xf32, #tpu.memory_space<vmem_shared>> -> memref<10000x32xf32, #tpu.memory_space<vmem_shared>>
      tpu.enqueue_indirect_dma source(%dma_start3A_93 : memref<10000x32xf32, #tpu.memory_space<vmem_shared>>) target(%arg10 : memref<128x32xf32, #tpu.memory_space<vmem>>) offsets(%dma_start3A_90 : memref<128xi32, #tpu.memory_space<vmem>>) semaphore(%arg14 : memref<!tpu.dma_semaphore, #tpu.memory_space<semaphore_mem>>)
      %add3A_94 = arith.constant 1 : i32
      %add3A_95 = arith.addi %mul3A_86, %add3A_94 : i32
      %dma_start3A_96 = arith.constant 0 : i32
      %dma_start3A_97 = tpu.memref_slice %arg8[%add3A_95, %dma_start3A_96] : memref<80x128xi32, #tpu.memory_space<vmem>> -> memref<1x128xi32, #tpu.memory_space<vmem>>
      %dma_start3A_98 = tpu.memref_squeeze %dma_start3A_97 : memref<1x128xi32, #tpu.memory_space<vmem>> -> memref<128xi32, #tpu.memory_space<vmem>>
      %dma_start3A_99 = arith.constant 0 : i32
      %dma_start3A_100 = arith.constant 0 : i32
      %dma_start3A_101 = tpu.memref_slice %arg19[%dma_start3A_99, %dma_start3A_100] : memref<10000x32xf32, #tpu.memory_space<vmem_shared>> -> memref<10000x32xf32, #tpu.memory_space<vmem_shared>>
      tpu.enqueue_indirect_dma source(%dma_start3A_101 : memref<10000x32xf32, #tpu.memory_space<vmem_shared>>) target(%arg11 : memref<128x32xf32, #tpu.memory_space<vmem>>) offsets(%dma_start3A_98 : memref<128xi32, #tpu.memory_space<vmem>>) semaphore(%arg15 : memref<!tpu.dma_semaphore, #tpu.memory_space<semaphore_mem>>)
      %add3A_102 = arith.constant 2 : i32
      %add3A_103 = arith.addi %mul3A_86, %add3A_102 : i32
      %dma_start3A_104 = arith.constant 0 : i32
      %dma_start3A_105 = tpu.memref_slice %arg8[%add3A_103, %dma_start3A_104] : memref<80x128xi32, #tpu.memory_space<vmem>> -> memref<1x128xi32, #tpu.memory_space<vmem>>
      %dma_start3A_106 = tpu.memref_squeeze %dma_start3A_105 : memref<1x128xi32, #tpu.memory_space<vmem>> -> memref<128xi32, #tpu.memory_space<vmem>>
      %dma_start3A_107 = arith.constant 0 : i32
      %dma_start3A_108 = arith.constant 0 : i32
      %dma_start3A_109 = tpu.memref_slice %arg19[%dma_start3A_107, %dma_start3A_108] : memref<10000x32xf32, #tpu.memory_space<vmem_shared>> -> memref<10000x32xf32, #tpu.memory_space<vmem_shared>>
      tpu.enqueue_indirect_dma source(%dma_start3A_109 : memref<10000x32xf32, #tpu.memory_space<vmem_shared>>) target(%arg12 : memref<128x32xf32, #tpu.memory_space<vmem>>) offsets(%dma_start3A_106 : memref<128xi32, #tpu.memory_space<vmem>>) semaphore(%arg16 : memref<!tpu.dma_semaphore, #tpu.memory_space<semaphore_mem>>)
      %add3A_110 = arith.constant 3 : i32
      %add3A_111 = arith.addi %mul3A_86, %add3A_110 : i32
      %dma_start3A_112 = arith.constant 0 : i32
      %dma_start3A_113 = tpu.memref_slice %arg8[%add3A_111, %dma_start3A_112] : memref<80x128xi32, #tpu.memory_space<vmem>> -> memref<1x128xi32, #tpu.memory_space<vmem>>
      %dma_start3A_114 = tpu.memref_squeeze %dma_start3A_113 : memref<1x128xi32, #tpu.memory_space<vmem>> -> memref<128xi32, #tpu.memory_space<vmem>>
      %dma_start3A_115 = arith.constant 0 : i32
      %dma_start3A_116 = arith.constant 0 : i32
      %dma_start3A_117 = tpu.memref_slice %arg19[%dma_start3A_115, %dma_start3A_116] : memref<10000x32xf32, #tpu.memory_space<vmem_shared>> -> memref<10000x32xf32, #tpu.memory_space<vmem_shared>>
      tpu.enqueue_indirect_dma source(%dma_start3A_117 : memref<10000x32xf32, #tpu.memory_space<vmem_shared>>) target(%arg13 : memref<128x32xf32, #tpu.memory_space<vmem>>) offsets(%dma_start3A_114 : memref<128xi32, #tpu.memory_space<vmem>>) semaphore(%arg17 : memref<!tpu.dma_semaphore, #tpu.memory_space<semaphore_mem>>)
      %dma_wait3A = arith.constant 0 : i32
      %dma_wait3A_118 = tpu.memref_slice %arg8[%add3A_88, %dma_wait3A] : memref<80x128xi32, #tpu.memory_space<vmem>> -> memref<1x128xi32, #tpu.memory_space<vmem>>
      %dma_wait3A_119 = tpu.memref_squeeze %dma_wait3A_118 : memref<1x128xi32, #tpu.memory_space<vmem>> -> memref<128xi32, #tpu.memory_space<vmem>>
      %dma_wait3A_120 = arith.constant 0 : i32
      %dma_wait3A_121 = arith.constant 0 : i32
      %dma_wait3A_122 = tpu.memref_slice %arg19[%dma_wait3A_120, %dma_wait3A_121] : memref<10000x32xf32, #tpu.memory_space<vmem_shared>> -> memref<10000x32xf32, #tpu.memory_space<vmem_shared>>
      tpu.wait_indirect_dma semaphore(%arg14 : memref<!tpu.dma_semaphore, #tpu.memory_space<semaphore_mem>>) src(%dma_wait3A_122 : memref<10000x32xf32, #tpu.memory_space<vmem_shared>>) dst(%arg10 : memref<128x32xf32, #tpu.memory_space<vmem>>)
      %add3A_123 = arith.constant 0 : i32
      %add3A_124 = arith.addi %mul3A_86, %add3A_123 : i32
      "tpu.region"() ({
        %run_scoped3A = tpu.sem_alloc : memref<!tpu.dma_semaphore, #tpu.memory_space<semaphore_mem>>
        %dma_start3A_149 = arith.constant 0 : i32
        %dma_start3A_150 = tpu.memref_slice %arg9[%add3A_124, %dma_start3A_149] : memref<80x128xi32, #tpu.memory_space<vmem>> -> memref<1x128xi32, #tpu.memory_space<vmem>>
        %dma_start3A_151 = tpu.memref_squeeze %dma_start3A_150 : memref<1x128xi32, #tpu.memory_space<vmem>> -> memref<128xi32, #tpu.memory_space<vmem>>
        %dma_start3A_152 = arith.constant 0 : i32
        %dma_start3A_153 = arith.constant 0 : i32
        %dma_start3A_154 = tpu.memref_slice %arg18[%dma_start3A_152, %dma_start3A_153] : memref<10240x32xf32, #tpu.memory_space<vmem_shared>> -> memref<10240x32xf32, #tpu.memory_space<vmem_shared>>
        tpu.enqueue_indirect_dma source(%arg10 : memref<128x32xf32, #tpu.memory_space<vmem>>) target(%dma_start3A_154 : memref<10240x32xf32, #tpu.memory_space<vmem_shared>>) offsets(%dma_start3A_151 : memref<128xi32, #tpu.memory_space<vmem>>) semaphore(%run_scoped3A : memref<!tpu.dma_semaphore, #tpu.memory_space<semaphore_mem>>) {add = true}
        %dma_wait3A_155 = arith.constant 0 : i32
        %dma_wait3A_156 = tpu.memref_slice %arg9[%add3A_124, %dma_wait3A_155] : memref<80x128xi32, #tpu.memory_space<vmem>> -> memref<1x128xi32, #tpu.memory_space<vmem>>
        %dma_wait3A_157 = tpu.memref_squeeze %dma_wait3A_156 : memref<1x128xi32, #tpu.memory_space<vmem>> -> memref<128xi32, #tpu.memory_space<vmem>>
        %dma_wait3A_158 = arith.constant 0 : i32
        %dma_wait3A_159 = arith.constant 0 : i32
        %dma_wait3A_160 = tpu.memref_slice %arg18[%dma_wait3A_158, %dma_wait3A_159] : memref<10240x32xf32, #tpu.memory_space<vmem_shared>> -> memref<10240x32xf32, #tpu.memory_space<vmem_shared>>
        tpu.wait_indirect_dma semaphore(%run_scoped3A : memref<!tpu.dma_semaphore, #tpu.memory_space<semaphore_mem>>) src(%arg10 : memref<128x32xf32, #tpu.memory_space<vmem>>) dst(%dma_wait3A_160 : memref<10240x32xf32, #tpu.memory_space<vmem_shared>>)
        tpu.yield
      }) : () -> ()
      %dma_wait3A_125 = arith.constant 0 : i32
      %dma_wait3A_126 = tpu.memref_slice %arg8[%add3A_95, %dma_wait3A_125] : memref<80x128xi32, #tpu.memory_space<vmem>> -> memref<1x128xi32, #tpu.memory_space<vmem>>
      %dma_wait3A_127 = tpu.memref_squeeze %dma_wait3A_126 : memref<1x128xi32, #tpu.memory_space<vmem>> -> memref<128xi32, #tpu.memory_space<vmem>>
      %dma_wait3A_128 = arith.constant 0 : i32
      %dma_wait3A_129 = arith.constant 0 : i32
      %dma_wait3A_130 = tpu.memref_slice %arg19[%dma_wait3A_128, %dma_wait3A_129] : memref<10000x32xf32, #tpu.memory_space<vmem_shared>> -> memref<10000x32xf32, #tpu.memory_space<vmem_shared>>
      tpu.wait_indirect_dma semaphore(%arg15 : memref<!tpu.dma_semaphore, #tpu.memory_space<semaphore_mem>>) src(%dma_wait3A_130 : memref<10000x32xf32, #tpu.memory_space<vmem_shared>>) dst(%arg11 : memref<128x32xf32, #tpu.memory_space<vmem>>)
      %add3A_131 = arith.constant 1 : i32
      %add3A_132 = arith.addi %mul3A_86, %add3A_131 : i32
      "tpu.region"() ({
        %run_scoped3A = tpu.sem_alloc : memref<!tpu.dma_semaphore, #tpu.memory_space<semaphore_mem>>
        %dma_start3A_149 = arith.constant 0 : i32
        %dma_start3A_150 = tpu.memref_slice %arg9[%add3A_132, %dma_start3A_149] : memref<80x128xi32, #tpu.memory_space<vmem>> -> memref<1x128xi32, #tpu.memory_space<vmem>>
        %dma_start3A_151 = tpu.memref_squeeze %dma_start3A_150 : memref<1x128xi32, #tpu.memory_space<vmem>> -> memref<128xi32, #tpu.memory_space<vmem>>
        %dma_start3A_152 = arith.constant 0 : i32
        %dma_start3A_153 = arith.constant 0 : i32
        %dma_start3A_154 = tpu.memref_slice %arg18[%dma_start3A_152, %dma_start3A_153] : memref<10240x32xf32, #tpu.memory_space<vmem_shared>> -> memref<10240x32xf32, #tpu.memory_space<vmem_shared>>
        tpu.enqueue_indirect_dma source(%arg11 : memref<128x32xf32, #tpu.memory_space<vmem>>) target(%dma_start3A_154 : memref<10240x32xf32, #tpu.memory_space<vmem_shared>>) offsets(%dma_start3A_151 : memref<128xi32, #tpu.memory_space<vmem>>) semaphore(%run_scoped3A : memref<!tpu.dma_semaphore, #tpu.memory_space<semaphore_mem>>) {add = true}
        %dma_wait3A_155 = arith.constant 0 : i32
        %dma_wait3A_156 = tpu.memref_slice %arg9[%add3A_132, %dma_wait3A_155] : memref<80x128xi32, #tpu.memory_space<vmem>> -> memref<1x128xi32, #tpu.memory_space<vmem>>
        %dma_wait3A_157 = tpu.memref_squeeze %dma_wait3A_156 : memref<1x128xi32, #tpu.memory_space<vmem>> -> memref<128xi32, #tpu.memory_space<vmem>>
        %dma_wait3A_158 = arith.constant 0 : i32
        %dma_wait3A_159 = arith.constant 0 : i32
        %dma_wait3A_160 = tpu.memref_slice %arg18[%dma_wait3A_158, %dma_wait3A_159] : memref<10240x32xf32, #tpu.memory_space<vmem_shared>> -> memref<10240x32xf32, #tpu.memory_space<vmem_shared>>
        tpu.wait_indirect_dma semaphore(%run_scoped3A : memref<!tpu.dma_semaphore, #tpu.memory_space<semaphore_mem>>) src(%arg11 : memref<128x32xf32, #tpu.memory_space<vmem>>) dst(%dma_wait3A_160 : memref<10240x32xf32, #tpu.memory_space<vmem_shared>>)
        tpu.yield
      }) : () -> ()
      %dma_wait3A_133 = arith.constant 0 : i32
      %dma_wait3A_134 = tpu.memref_slice %arg8[%add3A_103, %dma_wait3A_133] : memref<80x128xi32, #tpu.memory_space<vmem>> -> memref<1x128xi32, #tpu.memory_space<vmem>>
      %dma_wait3A_135 = tpu.memref_squeeze %dma_wait3A_134 : memref<1x128xi32, #tpu.memory_space<vmem>> -> memref<128xi32, #tpu.memory_space<vmem>>
      %dma_wait3A_136 = arith.constant 0 : i32
      %dma_wait3A_137 = arith.constant 0 : i32
      %dma_wait3A_138 = tpu.memref_slice %arg19[%dma_wait3A_136, %dma_wait3A_137] : memref<10000x32xf32, #tpu.memory_space<vmem_shared>> -> memref<10000x32xf32, #tpu.memory_space<vmem_shared>>
      tpu.wait_indirect_dma semaphore(%arg16 : memref<!tpu.dma_semaphore, #tpu.memory_space<semaphore_mem>>) src(%dma_wait3A_138 : memref<10000x32xf32, #tpu.memory_space<vmem_shared>>) dst(%arg12 : memref<128x32xf32, #tpu.memory_space<vmem>>)
      %add3A_139 = arith.constant 2 : i32
      %add3A_140 = arith.addi %mul3A_86, %add3A_139 : i32
      "tpu.region"() ({
        %run_scoped3A = tpu.sem_alloc : memref<!tpu.dma_semaphore, #tpu.memory_space<semaphore_mem>>
        %dma_start3A_149 = arith.constant 0 : i32
        %dma_start3A_150 = tpu.memref_slice %arg9[%add3A_140, %dma_start3A_149] : memref<80x128xi32, #tpu.memory_space<vmem>> -> memref<1x128xi32, #tpu.memory_space<vmem>>
        %dma_start3A_151 = tpu.memref_squeeze %dma_start3A_150 : memref<1x128xi32, #tpu.memory_space<vmem>> -> memref<128xi32, #tpu.memory_space<vmem>>
        %dma_start3A_152 = arith.constant 0 : i32
        %dma_start3A_153 = arith.constant 0 : i32
        %dma_start3A_154 = tpu.memref_slice %arg18[%dma_start3A_152, %dma_start3A_153] : memref<10240x32xf32, #tpu.memory_space<vmem_shared>> -> memref<10240x32xf32, #tpu.memory_space<vmem_shared>>
        tpu.enqueue_indirect_dma source(%arg12 : memref<128x32xf32, #tpu.memory_space<vmem>>) target(%dma_start3A_154 : memref<10240x32xf32, #tpu.memory_space<vmem_shared>>) offsets(%dma_start3A_151 : memref<128xi32, #tpu.memory_space<vmem>>) semaphore(%run_scoped3A : memref<!tpu.dma_semaphore, #tpu.memory_space<semaphore_mem>>) {add = true}
        %dma_wait3A_155 = arith.constant 0 : i32
        %dma_wait3A_156 = tpu.memref_slice %arg9[%add3A_140, %dma_wait3A_155] : memref<80x128xi32, #tpu.memory_space<vmem>> -> memref<1x128xi32, #tpu.memory_space<vmem>>
        %dma_wait3A_157 = tpu.memref_squeeze %dma_wait3A_156 : memref<1x128xi32, #tpu.memory_space<vmem>> -> memref<128xi32, #tpu.memory_space<vmem>>
        %dma_wait3A_158 = arith.constant 0 : i32
        %dma_wait3A_159 = arith.constant 0 : i32
        %dma_wait3A_160 = tpu.memref_slice %arg18[%dma_wait3A_158, %dma_wait3A_159] : memref<10240x32xf32, #tpu.memory_space<vmem_shared>> -> memref<10240x32xf32, #tpu.memory_space<vmem_shared>>
        tpu.wait_indirect_dma semaphore(%run_scoped3A : memref<!tpu.dma_semaphore, #tpu.memory_space<semaphore_mem>>) src(%arg12 : memref<128x32xf32, #tpu.memory_space<vmem>>) dst(%dma_wait3A_160 : memref<10240x32xf32, #tpu.memory_space<vmem_shared>>)
        tpu.yield
      }) : () -> ()
      %dma_wait3A_141 = arith.constant 0 : i32
      %dma_wait3A_142 = tpu.memref_slice %arg8[%add3A_111, %dma_wait3A_141] : memref<80x128xi32, #tpu.memory_space<vmem>> -> memref<1x128xi32, #tpu.memory_space<vmem>>
      %dma_wait3A_143 = tpu.memref_squeeze %dma_wait3A_142 : memref<1x128xi32, #tpu.memory_space<vmem>> -> memref<128xi32, #tpu.memory_space<vmem>>
      %dma_wait3A_144 = arith.constant 0 : i32
      %dma_wait3A_145 = arith.constant 0 : i32
      %dma_wait3A_146 = tpu.memref_slice %arg19[%dma_wait3A_144, %dma_wait3A_145] : memref<10000x32xf32, #tpu.memory_space<vmem_shared>> -> memref<10000x32xf32, #tpu.memory_space<vmem_shared>>
      tpu.wait_indirect_dma semaphore(%arg17 : memref<!tpu.dma_semaphore, #tpu.memory_space<semaphore_mem>>) src(%dma_wait3A_146 : memref<10000x32xf32, #tpu.memory_space<vmem_shared>>) dst(%arg13 : memref<128x32xf32, #tpu.memory_space<vmem>>)
      %add3A_147 = arith.constant 3 : i32
      %add3A_148 = arith.addi %mul3A_86, %add3A_147 : i32
      "tpu.region"() ({
        %run_scoped3A = tpu.sem_alloc : memref<!tpu.dma_semaphore, #tpu.memory_space<semaphore_mem>>
        %dma_start3A_149 = arith.constant 0 : i32
        %dma_start3A_150 = tpu.memref_slice %arg9[%add3A_148, %dma_start3A_149] : memref<80x128xi32, #tpu.memory_space<vmem>> -> memref<1x128xi32, #tpu.memory_space<vmem>>
        %dma_start3A_151 = tpu.memref_squeeze %dma_start3A_150 : memref<1x128xi32, #tpu.memory_space<vmem>> -> memref<128xi32, #tpu.memory_space<vmem>>
        %dma_start3A_152 = arith.constant 0 : i32
        %dma_start3A_153 = arith.constant 0 : i32
        %dma_start3A_154 = tpu.memref_slice %arg18[%dma_start3A_152, %dma_start3A_153] : memref<10240x32xf32, #tpu.memory_space<vmem_shared>> -> memref<10240x32xf32, #tpu.memory_space<vmem_shared>>
        tpu.enqueue_indirect_dma source(%arg13 : memref<128x32xf32, #tpu.memory_space<vmem>>) target(%dma_start3A_154 : memref<10240x32xf32, #tpu.memory_space<vmem_shared>>) offsets(%dma_start3A_151 : memref<128xi32, #tpu.memory_space<vmem>>) semaphore(%run_scoped3A : memref<!tpu.dma_semaphore, #tpu.memory_space<semaphore_mem>>) {add = true}
        %dma_wait3A_155 = arith.constant 0 : i32
        %dma_wait3A_156 = tpu.memref_slice %arg9[%add3A_148, %dma_wait3A_155] : memref<80x128xi32, #tpu.memory_space<vmem>> -> memref<1x128xi32, #tpu.memory_space<vmem>>
        %dma_wait3A_157 = tpu.memref_squeeze %dma_wait3A_156 : memref<1x128xi32, #tpu.memory_space<vmem>> -> memref<128xi32, #tpu.memory_space<vmem>>
        %dma_wait3A_158 = arith.constant 0 : i32
        %dma_wait3A_159 = arith.constant 0 : i32
        %dma_wait3A_160 = tpu.memref_slice %arg18[%dma_wait3A_158, %dma_wait3A_159] : memref<10240x32xf32, #tpu.memory_space<vmem_shared>> -> memref<10240x32xf32, #tpu.memory_space<vmem_shared>>
        tpu.wait_indirect_dma semaphore(%run_scoped3A : memref<!tpu.dma_semaphore, #tpu.memory_space<semaphore_mem>>) src(%arg13 : memref<128x32xf32, #tpu.memory_space<vmem>>) dst(%dma_wait3A_160 : memref<10240x32xf32, #tpu.memory_space<vmem_shared>>)
        tpu.yield
      }) : () -> ()
    }
    %scan3A_78 = arith.constant 20 : i32
    %barrier3A_79 = arith.constant 0 : index
    tpu.barrier barrier_id(%barrier3A_79)
    %mul3A_80 = arith.constant 640 : i32
    %mul3A_81 = arith.muli %arg1, %mul3A_80 : i32
    %mul3A_82 = arith.constant 640 : i32
    %mul3A_83 = arith.muli %arg1, %mul3A_82 : i32
    "tpu.region"() ({
      %run_scoped3A = tpu.sem_alloc : memref<!tpu.dma_semaphore, #tpu.memory_space<semaphore_mem>>
      %dma_start3A = arith.constant 0 : i32
      %dma_start3A_84 = tpu.memref_slice %arg6[%arg0, %mul3A_83, %dma_start3A] : memref<2x10240x32xf32, #tpu.memory_space<hbm>> -> memref<1x640x32xf32, #tpu.memory_space<hbm>>
      %dma_start3A_85 = tpu.memref_squeeze %dma_start3A_84 : memref<1x640x32xf32, #tpu.memory_space<hbm>> -> memref<640x32xf32, #tpu.memory_space<hbm>>
      %dma_start3A_86 = arith.constant 0 : i32
      %dma_start3A_87 = tpu.memref_slice %arg18[%mul3A_81, %dma_start3A_86] : memref<10240x32xf32, #tpu.memory_space<vmem_shared>> -> memref<640x32xf32, #tpu.memory_space<vmem_shared>>
      tpu.enqueue_dma source(%dma_start3A_87 : memref<640x32xf32, #tpu.memory_space<vmem_shared>>) target(%dma_start3A_85 : memref<640x32xf32, #tpu.memory_space<hbm>>) target_semaphore(%run_scoped3A : memref<!tpu.dma_semaphore, #tpu.memory_space<semaphore_mem>>)
      %dma_wait3A = arith.constant 0 : i32
      %dma_wait3A_88 = tpu.memref_slice %arg6[%arg0, %mul3A_83, %dma_wait3A] : memref<2x10240x32xf32, #tpu.memory_space<hbm>> -> memref<1x640x32xf32, #tpu.memory_space<hbm>>
      %dma_wait3A_89 = tpu.memref_squeeze %dma_wait3A_88 : memref<1x640x32xf32, #tpu.memory_space<hbm>> -> memref<640x32xf32, #tpu.memory_space<hbm>>
      %dma_wait3A_90 = arith.constant 0 : i32
      %dma_wait3A_91 = tpu.memref_slice %arg18[%mul3A_81, %dma_wait3A_90] : memref<10240x32xf32, #tpu.memory_space<vmem_shared>> -> memref<640x32xf32, #tpu.memory_space<vmem_shared>>
      tpu.wait_dma2 semaphore(%run_scoped3A : memref<!tpu.dma_semaphore, #tpu.memory_space<semaphore_mem>>) src(%dma_wait3A_91 : memref<640x32xf32, #tpu.memory_space<vmem_shared>>) dst(%dma_wait3A_89 : memref<640x32xf32, #tpu.memory_space<hbm>>)
      tpu.yield
    }) : () -> ()
    return
  }
}

#map = affine_map<(d0, d1) -> (0, 0)>
#map1 = affine_map<(d0, d1) -> (0, 0, 0)>
module attributes {stable_mosaic.version = 14 : i64} {
  func.func @agg(%arg0: i32, %arg1: i32, %arg2: memref<10000x16xf32, #tpu.memory_space<hbm>>, %arg3: memref<32x80x128xi32, #tpu.memory_space<hbm>>, %arg4: memref<2x10240x16xf32, #tpu.memory_space<hbm>>, %arg5: memref<80x128xi32, #tpu.memory_space<vmem>>, %arg6: memref<80x128xi32, #tpu.memory_space<vmem>>, %arg7: memref<80x128xi32, #tpu.memory_space<vmem>>, %arg8: memref<128x16xf32, #tpu.memory_space<vmem>>, %arg9: memref<128x16xf32, #tpu.memory_space<vmem>>, %arg10: memref<128x16xf32, #tpu.memory_space<vmem>>, %arg11: memref<128x16xf32, #tpu.memory_space<vmem>>, %arg12: memref<!tpu.dma_semaphore, #tpu.memory_space<semaphore_mem>>, %arg13: memref<!tpu.dma_semaphore, #tpu.memory_space<semaphore_mem>>, %arg14: memref<!tpu.dma_semaphore, #tpu.memory_space<semaphore_mem>>, %arg15: memref<!tpu.dma_semaphore, #tpu.memory_space<semaphore_mem>>, %arg16: memref<10240x16xf32, #tpu.memory_space<vmem_shared>>, %arg17: memref<10000x16xf32, #tpu.memory_space<vmem_shared>>) attributes {dimension_semantics = [#tpu.dimension_semantics<core_parallel>, #tpu.dimension_semantics<subcore_parallel>], iteration_bounds = array<i64: 2, 16>, scalar_prefetch = 0 : i64, scratch_operands = 13 : i64, tpu.core_type = #tpu.core_type<sc_vector_subcore>, window_params = [{transform_indices = #map}, {transform_indices = #map1}, {transform_indices = #map1}]} {
    %mul3A = arith.constant 16 : i32
    %mul3A_0 = arith.muli %arg0, %mul3A : i32
    %add3A = arith.addi %mul3A_0, %arg1 : i32
    %mul3A_1 = arith.constant 625 : i32
    %mul3A_2 = arith.muli %arg1, %mul3A_1 : i32
    %mul3A_3 = arith.constant 625 : i32
    %mul3A_4 = arith.muli %arg1, %mul3A_3 : i32
    "tpu.region"() ({
      %run_scoped3A = tpu.sem_alloc : memref<!tpu.dma_semaphore, #tpu.memory_space<semaphore_mem>>
      %dma_start3A = arith.constant 0 : i32
      %dma_start3A_44 = tpu.memref_slice %arg17[%mul3A_4, %dma_start3A] : memref<10000x16xf32, #tpu.memory_space<vmem_shared>> -> memref<625x16xf32, #tpu.memory_space<vmem_shared>>
      %dma_start3A_45 = arith.constant 0 : i32
      %dma_start3A_46 = tpu.memref_slice %arg2[%mul3A_2, %dma_start3A_45] : memref<10000x16xf32, #tpu.memory_space<hbm>> -> memref<625x16xf32, #tpu.memory_space<hbm>>
      tpu.enqueue_dma source(%dma_start3A_46 : memref<625x16xf32, #tpu.memory_space<hbm>>) target(%dma_start3A_44 : memref<625x16xf32, #tpu.memory_space<vmem_shared>>) target_semaphore(%run_scoped3A : memref<!tpu.dma_semaphore, #tpu.memory_space<semaphore_mem>>)
      %dma_wait3A = arith.constant 0 : i32
      %dma_wait3A_47 = tpu.memref_slice %arg17[%mul3A_4, %dma_wait3A] : memref<10000x16xf32, #tpu.memory_space<vmem_shared>> -> memref<625x16xf32, #tpu.memory_space<vmem_shared>>
      %dma_wait3A_48 = arith.constant 0 : i32
      %dma_wait3A_49 = tpu.memref_slice %arg2[%mul3A_2, %dma_wait3A_48] : memref<10000x16xf32, #tpu.memory_space<hbm>> -> memref<625x16xf32, #tpu.memory_space<hbm>>
      tpu.wait_dma2 semaphore(%run_scoped3A : memref<!tpu.dma_semaphore, #tpu.memory_space<semaphore_mem>>) src(%dma_wait3A_49 : memref<625x16xf32, #tpu.memory_space<hbm>>) dst(%dma_wait3A_47 : memref<625x16xf32, #tpu.memory_space<vmem_shared>>)
      tpu.yield
    }) : () -> ()
    %scan3A = arith.constant 0 : i32
    %scan3A_5 = arith.constant 128 : i32
    %scan3A_6 = arith.addi %scan3A, %scan3A_5 : i32
    %scan3A_7 = arith.constant 1 : i32
    scf.for %scan3A_44 = %scan3A to %scan3A_6 step %scan3A_7  : i32 {
      %broadcast_in_dim3A = arith.constant 0.000000e+00 : f32
      %broadcast_in_dim3A_45 = vector.broadcast %broadcast_in_dim3A : f32 to vector<16xf32>
      %swap3A = arith.index_cast %scan3A_44 : i32 to index
      %swap3A_46 = arith.constant 0 : index
      %swap3A_47 = tpu.vector_load %arg8[%swap3A, %swap3A_46] {strides = array<i32>} : memref<128x16xf32, #tpu.memory_space<vmem>>, vector<1x16xf32>,
      %swap3A_48 = vector.shape_cast %swap3A_47 : vector<1x16xf32> to vector<16xf32>
      %swap3A_49 = vector.shape_cast %broadcast_in_dim3A_45 : vector<16xf32> to vector<1x16xf32>
      tpu.vector_store %arg8[%swap3A, %swap3A_46], %swap3A_49 {strides = array<i32>} : memref<128x16xf32, #tpu.memory_space<vmem>>, vector<1x16xf32>,
    }
    %scan3A_8 = arith.constant 128 : i32
    %mul3A_9 = arith.constant 640 : i32
    %mul3A_10 = arith.muli %arg1, %mul3A_9 : i32
    %add3A_11 = arith.constant 0 : i32
    %add3A_12 = arith.addi %mul3A_10, %add3A_11 : i32
    "tpu.region"() ({
      %run_scoped3A = tpu.sem_alloc : memref<!tpu.dma_semaphore, #tpu.memory_space<semaphore_mem>>
      %dma_start3A = arith.constant 0 : i32
      %dma_start3A_44 = tpu.memref_slice %arg16[%add3A_12, %dma_start3A] : memref<10240x16xf32, #tpu.memory_space<vmem_shared>> -> memref<128x16xf32, #tpu.memory_space<vmem_shared>>
      %dma_start3A_45 = arith.constant 0 : i32
      %dma_start3A_46 = tpu.memref_slice %arg16[%add3A_12, %dma_start3A_45] : memref<10240x16xf32, #tpu.memory_space<vmem_shared>> -> memref<128x16xf32, #tpu.memory_space<vmem_shared>>
      tpu.enqueue_dma source(%arg8 : memref<128x16xf32, #tpu.memory_space<vmem>>) target(%dma_start3A_46 : memref<128x16xf32, #tpu.memory_space<vmem_shared>>) target_semaphore(%run_scoped3A : memref<!tpu.dma_semaphore, #tpu.memory_space<semaphore_mem>>)
      %dma_wait3A = arith.constant 0 : i32
      %dma_wait3A_47 = tpu.memref_slice %arg16[%add3A_12, %dma_wait3A] : memref<10240x16xf32, #tpu.memory_space<vmem_shared>> -> memref<128x16xf32, #tpu.memory_space<vmem_shared>>
      %dma_wait3A_48 = arith.constant 0 : i32
      %dma_wait3A_49 = tpu.memref_slice %arg16[%add3A_12, %dma_wait3A_48] : memref<10240x16xf32, #tpu.memory_space<vmem_shared>> -> memref<128x16xf32, #tpu.memory_space<vmem_shared>>
      tpu.wait_dma2 semaphore(%run_scoped3A : memref<!tpu.dma_semaphore, #tpu.memory_space<semaphore_mem>>) src(%arg8 : memref<128x16xf32, #tpu.memory_space<vmem>>) dst(%dma_wait3A_49 : memref<128x16xf32, #tpu.memory_space<vmem_shared>>)
      tpu.yield
    }) : () -> ()
    %mul3A_13 = arith.constant 640 : i32
    %mul3A_14 = arith.muli %arg1, %mul3A_13 : i32
    %add3A_15 = arith.constant 128 : i32
    %add3A_16 = arith.addi %mul3A_14, %add3A_15 : i32
    "tpu.region"() ({
      %run_scoped3A = tpu.sem_alloc : memref<!tpu.dma_semaphore, #tpu.memory_space<semaphore_mem>>
      %dma_start3A = arith.constant 0 : i32
      %dma_start3A_44 = tpu.memref_slice %arg16[%add3A_16, %dma_start3A] : memref<10240x16xf32, #tpu.memory_space<vmem_shared>> -> memref<128x16xf32, #tpu.memory_space<vmem_shared>>
      %dma_start3A_45 = arith.constant 0 : i32
      %dma_start3A_46 = tpu.memref_slice %arg16[%add3A_16, %dma_start3A_45] : memref<10240x16xf32, #tpu.memory_space<vmem_shared>> -> memref<128x16xf32, #tpu.memory_space<vmem_shared>>
      tpu.enqueue_dma source(%arg8 : memref<128x16xf32, #tpu.memory_space<vmem>>) target(%dma_start3A_46 : memref<128x16xf32, #tpu.memory_space<vmem_shared>>) target_semaphore(%run_scoped3A : memref<!tpu.dma_semaphore, #tpu.memory_space<semaphore_mem>>)
      %dma_wait3A = arith.constant 0 : i32
      %dma_wait3A_47 = tpu.memref_slice %arg16[%add3A_16, %dma_wait3A] : memref<10240x16xf32, #tpu.memory_space<vmem_shared>> -> memref<128x16xf32, #tpu.memory_space<vmem_shared>>
      %dma_wait3A_48 = arith.constant 0 : i32
      %dma_wait3A_49 = tpu.memref_slice %arg16[%add3A_16, %dma_wait3A_48] : memref<10240x16xf32, #tpu.memory_space<vmem_shared>> -> memref<128x16xf32, #tpu.memory_space<vmem_shared>>
      tpu.wait_dma2 semaphore(%run_scoped3A : memref<!tpu.dma_semaphore, #tpu.memory_space<semaphore_mem>>) src(%arg8 : memref<128x16xf32, #tpu.memory_space<vmem>>) dst(%dma_wait3A_49 : memref<128x16xf32, #tpu.memory_space<vmem_shared>>)
      tpu.yield
    }) : () -> ()
    %mul3A_17 = arith.constant 640 : i32
    %mul3A_18 = arith.muli %arg1, %mul3A_17 : i32
    %add3A_19 = arith.constant 256 : i32
    %add3A_20 = arith.addi %mul3A_18, %add3A_19 : i32
    "tpu.region"() ({
      %run_scoped3A = tpu.sem_alloc : memref<!tpu.dma_semaphore, #tpu.memory_space<semaphore_mem>>
      %dma_start3A = arith.constant 0 : i32
      %dma_start3A_44 = tpu.memref_slice %arg16[%add3A_20, %dma_start3A] : memref<10240x16xf32, #tpu.memory_space<vmem_shared>> -> memref<128x16xf32, #tpu.memory_space<vmem_shared>>
      %dma_start3A_45 = arith.constant 0 : i32
      %dma_start3A_46 = tpu.memref_slice %arg16[%add3A_20, %dma_start3A_45] : memref<10240x16xf32, #tpu.memory_space<vmem_shared>> -> memref<128x16xf32, #tpu.memory_space<vmem_shared>>
      tpu.enqueue_dma source(%arg8 : memref<128x16xf32, #tpu.memory_space<vmem>>) target(%dma_start3A_46 : memref<128x16xf32, #tpu.memory_space<vmem_shared>>) target_semaphore(%run_scoped3A : memref<!tpu.dma_semaphore, #tpu.memory_space<semaphore_mem>>)
      %dma_wait3A = arith.constant 0 : i32
      %dma_wait3A_47 = tpu.memref_slice %arg16[%add3A_20, %dma_wait3A] : memref<10240x16xf32, #tpu.memory_space<vmem_shared>> -> memref<128x16xf32, #tpu.memory_space<vmem_shared>>
      %dma_wait3A_48 = arith.constant 0 : i32
      %dma_wait3A_49 = tpu.memref_slice %arg16[%add3A_20, %dma_wait3A_48] : memref<10240x16xf32, #tpu.memory_space<vmem_shared>> -> memref<128x16xf32, #tpu.memory_space<vmem_shared>>
      tpu.wait_dma2 semaphore(%run_scoped3A : memref<!tpu.dma_semaphore, #tpu.memory_space<semaphore_mem>>) src(%arg8 : memref<128x16xf32, #tpu.memory_space<vmem>>) dst(%dma_wait3A_49 : memref<128x16xf32, #tpu.memory_space<vmem_shared>>)
      tpu.yield
    }) : () -> ()
    %mul3A_21 = arith.constant 640 : i32
    %mul3A_22 = arith.muli %arg1, %mul3A_21 : i32
    %add3A_23 = arith.constant 384 : i32
    %add3A_24 = arith.addi %mul3A_22, %add3A_23 : i32
    "tpu.region"() ({
      %run_scoped3A = tpu.sem_alloc : memref<!tpu.dma_semaphore, #tpu.memory_space<semaphore_mem>>
      %dma_start3A = arith.constant 0 : i32
      %dma_start3A_44 = tpu.memref_slice %arg16[%add3A_24, %dma_start3A] : memref<10240x16xf32, #tpu.memory_space<vmem_shared>> -> memref<128x16xf32, #tpu.memory_space<vmem_shared>>
      %dma_start3A_45 = arith.constant 0 : i32
      %dma_start3A_46 = tpu.memref_slice %arg16[%add3A_24, %dma_start3A_45] : memref<10240x16xf32, #tpu.memory_space<vmem_shared>> -> memref<128x16xf32, #tpu.memory_space<vmem_shared>>
      tpu.enqueue_dma source(%arg8 : memref<128x16xf32, #tpu.memory_space<vmem>>) target(%dma_start3A_46 : memref<128x16xf32, #tpu.memory_space<vmem_shared>>) target_semaphore(%run_scoped3A : memref<!tpu.dma_semaphore, #tpu.memory_space<semaphore_mem>>)
      %dma_wait3A = arith.constant 0 : i32
      %dma_wait3A_47 = tpu.memref_slice %arg16[%add3A_24, %dma_wait3A] : memref<10240x16xf32, #tpu.memory_space<vmem_shared>> -> memref<128x16xf32, #tpu.memory_space<vmem_shared>>
      %dma_wait3A_48 = arith.constant 0 : i32
      %dma_wait3A_49 = tpu.memref_slice %arg16[%add3A_24, %dma_wait3A_48] : memref<10240x16xf32, #tpu.memory_space<vmem_shared>> -> memref<128x16xf32, #tpu.memory_space<vmem_shared>>
      tpu.wait_dma2 semaphore(%run_scoped3A : memref<!tpu.dma_semaphore, #tpu.memory_space<semaphore_mem>>) src(%arg8 : memref<128x16xf32, #tpu.memory_space<vmem>>) dst(%dma_wait3A_49 : memref<128x16xf32, #tpu.memory_space<vmem_shared>>)
      tpu.yield
    }) : () -> ()
    %mul3A_25 = arith.constant 640 : i32
    %mul3A_26 = arith.muli %arg1, %mul3A_25 : i32
    %add3A_27 = arith.constant 512 : i32
    %add3A_28 = arith.addi %mul3A_26, %add3A_27 : i32
    "tpu.region"() ({
      %run_scoped3A = tpu.sem_alloc : memref<!tpu.dma_semaphore, #tpu.memory_space<semaphore_mem>>
      %dma_start3A = arith.constant 0 : i32
      %dma_start3A_44 = tpu.memref_slice %arg16[%add3A_28, %dma_start3A] : memref<10240x16xf32, #tpu.memory_space<vmem_shared>> -> memref<128x16xf32, #tpu.memory_space<vmem_shared>>
      %dma_start3A_45 = arith.constant 0 : i32
      %dma_start3A_46 = tpu.memref_slice %arg16[%add3A_28, %dma_start3A_45] : memref<10240x16xf32, #tpu.memory_space<vmem_shared>> -> memref<128x16xf32, #tpu.memory_space<vmem_shared>>
      tpu.enqueue_dma source(%arg8 : memref<128x16xf32, #tpu.memory_space<vmem>>) target(%dma_start3A_46 : memref<128x16xf32, #tpu.memory_space<vmem_shared>>) target_semaphore(%run_scoped3A : memref<!tpu.dma_semaphore, #tpu.memory_space<semaphore_mem>>)
      %dma_wait3A = arith.constant 0 : i32
      %dma_wait3A_47 = tpu.memref_slice %arg16[%add3A_28, %dma_wait3A] : memref<10240x16xf32, #tpu.memory_space<vmem_shared>> -> memref<128x16xf32, #tpu.memory_space<vmem_shared>>
      %dma_wait3A_48 = arith.constant 0 : i32
      %dma_wait3A_49 = tpu.memref_slice %arg16[%add3A_28, %dma_wait3A_48] : memref<10240x16xf32, #tpu.memory_space<vmem_shared>> -> memref<128x16xf32, #tpu.memory_space<vmem_shared>>
      tpu.wait_dma2 semaphore(%run_scoped3A : memref<!tpu.dma_semaphore, #tpu.memory_space<semaphore_mem>>) src(%arg8 : memref<128x16xf32, #tpu.memory_space<vmem>>) dst(%dma_wait3A_49 : memref<128x16xf32, #tpu.memory_space<vmem_shared>>)
      tpu.yield
    }) : () -> ()
    "tpu.region"() ({
      %run_scoped3A = tpu.sem_alloc : memref<!tpu.dma_semaphore, #tpu.memory_space<semaphore_mem>>
      %dma_start3A = arith.constant 0 : i32
      %dma_start3A_44 = arith.constant 0 : i32
      %dma_start3A_45 = tpu.memref_slice %arg3[%add3A, %dma_start3A, %dma_start3A_44] : memref<32x80x128xi32, #tpu.memory_space<hbm>> -> memref<1x80x128xi32, #tpu.memory_space<hbm>>
      %dma_start3A_46 = tpu.memref_squeeze %dma_start3A_45 : memref<1x80x128xi32, #tpu.memory_space<hbm>> -> memref<80x128xi32, #tpu.memory_space<hbm>>
      %dma_start3A_47 = arith.constant 0 : i32
      %dma_start3A_48 = arith.constant 0 : i32
      %dma_start3A_49 = tpu.memref_slice %arg3[%add3A, %dma_start3A_47, %dma_start3A_48] : memref<32x80x128xi32, #tpu.memory_space<hbm>> -> memref<1x80x128xi32, #tpu.memory_space<hbm>>
      %dma_start3A_50 = tpu.memref_squeeze %dma_start3A_49 : memref<1x80x128xi32, #tpu.memory_space<hbm>> -> memref<80x128xi32, #tpu.memory_space<hbm>>
      tpu.enqueue_dma source(%dma_start3A_50 : memref<80x128xi32, #tpu.memory_space<hbm>>) target(%arg5 : memref<80x128xi32, #tpu.memory_space<vmem>>) target_semaphore(%run_scoped3A : memref<!tpu.dma_semaphore, #tpu.memory_space<semaphore_mem>>)
      %dma_wait3A = arith.constant 0 : i32
      %dma_wait3A_51 = arith.constant 0 : i32
      %dma_wait3A_52 = tpu.memref_slice %arg3[%add3A, %dma_wait3A, %dma_wait3A_51] : memref<32x80x128xi32, #tpu.memory_space<hbm>> -> memref<1x80x128xi32, #tpu.memory_space<hbm>>
      %dma_wait3A_53 = tpu.memref_squeeze %dma_wait3A_52 : memref<1x80x128xi32, #tpu.memory_space<hbm>> -> memref<80x128xi32, #tpu.memory_space<hbm>>
      %dma_wait3A_54 = arith.constant 0 : i32
      %dma_wait3A_55 = arith.constant 0 : i32
      %dma_wait3A_56 = tpu.memref_slice %arg3[%add3A, %dma_wait3A_54, %dma_wait3A_55] : memref<32x80x128xi32, #tpu.memory_space<hbm>> -> memref<1x80x128xi32, #tpu.memory_space<hbm>>
      %dma_wait3A_57 = tpu.memref_squeeze %dma_wait3A_56 : memref<1x80x128xi32, #tpu.memory_space<hbm>> -> memref<80x128xi32, #tpu.memory_space<hbm>>
      tpu.wait_dma2 semaphore(%run_scoped3A : memref<!tpu.dma_semaphore, #tpu.memory_space<semaphore_mem>>) src(%dma_wait3A_57 : memref<80x128xi32, #tpu.memory_space<hbm>>) dst(%arg5 : memref<80x128xi32, #tpu.memory_space<vmem>>)
      tpu.yield
    }) : () -> ()
    %scan3A_29 = arith.constant 0 : i32
    %scan3A_30 = arith.constant 80 : i32
    %scan3A_31 = arith.addi %scan3A_29, %scan3A_30 : i32
    %scan3A_32 = arith.constant 1 : i32
    scf.for %scan3A_44 = %scan3A_29 to %scan3A_31 step %scan3A_32  : i32 {
      %get3A = arith.index_cast %scan3A_44 : i32 to index
      %get3A_45 = arith.constant 0 : index
      %get3A_46 = tpu.vector_load %arg5[%get3A, %get3A_45] {strides = array<i32>} : memref<80x128xi32, #tpu.memory_space<vmem>>, vector<1x16xi32>,
      %get3A_47 = vector.shape_cast %get3A_46 : vector<1x16xi32> to vector<16xi32>
      %and3A = arith.constant 65535 : i32
      %and3A_48 = vector.broadcast %and3A : i32 to vector<16xi32>
      %and3A_49 = arith.andi %get3A_47, %and3A_48 : vector<16xi32>
      %swap3A = arith.index_cast %scan3A_44 : i32 to index
      %swap3A_50 = arith.constant 0 : index
      %swap3A_51 = tpu.vector_load %arg6[%swap3A, %swap3A_50] {strides = array<i32>} : memref<80x128xi32, #tpu.memory_space<vmem>>, vector<1x16xi32>,
      %swap3A_52 = vector.shape_cast %swap3A_51 : vector<1x16xi32> to vector<16xi32>
      %swap3A_53 = vector.shape_cast %and3A_49 : vector<16xi32> to vector<1x16xi32>
      tpu.vector_store %arg6[%swap3A, %swap3A_50], %swap3A_53 {strides = array<i32>} : memref<80x128xi32, #tpu.memory_space<vmem>>, vector<1x16xi32>,
      %shift_right_arithmetic3A = arith.constant 16 : i32
      %shift_right_arithmetic3A_54 = vector.broadcast %shift_right_arithmetic3A : i32 to vector<16xi32>
      %shift_right_arithmetic3A_55 = arith.shrsi %get3A_47, %shift_right_arithmetic3A_54 : vector<16xi32>
      %swap3A_56 = arith.index_cast %scan3A_44 : i32 to index
      %swap3A_57 = arith.constant 0 : index
      %swap3A_58 = tpu.vector_load %arg7[%swap3A_56, %swap3A_57] {strides = array<i32>} : memref<80x128xi32, #tpu.memory_space<vmem>>, vector<1x16xi32>,
      %swap3A_59 = vector.shape_cast %swap3A_58 : vector<1x16xi32> to vector<16xi32>
      %swap3A_60 = vector.shape_cast %shift_right_arithmetic3A_55 : vector<16xi32> to vector<1x16xi32>
      tpu.vector_store %arg7[%swap3A_56, %swap3A_57], %swap3A_60 {strides = array<i32>} : memref<80x128xi32, #tpu.memory_space<vmem>>, vector<1x16xi32>,
      %get3A_61 = arith.index_cast %scan3A_44 : i32 to index
      %get3A_62 = arith.constant 16 : index
      %get3A_63 = tpu.vector_load %arg5[%get3A_61, %get3A_62] {strides = array<i32>} : memref<80x128xi32, #tpu.memory_space<vmem>>, vector<1x16xi32>,
      %get3A_64 = vector.shape_cast %get3A_63 : vector<1x16xi32> to vector<16xi32>
      %and3A_65 = arith.constant 65535 : i32
      %and3A_66 = vector.broadcast %and3A_65 : i32 to vector<16xi32>
      %and3A_67 = arith.andi %get3A_64, %and3A_66 : vector<16xi32>
      %swap3A_68 = arith.index_cast %scan3A_44 : i32 to index
      %swap3A_69 = arith.constant 16 : index
      %swap3A_70 = tpu.vector_load %arg6[%swap3A_68, %swap3A_69] {strides = array<i32>} : memref<80x128xi32, #tpu.memory_space<vmem>>, vector<1x16xi32>,
      %swap3A_71 = vector.shape_cast %swap3A_70 : vector<1x16xi32> to vector<16xi32>
      %swap3A_72 = vector.shape_cast %and3A_67 : vector<16xi32> to vector<1x16xi32>
      tpu.vector_store %arg6[%swap3A_68, %swap3A_69], %swap3A_72 {strides = array<i32>} : memref<80x128xi32, #tpu.memory_space<vmem>>, vector<1x16xi32>,
      %shift_right_arithmetic3A_73 = arith.constant 16 : i32
      %shift_right_arithmetic3A_74 = vector.broadcast %shift_right_arithmetic3A_73 : i32 to vector<16xi32>
      %shift_right_arithmetic3A_75 = arith.shrsi %get3A_64, %shift_right_arithmetic3A_74 : vector<16xi32>
      %swap3A_76 = arith.index_cast %scan3A_44 : i32 to index
      %swap3A_77 = arith.constant 16 : index
      %swap3A_78 = tpu.vector_load %arg7[%swap3A_76, %swap3A_77] {strides = array<i32>} : memref<80x128xi32, #tpu.memory_space<vmem>>, vector<1x16xi32>,
      %swap3A_79 = vector.shape_cast %swap3A_78 : vector<1x16xi32> to vector<16xi32>
      %swap3A_80 = vector.shape_cast %shift_right_arithmetic3A_75 : vector<16xi32> to vector<1x16xi32>
      tpu.vector_store %arg7[%swap3A_76, %swap3A_77], %swap3A_80 {strides = array<i32>} : memref<80x128xi32, #tpu.memory_space<vmem>>, vector<1x16xi32>,
      %get3A_81 = arith.index_cast %scan3A_44 : i32 to index
      %get3A_82 = arith.constant 32 : index
      %get3A_83 = tpu.vector_load %arg5[%get3A_81, %get3A_82] {strides = array<i32>} : memref<80x128xi32, #tpu.memory_space<vmem>>, vector<1x16xi32>,
      %get3A_84 = vector.shape_cast %get3A_83 : vector<1x16xi32> to vector<16xi32>
      %and3A_85 = arith.constant 65535 : i32
      %and3A_86 = vector.broadcast %and3A_85 : i32 to vector<16xi32>
      %and3A_87 = arith.andi %get3A_84, %and3A_86 : vector<16xi32>
      %swap3A_88 = arith.index_cast %scan3A_44 : i32 to index
      %swap3A_89 = arith.constant 32 : index
      %swap3A_90 = tpu.vector_load %arg6[%swap3A_88, %swap3A_89] {strides = array<i32>} : memref<80x128xi32, #tpu.memory_space<vmem>>, vector<1x16xi32>,
      %swap3A_91 = vector.shape_cast %swap3A_90 : vector<1x16xi32> to vector<16xi32>
      %swap3A_92 = vector.shape_cast %and3A_87 : vector<16xi32> to vector<1x16xi32>
      tpu.vector_store %arg6[%swap3A_88, %swap3A_89], %swap3A_92 {strides = array<i32>} : memref<80x128xi32, #tpu.memory_space<vmem>>, vector<1x16xi32>,
      %shift_right_arithmetic3A_93 = arith.constant 16 : i32
      %shift_right_arithmetic3A_94 = vector.broadcast %shift_right_arithmetic3A_93 : i32 to vector<16xi32>
      %shift_right_arithmetic3A_95 = arith.shrsi %get3A_84, %shift_right_arithmetic3A_94 : vector<16xi32>
      %swap3A_96 = arith.index_cast %scan3A_44 : i32 to index
      %swap3A_97 = arith.constant 32 : index
      %swap3A_98 = tpu.vector_load %arg7[%swap3A_96, %swap3A_97] {strides = array<i32>} : memref<80x128xi32, #tpu.memory_space<vmem>>, vector<1x16xi32>,
      %swap3A_99 = vector.shape_cast %swap3A_98 : vector<1x16xi32> to vector<16xi32>
      %swap3A_100 = vector.shape_cast %shift_right_arithmetic3A_95 : vector<16xi32> to vector<1x16xi32>
      tpu.vector_store %arg7[%swap3A_96, %swap3A_97], %swap3A_100 {strides = array<i32>} : memref<80x128xi32, #tpu.memory_space<vmem>>, vector<1x16xi32>,
      %get3A_101 = arith.index_cast %scan3A_44 : i32 to index
      %get3A_102 = arith.constant 48 : index
      %get3A_103 = tpu.vector_load %arg5[%get3A_101, %get3A_102] {strides = array<i32>} : memref<80x128xi32, #tpu.memory_space<vmem>>, vector<1x16xi32>,
      %get3A_104 = vector.shape_cast %get3A_103 : vector<1x16xi32> to vector<16xi32>
      %and3A_105 = arith.constant 65535 : i32
      %and3A_106 = vector.broadcast %and3A_105 : i32 to vector<16xi32>
      %and3A_107 = arith.andi %get3A_104, %and3A_106 : vector<16xi32>
      %swap3A_108 = arith.index_cast %scan3A_44 : i32 to index
      %swap3A_109 = arith.constant 48 : index
      %swap3A_110 = tpu.vector_load %arg6[%swap3A_108, %swap3A_109] {strides = array<i32>} : memref<80x128xi32, #tpu.memory_space<vmem>>, vector<1x16xi32>,
      %swap3A_111 = vector.shape_cast %swap3A_110 : vector<1x16xi32> to vector<16xi32>
      %swap3A_112 = vector.shape_cast %and3A_107 : vector<16xi32> to vector<1x16xi32>
      tpu.vector_store %arg6[%swap3A_108, %swap3A_109], %swap3A_112 {strides = array<i32>} : memref<80x128xi32, #tpu.memory_space<vmem>>, vector<1x16xi32>,
      %shift_right_arithmetic3A_113 = arith.constant 16 : i32
      %shift_right_arithmetic3A_114 = vector.broadcast %shift_right_arithmetic3A_113 : i32 to vector<16xi32>
      %shift_right_arithmetic3A_115 = arith.shrsi %get3A_104, %shift_right_arithmetic3A_114 : vector<16xi32>
      %swap3A_116 = arith.index_cast %scan3A_44 : i32 to index
      %swap3A_117 = arith.constant 48 : index
      %swap3A_118 = tpu.vector_load %arg7[%swap3A_116, %swap3A_117] {strides = array<i32>} : memref<80x128xi32, #tpu.memory_space<vmem>>, vector<1x16xi32>,
      %swap3A_119 = vector.shape_cast %swap3A_118 : vector<1x16xi32> to vector<16xi32>
      %swap3A_120 = vector.shape_cast %shift_right_arithmetic3A_115 : vector<16xi32> to vector<1x16xi32>
      tpu.vector_store %arg7[%swap3A_116, %swap3A_117], %swap3A_120 {strides = array<i32>} : memref<80x128xi32, #tpu.memory_space<vmem>>, vector<1x16xi32>,
      %get3A_121 = arith.index_cast %scan3A_44 : i32 to index
      %get3A_122 = arith.constant 64 : index
      %get3A_123 = tpu.vector_load %arg5[%get3A_121, %get3A_122] {strides = array<i32>} : memref<80x128xi32, #tpu.memory_space<vmem>>, vector<1x16xi32>,
      %get3A_124 = vector.shape_cast %get3A_123 : vector<1x16xi32> to vector<16xi32>
      %and3A_125 = arith.constant 65535 : i32
      %and3A_126 = vector.broadcast %and3A_125 : i32 to vector<16xi32>
      %and3A_127 = arith.andi %get3A_124, %and3A_126 : vector<16xi32>
      %swap3A_128 = arith.index_cast %scan3A_44 : i32 to index
      %swap3A_129 = arith.constant 64 : index
      %swap3A_130 = tpu.vector_load %arg6[%swap3A_128, %swap3A_129] {strides = array<i32>} : memref<80x128xi32, #tpu.memory_space<vmem>>, vector<1x16xi32>,
      %swap3A_131 = vector.shape_cast %swap3A_130 : vector<1x16xi32> to vector<16xi32>
      %swap3A_132 = vector.shape_cast %and3A_127 : vector<16xi32> to vector<1x16xi32>
      tpu.vector_store %arg6[%swap3A_128, %swap3A_129], %swap3A_132 {strides = array<i32>} : memref<80x128xi32, #tpu.memory_space<vmem>>, vector<1x16xi32>,
      %shift_right_arithmetic3A_133 = arith.constant 16 : i32
      %shift_right_arithmetic3A_134 = vector.broadcast %shift_right_arithmetic3A_133 : i32 to vector<16xi32>
      %shift_right_arithmetic3A_135 = arith.shrsi %get3A_124, %shift_right_arithmetic3A_134 : vector<16xi32>
      %swap3A_136 = arith.index_cast %scan3A_44 : i32 to index
      %swap3A_137 = arith.constant 64 : index
      %swap3A_138 = tpu.vector_load %arg7[%swap3A_136, %swap3A_137] {strides = array<i32>} : memref<80x128xi32, #tpu.memory_space<vmem>>, vector<1x16xi32>,
      %swap3A_139 = vector.shape_cast %swap3A_138 : vector<1x16xi32> to vector<16xi32>
      %swap3A_140 = vector.shape_cast %shift_right_arithmetic3A_135 : vector<16xi32> to vector<1x16xi32>
      tpu.vector_store %arg7[%swap3A_136, %swap3A_137], %swap3A_140 {strides = array<i32>} : memref<80x128xi32, #tpu.memory_space<vmem>>, vector<1x16xi32>,
      %get3A_141 = arith.index_cast %scan3A_44 : i32 to index
      %get3A_142 = arith.constant 80 : index
      %get3A_143 = tpu.vector_load %arg5[%get3A_141, %get3A_142] {strides = array<i32>} : memref<80x128xi32, #tpu.memory_space<vmem>>, vector<1x16xi32>,
      %get3A_144 = vector.shape_cast %get3A_143 : vector<1x16xi32> to vector<16xi32>
      %and3A_145 = arith.constant 65535 : i32
      %and3A_146 = vector.broadcast %and3A_145 : i32 to vector<16xi32>
      %and3A_147 = arith.andi %get3A_144, %and3A_146 : vector<16xi32>
      %swap3A_148 = arith.index_cast %scan3A_44 : i32 to index
      %swap3A_149 = arith.constant 80 : index
      %swap3A_150 = tpu.vector_load %arg6[%swap3A_148, %swap3A_149] {strides = array<i32>} : memref<80x128xi32, #tpu.memory_space<vmem>>, vector<1x16xi32>,
      %swap3A_151 = vector.shape_cast %swap3A_150 : vector<1x16xi32> to vector<16xi32>
      %swap3A_152 = vector.shape_cast %and3A_147 : vector<16xi32> to vector<1x16xi32>
      tpu.vector_store %arg6[%swap3A_148, %swap3A_149], %swap3A_152 {strides = array<i32>} : memref<80x128xi32, #tpu.memory_space<vmem>>, vector<1x16xi32>,
      %shift_right_arithmetic3A_153 = arith.constant 16 : i32
      %shift_right_arithmetic3A_154 = vector.broadcast %shift_right_arithmetic3A_153 : i32 to vector<16xi32>
      %shift_right_arithmetic3A_155 = arith.shrsi %get3A_144, %shift_right_arithmetic3A_154 : vector<16xi32>
      %swap3A_156 = arith.index_cast %scan3A_44 : i32 to index
      %swap3A_157 = arith.constant 80 : index
      %swap3A_158 = tpu.vector_load %arg7[%swap3A_156, %swap3A_157] {strides = array<i32>} : memref<80x128xi32, #tpu.memory_space<vmem>>, vector<1x16xi32>,
      %swap3A_159 = vector.shape_cast %swap3A_158 : vector<1x16xi32> to vector<16xi32>
      %swap3A_160 = vector.shape_cast %shift_right_arithmetic3A_155 : vector<16xi32> to vector<1x16xi32>
      tpu.vector_store %arg7[%swap3A_156, %swap3A_157], %swap3A_160 {strides = array<i32>} : memref<80x128xi32, #tpu.memory_space<vmem>>, vector<1x16xi32>,
      %get3A_161 = arith.index_cast %scan3A_44 : i32 to index
      %get3A_162 = arith.constant 96 : index
      %get3A_163 = tpu.vector_load %arg5[%get3A_161, %get3A_162] {strides = array<i32>} : memref<80x128xi32, #tpu.memory_space<vmem>>, vector<1x16xi32>,
      %get3A_164 = vector.shape_cast %get3A_163 : vector<1x16xi32> to vector<16xi32>
      %and3A_165 = arith.constant 65535 : i32
      %and3A_166 = vector.broadcast %and3A_165 : i32 to vector<16xi32>
      %and3A_167 = arith.andi %get3A_164, %and3A_166 : vector<16xi32>
      %swap3A_168 = arith.index_cast %scan3A_44 : i32 to index
      %swap3A_169 = arith.constant 96 : index
      %swap3A_170 = tpu.vector_load %arg6[%swap3A_168, %swap3A_169] {strides = array<i32>} : memref<80x128xi32, #tpu.memory_space<vmem>>, vector<1x16xi32>,
      %swap3A_171 = vector.shape_cast %swap3A_170 : vector<1x16xi32> to vector<16xi32>
      %swap3A_172 = vector.shape_cast %and3A_167 : vector<16xi32> to vector<1x16xi32>
      tpu.vector_store %arg6[%swap3A_168, %swap3A_169], %swap3A_172 {strides = array<i32>} : memref<80x128xi32, #tpu.memory_space<vmem>>, vector<1x16xi32>,
      %shift_right_arithmetic3A_173 = arith.constant 16 : i32
      %shift_right_arithmetic3A_174 = vector.broadcast %shift_right_arithmetic3A_173 : i32 to vector<16xi32>
      %shift_right_arithmetic3A_175 = arith.shrsi %get3A_164, %shift_right_arithmetic3A_174 : vector<16xi32>
      %swap3A_176 = arith.index_cast %scan3A_44 : i32 to index
      %swap3A_177 = arith.constant 96 : index
      %swap3A_178 = tpu.vector_load %arg7[%swap3A_176, %swap3A_177] {strides = array<i32>} : memref<80x128xi32, #tpu.memory_space<vmem>>, vector<1x16xi32>,
      %swap3A_179 = vector.shape_cast %swap3A_178 : vector<1x16xi32> to vector<16xi32>
      %swap3A_180 = vector.shape_cast %shift_right_arithmetic3A_175 : vector<16xi32> to vector<1x16xi32>
      tpu.vector_store %arg7[%swap3A_176, %swap3A_177], %swap3A_180 {strides = array<i32>} : memref<80x128xi32, #tpu.memory_space<vmem>>, vector<1x16xi32>,
      %get3A_181 = arith.index_cast %scan3A_44 : i32 to index
      %get3A_182 = arith.constant 112 : index
      %get3A_183 = tpu.vector_load %arg5[%get3A_181, %get3A_182] {strides = array<i32>} : memref<80x128xi32, #tpu.memory_space<vmem>>, vector<1x16xi32>,
      %get3A_184 = vector.shape_cast %get3A_183 : vector<1x16xi32> to vector<16xi32>
      %and3A_185 = arith.constant 65535 : i32
      %and3A_186 = vector.broadcast %and3A_185 : i32 to vector<16xi32>
      %and3A_187 = arith.andi %get3A_184, %and3A_186 : vector<16xi32>
      %swap3A_188 = arith.index_cast %scan3A_44 : i32 to index
      %swap3A_189 = arith.constant 112 : index
      %swap3A_190 = tpu.vector_load %arg6[%swap3A_188, %swap3A_189] {strides = array<i32>} : memref<80x128xi32, #tpu.memory_space<vmem>>, vector<1x16xi32>,
      %swap3A_191 = vector.shape_cast %swap3A_190 : vector<1x16xi32> to vector<16xi32>
      %swap3A_192 = vector.shape_cast %and3A_187 : vector<16xi32> to vector<1x16xi32>
      tpu.vector_store %arg6[%swap3A_188, %swap3A_189], %swap3A_192 {strides = array<i32>} : memref<80x128xi32, #tpu.memory_space<vmem>>, vector<1x16xi32>,
      %shift_right_arithmetic3A_193 = arith.constant 16 : i32
      %shift_right_arithmetic3A_194 = vector.broadcast %shift_right_arithmetic3A_193 : i32 to vector<16xi32>
      %shift_right_arithmetic3A_195 = arith.shrsi %get3A_184, %shift_right_arithmetic3A_194 : vector<16xi32>
      %swap3A_196 = arith.index_cast %scan3A_44 : i32 to index
      %swap3A_197 = arith.constant 112 : index
      %swap3A_198 = tpu.vector_load %arg7[%swap3A_196, %swap3A_197] {strides = array<i32>} : memref<80x128xi32, #tpu.memory_space<vmem>>, vector<1x16xi32>,
      %swap3A_199 = vector.shape_cast %swap3A_198 : vector<1x16xi32> to vector<16xi32>
      %swap3A_200 = vector.shape_cast %shift_right_arithmetic3A_195 : vector<16xi32> to vector<1x16xi32>
      tpu.vector_store %arg7[%swap3A_196, %swap3A_197], %swap3A_200 {strides = array<i32>} : memref<80x128xi32, #tpu.memory_space<vmem>>, vector<1x16xi32>,
    }
    %scan3A_33 = arith.constant 80 : i32
    %barrier3A = arith.constant 0 : index
    tpu.barrier barrier_id(%barrier3A)
    %scan3A_34 = arith.constant 0 : i32
    %scan3A_35 = arith.constant 20 : i32
    %scan3A_36 = arith.addi %scan3A_34, %scan3A_35 : i32
    %scan3A_37 = arith.constant 1 : i32
    scf.for %scan3A_44 = %scan3A_34 to %scan3A_36 step %scan3A_37  : i32 {
      %mul3A_45 = arith.constant 4 : i32
      %mul3A_46 = arith.muli %scan3A_44, %mul3A_45 : i32
      %add3A_47 = arith.constant 0 : i32
      %add3A_48 = arith.addi %mul3A_46, %add3A_47 : i32
      %dma_start3A = arith.constant 0 : i32
      %dma_start3A_49 = tpu.memref_slice %arg6[%add3A_48, %dma_start3A] : memref<80x128xi32, #tpu.memory_space<vmem>> -> memref<1x128xi32, #tpu.memory_space<vmem>>
      %dma_start3A_50 = tpu.memref_squeeze %dma_start3A_49 : memref<1x128xi32, #tpu.memory_space<vmem>> -> memref<128xi32, #tpu.memory_space<vmem>>
      %dma_start3A_51 = arith.constant 0 : i32
      %dma_start3A_52 = arith.constant 0 : i32
      %dma_start3A_53 = tpu.memref_slice %arg17[%dma_start3A_51, %dma_start3A_52] : memref<10000x16xf32, #tpu.memory_space<vmem_shared>> -> memref<10000x16xf32, #tpu.memory_space<vmem_shared>>
      tpu.enqueue_indirect_dma source(%dma_start3A_53 : memref<10000x16xf32, #tpu.memory_space<vmem_shared>>) target(%arg8 : memref<128x16xf32, #tpu.memory_space<vmem>>) offsets(%dma_start3A_50 : memref<128xi32, #tpu.memory_space<vmem>>) semaphore(%arg12 : memref<!tpu.dma_semaphore, #tpu.memory_space<semaphore_mem>>)
      %add3A_54 = arith.constant 1 : i32
      %add3A_55 = arith.addi %mul3A_46, %add3A_54 : i32
      %dma_start3A_56 = arith.constant 0 : i32
      %dma_start3A_57 = tpu.memref_slice %arg6[%add3A_55, %dma_start3A_56] : memref<80x128xi32, #tpu.memory_space<vmem>> -> memref<1x128xi32, #tpu.memory_space<vmem>>
      %dma_start3A_58 = tpu.memref_squeeze %dma_start3A_57 : memref<1x128xi32, #tpu.memory_space<vmem>> -> memref<128xi32, #tpu.memory_space<vmem>>
      %dma_start3A_59 = arith.constant 0 : i32
      %dma_start3A_60 = arith.constant 0 : i32
      %dma_start3A_61 = tpu.memref_slice %arg17[%dma_start3A_59, %dma_start3A_60] : memref<10000x16xf32, #tpu.memory_space<vmem_shared>> -> memref<10000x16xf32, #tpu.memory_space<vmem_shared>>
      tpu.enqueue_indirect_dma source(%dma_start3A_61 : memref<10000x16xf32, #tpu.memory_space<vmem_shared>>) target(%arg9 : memref<128x16xf32, #tpu.memory_space<vmem>>) offsets(%dma_start3A_58 : memref<128xi32, #tpu.memory_space<vmem>>) semaphore(%arg13 : memref<!tpu.dma_semaphore, #tpu.memory_space<semaphore_mem>>)
      %add3A_62 = arith.constant 2 : i32
      %add3A_63 = arith.addi %mul3A_46, %add3A_62 : i32
      %dma_start3A_64 = arith.constant 0 : i32
      %dma_start3A_65 = tpu.memref_slice %arg6[%add3A_63, %dma_start3A_64] : memref<80x128xi32, #tpu.memory_space<vmem>> -> memref<1x128xi32, #tpu.memory_space<vmem>>
      %dma_start3A_66 = tpu.memref_squeeze %dma_start3A_65 : memref<1x128xi32, #tpu.memory_space<vmem>> -> memref<128xi32, #tpu.memory_space<vmem>>
      %dma_start3A_67 = arith.constant 0 : i32
      %dma_start3A_68 = arith.constant 0 : i32
      %dma_start3A_69 = tpu.memref_slice %arg17[%dma_start3A_67, %dma_start3A_68] : memref<10000x16xf32, #tpu.memory_space<vmem_shared>> -> memref<10000x16xf32, #tpu.memory_space<vmem_shared>>
      tpu.enqueue_indirect_dma source(%dma_start3A_69 : memref<10000x16xf32, #tpu.memory_space<vmem_shared>>) target(%arg10 : memref<128x16xf32, #tpu.memory_space<vmem>>) offsets(%dma_start3A_66 : memref<128xi32, #tpu.memory_space<vmem>>) semaphore(%arg14 : memref<!tpu.dma_semaphore, #tpu.memory_space<semaphore_mem>>)
      %add3A_70 = arith.constant 3 : i32
      %add3A_71 = arith.addi %mul3A_46, %add3A_70 : i32
      %dma_start3A_72 = arith.constant 0 : i32
      %dma_start3A_73 = tpu.memref_slice %arg6[%add3A_71, %dma_start3A_72] : memref<80x128xi32, #tpu.memory_space<vmem>> -> memref<1x128xi32, #tpu.memory_space<vmem>>
      %dma_start3A_74 = tpu.memref_squeeze %dma_start3A_73 : memref<1x128xi32, #tpu.memory_space<vmem>> -> memref<128xi32, #tpu.memory_space<vmem>>
      %dma_start3A_75 = arith.constant 0 : i32
      %dma_start3A_76 = arith.constant 0 : i32
      %dma_start3A_77 = tpu.memref_slice %arg17[%dma_start3A_75, %dma_start3A_76] : memref<10000x16xf32, #tpu.memory_space<vmem_shared>> -> memref<10000x16xf32, #tpu.memory_space<vmem_shared>>
      tpu.enqueue_indirect_dma source(%dma_start3A_77 : memref<10000x16xf32, #tpu.memory_space<vmem_shared>>) target(%arg11 : memref<128x16xf32, #tpu.memory_space<vmem>>) offsets(%dma_start3A_74 : memref<128xi32, #tpu.memory_space<vmem>>) semaphore(%arg15 : memref<!tpu.dma_semaphore, #tpu.memory_space<semaphore_mem>>)
      %dma_wait3A = arith.constant 0 : i32
      %dma_wait3A_78 = tpu.memref_slice %arg6[%add3A_48, %dma_wait3A] : memref<80x128xi32, #tpu.memory_space<vmem>> -> memref<1x128xi32, #tpu.memory_space<vmem>>
      %dma_wait3A_79 = tpu.memref_squeeze %dma_wait3A_78 : memref<1x128xi32, #tpu.memory_space<vmem>> -> memref<128xi32, #tpu.memory_space<vmem>>
      %dma_wait3A_80 = arith.constant 0 : i32
      %dma_wait3A_81 = arith.constant 0 : i32
      %dma_wait3A_82 = tpu.memref_slice %arg17[%dma_wait3A_80, %dma_wait3A_81] : memref<10000x16xf32, #tpu.memory_space<vmem_shared>> -> memref<10000x16xf32, #tpu.memory_space<vmem_shared>>
      tpu.wait_indirect_dma semaphore(%arg12 : memref<!tpu.dma_semaphore, #tpu.memory_space<semaphore_mem>>) src(%dma_wait3A_82 : memref<10000x16xf32, #tpu.memory_space<vmem_shared>>) dst(%arg8 : memref<128x16xf32, #tpu.memory_space<vmem>>)
      %add3A_83 = arith.constant 0 : i32
      %add3A_84 = arith.addi %mul3A_46, %add3A_83 : i32
      "tpu.region"() ({
        %run_scoped3A = tpu.sem_alloc : memref<!tpu.dma_semaphore, #tpu.memory_space<semaphore_mem>>
        %dma_start3A_109 = arith.constant 0 : i32
        %dma_start3A_110 = tpu.memref_slice %arg7[%add3A_84, %dma_start3A_109] : memref<80x128xi32, #tpu.memory_space<vmem>> -> memref<1x128xi32, #tpu.memory_space<vmem>>
        %dma_start3A_111 = tpu.memref_squeeze %dma_start3A_110 : memref<1x128xi32, #tpu.memory_space<vmem>> -> memref<128xi32, #tpu.memory_space<vmem>>
        %dma_start3A_112 = arith.constant 0 : i32
        %dma_start3A_113 = arith.constant 0 : i32
        %dma_start3A_114 = tpu.memref_slice %arg16[%dma_start3A_112, %dma_start3A_113] : memref<10240x16xf32, #tpu.memory_space<vmem_shared>> -> memref<10240x16xf32, #tpu.memory_space<vmem_shared>>
        tpu.enqueue_indirect_dma source(%arg8 : memref<128x16xf32, #tpu.memory_space<vmem>>) target(%dma_start3A_114 : memref<10240x16xf32, #tpu.memory_space<vmem_shared>>) offsets(%dma_start3A_111 : memref<128xi32, #tpu.memory_space<vmem>>) semaphore(%run_scoped3A : memref<!tpu.dma_semaphore, #tpu.memory_space<semaphore_mem>>) {add = true}
        %dma_wait3A_115 = arith.constant 0 : i32
        %dma_wait3A_116 = tpu.memref_slice %arg7[%add3A_84, %dma_wait3A_115] : memref<80x128xi32, #tpu.memory_space<vmem>> -> memref<1x128xi32, #tpu.memory_space<vmem>>
        %dma_wait3A_117 = tpu.memref_squeeze %dma_wait3A_116 : memref<1x128xi32, #tpu.memory_space<vmem>> -> memref<128xi32, #tpu.memory_space<vmem>>
        %dma_wait3A_118 = arith.constant 0 : i32
        %dma_wait3A_119 = arith.constant 0 : i32
        %dma_wait3A_120 = tpu.memref_slice %arg16[%dma_wait3A_118, %dma_wait3A_119] : memref<10240x16xf32, #tpu.memory_space<vmem_shared>> -> memref<10240x16xf32, #tpu.memory_space<vmem_shared>>
        tpu.wait_indirect_dma semaphore(%run_scoped3A : memref<!tpu.dma_semaphore, #tpu.memory_space<semaphore_mem>>) src(%arg8 : memref<128x16xf32, #tpu.memory_space<vmem>>) dst(%dma_wait3A_120 : memref<10240x16xf32, #tpu.memory_space<vmem_shared>>)
        tpu.yield
      }) : () -> ()
      %dma_wait3A_85 = arith.constant 0 : i32
      %dma_wait3A_86 = tpu.memref_slice %arg6[%add3A_55, %dma_wait3A_85] : memref<80x128xi32, #tpu.memory_space<vmem>> -> memref<1x128xi32, #tpu.memory_space<vmem>>
      %dma_wait3A_87 = tpu.memref_squeeze %dma_wait3A_86 : memref<1x128xi32, #tpu.memory_space<vmem>> -> memref<128xi32, #tpu.memory_space<vmem>>
      %dma_wait3A_88 = arith.constant 0 : i32
      %dma_wait3A_89 = arith.constant 0 : i32
      %dma_wait3A_90 = tpu.memref_slice %arg17[%dma_wait3A_88, %dma_wait3A_89] : memref<10000x16xf32, #tpu.memory_space<vmem_shared>> -> memref<10000x16xf32, #tpu.memory_space<vmem_shared>>
      tpu.wait_indirect_dma semaphore(%arg13 : memref<!tpu.dma_semaphore, #tpu.memory_space<semaphore_mem>>) src(%dma_wait3A_90 : memref<10000x16xf32, #tpu.memory_space<vmem_shared>>) dst(%arg9 : memref<128x16xf32, #tpu.memory_space<vmem>>)
      %add3A_91 = arith.constant 1 : i32
      %add3A_92 = arith.addi %mul3A_46, %add3A_91 : i32
      "tpu.region"() ({
        %run_scoped3A = tpu.sem_alloc : memref<!tpu.dma_semaphore, #tpu.memory_space<semaphore_mem>>
        %dma_start3A_109 = arith.constant 0 : i32
        %dma_start3A_110 = tpu.memref_slice %arg7[%add3A_92, %dma_start3A_109] : memref<80x128xi32, #tpu.memory_space<vmem>> -> memref<1x128xi32, #tpu.memory_space<vmem>>
        %dma_start3A_111 = tpu.memref_squeeze %dma_start3A_110 : memref<1x128xi32, #tpu.memory_space<vmem>> -> memref<128xi32, #tpu.memory_space<vmem>>
        %dma_start3A_112 = arith.constant 0 : i32
        %dma_start3A_113 = arith.constant 0 : i32
        %dma_start3A_114 = tpu.memref_slice %arg16[%dma_start3A_112, %dma_start3A_113] : memref<10240x16xf32, #tpu.memory_space<vmem_shared>> -> memref<10240x16xf32, #tpu.memory_space<vmem_shared>>
        tpu.enqueue_indirect_dma source(%arg9 : memref<128x16xf32, #tpu.memory_space<vmem>>) target(%dma_start3A_114 : memref<10240x16xf32, #tpu.memory_space<vmem_shared>>) offsets(%dma_start3A_111 : memref<128xi32, #tpu.memory_space<vmem>>) semaphore(%run_scoped3A : memref<!tpu.dma_semaphore, #tpu.memory_space<semaphore_mem>>) {add = true}
        %dma_wait3A_115 = arith.constant 0 : i32
        %dma_wait3A_116 = tpu.memref_slice %arg7[%add3A_92, %dma_wait3A_115] : memref<80x128xi32, #tpu.memory_space<vmem>> -> memref<1x128xi32, #tpu.memory_space<vmem>>
        %dma_wait3A_117 = tpu.memref_squeeze %dma_wait3A_116 : memref<1x128xi32, #tpu.memory_space<vmem>> -> memref<128xi32, #tpu.memory_space<vmem>>
        %dma_wait3A_118 = arith.constant 0 : i32
        %dma_wait3A_119 = arith.constant 0 : i32
        %dma_wait3A_120 = tpu.memref_slice %arg16[%dma_wait3A_118, %dma_wait3A_119] : memref<10240x16xf32, #tpu.memory_space<vmem_shared>> -> memref<10240x16xf32, #tpu.memory_space<vmem_shared>>
        tpu.wait_indirect_dma semaphore(%run_scoped3A : memref<!tpu.dma_semaphore, #tpu.memory_space<semaphore_mem>>) src(%arg9 : memref<128x16xf32, #tpu.memory_space<vmem>>) dst(%dma_wait3A_120 : memref<10240x16xf32, #tpu.memory_space<vmem_shared>>)
        tpu.yield
      }) : () -> ()
      %dma_wait3A_93 = arith.constant 0 : i32
      %dma_wait3A_94 = tpu.memref_slice %arg6[%add3A_63, %dma_wait3A_93] : memref<80x128xi32, #tpu.memory_space<vmem>> -> memref<1x128xi32, #tpu.memory_space<vmem>>
      %dma_wait3A_95 = tpu.memref_squeeze %dma_wait3A_94 : memref<1x128xi32, #tpu.memory_space<vmem>> -> memref<128xi32, #tpu.memory_space<vmem>>
      %dma_wait3A_96 = arith.constant 0 : i32
      %dma_wait3A_97 = arith.constant 0 : i32
      %dma_wait3A_98 = tpu.memref_slice %arg17[%dma_wait3A_96, %dma_wait3A_97] : memref<10000x16xf32, #tpu.memory_space<vmem_shared>> -> memref<10000x16xf32, #tpu.memory_space<vmem_shared>>
      tpu.wait_indirect_dma semaphore(%arg14 : memref<!tpu.dma_semaphore, #tpu.memory_space<semaphore_mem>>) src(%dma_wait3A_98 : memref<10000x16xf32, #tpu.memory_space<vmem_shared>>) dst(%arg10 : memref<128x16xf32, #tpu.memory_space<vmem>>)
      %add3A_99 = arith.constant 2 : i32
      %add3A_100 = arith.addi %mul3A_46, %add3A_99 : i32
      "tpu.region"() ({
        %run_scoped3A = tpu.sem_alloc : memref<!tpu.dma_semaphore, #tpu.memory_space<semaphore_mem>>
        %dma_start3A_109 = arith.constant 0 : i32
        %dma_start3A_110 = tpu.memref_slice %arg7[%add3A_100, %dma_start3A_109] : memref<80x128xi32, #tpu.memory_space<vmem>> -> memref<1x128xi32, #tpu.memory_space<vmem>>
        %dma_start3A_111 = tpu.memref_squeeze %dma_start3A_110 : memref<1x128xi32, #tpu.memory_space<vmem>> -> memref<128xi32, #tpu.memory_space<vmem>>
        %dma_start3A_112 = arith.constant 0 : i32
        %dma_start3A_113 = arith.constant 0 : i32
        %dma_start3A_114 = tpu.memref_slice %arg16[%dma_start3A_112, %dma_start3A_113] : memref<10240x16xf32, #tpu.memory_space<vmem_shared>> -> memref<10240x16xf32, #tpu.memory_space<vmem_shared>>
        tpu.enqueue_indirect_dma source(%arg10 : memref<128x16xf32, #tpu.memory_space<vmem>>) target(%dma_start3A_114 : memref<10240x16xf32, #tpu.memory_space<vmem_shared>>) offsets(%dma_start3A_111 : memref<128xi32, #tpu.memory_space<vmem>>) semaphore(%run_scoped3A : memref<!tpu.dma_semaphore, #tpu.memory_space<semaphore_mem>>) {add = true}
        %dma_wait3A_115 = arith.constant 0 : i32
        %dma_wait3A_116 = tpu.memref_slice %arg7[%add3A_100, %dma_wait3A_115] : memref<80x128xi32, #tpu.memory_space<vmem>> -> memref<1x128xi32, #tpu.memory_space<vmem>>
        %dma_wait3A_117 = tpu.memref_squeeze %dma_wait3A_116 : memref<1x128xi32, #tpu.memory_space<vmem>> -> memref<128xi32, #tpu.memory_space<vmem>>
        %dma_wait3A_118 = arith.constant 0 : i32
        %dma_wait3A_119 = arith.constant 0 : i32
        %dma_wait3A_120 = tpu.memref_slice %arg16[%dma_wait3A_118, %dma_wait3A_119] : memref<10240x16xf32, #tpu.memory_space<vmem_shared>> -> memref<10240x16xf32, #tpu.memory_space<vmem_shared>>
        tpu.wait_indirect_dma semaphore(%run_scoped3A : memref<!tpu.dma_semaphore, #tpu.memory_space<semaphore_mem>>) src(%arg10 : memref<128x16xf32, #tpu.memory_space<vmem>>) dst(%dma_wait3A_120 : memref<10240x16xf32, #tpu.memory_space<vmem_shared>>)
        tpu.yield
      }) : () -> ()
      %dma_wait3A_101 = arith.constant 0 : i32
      %dma_wait3A_102 = tpu.memref_slice %arg6[%add3A_71, %dma_wait3A_101] : memref<80x128xi32, #tpu.memory_space<vmem>> -> memref<1x128xi32, #tpu.memory_space<vmem>>
      %dma_wait3A_103 = tpu.memref_squeeze %dma_wait3A_102 : memref<1x128xi32, #tpu.memory_space<vmem>> -> memref<128xi32, #tpu.memory_space<vmem>>
      %dma_wait3A_104 = arith.constant 0 : i32
      %dma_wait3A_105 = arith.constant 0 : i32
      %dma_wait3A_106 = tpu.memref_slice %arg17[%dma_wait3A_104, %dma_wait3A_105] : memref<10000x16xf32, #tpu.memory_space<vmem_shared>> -> memref<10000x16xf32, #tpu.memory_space<vmem_shared>>
      tpu.wait_indirect_dma semaphore(%arg15 : memref<!tpu.dma_semaphore, #tpu.memory_space<semaphore_mem>>) src(%dma_wait3A_106 : memref<10000x16xf32, #tpu.memory_space<vmem_shared>>) dst(%arg11 : memref<128x16xf32, #tpu.memory_space<vmem>>)
      %add3A_107 = arith.constant 3 : i32
      %add3A_108 = arith.addi %mul3A_46, %add3A_107 : i32
      "tpu.region"() ({
        %run_scoped3A = tpu.sem_alloc : memref<!tpu.dma_semaphore, #tpu.memory_space<semaphore_mem>>
        %dma_start3A_109 = arith.constant 0 : i32
        %dma_start3A_110 = tpu.memref_slice %arg7[%add3A_108, %dma_start3A_109] : memref<80x128xi32, #tpu.memory_space<vmem>> -> memref<1x128xi32, #tpu.memory_space<vmem>>
        %dma_start3A_111 = tpu.memref_squeeze %dma_start3A_110 : memref<1x128xi32, #tpu.memory_space<vmem>> -> memref<128xi32, #tpu.memory_space<vmem>>
        %dma_start3A_112 = arith.constant 0 : i32
        %dma_start3A_113 = arith.constant 0 : i32
        %dma_start3A_114 = tpu.memref_slice %arg16[%dma_start3A_112, %dma_start3A_113] : memref<10240x16xf32, #tpu.memory_space<vmem_shared>> -> memref<10240x16xf32, #tpu.memory_space<vmem_shared>>
        tpu.enqueue_indirect_dma source(%arg11 : memref<128x16xf32, #tpu.memory_space<vmem>>) target(%dma_start3A_114 : memref<10240x16xf32, #tpu.memory_space<vmem_shared>>) offsets(%dma_start3A_111 : memref<128xi32, #tpu.memory_space<vmem>>) semaphore(%run_scoped3A : memref<!tpu.dma_semaphore, #tpu.memory_space<semaphore_mem>>) {add = true}
        %dma_wait3A_115 = arith.constant 0 : i32
        %dma_wait3A_116 = tpu.memref_slice %arg7[%add3A_108, %dma_wait3A_115] : memref<80x128xi32, #tpu.memory_space<vmem>> -> memref<1x128xi32, #tpu.memory_space<vmem>>
        %dma_wait3A_117 = tpu.memref_squeeze %dma_wait3A_116 : memref<1x128xi32, #tpu.memory_space<vmem>> -> memref<128xi32, #tpu.memory_space<vmem>>
        %dma_wait3A_118 = arith.constant 0 : i32
        %dma_wait3A_119 = arith.constant 0 : i32
        %dma_wait3A_120 = tpu.memref_slice %arg16[%dma_wait3A_118, %dma_wait3A_119] : memref<10240x16xf32, #tpu.memory_space<vmem_shared>> -> memref<10240x16xf32, #tpu.memory_space<vmem_shared>>
        tpu.wait_indirect_dma semaphore(%run_scoped3A : memref<!tpu.dma_semaphore, #tpu.memory_space<semaphore_mem>>) src(%arg11 : memref<128x16xf32, #tpu.memory_space<vmem>>) dst(%dma_wait3A_120 : memref<10240x16xf32, #tpu.memory_space<vmem_shared>>)
        tpu.yield
      }) : () -> ()
    }
    %scan3A_38 = arith.constant 20 : i32
    %barrier3A_39 = arith.constant 0 : index
    tpu.barrier barrier_id(%barrier3A_39)
    %mul3A_40 = arith.constant 640 : i32
    %mul3A_41 = arith.muli %arg1, %mul3A_40 : i32
    %mul3A_42 = arith.constant 640 : i32
    %mul3A_43 = arith.muli %arg1, %mul3A_42 : i32
    "tpu.region"() ({
      %run_scoped3A = tpu.sem_alloc : memref<!tpu.dma_semaphore, #tpu.memory_space<semaphore_mem>>
      %dma_start3A = arith.constant 0 : i32
      %dma_start3A_44 = tpu.memref_slice %arg4[%arg0, %mul3A_43, %dma_start3A] : memref<2x10240x16xf32, #tpu.memory_space<hbm>> -> memref<1x640x16xf32, #tpu.memory_space<hbm>>
      %dma_start3A_45 = tpu.memref_squeeze %dma_start3A_44 : memref<1x640x16xf32, #tpu.memory_space<hbm>> -> memref<640x16xf32, #tpu.memory_space<hbm>>
      %dma_start3A_46 = arith.constant 0 : i32
      %dma_start3A_47 = tpu.memref_slice %arg16[%mul3A_41, %dma_start3A_46] : memref<10240x16xf32, #tpu.memory_space<vmem_shared>> -> memref<640x16xf32, #tpu.memory_space<vmem_shared>>
      tpu.enqueue_dma source(%dma_start3A_47 : memref<640x16xf32, #tpu.memory_space<vmem_shared>>) target(%dma_start3A_45 : memref<640x16xf32, #tpu.memory_space<hbm>>) target_semaphore(%run_scoped3A : memref<!tpu.dma_semaphore, #tpu.memory_space<semaphore_mem>>)
      %dma_wait3A = arith.constant 0 : i32
      %dma_wait3A_48 = tpu.memref_slice %arg4[%arg0, %mul3A_43, %dma_wait3A] : memref<2x10240x16xf32, #tpu.memory_space<hbm>> -> memref<1x640x16xf32, #tpu.memory_space<hbm>>
      %dma_wait3A_49 = tpu.memref_squeeze %dma_wait3A_48 : memref<1x640x16xf32, #tpu.memory_space<hbm>> -> memref<640x16xf32, #tpu.memory_space<hbm>>
      %dma_wait3A_50 = arith.constant 0 : i32
      %dma_wait3A_51 = tpu.memref_slice %arg16[%mul3A_41, %dma_wait3A_50] : memref<10240x16xf32, #tpu.memory_space<vmem_shared>> -> memref<640x16xf32, #tpu.memory_space<vmem_shared>>
      tpu.wait_dma2 semaphore(%run_scoped3A : memref<!tpu.dma_semaphore, #tpu.memory_space<semaphore_mem>>) src(%dma_wait3A_51 : memref<640x16xf32, #tpu.memory_space<vmem_shared>>) dst(%dma_wait3A_49 : memref<640x16xf32, #tpu.memory_space<hbm>>)
      tpu.yield
    }) : () -> ()
    return
  }
}

module attributes {stable_mosaic.version = 14 : i64} {
  func.func @body(%arg0: i32, %arg1: memref<1000x128xf32, #tpu.memory_space<vmem>>, %arg2: memref<128x16xf32, #tpu.memory_space<vmem>>, %arg3: memref<1x1000x16xf32, #tpu.memory_space<vmem>>, %arg4: memref<1x1000x16xf32, #tpu.memory_space<vmem>>, %arg5: memref<1000x16xf32, #tpu.memory_space<vmem>>, %arg6: memref<1000x1xf32, #tpu.memory_space<vmem>>) attributes {dimension_semantics = [#tpu.dimension_semantics<arbitrary>], iteration_bounds = array<i64: 10>, scalar_prefetch = 0 : i64, scratch_operands = 0 : i64, tpu.core_type = #tpu.core_type<tc>, window_params = [{transform_indices = @transform_0, window_bounds = array<i64: 1000, 128>}, {pipeline_mode = #tpu.pipeline_mode<synchronous>, transform_indices = @transform_1, window_bounds = array<i64: 128, 16>}, {transform_indices = @transform_2, window_bounds = array<i64: 1, 1000, 16>}, {transform_indices = @transform_3, window_bounds = array<i64: 1, 1000, 16>}, {transform_indices = @transform_4, window_bounds = array<i64: 1000, 16>}, {transform_indices = @transform_5, window_bounds = array<i64: 1000, 1>}]} {
    %get3A = arith.constant 0 : index
    %get3A_0 = arith.constant 0 : index
    %get3A_1 = arith.constant 0 : index
    %get3A_2 = vector.load %arg3[%get3A, %get3A_0, %get3A_1] : memref<1x1000x16xf32, #tpu.memory_space<vmem>>, vector<1x1000x16xf32>
    %get3A_3 = vector.shape_cast %get3A_2 : vector<1x1000x16xf32> to vector<1000x16xf32>
    %slice3A = vector.extract_strided_slice %get3A_3 {offsets = [0, 0], sizes = [1000, 1], strides = [1, 1]} : vector<1000x16xf32> to vector<1000x1xf32>
    %get3A_4 = arith.constant 0 : index
    %get3A_5 = arith.constant 0 : index
    %get3A_6 = arith.constant 0 : index
    %get3A_7 = vector.load %arg4[%get3A_4, %get3A_5, %get3A_6] : memref<1x1000x16xf32, #tpu.memory_space<vmem>>, vector<1x1000x16xf32>
    %get3A_8 = vector.shape_cast %get3A_7 : vector<1x1000x16xf32> to vector<1000x16xf32>
    %slice3A_9 = vector.extract_strided_slice %get3A_8 {offsets = [0, 0], sizes = [1000, 1], strides = [1, 1]} : vector<1000x16xf32> to vector<1000x1xf32>
    %add3A = arith.addf %slice3A, %slice3A_9 : vector<1000x1xf32>
    %add3A_10 = arith.constant 1.000000e+00 : f32
    %add3A_11 = vector.broadcast %add3A_10 : f32 to vector<1000x1xf32>
    %add3A_12 = arith.addf %add3A, %add3A_11 : vector<1000x1xf32>
    %rsqrt3A = math.rsqrt %add3A_12 : vector<1000x1xf32>
    %get3A_13 = arith.constant 0 : index
    %get3A_14 = arith.constant 0 : index
    %get3A_15 = vector.load %arg1[%get3A_13, %get3A_14] : memref<1000x128xf32, #tpu.memory_space<vmem>>, vector<1000x128xf32>
    %get3A_16 = arith.constant 0 : index
    %get3A_17 = arith.constant 0 : index
    %get3A_18 = vector.load %arg2[%get3A_16, %get3A_17] : memref<128x16xf32, #tpu.memory_space<vmem>>, vector<128x16xf32>
    %dot_general3A = arith.constant dense<0.000000e+00> : vector<1000x16xf32>
    %dot_general3A_19 = tpu.matmul %get3A_15, %get3A_18, %dot_general3A {dimension_numbers = #tpu.dot_dimension_numbers<[1], [0], [0], [1], [0, 0, 1, 1], [], []>, transpose_lhs_hint = false} : vector<1000x128xf32>, vector<128x16xf32>, vector<1000x16xf32> -> vector<1000x16xf32>
    %mul3A = vector.broadcast %rsqrt3A : vector<1000x1xf32> to vector<1000x16xf32>
    %mul3A_20 = arith.mulf %dot_general3A_19, %mul3A : vector<1000x16xf32>
    %swap3A = arith.constant 0 : index
    %swap3A_21 = arith.constant 0 : index
    %swap3A_22 = vector.load %arg5[%swap3A, %swap3A_21] : memref<1000x16xf32, #tpu.memory_space<vmem>>, vector<1000x16xf32>
    tpu.vector_store %arg5[%swap3A, %swap3A_21], %mul3A_20 {strides = array<i32>} : memref<1000x16xf32, #tpu.memory_space<vmem>>, vector<1000x16xf32>,
    %swap3A_23 = arith.constant 0 : index
    %swap3A_24 = arith.constant 0 : index
    %swap3A_25 = vector.load %arg6[%swap3A_23, %swap3A_24] : memref<1000x1xf32, #tpu.memory_space<vmem>>, vector<1000x1xf32>
    tpu.vector_store %arg6[%swap3A_23, %swap3A_24], %rsqrt3A {strides = array<i32>} : memref<1000x1xf32, #tpu.memory_space<vmem>>, vector<1000x1xf32>,
    return
  }
  func.func @transform_0(%arg0: i32) -> (i32, i32) {
    %c0_i32 = arith.constant 0 : i32
    %c0_i32_0 = arith.constant 0 : i32
    return %arg0, %c0_i32 : i32, i32
  }
  func.func @transform_1(%arg0: i32) -> (i32, i32) {
    %c0_i32 = arith.constant 0 : i32
    %c0_i32_0 = arith.constant 0 : i32
    %c0_i32_1 = arith.constant 0 : i32
    return %c0_i32, %c0_i32_0 : i32, i32
  }
  func.func @transform_2(%arg0: i32) -> (i32, i32, i32) {
    %c0_i32 = arith.constant 0 : i32
    %c0_i32_0 = arith.constant 0 : i32
    %c0_i32_1 = arith.constant 0 : i32
    return %c0_i32, %arg0, %c0_i32_0 : i32, i32, i32
  }
  func.func @transform_3(%arg0: i32) -> (i32, i32, i32) {
    %c1_i32 = arith.constant 1 : i32
    %c0_i32 = arith.constant 0 : i32
    %c0_i32_0 = arith.constant 0 : i32
    return %c1_i32, %arg0, %c0_i32 : i32, i32, i32
  }
  func.func @transform_4(%arg0: i32) -> (i32, i32) {
    %c0_i32 = arith.constant 0 : i32
    %c0_i32_0 = arith.constant 0 : i32
    return %arg0, %c0_i32 : i32, i32
  }
  func.func @transform_5(%arg0: i32) -> (i32, i32) {
    %c0_i32 = arith.constant 0 : i32
    %c0_i32_0 = arith.constant 0 : i32
    return %arg0, %c0_i32 : i32, i32
  }
}

module attributes {stable_mosaic.version = 14 : i64} {
  func.func @body(%arg0: i32, %arg1: memref<1x1000x16xf32, #tpu.memory_space<vmem>>, %arg2: memref<1x1000x16xf32, #tpu.memory_space<vmem>>, %arg3: memref<1000x16xf32, #tpu.memory_space<vmem>>, %arg4: memref<1000x1xf32, #tpu.memory_space<vmem>>, %arg5: memref<1x16xf32, #tpu.memory_space<vmem>>, %arg6: memref<16x32xf32, #tpu.memory_space<vmem>>, %arg7: memref<1000x32xf32, #tpu.memory_space<vmem>>) attributes {dimension_semantics = [#tpu.dimension_semantics<arbitrary>], iteration_bounds = array<i64: 10>, scalar_prefetch = 0 : i64, scratch_operands = 0 : i64, tpu.core_type = #tpu.core_type<tc>, window_params = [{transform_indices = @transform_0, window_bounds = array<i64: 1, 1000, 16>}, {transform_indices = @transform_1, window_bounds = array<i64: 1, 1000, 16>}, {transform_indices = @transform_2, window_bounds = array<i64: 1000, 16>}, {transform_indices = @transform_3, window_bounds = array<i64: 1000, 1>}, {pipeline_mode = #tpu.pipeline_mode<synchronous>, transform_indices = @transform_4, window_bounds = array<i64: 1, 16>}, {pipeline_mode = #tpu.pipeline_mode<synchronous>, transform_indices = @transform_5, window_bounds = array<i64: 16, 32>}, {transform_indices = @transform_6, window_bounds = array<i64: 1000, 32>}]} {
    %get3A = arith.constant 0 : index
    %get3A_0 = arith.constant 0 : index
    %get3A_1 = vector.load %arg4[%get3A, %get3A_0] : memref<1000x1xf32, #tpu.memory_space<vmem>>, vector<1000x1xf32>
    %get3A_2 = arith.constant 0 : index
    %get3A_3 = arith.constant 0 : index
    %get3A_4 = arith.constant 0 : index
    %get3A_5 = vector.load %arg1[%get3A_2, %get3A_3, %get3A_4] : memref<1x1000x16xf32, #tpu.memory_space<vmem>>, vector<1x1000x16xf32>
    %get3A_6 = vector.shape_cast %get3A_5 : vector<1x1000x16xf32> to vector<1000x16xf32>
    %get3A_7 = arith.constant 0 : index
    %get3A_8 = arith.constant 0 : index
    %get3A_9 = arith.constant 0 : index
    %get3A_10 = vector.load %arg2[%get3A_7, %get3A_8, %get3A_9] : memref<1x1000x16xf32, #tpu.memory_space<vmem>>, vector<1x1000x16xf32>
    %get3A_11 = vector.shape_cast %get3A_10 : vector<1x1000x16xf32> to vector<1000x16xf32>
    %add3A = arith.addf %get3A_6, %get3A_11 : vector<1000x16xf32>
    %get3A_12 = arith.constant 0 : index
    %get3A_13 = arith.constant 0 : index
    %get3A_14 = vector.load %arg3[%get3A_12, %get3A_13] : memref<1000x16xf32, #tpu.memory_space<vmem>>, vector<1000x16xf32>
    %add3A_15 = arith.addf %add3A, %get3A_14 : vector<1000x16xf32>
    %mul3A = vector.broadcast %get3A_1 : vector<1000x1xf32> to vector<1000x16xf32>
    %mul3A_16 = arith.mulf %mul3A, %add3A_15 : vector<1000x16xf32>
    %get3A_17 = arith.constant 0 : index
    %get3A_18 = arith.constant 0 : index
    %get3A_19 = vector.load %arg5[%get3A_17, %get3A_18] : memref<1x16xf32, #tpu.memory_space<vmem>>, vector<1x16xf32>
    %add3A_20 = vector.broadcast %get3A_19 : vector<1x16xf32> to vector<1000x16xf32>
    %add3A_21 = arith.addf %mul3A_16, %add3A_20 : vector<1000x16xf32>
    %max3A = arith.constant 0.000000e+00 : f32
    %max3A_22 = vector.broadcast %max3A : f32 to vector<1000x16xf32>
    %max3A_23 = arith.maximumf %add3A_21, %max3A_22 : vector<1000x16xf32>
    %get3A_24 = arith.constant 0 : index
    %get3A_25 = arith.constant 0 : index
    %get3A_26 = vector.load %arg6[%get3A_24, %get3A_25] : memref<16x32xf32, #tpu.memory_space<vmem>>, vector<16x32xf32>
    %dot_general3A = arith.constant dense<0.000000e+00> : vector<1000x32xf32>
    %dot_general3A_27 = tpu.matmul %max3A_23, %get3A_26, %dot_general3A {dimension_numbers = #tpu.dot_dimension_numbers<[1], [0], [0], [1], [0, 0, 1, 1], [], []>, transpose_lhs_hint = false} : vector<1000x16xf32>, vector<16x32xf32>, vector<1000x32xf32> -> vector<1000x32xf32>
    %mul3A_28 = vector.broadcast %get3A_1 : vector<1000x1xf32> to vector<1000x32xf32>
    %mul3A_29 = arith.mulf %dot_general3A_27, %mul3A_28 : vector<1000x32xf32>
    %swap3A = arith.constant 0 : index
    %swap3A_30 = arith.constant 0 : index
    %swap3A_31 = vector.load %arg7[%swap3A, %swap3A_30] : memref<1000x32xf32, #tpu.memory_space<vmem>>, vector<1000x32xf32>
    tpu.vector_store %arg7[%swap3A, %swap3A_30], %mul3A_29 {strides = array<i32>} : memref<1000x32xf32, #tpu.memory_space<vmem>>, vector<1000x32xf32>,
    return
  }
  func.func @transform_0(%arg0: i32) -> (i32, i32, i32) {
    %c0_i32 = arith.constant 0 : i32
    %c0_i32_0 = arith.constant 0 : i32
    %c0_i32_1 = arith.constant 0 : i32
    return %c0_i32, %arg0, %c0_i32_0 : i32, i32, i32
  }
  func.func @transform_1(%arg0: i32) -> (i32, i32, i32) {
    %c1_i32 = arith.constant 1 : i32
    %c0_i32 = arith.constant 0 : i32
    %c0_i32_0 = arith.constant 0 : i32
    return %c1_i32, %arg0, %c0_i32 : i32, i32, i32
  }
  func.func @transform_2(%arg0: i32) -> (i32, i32) {
    %c0_i32 = arith.constant 0 : i32
    %c0_i32_0 = arith.constant 0 : i32
    return %arg0, %c0_i32 : i32, i32
  }
  func.func @transform_3(%arg0: i32) -> (i32, i32) {
    %c0_i32 = arith.constant 0 : i32
    %c0_i32_0 = arith.constant 0 : i32
    return %arg0, %c0_i32 : i32, i32
  }
  func.func @transform_4(%arg0: i32) -> (i32, i32) {
    %c0_i32 = arith.constant 0 : i32
    %c0_i32_0 = arith.constant 0 : i32
    %c0_i32_1 = arith.constant 0 : i32
    return %c0_i32, %c0_i32_0 : i32, i32
  }
  func.func @transform_5(%arg0: i32) -> (i32, i32) {
    %c0_i32 = arith.constant 0 : i32
    %c0_i32_0 = arith.constant 0 : i32
    %c0_i32_1 = arith.constant 0 : i32
    return %c0_i32, %c0_i32_0 : i32, i32
  }
  func.func @transform_6(%arg0: i32) -> (i32, i32) {
    %c0_i32 = arith.constant 0 : i32
    %c0_i32_0 = arith.constant 0 : i32
    return %arg0, %c0_i32 : i32, i32
  }
}

module attributes {stable_mosaic.version = 14 : i64} {
  func.func @body(%arg0: i32, %arg1: memref<1x1000x32xf32, #tpu.memory_space<vmem>>, %arg2: memref<1x1000x32xf32, #tpu.memory_space<vmem>>, %arg3: memref<1000x32xf32, #tpu.memory_space<vmem>>, %arg4: memref<1000x1xf32, #tpu.memory_space<vmem>>, %arg5: memref<1x32xf32, #tpu.memory_space<vmem>>, %arg6: memref<32x64xf32, #tpu.memory_space<vmem>>, %arg7: memref<1000x32xf32, #tpu.memory_space<vmem>>, %arg8: memref<1000x32xf32, #tpu.memory_space<vmem>>) attributes {dimension_semantics = [#tpu.dimension_semantics<arbitrary>], iteration_bounds = array<i64: 10>, scalar_prefetch = 0 : i64, scratch_operands = 0 : i64, tpu.core_type = #tpu.core_type<tc>, window_params = [{transform_indices = @transform_0, window_bounds = array<i64: 1, 1000, 32>}, {transform_indices = @transform_1, window_bounds = array<i64: 1, 1000, 32>}, {transform_indices = @transform_2, window_bounds = array<i64: 1000, 32>}, {transform_indices = @transform_3, window_bounds = array<i64: 1000, 1>}, {pipeline_mode = #tpu.pipeline_mode<synchronous>, transform_indices = @transform_4, window_bounds = array<i64: 1, 32>}, {pipeline_mode = #tpu.pipeline_mode<synchronous>, transform_indices = @transform_5, window_bounds = array<i64: 32, 64>}, {transform_indices = @transform_6, window_bounds = array<i64: 1000, 32>}, {transform_indices = @transform_7, window_bounds = array<i64: 1000, 32>}]} {
    %get3A = arith.constant 0 : index
    %get3A_0 = arith.constant 0 : index
    %get3A_1 = vector.load %arg4[%get3A, %get3A_0] : memref<1000x1xf32, #tpu.memory_space<vmem>>, vector<1000x1xf32>
    %get3A_2 = arith.constant 0 : index
    %get3A_3 = arith.constant 0 : index
    %get3A_4 = arith.constant 0 : index
    %get3A_5 = vector.load %arg1[%get3A_2, %get3A_3, %get3A_4] : memref<1x1000x32xf32, #tpu.memory_space<vmem>>, vector<1x1000x32xf32>
    %get3A_6 = vector.shape_cast %get3A_5 : vector<1x1000x32xf32> to vector<1000x32xf32>
    %get3A_7 = arith.constant 0 : index
    %get3A_8 = arith.constant 0 : index
    %get3A_9 = arith.constant 0 : index
    %get3A_10 = vector.load %arg2[%get3A_7, %get3A_8, %get3A_9] : memref<1x1000x32xf32, #tpu.memory_space<vmem>>, vector<1x1000x32xf32>
    %get3A_11 = vector.shape_cast %get3A_10 : vector<1x1000x32xf32> to vector<1000x32xf32>
    %add3A = arith.addf %get3A_6, %get3A_11 : vector<1000x32xf32>
    %get3A_12 = arith.constant 0 : index
    %get3A_13 = arith.constant 0 : index
    %get3A_14 = vector.load %arg3[%get3A_12, %get3A_13] : memref<1000x32xf32, #tpu.memory_space<vmem>>, vector<1000x32xf32>
    %add3A_15 = arith.addf %add3A, %get3A_14 : vector<1000x32xf32>
    %mul3A = vector.broadcast %get3A_1 : vector<1000x1xf32> to vector<1000x32xf32>
    %mul3A_16 = arith.mulf %mul3A, %add3A_15 : vector<1000x32xf32>
    %get3A_17 = arith.constant 0 : index
    %get3A_18 = arith.constant 0 : index
    %get3A_19 = vector.load %arg5[%get3A_17, %get3A_18] : memref<1x32xf32, #tpu.memory_space<vmem>>, vector<1x32xf32>
    %add3A_20 = vector.broadcast %get3A_19 : vector<1x32xf32> to vector<1000x32xf32>
    %add3A_21 = arith.addf %mul3A_16, %add3A_20 : vector<1000x32xf32>
    %max3A = arith.constant 0.000000e+00 : f32
    %max3A_22 = vector.broadcast %max3A : f32 to vector<1000x32xf32>
    %max3A_23 = arith.maximumf %add3A_21, %max3A_22 : vector<1000x32xf32>
    %get3A_24 = arith.constant 0 : index
    %get3A_25 = arith.constant 0 : index
    %get3A_26 = vector.load %arg6[%get3A_24, %get3A_25] : memref<32x64xf32, #tpu.memory_space<vmem>>, vector<32x32xf32>
    %dot_general3A = arith.constant dense<0.000000e+00> : vector<1000x32xf32>
    %dot_general3A_27 = tpu.matmul %max3A_23, %get3A_26, %dot_general3A {dimension_numbers = #tpu.dot_dimension_numbers<[1], [0], [0], [1], [0, 0, 1, 1], [], []>, transpose_lhs_hint = false} : vector<1000x32xf32>, vector<32x32xf32>, vector<1000x32xf32> -> vector<1000x32xf32>
    %mul3A_28 = vector.broadcast %get3A_1 : vector<1000x1xf32> to vector<1000x32xf32>
    %mul3A_29 = arith.mulf %dot_general3A_27, %mul3A_28 : vector<1000x32xf32>
    %swap3A = arith.constant 0 : index
    %swap3A_30 = arith.constant 0 : index
    %swap3A_31 = vector.load %arg7[%swap3A, %swap3A_30] : memref<1000x32xf32, #tpu.memory_space<vmem>>, vector<1000x32xf32>
    tpu.vector_store %arg7[%swap3A, %swap3A_30], %mul3A_29 {strides = array<i32>} : memref<1000x32xf32, #tpu.memory_space<vmem>>, vector<1000x32xf32>,
    %get3A_32 = arith.constant 0 : index
    %get3A_33 = arith.constant 32 : index
    %get3A_34 = vector.load %arg6[%get3A_32, %get3A_33] : memref<32x64xf32, #tpu.memory_space<vmem>>, vector<32x32xf32>
    %dot_general3A_35 = arith.constant dense<0.000000e+00> : vector<1000x32xf32>
    %dot_general3A_36 = tpu.matmul %max3A_23, %get3A_34, %dot_general3A_35 {dimension_numbers = #tpu.dot_dimension_numbers<[1], [0], [0], [1], [0, 0, 1, 1], [], []>, transpose_lhs_hint = false} : vector<1000x32xf32>, vector<32x32xf32>, vector<1000x32xf32> -> vector<1000x32xf32>
    %mul3A_37 = vector.broadcast %get3A_1 : vector<1000x1xf32> to vector<1000x32xf32>
    %mul3A_38 = arith.mulf %dot_general3A_36, %mul3A_37 : vector<1000x32xf32>
    %swap3A_39 = arith.constant 0 : index
    %swap3A_40 = arith.constant 0 : index
    %swap3A_41 = vector.load %arg8[%swap3A_39, %swap3A_40] : memref<1000x32xf32, #tpu.memory_space<vmem>>, vector<1000x32xf32>
    tpu.vector_store %arg8[%swap3A_39, %swap3A_40], %mul3A_38 {strides = array<i32>} : memref<1000x32xf32, #tpu.memory_space<vmem>>, vector<1000x32xf32>,
    return
  }
  func.func @transform_0(%arg0: i32) -> (i32, i32, i32) {
    %c0_i32 = arith.constant 0 : i32
    %c0_i32_0 = arith.constant 0 : i32
    %c0_i32_1 = arith.constant 0 : i32
    return %c0_i32, %arg0, %c0_i32_0 : i32, i32, i32
  }
  func.func @transform_1(%arg0: i32) -> (i32, i32, i32) {
    %c1_i32 = arith.constant 1 : i32
    %c0_i32 = arith.constant 0 : i32
    %c0_i32_0 = arith.constant 0 : i32
    return %c1_i32, %arg0, %c0_i32 : i32, i32, i32
  }
  func.func @transform_2(%arg0: i32) -> (i32, i32) {
    %c0_i32 = arith.constant 0 : i32
    %c0_i32_0 = arith.constant 0 : i32
    return %arg0, %c0_i32 : i32, i32
  }
  func.func @transform_3(%arg0: i32) -> (i32, i32) {
    %c0_i32 = arith.constant 0 : i32
    %c0_i32_0 = arith.constant 0 : i32
    return %arg0, %c0_i32 : i32, i32
  }
  func.func @transform_4(%arg0: i32) -> (i32, i32) {
    %c0_i32 = arith.constant 0 : i32
    %c0_i32_0 = arith.constant 0 : i32
    %c0_i32_1 = arith.constant 0 : i32
    return %c0_i32, %c0_i32_0 : i32, i32
  }
  func.func @transform_5(%arg0: i32) -> (i32, i32) {
    %c0_i32 = arith.constant 0 : i32
    %c0_i32_0 = arith.constant 0 : i32
    %c0_i32_1 = arith.constant 0 : i32
    return %c0_i32, %c0_i32_0 : i32, i32
  }
  func.func @transform_6(%arg0: i32) -> (i32, i32) {
    %c0_i32 = arith.constant 0 : i32
    %c0_i32_0 = arith.constant 0 : i32
    return %arg0, %c0_i32 : i32, i32
  }
  func.func @transform_7(%arg0: i32) -> (i32, i32) {
    %c0_i32 = arith.constant 0 : i32
    %c0_i32_0 = arith.constant 0 : i32
    return %arg0, %c0_i32 : i32, i32
  }
}

module attributes {stable_mosaic.version = 14 : i64} {
  func.func @body(%arg0: i32, %arg1: memref<1x1000x32xf32, #tpu.memory_space<vmem>>, %arg2: memref<1x1000x32xf32, #tpu.memory_space<vmem>>, %arg3: memref<1x1000x32xf32, #tpu.memory_space<vmem>>, %arg4: memref<1x1000x32xf32, #tpu.memory_space<vmem>>, %arg5: memref<1000x32xf32, #tpu.memory_space<vmem>>, %arg6: memref<1000x32xf32, #tpu.memory_space<vmem>>, %arg7: memref<1000x1xf32, #tpu.memory_space<vmem>>, %arg8: memref<1x64xf32, #tpu.memory_space<vmem>>, %arg9: memref<64x16xf32, #tpu.memory_space<vmem>>, %arg10: memref<1000x16xf32, #tpu.memory_space<vmem>>) attributes {dimension_semantics = [#tpu.dimension_semantics<arbitrary>], iteration_bounds = array<i64: 10>, scalar_prefetch = 0 : i64, scratch_operands = 0 : i64, tpu.core_type = #tpu.core_type<tc>, window_params = [{transform_indices = @transform_0, window_bounds = array<i64: 1, 1000, 32>}, {transform_indices = @transform_1, window_bounds = array<i64: 1, 1000, 32>}, {transform_indices = @transform_2, window_bounds = array<i64: 1, 1000, 32>}, {transform_indices = @transform_3, window_bounds = array<i64: 1, 1000, 32>}, {transform_indices = @transform_4, window_bounds = array<i64: 1000, 32>}, {transform_indices = @transform_5, window_bounds = array<i64: 1000, 32>}, {transform_indices = @transform_6, window_bounds = array<i64: 1000, 1>}, {pipeline_mode = #tpu.pipeline_mode<synchronous>, transform_indices = @transform_7, window_bounds = array<i64: 1, 64>}, {pipeline_mode = #tpu.pipeline_mode<synchronous>, transform_indices = @transform_8, window_bounds = array<i64: 64, 16>}, {transform_indices = @transform_9, window_bounds = array<i64: 1000, 16>}]} {
    %get3A = arith.constant 0 : index
    %get3A_0 = arith.constant 0 : index
    %get3A_1 = vector.load %arg7[%get3A, %get3A_0] : memref<1000x1xf32, #tpu.memory_space<vmem>>, vector<1000x1xf32>
    %get3A_2 = arith.constant 0 : index
    %get3A_3 = arith.constant 0 : index
    %get3A_4 = arith.constant 0 : index
    %get3A_5 = vector.load %arg1[%get3A_2, %get3A_3, %get3A_4] : memref<1x1000x32xf32, #tpu.memory_space<vmem>>, vector<1x1000x32xf32>
    %get3A_6 = vector.shape_cast %get3A_5 : vector<1x1000x32xf32> to vector<1000x32xf32>
    %get3A_7 = arith.constant 0 : index
    %get3A_8 = arith.constant 0 : index
    %get3A_9 = arith.constant 0 : index
    %get3A_10 = vector.load %arg2[%get3A_7, %get3A_8, %get3A_9] : memref<1x1000x32xf32, #tpu.memory_space<vmem>>, vector<1x1000x32xf32>
    %get3A_11 = vector.shape_cast %get3A_10 : vector<1x1000x32xf32> to vector<1000x32xf32>
    %add3A = arith.addf %get3A_6, %get3A_11 : vector<1000x32xf32>
    %get3A_12 = arith.constant 0 : index
    %get3A_13 = arith.constant 0 : index
    %get3A_14 = vector.load %arg5[%get3A_12, %get3A_13] : memref<1000x32xf32, #tpu.memory_space<vmem>>, vector<1000x32xf32>
    %add3A_15 = arith.addf %add3A, %get3A_14 : vector<1000x32xf32>
    %mul3A = vector.broadcast %get3A_1 : vector<1000x1xf32> to vector<1000x32xf32>
    %mul3A_16 = arith.mulf %mul3A, %add3A_15 : vector<1000x32xf32>
    %get3A_17 = arith.constant 0 : index
    %get3A_18 = arith.constant 0 : index
    %get3A_19 = vector.load %arg8[%get3A_17, %get3A_18] : memref<1x64xf32, #tpu.memory_space<vmem>>, vector<1x32xf32>
    %add3A_20 = vector.broadcast %get3A_19 : vector<1x32xf32> to vector<1000x32xf32>
    %add3A_21 = arith.addf %mul3A_16, %add3A_20 : vector<1000x32xf32>
    %get3A_22 = arith.constant 0 : index
    %get3A_23 = arith.constant 0 : index
    %get3A_24 = arith.constant 0 : index
    %get3A_25 = vector.load %arg3[%get3A_22, %get3A_23, %get3A_24] : memref<1x1000x32xf32, #tpu.memory_space<vmem>>, vector<1x1000x32xf32>
    %get3A_26 = vector.shape_cast %get3A_25 : vector<1x1000x32xf32> to vector<1000x32xf32>
    %get3A_27 = arith.constant 0 : index
    %get3A_28 = arith.constant 0 : index
    %get3A_29 = arith.constant 0 : index
    %get3A_30 = vector.load %arg4[%get3A_27, %get3A_28, %get3A_29] : memref<1x1000x32xf32, #tpu.memory_space<vmem>>, vector<1x1000x32xf32>
    %get3A_31 = vector.shape_cast %get3A_30 : vector<1x1000x32xf32> to vector<1000x32xf32>
    %add3A_32 = arith.addf %get3A_26, %get3A_31 : vector<1000x32xf32>
    %get3A_33 = arith.constant 0 : index
    %get3A_34 = arith.constant 0 : index
    %get3A_35 = vector.load %arg6[%get3A_33, %get3A_34] : memref<1000x32xf32, #tpu.memory_space<vmem>>, vector<1000x32xf32>
    %add3A_36 = arith.addf %add3A_32, %get3A_35 : vector<1000x32xf32>
    %mul3A_37 = vector.broadcast %get3A_1 : vector<1000x1xf32> to vector<1000x32xf32>
    %mul3A_38 = arith.mulf %mul3A_37, %add3A_36 : vector<1000x32xf32>
    %get3A_39 = arith.constant 0 : index
    %get3A_40 = arith.constant 32 : index
    %get3A_41 = vector.load %arg8[%get3A_39, %get3A_40] : memref<1x64xf32, #tpu.memory_space<vmem>>, vector<1x32xf32>
    %add3A_42 = vector.broadcast %get3A_41 : vector<1x32xf32> to vector<1000x32xf32>
    %add3A_43 = arith.addf %mul3A_38, %add3A_42 : vector<1000x32xf32>
    %concatenate3A = tpu.concatenate %add3A_21, %add3A_43 in 1 : vector<1000x32xf32>, vector<1000x32xf32> -> vector<1000x64xf32>
    %max3A = arith.constant 0.000000e+00 : f32
    %max3A_44 = vector.broadcast %max3A : f32 to vector<1000x64xf32>
    %max3A_45 = arith.maximumf %concatenate3A, %max3A_44 : vector<1000x64xf32>
    %get3A_46 = arith.constant 0 : index
    %get3A_47 = arith.constant 0 : index
    %get3A_48 = vector.load %arg9[%get3A_46, %get3A_47] : memref<64x16xf32, #tpu.memory_space<vmem>>, vector<64x16xf32>
    %dot_general3A = arith.constant dense<0.000000e+00> : vector<1000x16xf32>
    %dot_general3A_49 = tpu.matmul %max3A_45, %get3A_48, %dot_general3A {dimension_numbers = #tpu.dot_dimension_numbers<[1], [0], [0], [1], [0, 0, 1, 1], [], []>, transpose_lhs_hint = false} : vector<1000x64xf32>, vector<64x16xf32>, vector<1000x16xf32> -> vector<1000x16xf32>
    %mul3A_50 = vector.broadcast %get3A_1 : vector<1000x1xf32> to vector<1000x16xf32>
    %mul3A_51 = arith.mulf %dot_general3A_49, %mul3A_50 : vector<1000x16xf32>
    %swap3A = arith.constant 0 : index
    %swap3A_52 = arith.constant 0 : index
    %swap3A_53 = vector.load %arg10[%swap3A, %swap3A_52] : memref<1000x16xf32, #tpu.memory_space<vmem>>, vector<1000x16xf32>
    tpu.vector_store %arg10[%swap3A, %swap3A_52], %mul3A_51 {strides = array<i32>} : memref<1000x16xf32, #tpu.memory_space<vmem>>, vector<1000x16xf32>,
    return
  }
  func.func @transform_0(%arg0: i32) -> (i32, i32, i32) {
    %c0_i32 = arith.constant 0 : i32
    %c0_i32_0 = arith.constant 0 : i32
    %c0_i32_1 = arith.constant 0 : i32
    return %c0_i32, %arg0, %c0_i32_0 : i32, i32, i32
  }
  func.func @transform_1(%arg0: i32) -> (i32, i32, i32) {
    %c1_i32 = arith.constant 1 : i32
    %c0_i32 = arith.constant 0 : i32
    %c0_i32_0 = arith.constant 0 : i32
    return %c1_i32, %arg0, %c0_i32 : i32, i32, i32
  }
  func.func @transform_2(%arg0: i32) -> (i32, i32, i32) {
    %c0_i32 = arith.constant 0 : i32
    %c0_i32_0 = arith.constant 0 : i32
    %c0_i32_1 = arith.constant 0 : i32
    return %c0_i32, %arg0, %c0_i32_0 : i32, i32, i32
  }
  func.func @transform_3(%arg0: i32) -> (i32, i32, i32) {
    %c1_i32 = arith.constant 1 : i32
    %c0_i32 = arith.constant 0 : i32
    %c0_i32_0 = arith.constant 0 : i32
    return %c1_i32, %arg0, %c0_i32 : i32, i32, i32
  }
  func.func @transform_4(%arg0: i32) -> (i32, i32) {
    %c0_i32 = arith.constant 0 : i32
    %c0_i32_0 = arith.constant 0 : i32
    return %arg0, %c0_i32 : i32, i32
  }
  func.func @transform_5(%arg0: i32) -> (i32, i32) {
    %c0_i32 = arith.constant 0 : i32
    %c0_i32_0 = arith.constant 0 : i32
    return %arg0, %c0_i32 : i32, i32
  }
  func.func @transform_6(%arg0: i32) -> (i32, i32) {
    %c0_i32 = arith.constant 0 : i32
    %c0_i32_0 = arith.constant 0 : i32
    return %arg0, %c0_i32 : i32, i32
  }
  func.func @transform_7(%arg0: i32) -> (i32, i32) {
    %c0_i32 = arith.constant 0 : i32
    %c0_i32_0 = arith.constant 0 : i32
    %c0_i32_1 = arith.constant 0 : i32
    return %c0_i32, %c0_i32_0 : i32, i32
  }
  func.func @transform_8(%arg0: i32) -> (i32, i32) {
    %c0_i32 = arith.constant 0 : i32
    %c0_i32_0 = arith.constant 0 : i32
    %c0_i32_1 = arith.constant 0 : i32
    return %c0_i32, %c0_i32_0 : i32, i32
  }
  func.func @transform_9(%arg0: i32) -> (i32, i32) {
    %c0_i32 = arith.constant 0 : i32
    %c0_i32_0 = arith.constant 0 : i32
    return %arg0, %c0_i32 : i32, i32
  }
}

module attributes {stable_mosaic.version = 14 : i64} {
  func.func @body(%arg0: i32, %arg1: memref<1x1000x16xf32, #tpu.memory_space<vmem>>, %arg2: memref<1x1000x16xf32, #tpu.memory_space<vmem>>, %arg3: memref<1000x16xf32, #tpu.memory_space<vmem>>, %arg4: memref<1000x1xf32, #tpu.memory_space<vmem>>, %arg5: memref<1x16xf32, #tpu.memory_space<vmem>>, %arg6: memref<1000x1xi32, #tpu.memory_space<vmem>>, %arg7: memref<64x10xf32, #tpu.memory_space<vmem>>, %arg8: memref<16x64xf32, #tpu.memory_space<vmem>>) attributes {dimension_semantics = [#tpu.dimension_semantics<arbitrary>], iteration_bounds = array<i64: 10>, scalar_prefetch = 0 : i64, scratch_operands = 1 : i64, tpu.core_type = #tpu.core_type<tc>, window_params = [{transform_indices = @transform_0, window_bounds = array<i64: 1, 1000, 16>}, {transform_indices = @transform_1, window_bounds = array<i64: 1, 1000, 16>}, {transform_indices = @transform_2, window_bounds = array<i64: 1000, 16>}, {transform_indices = @transform_3, window_bounds = array<i64: 1000, 1>}, {pipeline_mode = #tpu.pipeline_mode<synchronous>, transform_indices = @transform_4, window_bounds = array<i64: 1, 16>}, {transform_indices = @transform_5, window_bounds = array<i64: 1000, 1>}, {pipeline_mode = #tpu.pipeline_mode<synchronous>, transform_indices = @transform_6, window_bounds = array<i64: 64, 10>}]} {
    %eq3A = arith.constant 0 : i32
    %eq3A_0 = arith.cmpi eq, %arg0, %eq3A : i32
    %convert_element_type3A = arith.extui %eq3A_0 : i1 to i32
    %cond3A = arith.constant 0 : i32
    %cond3A_1 = arith.cmpi ne, %convert_element_type3A, %cond3A : i32
    scf.if %cond3A_1 {
      %broadcast_in_dim3A_324 = arith.constant 0xFF800000 : f32
      %broadcast_in_dim3A_325 = vector.broadcast %broadcast_in_dim3A_324 : f32 to vector<16x64xf32>
      %swap3A_326 = arith.constant 0 : index
      %swap3A_327 = arith.constant 0 : index
      %swap3A_328 = vector.load %arg8[%swap3A_326, %swap3A_327] : memref<16x64xf32, #tpu.memory_space<vmem>>, vector<16x64xf32>
      tpu.vector_store %arg8[%swap3A_326, %swap3A_327], %broadcast_in_dim3A_325 {strides = array<i32>} : memref<16x64xf32, #tpu.memory_space<vmem>>, vector<16x64xf32>,
    } else {
    }
    %get3A = arith.constant 0 : index
    %get3A_2 = arith.constant 0 : index
    %get3A_3 = vector.load %arg4[%get3A, %get3A_2] : memref<1000x1xf32, #tpu.memory_space<vmem>>, vector<1000x1xf32>
    %get3A_4 = arith.constant 0 : index
    %get3A_5 = arith.constant 0 : index
    %get3A_6 = arith.constant 0 : index
    %get3A_7 = vector.load %arg1[%get3A_4, %get3A_5, %get3A_6] : memref<1x1000x16xf32, #tpu.memory_space<vmem>>, vector<1x1000x16xf32>
    %get3A_8 = vector.shape_cast %get3A_7 : vector<1x1000x16xf32> to vector<1000x16xf32>
    %get3A_9 = arith.constant 0 : index
    %get3A_10 = arith.constant 0 : index
    %get3A_11 = arith.constant 0 : index
    %get3A_12 = vector.load %arg2[%get3A_9, %get3A_10, %get3A_11] : memref<1x1000x16xf32, #tpu.memory_space<vmem>>, vector<1x1000x16xf32>
    %get3A_13 = vector.shape_cast %get3A_12 : vector<1x1000x16xf32> to vector<1000x16xf32>
    %add3A = arith.addf %get3A_8, %get3A_13 : vector<1000x16xf32>
    %get3A_14 = arith.constant 0 : index
    %get3A_15 = arith.constant 0 : index
    %get3A_16 = vector.load %arg3[%get3A_14, %get3A_15] : memref<1000x16xf32, #tpu.memory_space<vmem>>, vector<1000x16xf32>
    %add3A_17 = arith.addf %add3A, %get3A_16 : vector<1000x16xf32>
    %mul3A = vector.broadcast %get3A_3 : vector<1000x1xf32> to vector<1000x16xf32>
    %mul3A_18 = arith.mulf %mul3A, %add3A_17 : vector<1000x16xf32>
    %get3A_19 = arith.constant 0 : index
    %get3A_20 = arith.constant 0 : index
    %get3A_21 = vector.load %arg5[%get3A_19, %get3A_20] : memref<1x16xf32, #tpu.memory_space<vmem>>, vector<1x16xf32>
    %add3A_22 = vector.broadcast %get3A_21 : vector<1x16xf32> to vector<1000x16xf32>
    %add3A_23 = arith.addf %mul3A_18, %add3A_22 : vector<1000x16xf32>
    %mul3A_24 = arith.constant 1000 : i32
    %mul3A_25 = arith.muli %arg0, %mul3A_24 : i32
    %iota3A = tpu.iota {dimensions = array<i32: 0>} : vector<1000x1xi32>
    %add3A_26 = vector.broadcast %mul3A_25 : i32 to vector<1000x1xi32>
    %add3A_27 = arith.addi %add3A_26, %iota3A : vector<1000x1xi32>
    %get3A_28 = arith.constant 0 : index
    %get3A_29 = arith.constant 0 : index
    %get3A_30 = vector.load %arg6[%get3A_28, %get3A_29] : memref<1000x1xi32, #tpu.memory_space<vmem>>, vector<1000x1xi32>
    %iota3A_31 = tpu.iota {dimensions = array<i32: 1>} : vector<1x64xi32>
    %eq3A_32 = vector.broadcast %get3A_30 : vector<1000x1xi32> to vector<1000x64xi32>
    %eq3A_33 = vector.broadcast %iota3A_31 : vector<1x64xi32> to vector<1000x64xi32>
    %eq3A_34 = arith.cmpi eq, %eq3A_32, %eq3A_33 : vector<1000x64xi32>
    %lt3A = arith.constant 10000 : i32
    %lt3A_35 = vector.broadcast %lt3A : i32 to vector<1000x1xi32>
    %lt3A_36 = arith.cmpi slt, %add3A_27, %lt3A_35 : vector<1000x1xi32>
    %and3A = vector.broadcast %lt3A_36 : vector<1000x1xi1> to vector<1000x64xi1>
    %and3A_37 = arith.andi %eq3A_34, %and3A : vector<1000x64xi1>
    %slice3A = vector.extract_strided_slice %add3A_23 {offsets = [0, 0], sizes = [1000, 1], strides = [1, 1]} : vector<1000x16xf32> to vector<1000x1xf32>
    %jit3A = arith.constant 0xFF800000 : f32
    %broadcast_in_dim3A = vector.shape_cast %slice3A : vector<1000x1xf32> to vector<1000x1xf32>
    %broadcast_in_dim3A_38 = vector.broadcast %broadcast_in_dim3A : vector<1000x1xf32> to vector<1000x64xf32>
    %broadcast_in_dim3A_39 = vector.broadcast %jit3A : f32 to vector<1000x64xf32>
    %select_n3A = arith.select %and3A_37, %broadcast_in_dim3A_38, %broadcast_in_dim3A_39 : vector<1000x64xi1>, vector<1000x64xf32>
    %reduce_max3A = arith.constant dense<0xFF800000> : vector<64xf32>
    %reduce_max3A_40 = vector.multi_reduction <maximumf>, %select_n3A, %reduce_max3A [0] : vector<1000x64xf32> to vector<64xf32>
    %get3A_41 = arith.constant 0 : index
    %get3A_42 = arith.constant 0 : index
    %get3A_43 = vector.load %arg8[%get3A_41, %get3A_42] : memref<16x64xf32, #tpu.memory_space<vmem>>, vector<1x64xf32>
    %get3A_44 = vector.shape_cast %get3A_43 : vector<1x64xf32> to vector<64xf32>
    %max3A = arith.maximumf %get3A_44, %reduce_max3A_40 : vector<64xf32>
    %swap3A = arith.constant 0 : index
    %swap3A_45 = arith.constant 0 : index
    %swap3A_46 = vector.load %arg8[%swap3A, %swap3A_45] : memref<16x64xf32, #tpu.memory_space<vmem>>, vector<1x64xf32>
    %swap3A_47 = vector.shape_cast %swap3A_46 : vector<1x64xf32> to vector<64xf32>
    %swap3A_48 = vector.shape_cast %max3A : vector<64xf32> to vector<1x64xf32>
    tpu.vector_store %arg8[%swap3A, %swap3A_45], %swap3A_48 {strides = array<i32>} : memref<16x64xf32, #tpu.memory_space<vmem>>, vector<1x64xf32>,
    %slice3A_49 = vector.extract_strided_slice %add3A_23 {offsets = [0, 1], sizes = [1000, 1], strides = [1, 1]} : vector<1000x16xf32> to vector<1000x1xf32>
    %jit3A_50 = arith.constant 0xFF800000 : f32
    %broadcast_in_dim3A_51 = vector.shape_cast %slice3A_49 : vector<1000x1xf32> to vector<1000x1xf32>
    %broadcast_in_dim3A_52 = vector.broadcast %broadcast_in_dim3A_51 : vector<1000x1xf32> to vector<1000x64xf32>
    %broadcast_in_dim3A_53 = vector.broadcast %jit3A_50 : f32 to vector<1000x64xf32>
    %select_n3A_54 = arith.select %and3A_37, %broadcast_in_dim3A_52, %broadcast_in_dim3A_53 : vector<1000x64xi1>, vector<1000x64xf32>
    %reduce_max3A_55 = arith.constant dense<0xFF800000> : vector<64xf32>
    %reduce_max3A_56 = vector.multi_reduction <maximumf>, %select_n3A_54, %reduce_max3A_55 [0] : vector<1000x64xf32> to vector<64xf32>
    %get3A_57 = arith.constant 1 : index
    %get3A_58 = arith.constant 0 : index
    %get3A_59 = vector.load %arg8[%get3A_57, %get3A_58] : memref<16x64xf32, #tpu.memory_space<vmem>>, vector<1x64xf32>
    %get3A_60 = vector.shape_cast %get3A_59 : vector<1x64xf32> to vector<64xf32>
    %max3A_61 = arith.maximumf %get3A_60, %reduce_max3A_56 : vector<64xf32>
    %swap3A_62 = arith.constant 1 : index
    %swap3A_63 = arith.constant 0 : index
    %swap3A_64 = vector.load %arg8[%swap3A_62, %swap3A_63] : memref<16x64xf32, #tpu.memory_space<vmem>>, vector<1x64xf32>
    %swap3A_65 = vector.shape_cast %swap3A_64 : vector<1x64xf32> to vector<64xf32>
    %swap3A_66 = vector.shape_cast %max3A_61 : vector<64xf32> to vector<1x64xf32>
    tpu.vector_store %arg8[%swap3A_62, %swap3A_63], %swap3A_66 {strides = array<i32>} : memref<16x64xf32, #tpu.memory_space<vmem>>, vector<1x64xf32>,
    %slice3A_67 = vector.extract_strided_slice %add3A_23 {offsets = [0, 2], sizes = [1000, 1], strides = [1, 1]} : vector<1000x16xf32> to vector<1000x1xf32>
    %jit3A_68 = arith.constant 0xFF800000 : f32
    %broadcast_in_dim3A_69 = vector.shape_cast %slice3A_67 : vector<1000x1xf32> to vector<1000x1xf32>
    %broadcast_in_dim3A_70 = vector.broadcast %broadcast_in_dim3A_69 : vector<1000x1xf32> to vector<1000x64xf32>
    %broadcast_in_dim3A_71 = vector.broadcast %jit3A_68 : f32 to vector<1000x64xf32>
    %select_n3A_72 = arith.select %and3A_37, %broadcast_in_dim3A_70, %broadcast_in_dim3A_71 : vector<1000x64xi1>, vector<1000x64xf32>
    %reduce_max3A_73 = arith.constant dense<0xFF800000> : vector<64xf32>
    %reduce_max3A_74 = vector.multi_reduction <maximumf>, %select_n3A_72, %reduce_max3A_73 [0] : vector<1000x64xf32> to vector<64xf32>
    %get3A_75 = arith.constant 2 : index
    %get3A_76 = arith.constant 0 : index
    %get3A_77 = vector.load %arg8[%get3A_75, %get3A_76] : memref<16x64xf32, #tpu.memory_space<vmem>>, vector<1x64xf32>
    %get3A_78 = vector.shape_cast %get3A_77 : vector<1x64xf32> to vector<64xf32>
    %max3A_79 = arith.maximumf %get3A_78, %reduce_max3A_74 : vector<64xf32>
    %swap3A_80 = arith.constant 2 : index
    %swap3A_81 = arith.constant 0 : index
    %swap3A_82 = vector.load %arg8[%swap3A_80, %swap3A_81] : memref<16x64xf32, #tpu.memory_space<vmem>>, vector<1x64xf32>
    %swap3A_83 = vector.shape_cast %swap3A_82 : vector<1x64xf32> to vector<64xf32>
    %swap3A_84 = vector.shape_cast %max3A_79 : vector<64xf32> to vector<1x64xf32>
    tpu.vector_store %arg8[%swap3A_80, %swap3A_81], %swap3A_84 {strides = array<i32>} : memref<16x64xf32, #tpu.memory_space<vmem>>, vector<1x64xf32>,
    %slice3A_85 = vector.extract_strided_slice %add3A_23 {offsets = [0, 3], sizes = [1000, 1], strides = [1, 1]} : vector<1000x16xf32> to vector<1000x1xf32>
    %jit3A_86 = arith.constant 0xFF800000 : f32
    %broadcast_in_dim3A_87 = vector.shape_cast %slice3A_85 : vector<1000x1xf32> to vector<1000x1xf32>
    %broadcast_in_dim3A_88 = vector.broadcast %broadcast_in_dim3A_87 : vector<1000x1xf32> to vector<1000x64xf32>
    %broadcast_in_dim3A_89 = vector.broadcast %jit3A_86 : f32 to vector<1000x64xf32>
    %select_n3A_90 = arith.select %and3A_37, %broadcast_in_dim3A_88, %broadcast_in_dim3A_89 : vector<1000x64xi1>, vector<1000x64xf32>
    %reduce_max3A_91 = arith.constant dense<0xFF800000> : vector<64xf32>
    %reduce_max3A_92 = vector.multi_reduction <maximumf>, %select_n3A_90, %reduce_max3A_91 [0] : vector<1000x64xf32> to vector<64xf32>
    %get3A_93 = arith.constant 3 : index
    %get3A_94 = arith.constant 0 : index
    %get3A_95 = vector.load %arg8[%get3A_93, %get3A_94] : memref<16x64xf32, #tpu.memory_space<vmem>>, vector<1x64xf32>
    %get3A_96 = vector.shape_cast %get3A_95 : vector<1x64xf32> to vector<64xf32>
    %max3A_97 = arith.maximumf %get3A_96, %reduce_max3A_92 : vector<64xf32>
    %swap3A_98 = arith.constant 3 : index
    %swap3A_99 = arith.constant 0 : index
    %swap3A_100 = vector.load %arg8[%swap3A_98, %swap3A_99] : memref<16x64xf32, #tpu.memory_space<vmem>>, vector<1x64xf32>
    %swap3A_101 = vector.shape_cast %swap3A_100 : vector<1x64xf32> to vector<64xf32>
    %swap3A_102 = vector.shape_cast %max3A_97 : vector<64xf32> to vector<1x64xf32>
    tpu.vector_store %arg8[%swap3A_98, %swap3A_99], %swap3A_102 {strides = array<i32>} : memref<16x64xf32, #tpu.memory_space<vmem>>, vector<1x64xf32>,
    %slice3A_103 = vector.extract_strided_slice %add3A_23 {offsets = [0, 4], sizes = [1000, 1], strides = [1, 1]} : vector<1000x16xf32> to vector<1000x1xf32>
    %jit3A_104 = arith.constant 0xFF800000 : f32
    %broadcast_in_dim3A_105 = vector.shape_cast %slice3A_103 : vector<1000x1xf32> to vector<1000x1xf32>
    %broadcast_in_dim3A_106 = vector.broadcast %broadcast_in_dim3A_105 : vector<1000x1xf32> to vector<1000x64xf32>
    %broadcast_in_dim3A_107 = vector.broadcast %jit3A_104 : f32 to vector<1000x64xf32>
    %select_n3A_108 = arith.select %and3A_37, %broadcast_in_dim3A_106, %broadcast_in_dim3A_107 : vector<1000x64xi1>, vector<1000x64xf32>
    %reduce_max3A_109 = arith.constant dense<0xFF800000> : vector<64xf32>
    %reduce_max3A_110 = vector.multi_reduction <maximumf>, %select_n3A_108, %reduce_max3A_109 [0] : vector<1000x64xf32> to vector<64xf32>
    %get3A_111 = arith.constant 4 : index
    %get3A_112 = arith.constant 0 : index
    %get3A_113 = vector.load %arg8[%get3A_111, %get3A_112] : memref<16x64xf32, #tpu.memory_space<vmem>>, vector<1x64xf32>
    %get3A_114 = vector.shape_cast %get3A_113 : vector<1x64xf32> to vector<64xf32>
    %max3A_115 = arith.maximumf %get3A_114, %reduce_max3A_110 : vector<64xf32>
    %swap3A_116 = arith.constant 4 : index
    %swap3A_117 = arith.constant 0 : index
    %swap3A_118 = vector.load %arg8[%swap3A_116, %swap3A_117] : memref<16x64xf32, #tpu.memory_space<vmem>>, vector<1x64xf32>
    %swap3A_119 = vector.shape_cast %swap3A_118 : vector<1x64xf32> to vector<64xf32>
    %swap3A_120 = vector.shape_cast %max3A_115 : vector<64xf32> to vector<1x64xf32>
    tpu.vector_store %arg8[%swap3A_116, %swap3A_117], %swap3A_120 {strides = array<i32>} : memref<16x64xf32, #tpu.memory_space<vmem>>, vector<1x64xf32>,
    %slice3A_121 = vector.extract_strided_slice %add3A_23 {offsets = [0, 5], sizes = [1000, 1], strides = [1, 1]} : vector<1000x16xf32> to vector<1000x1xf32>
    %jit3A_122 = arith.constant 0xFF800000 : f32
    %broadcast_in_dim3A_123 = vector.shape_cast %slice3A_121 : vector<1000x1xf32> to vector<1000x1xf32>
    %broadcast_in_dim3A_124 = vector.broadcast %broadcast_in_dim3A_123 : vector<1000x1xf32> to vector<1000x64xf32>
    %broadcast_in_dim3A_125 = vector.broadcast %jit3A_122 : f32 to vector<1000x64xf32>
    %select_n3A_126 = arith.select %and3A_37, %broadcast_in_dim3A_124, %broadcast_in_dim3A_125 : vector<1000x64xi1>, vector<1000x64xf32>
    %reduce_max3A_127 = arith.constant dense<0xFF800000> : vector<64xf32>
    %reduce_max3A_128 = vector.multi_reduction <maximumf>, %select_n3A_126, %reduce_max3A_127 [0] : vector<1000x64xf32> to vector<64xf32>
    %get3A_129 = arith.constant 5 : index
    %get3A_130 = arith.constant 0 : index
    %get3A_131 = vector.load %arg8[%get3A_129, %get3A_130] : memref<16x64xf32, #tpu.memory_space<vmem>>, vector<1x64xf32>
    %get3A_132 = vector.shape_cast %get3A_131 : vector<1x64xf32> to vector<64xf32>
    %max3A_133 = arith.maximumf %get3A_132, %reduce_max3A_128 : vector<64xf32>
    %swap3A_134 = arith.constant 5 : index
    %swap3A_135 = arith.constant 0 : index
    %swap3A_136 = vector.load %arg8[%swap3A_134, %swap3A_135] : memref<16x64xf32, #tpu.memory_space<vmem>>, vector<1x64xf32>
    %swap3A_137 = vector.shape_cast %swap3A_136 : vector<1x64xf32> to vector<64xf32>
    %swap3A_138 = vector.shape_cast %max3A_133 : vector<64xf32> to vector<1x64xf32>
    tpu.vector_store %arg8[%swap3A_134, %swap3A_135], %swap3A_138 {strides = array<i32>} : memref<16x64xf32, #tpu.memory_space<vmem>>, vector<1x64xf32>,
    %slice3A_139 = vector.extract_strided_slice %add3A_23 {offsets = [0, 6], sizes = [1000, 1], strides = [1, 1]} : vector<1000x16xf32> to vector<1000x1xf32>
    %jit3A_140 = arith.constant 0xFF800000 : f32
    %broadcast_in_dim3A_141 = vector.shape_cast %slice3A_139 : vector<1000x1xf32> to vector<1000x1xf32>
    %broadcast_in_dim3A_142 = vector.broadcast %broadcast_in_dim3A_141 : vector<1000x1xf32> to vector<1000x64xf32>
    %broadcast_in_dim3A_143 = vector.broadcast %jit3A_140 : f32 to vector<1000x64xf32>
    %select_n3A_144 = arith.select %and3A_37, %broadcast_in_dim3A_142, %broadcast_in_dim3A_143 : vector<1000x64xi1>, vector<1000x64xf32>
    %reduce_max3A_145 = arith.constant dense<0xFF800000> : vector<64xf32>
    %reduce_max3A_146 = vector.multi_reduction <maximumf>, %select_n3A_144, %reduce_max3A_145 [0] : vector<1000x64xf32> to vector<64xf32>
    %get3A_147 = arith.constant 6 : index
    %get3A_148 = arith.constant 0 : index
    %get3A_149 = vector.load %arg8[%get3A_147, %get3A_148] : memref<16x64xf32, #tpu.memory_space<vmem>>, vector<1x64xf32>
    %get3A_150 = vector.shape_cast %get3A_149 : vector<1x64xf32> to vector<64xf32>
    %max3A_151 = arith.maximumf %get3A_150, %reduce_max3A_146 : vector<64xf32>
    %swap3A_152 = arith.constant 6 : index
    %swap3A_153 = arith.constant 0 : index
    %swap3A_154 = vector.load %arg8[%swap3A_152, %swap3A_153] : memref<16x64xf32, #tpu.memory_space<vmem>>, vector<1x64xf32>
    %swap3A_155 = vector.shape_cast %swap3A_154 : vector<1x64xf32> to vector<64xf32>
    %swap3A_156 = vector.shape_cast %max3A_151 : vector<64xf32> to vector<1x64xf32>
    tpu.vector_store %arg8[%swap3A_152, %swap3A_153], %swap3A_156 {strides = array<i32>} : memref<16x64xf32, #tpu.memory_space<vmem>>, vector<1x64xf32>,
    %slice3A_157 = vector.extract_strided_slice %add3A_23 {offsets = [0, 7], sizes = [1000, 1], strides = [1, 1]} : vector<1000x16xf32> to vector<1000x1xf32>
    %jit3A_158 = arith.constant 0xFF800000 : f32
    %broadcast_in_dim3A_159 = vector.shape_cast %slice3A_157 : vector<1000x1xf32> to vector<1000x1xf32>
    %broadcast_in_dim3A_160 = vector.broadcast %broadcast_in_dim3A_159 : vector<1000x1xf32> to vector<1000x64xf32>
    %broadcast_in_dim3A_161 = vector.broadcast %jit3A_158 : f32 to vector<1000x64xf32>
    %select_n3A_162 = arith.select %and3A_37, %broadcast_in_dim3A_160, %broadcast_in_dim3A_161 : vector<1000x64xi1>, vector<1000x64xf32>
    %reduce_max3A_163 = arith.constant dense<0xFF800000> : vector<64xf32>
    %reduce_max3A_164 = vector.multi_reduction <maximumf>, %select_n3A_162, %reduce_max3A_163 [0] : vector<1000x64xf32> to vector<64xf32>
    %get3A_165 = arith.constant 7 : index
    %get3A_166 = arith.constant 0 : index
    %get3A_167 = vector.load %arg8[%get3A_165, %get3A_166] : memref<16x64xf32, #tpu.memory_space<vmem>>, vector<1x64xf32>
    %get3A_168 = vector.shape_cast %get3A_167 : vector<1x64xf32> to vector<64xf32>
    %max3A_169 = arith.maximumf %get3A_168, %reduce_max3A_164 : vector<64xf32>
    %swap3A_170 = arith.constant 7 : index
    %swap3A_171 = arith.constant 0 : index
    %swap3A_172 = vector.load %arg8[%swap3A_170, %swap3A_171] : memref<16x64xf32, #tpu.memory_space<vmem>>, vector<1x64xf32>
    %swap3A_173 = vector.shape_cast %swap3A_172 : vector<1x64xf32> to vector<64xf32>
    %swap3A_174 = vector.shape_cast %max3A_169 : vector<64xf32> to vector<1x64xf32>
    tpu.vector_store %arg8[%swap3A_170, %swap3A_171], %swap3A_174 {strides = array<i32>} : memref<16x64xf32, #tpu.memory_space<vmem>>, vector<1x64xf32>,
    %slice3A_175 = vector.extract_strided_slice %add3A_23 {offsets = [0, 8], sizes = [1000, 1], strides = [1, 1]} : vector<1000x16xf32> to vector<1000x1xf32>
    %jit3A_176 = arith.constant 0xFF800000 : f32
    %broadcast_in_dim3A_177 = vector.shape_cast %slice3A_175 : vector<1000x1xf32> to vector<1000x1xf32>
    %broadcast_in_dim3A_178 = vector.broadcast %broadcast_in_dim3A_177 : vector<1000x1xf32> to vector<1000x64xf32>
    %broadcast_in_dim3A_179 = vector.broadcast %jit3A_176 : f32 to vector<1000x64xf32>
    %select_n3A_180 = arith.select %and3A_37, %broadcast_in_dim3A_178, %broadcast_in_dim3A_179 : vector<1000x64xi1>, vector<1000x64xf32>
    %reduce_max3A_181 = arith.constant dense<0xFF800000> : vector<64xf32>
    %reduce_max3A_182 = vector.multi_reduction <maximumf>, %select_n3A_180, %reduce_max3A_181 [0] : vector<1000x64xf32> to vector<64xf32>
    %get3A_183 = arith.constant 8 : index
    %get3A_184 = arith.constant 0 : index
    %get3A_185 = vector.load %arg8[%get3A_183, %get3A_184] : memref<16x64xf32, #tpu.memory_space<vmem>>, vector<1x64xf32>
    %get3A_186 = vector.shape_cast %get3A_185 : vector<1x64xf32> to vector<64xf32>
    %max3A_187 = arith.maximumf %get3A_186, %reduce_max3A_182 : vector<64xf32>
    %swap3A_188 = arith.constant 8 : index
    %swap3A_189 = arith.constant 0 : index
    %swap3A_190 = vector.load %arg8[%swap3A_188, %swap3A_189] : memref<16x64xf32, #tpu.memory_space<vmem>>, vector<1x64xf32>
    %swap3A_191 = vector.shape_cast %swap3A_190 : vector<1x64xf32> to vector<64xf32>
    %swap3A_192 = vector.shape_cast %max3A_187 : vector<64xf32> to vector<1x64xf32>
    tpu.vector_store %arg8[%swap3A_188, %swap3A_189], %swap3A_192 {strides = array<i32>} : memref<16x64xf32, #tpu.memory_space<vmem>>, vector<1x64xf32>,
    %slice3A_193 = vector.extract_strided_slice %add3A_23 {offsets = [0, 9], sizes = [1000, 1], strides = [1, 1]} : vector<1000x16xf32> to vector<1000x1xf32>
    %jit3A_194 = arith.constant 0xFF800000 : f32
    %broadcast_in_dim3A_195 = vector.shape_cast %slice3A_193 : vector<1000x1xf32> to vector<1000x1xf32>
    %broadcast_in_dim3A_196 = vector.broadcast %broadcast_in_dim3A_195 : vector<1000x1xf32> to vector<1000x64xf32>
    %broadcast_in_dim3A_197 = vector.broadcast %jit3A_194 : f32 to vector<1000x64xf32>
    %select_n3A_198 = arith.select %and3A_37, %broadcast_in_dim3A_196, %broadcast_in_dim3A_197 : vector<1000x64xi1>, vector<1000x64xf32>
    %reduce_max3A_199 = arith.constant dense<0xFF800000> : vector<64xf32>
    %reduce_max3A_200 = vector.multi_reduction <maximumf>, %select_n3A_198, %reduce_max3A_199 [0] : vector<1000x64xf32> to vector<64xf32>
    %get3A_201 = arith.constant 9 : index
    %get3A_202 = arith.constant 0 : index
    %get3A_203 = vector.load %arg8[%get3A_201, %get3A_202] : memref<16x64xf32, #tpu.memory_space<vmem>>, vector<1x64xf32>
    %get3A_204 = vector.shape_cast %get3A_203 : vector<1x64xf32> to vector<64xf32>
    %max3A_205 = arith.maximumf %get3A_204, %reduce_max3A_200 : vector<64xf32>
    %swap3A_206 = arith.constant 9 : index
    %swap3A_207 = arith.constant 0 : index
    %swap3A_208 = vector.load %arg8[%swap3A_206, %swap3A_207] : memref<16x64xf32, #tpu.memory_space<vmem>>, vector<1x64xf32>
    %swap3A_209 = vector.shape_cast %swap3A_208 : vector<1x64xf32> to vector<64xf32>
    %swap3A_210 = vector.shape_cast %max3A_205 : vector<64xf32> to vector<1x64xf32>
    tpu.vector_store %arg8[%swap3A_206, %swap3A_207], %swap3A_210 {strides = array<i32>} : memref<16x64xf32, #tpu.memory_space<vmem>>, vector<1x64xf32>,
    %slice3A_211 = vector.extract_strided_slice %add3A_23 {offsets = [0, 10], sizes = [1000, 1], strides = [1, 1]} : vector<1000x16xf32> to vector<1000x1xf32>
    %jit3A_212 = arith.constant 0xFF800000 : f32
    %broadcast_in_dim3A_213 = vector.shape_cast %slice3A_211 : vector<1000x1xf32> to vector<1000x1xf32>
    %broadcast_in_dim3A_214 = vector.broadcast %broadcast_in_dim3A_213 : vector<1000x1xf32> to vector<1000x64xf32>
    %broadcast_in_dim3A_215 = vector.broadcast %jit3A_212 : f32 to vector<1000x64xf32>
    %select_n3A_216 = arith.select %and3A_37, %broadcast_in_dim3A_214, %broadcast_in_dim3A_215 : vector<1000x64xi1>, vector<1000x64xf32>
    %reduce_max3A_217 = arith.constant dense<0xFF800000> : vector<64xf32>
    %reduce_max3A_218 = vector.multi_reduction <maximumf>, %select_n3A_216, %reduce_max3A_217 [0] : vector<1000x64xf32> to vector<64xf32>
    %get3A_219 = arith.constant 10 : index
    %get3A_220 = arith.constant 0 : index
    %get3A_221 = vector.load %arg8[%get3A_219, %get3A_220] : memref<16x64xf32, #tpu.memory_space<vmem>>, vector<1x64xf32>
    %get3A_222 = vector.shape_cast %get3A_221 : vector<1x64xf32> to vector<64xf32>
    %max3A_223 = arith.maximumf %get3A_222, %reduce_max3A_218 : vector<64xf32>
    %swap3A_224 = arith.constant 10 : index
    %swap3A_225 = arith.constant 0 : index
    %swap3A_226 = vector.load %arg8[%swap3A_224, %swap3A_225] : memref<16x64xf32, #tpu.memory_space<vmem>>, vector<1x64xf32>
    %swap3A_227 = vector.shape_cast %swap3A_226 : vector<1x64xf32> to vector<64xf32>
    %swap3A_228 = vector.shape_cast %max3A_223 : vector<64xf32> to vector<1x64xf32>
    tpu.vector_store %arg8[%swap3A_224, %swap3A_225], %swap3A_228 {strides = array<i32>} : memref<16x64xf32, #tpu.memory_space<vmem>>, vector<1x64xf32>,
    %slice3A_229 = vector.extract_strided_slice %add3A_23 {offsets = [0, 11], sizes = [1000, 1], strides = [1, 1]} : vector<1000x16xf32> to vector<1000x1xf32>
    %jit3A_230 = arith.constant 0xFF800000 : f32
    %broadcast_in_dim3A_231 = vector.shape_cast %slice3A_229 : vector<1000x1xf32> to vector<1000x1xf32>
    %broadcast_in_dim3A_232 = vector.broadcast %broadcast_in_dim3A_231 : vector<1000x1xf32> to vector<1000x64xf32>
    %broadcast_in_dim3A_233 = vector.broadcast %jit3A_230 : f32 to vector<1000x64xf32>
    %select_n3A_234 = arith.select %and3A_37, %broadcast_in_dim3A_232, %broadcast_in_dim3A_233 : vector<1000x64xi1>, vector<1000x64xf32>
    %reduce_max3A_235 = arith.constant dense<0xFF800000> : vector<64xf32>
    %reduce_max3A_236 = vector.multi_reduction <maximumf>, %select_n3A_234, %reduce_max3A_235 [0] : vector<1000x64xf32> to vector<64xf32>
    %get3A_237 = arith.constant 11 : index
    %get3A_238 = arith.constant 0 : index
    %get3A_239 = vector.load %arg8[%get3A_237, %get3A_238] : memref<16x64xf32, #tpu.memory_space<vmem>>, vector<1x64xf32>
    %get3A_240 = vector.shape_cast %get3A_239 : vector<1x64xf32> to vector<64xf32>
    %max3A_241 = arith.maximumf %get3A_240, %reduce_max3A_236 : vector<64xf32>
    %swap3A_242 = arith.constant 11 : index
    %swap3A_243 = arith.constant 0 : index
    %swap3A_244 = vector.load %arg8[%swap3A_242, %swap3A_243] : memref<16x64xf32, #tpu.memory_space<vmem>>, vector<1x64xf32>
    %swap3A_245 = vector.shape_cast %swap3A_244 : vector<1x64xf32> to vector<64xf32>
    %swap3A_246 = vector.shape_cast %max3A_241 : vector<64xf32> to vector<1x64xf32>
    tpu.vector_store %arg8[%swap3A_242, %swap3A_243], %swap3A_246 {strides = array<i32>} : memref<16x64xf32, #tpu.memory_space<vmem>>, vector<1x64xf32>,
    %slice3A_247 = vector.extract_strided_slice %add3A_23 {offsets = [0, 12], sizes = [1000, 1], strides = [1, 1]} : vector<1000x16xf32> to vector<1000x1xf32>
    %jit3A_248 = arith.constant 0xFF800000 : f32
    %broadcast_in_dim3A_249 = vector.shape_cast %slice3A_247 : vector<1000x1xf32> to vector<1000x1xf32>
    %broadcast_in_dim3A_250 = vector.broadcast %broadcast_in_dim3A_249 : vector<1000x1xf32> to vector<1000x64xf32>
    %broadcast_in_dim3A_251 = vector.broadcast %jit3A_248 : f32 to vector<1000x64xf32>
    %select_n3A_252 = arith.select %and3A_37, %broadcast_in_dim3A_250, %broadcast_in_dim3A_251 : vector<1000x64xi1>, vector<1000x64xf32>
    %reduce_max3A_253 = arith.constant dense<0xFF800000> : vector<64xf32>
    %reduce_max3A_254 = vector.multi_reduction <maximumf>, %select_n3A_252, %reduce_max3A_253 [0] : vector<1000x64xf32> to vector<64xf32>
    %get3A_255 = arith.constant 12 : index
    %get3A_256 = arith.constant 0 : index
    %get3A_257 = vector.load %arg8[%get3A_255, %get3A_256] : memref<16x64xf32, #tpu.memory_space<vmem>>, vector<1x64xf32>
    %get3A_258 = vector.shape_cast %get3A_257 : vector<1x64xf32> to vector<64xf32>
    %max3A_259 = arith.maximumf %get3A_258, %reduce_max3A_254 : vector<64xf32>
    %swap3A_260 = arith.constant 12 : index
    %swap3A_261 = arith.constant 0 : index
    %swap3A_262 = vector.load %arg8[%swap3A_260, %swap3A_261] : memref<16x64xf32, #tpu.memory_space<vmem>>, vector<1x64xf32>
    %swap3A_263 = vector.shape_cast %swap3A_262 : vector<1x64xf32> to vector<64xf32>
    %swap3A_264 = vector.shape_cast %max3A_259 : vector<64xf32> to vector<1x64xf32>
    tpu.vector_store %arg8[%swap3A_260, %swap3A_261], %swap3A_264 {strides = array<i32>} : memref<16x64xf32, #tpu.memory_space<vmem>>, vector<1x64xf32>,
    %slice3A_265 = vector.extract_strided_slice %add3A_23 {offsets = [0, 13], sizes = [1000, 1], strides = [1, 1]} : vector<1000x16xf32> to vector<1000x1xf32>
    %jit3A_266 = arith.constant 0xFF800000 : f32
    %broadcast_in_dim3A_267 = vector.shape_cast %slice3A_265 : vector<1000x1xf32> to vector<1000x1xf32>
    %broadcast_in_dim3A_268 = vector.broadcast %broadcast_in_dim3A_267 : vector<1000x1xf32> to vector<1000x64xf32>
    %broadcast_in_dim3A_269 = vector.broadcast %jit3A_266 : f32 to vector<1000x64xf32>
    %select_n3A_270 = arith.select %and3A_37, %broadcast_in_dim3A_268, %broadcast_in_dim3A_269 : vector<1000x64xi1>, vector<1000x64xf32>
    %reduce_max3A_271 = arith.constant dense<0xFF800000> : vector<64xf32>
    %reduce_max3A_272 = vector.multi_reduction <maximumf>, %select_n3A_270, %reduce_max3A_271 [0] : vector<1000x64xf32> to vector<64xf32>
    %get3A_273 = arith.constant 13 : index
    %get3A_274 = arith.constant 0 : index
    %get3A_275 = vector.load %arg8[%get3A_273, %get3A_274] : memref<16x64xf32, #tpu.memory_space<vmem>>, vector<1x64xf32>
    %get3A_276 = vector.shape_cast %get3A_275 : vector<1x64xf32> to vector<64xf32>
    %max3A_277 = arith.maximumf %get3A_276, %reduce_max3A_272 : vector<64xf32>
    %swap3A_278 = arith.constant 13 : index
    %swap3A_279 = arith.constant 0 : index
    %swap3A_280 = vector.load %arg8[%swap3A_278, %swap3A_279] : memref<16x64xf32, #tpu.memory_space<vmem>>, vector<1x64xf32>
    %swap3A_281 = vector.shape_cast %swap3A_280 : vector<1x64xf32> to vector<64xf32>
    %swap3A_282 = vector.shape_cast %max3A_277 : vector<64xf32> to vector<1x64xf32>
    tpu.vector_store %arg8[%swap3A_278, %swap3A_279], %swap3A_282 {strides = array<i32>} : memref<16x64xf32, #tpu.memory_space<vmem>>, vector<1x64xf32>,
    %slice3A_283 = vector.extract_strided_slice %add3A_23 {offsets = [0, 14], sizes = [1000, 1], strides = [1, 1]} : vector<1000x16xf32> to vector<1000x1xf32>
    %jit3A_284 = arith.constant 0xFF800000 : f32
    %broadcast_in_dim3A_285 = vector.shape_cast %slice3A_283 : vector<1000x1xf32> to vector<1000x1xf32>
    %broadcast_in_dim3A_286 = vector.broadcast %broadcast_in_dim3A_285 : vector<1000x1xf32> to vector<1000x64xf32>
    %broadcast_in_dim3A_287 = vector.broadcast %jit3A_284 : f32 to vector<1000x64xf32>
    %select_n3A_288 = arith.select %and3A_37, %broadcast_in_dim3A_286, %broadcast_in_dim3A_287 : vector<1000x64xi1>, vector<1000x64xf32>
    %reduce_max3A_289 = arith.constant dense<0xFF800000> : vector<64xf32>
    %reduce_max3A_290 = vector.multi_reduction <maximumf>, %select_n3A_288, %reduce_max3A_289 [0] : vector<1000x64xf32> to vector<64xf32>
    %get3A_291 = arith.constant 14 : index
    %get3A_292 = arith.constant 0 : index
    %get3A_293 = vector.load %arg8[%get3A_291, %get3A_292] : memref<16x64xf32, #tpu.memory_space<vmem>>, vector<1x64xf32>
    %get3A_294 = vector.shape_cast %get3A_293 : vector<1x64xf32> to vector<64xf32>
    %max3A_295 = arith.maximumf %get3A_294, %reduce_max3A_290 : vector<64xf32>
    %swap3A_296 = arith.constant 14 : index
    %swap3A_297 = arith.constant 0 : index
    %swap3A_298 = vector.load %arg8[%swap3A_296, %swap3A_297] : memref<16x64xf32, #tpu.memory_space<vmem>>, vector<1x64xf32>
    %swap3A_299 = vector.shape_cast %swap3A_298 : vector<1x64xf32> to vector<64xf32>
    %swap3A_300 = vector.shape_cast %max3A_295 : vector<64xf32> to vector<1x64xf32>
    tpu.vector_store %arg8[%swap3A_296, %swap3A_297], %swap3A_300 {strides = array<i32>} : memref<16x64xf32, #tpu.memory_space<vmem>>, vector<1x64xf32>,
    %slice3A_301 = vector.extract_strided_slice %add3A_23 {offsets = [0, 15], sizes = [1000, 1], strides = [1, 1]} : vector<1000x16xf32> to vector<1000x1xf32>
    %jit3A_302 = arith.constant 0xFF800000 : f32
    %broadcast_in_dim3A_303 = vector.shape_cast %slice3A_301 : vector<1000x1xf32> to vector<1000x1xf32>
    %broadcast_in_dim3A_304 = vector.broadcast %broadcast_in_dim3A_303 : vector<1000x1xf32> to vector<1000x64xf32>
    %broadcast_in_dim3A_305 = vector.broadcast %jit3A_302 : f32 to vector<1000x64xf32>
    %select_n3A_306 = arith.select %and3A_37, %broadcast_in_dim3A_304, %broadcast_in_dim3A_305 : vector<1000x64xi1>, vector<1000x64xf32>
    %reduce_max3A_307 = arith.constant dense<0xFF800000> : vector<64xf32>
    %reduce_max3A_308 = vector.multi_reduction <maximumf>, %select_n3A_306, %reduce_max3A_307 [0] : vector<1000x64xf32> to vector<64xf32>
    %get3A_309 = arith.constant 15 : index
    %get3A_310 = arith.constant 0 : index
    %get3A_311 = vector.load %arg8[%get3A_309, %get3A_310] : memref<16x64xf32, #tpu.memory_space<vmem>>, vector<1x64xf32>
    %get3A_312 = vector.shape_cast %get3A_311 : vector<1x64xf32> to vector<64xf32>
    %max3A_313 = arith.maximumf %get3A_312, %reduce_max3A_308 : vector<64xf32>
    %swap3A_314 = arith.constant 15 : index
    %swap3A_315 = arith.constant 0 : index
    %swap3A_316 = vector.load %arg8[%swap3A_314, %swap3A_315] : memref<16x64xf32, #tpu.memory_space<vmem>>, vector<1x64xf32>
    %swap3A_317 = vector.shape_cast %swap3A_316 : vector<1x64xf32> to vector<64xf32>
    %swap3A_318 = vector.shape_cast %max3A_313 : vector<64xf32> to vector<1x64xf32>
    tpu.vector_store %arg8[%swap3A_314, %swap3A_315], %swap3A_318 {strides = array<i32>} : memref<16x64xf32, #tpu.memory_space<vmem>>, vector<1x64xf32>,
    %eq3A_319 = arith.constant 9 : i32
    %eq3A_320 = arith.cmpi eq, %arg0, %eq3A_319 : i32
    %convert_element_type3A_321 = arith.extui %eq3A_320 : i1 to i32
    %cond3A_322 = arith.constant 0 : i32
    %cond3A_323 = arith.cmpi ne, %convert_element_type3A_321, %cond3A_322 : i32
    scf.if %cond3A_323 {
      %get3A_324 = arith.constant 0 : index
      %get3A_325 = arith.constant 0 : index
      %get3A_326 = vector.load %arg8[%get3A_324, %get3A_325] : memref<16x64xf32, #tpu.memory_space<vmem>>, vector<16x64xf32>
      %transpose3A = tpu.transpose %get3A_326, [1, 0] : vector<16x64xf32> -> vector<64x16xf32>
      %iota3A_327 = tpu.iota {dimensions = array<i32: 1>} : vector<64x16xi32>
      %lt3A_328 = arith.constant 10 : i32
      %lt3A_329 = vector.broadcast %lt3A_328 : i32 to vector<64x16xi32>
      %lt3A_330 = arith.cmpi slt, %iota3A_327, %lt3A_329 : vector<64x16xi32>
      %jit3A_331 = arith.constant 0xFF800000 : f32
      %broadcast_in_dim3A_332 = vector.broadcast %jit3A_331 : f32 to vector<64x16xf32>
      %select_n3A_333 = arith.select %lt3A_330, %transpose3A, %broadcast_in_dim3A_332 : vector<64x16xi1>, vector<64x16xf32>
      %reduce_max3A_334 = arith.constant dense<0xFF800000> : vector<64xf32>
      %reduce_max3A_335 = vector.multi_reduction <maximumf>, %select_n3A_333, %reduce_max3A_334 [1] : vector<64x16xf32> to vector<64xf32>
      %broadcast_in_dim3A_336 = vector.shape_cast %reduce_max3A_335 : vector<64xf32> to vector<64x1xf32>
      %sub3A = vector.broadcast %broadcast_in_dim3A_336 : vector<64x1xf32> to vector<64x16xf32>
      %sub3A_337 = arith.subf %select_n3A_333, %sub3A : vector<64x16xf32>
      %exp3A = math.exp %sub3A_337 : vector<64x16xf32>
      %jit3A_338 = arith.constant 0.000000e+00 : f32
      %broadcast_in_dim3A_339 = vector.broadcast %jit3A_338 : f32 to vector<64x16xf32>
      %select_n3A_340 = arith.select %lt3A_330, %exp3A, %broadcast_in_dim3A_339 : vector<64x16xi1>, vector<64x16xf32>
      %reduce_sum3A = arith.constant dense<0.000000e+00> : vector<64xf32>
      %reduce_sum3A_341 = vector.multi_reduction <add>, %select_n3A_340, %reduce_sum3A [1] : vector<64x16xf32> to vector<64xf32>
      %broadcast_in_dim3A_342 = vector.shape_cast %reduce_sum3A_341 : vector<64xf32> to vector<64x1xf32>
      %log3A = math.log %broadcast_in_dim3A_342 : vector<64x1xf32>
      %add3A_343 = arith.addf %log3A, %broadcast_in_dim3A_336 : vector<64x1xf32>
      %sub3A_344 = vector.broadcast %add3A_343 : vector<64x1xf32> to vector<64x16xf32>
      %sub3A_345 = arith.subf %transpose3A, %sub3A_344 : vector<64x16xf32>
      %slice3A_346 = vector.extract_strided_slice %sub3A_345 {offsets = [0, 0], sizes = [64, 10], strides = [1, 1]} : vector<64x16xf32> to vector<64x10xf32>
      %swap3A_347 = arith.constant 0 : index
      %swap3A_348 = arith.constant 0 : index
      %swap3A_349 = vector.load %arg7[%swap3A_347, %swap3A_348] : memref<64x10xf32, #tpu.memory_space<vmem>>, vector<64x10xf32>
      tpu.vector_store %arg7[%swap3A_347, %swap3A_348], %slice3A_346 {strides = array<i32>} : memref<64x10xf32, #tpu.memory_space<vmem>>, vector<64x10xf32>,
    } else {
    }
    return
  }
  func.func @transform_0(%arg0: i32) -> (i32, i32, i32) {
    %c0_i32 = arith.constant 0 : i32
    %c0_i32_0 = arith.constant 0 : i32
    %c0_i32_1 = arith.constant 0 : i32
    return %c0_i32, %arg0, %c0_i32_0 : i32, i32, i32
  }
  func.func @transform_1(%arg0: i32) -> (i32, i32, i32) {
    %c1_i32 = arith.constant 1 : i32
    %c0_i32 = arith.constant 0 : i32
    %c0_i32_0 = arith.constant 0 : i32
    return %c1_i32, %arg0, %c0_i32 : i32, i32, i32
  }
  func.func @transform_2(%arg0: i32) -> (i32, i32) {
    %c0_i32 = arith.constant 0 : i32
    %c0_i32_0 = arith.constant 0 : i32
    return %arg0, %c0_i32 : i32, i32
  }
  func.func @transform_3(%arg0: i32) -> (i32, i32) {
    %c0_i32 = arith.constant 0 : i32
    %c0_i32_0 = arith.constant 0 : i32
    return %arg0, %c0_i32 : i32, i32
  }
  func.func @transform_4(%arg0: i32) -> (i32, i32) {
    %c0_i32 = arith.constant 0 : i32
    %c0_i32_0 = arith.constant 0 : i32
    %c0_i32_1 = arith.constant 0 : i32
    return %c0_i32, %c0_i32_0 : i32, i32
  }
  func.func @transform_5(%arg0: i32) -> (i32, i32) {
    %c0_i32 = arith.constant 0 : i32
    %c0_i32_0 = arith.constant 0 : i32
    return %arg0, %c0_i32 : i32, i32
  }
  func.func @transform_6(%arg0: i32) -> (i32, i32) {
    %c0_i32 = arith.constant 0 : i32
    %c0_i32_0 = arith.constant 0 : i32
    %c0_i32_1 = arith.constant 0 : i32
    return %c0_i32, %c0_i32_0 : i32, i32
  }
}

</mosaic_0001>

<sc_bundles>
// kernel: kernel.12.cloned.1.call-start
scs
__scs_entry_jumppad:
0x0: {  	(pc) =	sbr.rel $0x88, $3  }
0x1: {  	(tag) =	ssettag $0x0;
	lr =	simm.s32 $0x1  }
0x2: {  	[smem:$0x3F96] =	sst lr;
	_ =	strace $0xD0000000  }
0x3: {  	_ = 	snop  }
0x4: {  	_ = 	snop  }
0x5: {  	_ = 	snop  }
0x6: {  	_ = 	snop  }
0x7: {  	_ = 	snop  }
__scs_overlays_trampoline_lowered:
0x8: {  	[smem:$0x3FA5] =	sst s0  }
0x9: {  	[smem:$0x3FA6] =	sst s1  }
0xa: {  	[smem:$0x3FA7] =	sst s2  }
0xb: {  	[smem:$0x3FA8] =	sst s3  }
0xc: {  	[smem:$0x3FA9] =	sst s4  }
0xd: {  	[smem:$0x3FAA] =	sst s5  }
0xe: {  	[smem:$0x3FAB] =	sst s6  }
0xf: {  	[smem:$0x3FAC] =	sst s7  }
0x10: {  	[smem:$0x3FAD] =	sst s8  }
0x11: {  	[smem:$0x3FAE] =	sst s9;
	s0 =	simm.s32 @!p0 $0x0  }
0x12: {  	s1 =	sld [smem:$0x3F94];
	s0 =	simm.s32 @p0 $0x1  }
0x13: {  	[smem:$0x3FAF] =	sst s0;
	s0 =	simm.s32 @!p1 $0x0  }
0x14: {  	s2 =	sld [smem:$0x3F93];
	s0 =	simm.s32 @p1 $0x1  }
0x15: {  	[smem:$0x3FB0] =	sst s0;
	s0 =	simm.s32 @!p2 $0x0  }
0x16: {  	s3 =	sld [smem:$0x3FDB];
	s0 =	simm.s32 @p2 $0x1  }
0x17: {  	s4 =	simm.s32 $0x1BF5;
	[smem:$0x3FB2] =	sst s0  }
0x18: {  	s0 =	sld [smem:$0x3F95];
	_ =	swait.ge [sflag:s4], $0x0  }
0x19: {  	s7 =	sld [smem:$0x3F96]  }
0x1a: {  	s8 =	sadd.s32 $0xFFFFE003, lr  }
0x1b: {  	s9 =	sadd.s32 $0xFFFFFEF7, lr;
	s5 =	simm.s32 $0xFFFFFFFF;
	p2 =	slt.u32 s8, $0xFFFFF086  }
0x1c: {  	p1 =	slt.u32 s9, $0xF7A;
	s5 =	simm.s32 @!p2 $0x0  }
0x1d: {  	s5 =	simm.s32 @p1 $0x1;
	p0 =	seq.s32 s7, s2  }
0x1e: {  	s7 =	smul.u32 @!p0 $0xF7A, s2;
	p2 =	seq.s32 @!p0 s5, $0x0  }
0x1f: {  	s9 =	smul.u32 $0xF7A, s1;
	s8 =	simm.s32 @!p0 $0x1BF5;
	p2 =	por !p2, p0  }
0x20: {  	[sflag:s8] =	ssyncset.s32 @!p0 $0xFFFFF086;
	s6 =	sadd.s32 @!p0 s3, s7;
	s7 =	simm.s32 @!p0 $0x108  }
0x21: {  	s3 =	sadd.s32 s3, s9;
	s6 =	sadd.s32 @!p0 $0x88, s6;
	s7 =	simm.s32 @p2 $0x1082  }
0x22: {  	[simem:s7], [sflag:s8] =	dma.local @!p0 [hbm:s6], $0xF7A  }
0x23: {  	s9 =	sor.u32 $0xD0000000, s2;
	s6 =	simm.s32 $0x108;
	_ =	swait.ge @!p0 [sflag:s8], $0x0  }
0x24: {  	s3 =	sadd.s32 $0x88, s3;
	s6 =	simm.s32 @!p1 $0x1082;
	[sflag:s4] =	ssyncset.s32 $0xFFFFF086  }
0x25: {  	[simem:s6], [sflag:s4] =	dma.local [hbm:s3], $0xF7A  }
0x26: {  	[smem:$0x3F96] =	sst s1;
	(tag) =	ssettag s2;
	_ =	strace s9  }
0x27: {  	s1 =	sld [smem:$0x3FA6]  }
0x28: {  	s2 =	sld [smem:$0x3FA7]  }
0x29: {  	s4 =	sld [smem:$0x3FA9]  }
0x2a: {  	p0 =	seq.s32 s5, $0x0;
	s5 =	sld [smem:$0x3FAA]  }
0x2b: {  	s6 =	sld [smem:$0x3FAB]  }
0x2c: {  	s7 =	sld [smem:$0x3FAC]  }
0x2d: {  	s3 =	simm.s32 $0x108;
	s8 =	sld [smem:$0x3FAD]  }
0x2e: {  	s3 =	simm.s32 @!p0 $0x1082;
	s9 =	sld [smem:$0x3FAE]  }
0x2f: {  	lr =	sadd.s32 s0, s3;
	s0 =	sld [smem:$0x3FA5]  }
0x30: {  	s3 =	sld [smem:$0x3FA8]  }
0x31: {  	[smem:$0x3FB1] =	sst s10  }
0x32: {  	s10 =	sld [smem:$0x3FAF];
	_ =	sdelay $0x3  }
0x33: {  	p0 =	seq.s32 s10, $0x1;
	s10 =	sld [smem:$0x3FB1];
	_ =	sdelay $0x3  }
0x34: {  	[smem:$0x3FB1] =	sst s10  }
0x35: {  	s10 =	sld [smem:$0x3FB0];
	_ =	sdelay $0x3  }
0x36: {  	p1 =	seq.s32 s10, $0x1;
	s10 =	sld [smem:$0x3FB1];
	_ =	sdelay $0x3  }
0x37: {  	[smem:$0x3FB1] =	sst s10  }
0x38: {  	s10 =	sld [smem:$0x3FB2]  }
0x39: {  	_ = 	snop;
	(pc) =	sbr.ind lr, $3  }
0x3a: {  	_ = 	snop  }
0x3b: {  	_ = 	snop  }
0x3c: {  	p2 =	seq.s32 s10, $0x1;
	s10 =	sld [smem:$0x3FB1]  }
0x3d: {  	_ =	shalt  }
0x3e: {  	_ =	shalt  }
0x3f: {  	_ =	shalt  }
0x40: {  	_ =	shalt  }
0x41: {  	_ =	shalt  }
0x42: {  	_ =	shalt  }
0x43: {  	_ =	shalt  }
0x44: {  	_ =	shalt  }
0x45: {  	_ =	shalt  }
0x46: {  	_ =	shalt  }
0x47: {  	_ =	shalt  }
0x48: {  	_ =	shalt  }
0x49: {  	_ =	shalt  }
0x4a: {  	_ =	shalt  }
0x4b: {  	_ =	shalt  }
0x4c: {  	_ =	shalt  }
0x4d: {  	_ =	shalt  }
0x4e: {  	_ =	shalt  }
0x4f: {  	_ =	shalt  }
0x50: {  	_ =	shalt  }
0x51: {  	_ =	shalt  }
0x52: {  	_ =	shalt  }
0x53: {  	_ =	shalt  }
0x54: {  	_ =	shalt  }
0x55: {  	_ =	shalt  }
0x56: {  	_ =	shalt  }
0x57: {  	_ =	shalt  }
0x58: {  	_ =	shalt  }
0x59: {  	_ =	shalt  }
0x5a: {  	_ =	shalt  }
0x5b: {  	_ =	shalt  }
0x5c: {  	_ =	shalt  }
0x5d: {  	_ =	shalt  }
0x5e: {  	_ =	shalt  }
0x5f: {  	_ =	shalt  }
0x60: {  	_ =	shalt  }
0x61: {  	_ =	shalt  }
0x62: {  	_ =	shalt  }
0x63: {  	_ =	shalt  }
0x64: {  	_ =	shalt  }
0x65: {  	_ =	shalt  }
0x66: {  	_ =	shalt  }
0x67: {  	_ =	shalt  }
0x68: {  	_ =	shalt  }
0x69: {  	_ =	shalt  }
0x6a: {  	_ =	shalt  }
0x6b: {  	_ =	shalt  }
0x6c: {  	_ =	shalt  }
0x6d: {  	_ =	shalt  }
0x6e: {  	_ =	shalt  }
0x6f: {  	_ =	shalt  }
0x70: {  	_ =	shalt  }
0x71: {  	_ =	shalt  }
0x72: {  	_ =	shalt  }
0x73: {  	_ =	shalt  }
0x74: {  	_ =	shalt  }
0x75: {  	_ =	shalt  }
0x76: {  	_ =	shalt  }
0x77: {  	_ =	shalt  }
0x78: {  	_ =	shalt  }
0x79: {  	_ =	shalt  }
0x7a: {  	_ =	shalt  }
0x7b: {  	_ =	shalt  }
0x7c: {  	_ =	shalt  }
0x7d: {  	_ =	shalt  }
0x7e: {  	_ =	shalt  }
0x7f: {  	_ =	shalt  }
0x80: {  	_ =	shalt  }
0x81: {  	_ =	shalt  }
0x82: {  	_ =	shalt  }
0x83: {  	_ =	shalt  }
0x84: {  	_ =	shalt  }
0x85: {  	_ =	shalt  }
0x86: {  	_ =	shalt  }
0x87: {  	_ =	shalt  }
.Lfunc_end0:
.L_simem_size_0:
called_computation_lowered:
.L_overlay_start_0:
0x88: {  	s2 =	sld [smem:$0x3FD9]  }
0x89: {  	s3 =	sld [smem:$0x3FFE];
	_ =	sdelay $0x1  }
0x8a: {  	s1 =	srdreg.scid  }
0x8b: {  	s0 =	sand.u32 $0x1, s1  }
0x8c: {  	s16 =	sshll.u32 s0, $0xA;
	s2 =	sadd.s32 s3, s2  }
0x8d: {  	s2 =	sadd.s32 s2, s16  }
0x8e: {  	[smem:$0x3FBD] =	sst s2  }
0x8f: {  	_ = 	snop  }
0x90: {  	(tm) =	ssettm $0x1  }
0x91: {  	s17 =	sld [smem:$0x3FFB];
	_ =	sdelay $0x3  }
0x92: {  	_ =	strace s17  }
0x93: {  	s2 =	sld [smem:$0x3FFC];
	_ =	sdelay $0x3  }
0x94: {  	_ =	strace s2  }
0x95: {  	s2 =	sld [smem:$0x3FFD];
	_ =	sdelay $0x3  }
0x96: {  	_ =	strace s2  }
0x97: {  	_ =	strace $0x8FFFFFFF  }
0x98: {  	s18 =	sld [smem:$0x3FDB];
	_ =	sdelay $0x1  }
0x99: {  	s19 =	simm.s32 $_scs_section_size  }
0x9a: {  	s4 =	simm.s32 $_size__tile_overlayer_lowered;
	s5 =	simm.s32 $_tile_overlayer_lowered  }
0x9b: {  	s22 =	simm.s32 $0x1BFF;
	s21 =	sshll.u32 s5, $0x1;
	s2 =	sadd.s32 s19, s18  }
0x9c: {  	s6 =	simm.s32 $0x0;
	s20 =	sshll.u32 s4, $0x1;
	s4 =	sadd.s32 s21, s2  }
0x9d: {  	[timem:s6], [sflag:s22] =	dma.local [hbm:s4], s20  }
0x9e: {  	_ =	swait.ge [sflag:s22], s20  }
0x9f: {  	s3 =	ssub.s32 $0x0, s20;
	[sflag:s22] =	ssyncset.done $0x0  }
0xa0: {  	[sflag:s22] =	ssyncadd.s32 s3;
	_ =	sdelay $0x1  }
0xa1: {  	s23 =	simm.s32 $0x1B8B  }
0xa2: {  	_ =	swait.ge [sflag:s23], $0x1  }
0xa3: {  	[sflag:s23] =	ssyncset.done $0x0  }
0xa4: {  	s25 =	simm.s32 $0x1B8E;
	s24 =	sld [smem:$0x3FFE];
	[sflag:s23] =	ssyncadd.s32 $0xFFFFFFFF  }
0xa5: {  	s26 =	simm.s32 $execute0_lowered;
	[smem:$0x3FD2] =	sst s25  }
0xa6: {  	s4 =	sshll.u32 s26, $0x1;
	_ =	strace $0x80000046;
	[dreg:$0x1] =	wrdreg $0xFFFFFFFF  }
0xa7: {  	s28 =	simm.s32 $_size_execute0_lowered;
	s2 =	sadd.s32 s2, s4;
	[dreg:$0x0] =	wrdreg $0x0  }
0xa8: {  	s4 =	sshll.u32 s28, $0x1;
	[dreg:$0x2] =	wrdreg s2  }
0xa9: {  	[dreg:$0x3] =	wrdreg s4  }
0xaa: {  	[dreg:$0x4] =	wrdreg $0xC0  }
0xab: {  	_ =	task [dreg:s6], $0x5FFFF  }
0xac: {  	[dreg:$0x1] =	wrdreg $0xFFFFFFFF  }
0xad: {  	[dreg:$0x0] =	wrdreg $0x60  }
0xae: {  	[dreg:$0x2] =	wrdreg s24  }
0xaf: {  	[dreg:$0x3] =	wrdreg $0x80000  }
0xb0: {  	[dreg:$0x4] =	wrdreg $0x9  }
0xb1: {  	_ =	task.clear_ibuf [dreg:s6], $0x5FFFF;
	_ =	strace $0x90000046  }
0xb2: {  	s29 =	simm.s32 $0x9;
	_ =	strace $0x80000048  }
0xb3: {  	_ =	swait.ge [sflag:s29], $0x1  }
0xb4: {  	[sflag:s29] =	ssyncadd.s32 $0xFFFFFFFF  }
0xb5: {  	_ =	strace $0x90000048  }
0xb6: {  	_ =	sfence  }
0xb7: {  	s30 =	sld [smem:$0x0];
	_ =	sdelay $0x2  }
0xb8: {  	s31 =	sshll.u32 s1, $0xD;
	s1 =	sshrl.u32 s1, $0x2  }
0xb9: {  	s3 =	sand.u32 $0x4000, s31;
	s1 =	sadd.s32 s1, s30  }
0xba: {  	s0 =	sor.u32 s3, s0;
	s1 =	sshll.u32 s1, $0x11  }
0xbb: {  	s0 =	sor.u32 s1, s0  }
0xbc: {  	s0 =	sadd.s32 $0x8F2B, s0  }
0xbd: {  	[sflag:s0] =	ssyncadd.remote.s32 $0x1  }
0xbe: {  	_ =	sfence.sel $0xFFFF  }
0xbf: {  	[dreg:$0x0] =	wrdreg $0xFFFFFFFF;
	(pc) =	sbr.abs _section_cstart, $3  }
0xc0: {  	[dreg:$0x1] =	wrdreg $0xFFFFFFFF  }
0xc1: {  	_ =	task.clear_ibuf [dreg:s6], $0x2FFFF;
	_ =	strace $0x9FFFFFFF  }
0xc2: {  	(tm) =	ssettm $0x7FFFFFFF  }
0xc3: {  	_ =	shalt  }
tec
execute0_lowered:
.L_overlay_start_1:
0x0: {  	(tag) =	ssettag $0x1  }
0x1: {  	s1 =	srdreg.scid;
	s4 =	rddreg [dreg:$0x0]  }
0x2: {  	s0 =	stileid.u32;
	s2 =	rddreg [dreg:$0x1];
	s3 =	simm.s32 $0x0  }
0x3: {  	s10 =	simm.s32 $0x80;
	s5 =	sand.u32 $0x1, s1;
	s1 =	rddreg [dreg:$0x2]  }
0x4: {  	s11 =	simm.s32 $0x5000;
	s6 =	smul.u32 $0x2800, s0;
	[smem:$0x7FF] =	sst s3  }
0x5: {  	s12 =	sshll.u32 s0, $0x6;
	s7 =	sshll.u32 s5, $0x4;
	s8 =	smul.u32 $0x28000, s5  }
0x6: {  	_ =	strace $0x80000047;
	s5 =	ssub.s32 $0x2, s5;
	s7 =	sor.u32 s0, s7  }
0x7: {  	s31 =	sshrl.u32 s5, $0x1;
	s7 =	smul.u32 $0x500, s7;
	s8 =	sadd.s32 s6, s8  }
0x8: {  	s12 =	sor.u32 $0x1C01, s12;
	s9 =	ssub.s32 s5, s31;
	s8 =	sshrl.u32 s8, $0x3  }
0x9: {  	s7 =	sadd.s32 s7, s4;
	s8 =	sadd.s32 s8, s4;
	s4 =	sadd.s32 s6, s2  }
0xa: {  	s5 =	sadd.s32 $0x3E00, s7;
	s6 =	sadd.s32 $0xDE00, s8;
	s7 =	smax.u32 s9, $0x1  }
0xb: {  	v0 =	vimm.f32 $0.0e+00;
	v1 =	vimm.f32 $1.000000000e+00;
	s8 =	simm.s32 $0x5800;
	s9 =	simm.s32 $0x1;
	s13 =	sshrl.u32 s4, $0x3  }
.LBB2_1:
0xc: {  	s14 =	simm.s32 $0x0  }
.LBB2_2:
0xd: {  	p0 =	sne.s32 s14, $0x9FC0  }
.Ltmp0:
0xe: {  	_ = 	snop;
	(pc) =	sbr.rel @p0 .LBB2_2-.Ltmp0, $3  }
0xf: {  	_ =	sdelay $0x1  }
0x10: {  	s15 =	sshra.s32 s14, $0x2  }
0x11: {  	s14 =	sadd.s32 $0x40, s14;
	[tilespmem:s15+$0x5800] =	vst v0  }
0x12: {  	s14 =	simm.s32 $0x40;
	s15 =	simm.s32 $0x0  }
.LBB2_4:
0x13: {  	p0 =	sne.s32 s14, $0x1FC0;
	[tilespmem:s15+$0x5000] =	vst v1;
	s15 =	smov.u32 s14;
	s14 =	sadd.s32 $0x40, s14  }
.Ltmp1:
0x14: {  	(pc) =	sbr.rel @p0 .LBB2_4-.Ltmp1, $2  }
0x15: {  	_ =	sdelay $0x2  }
0x16: {  	s15 =	sshra.s32 s15, $0x2  }
0x17: {  	[tilespmem:s15+$0x5000] =	vst v1  }
0x18: {  	[spmem:s4] =	stream.linear.scatter [tilespmem:s8], [sflag:$0x1], $0x2800, $0x38;
	[tilespmem:$0xA800] =	vst v63  }
0x19: {  	_ =	swait.ge [sflag:s9], $0x2800  }
0x1a: {  	[sflag:s9] =	ssyncset.done $0x0  }
0x1b: {  	s14 =	simm.s32 $0x0;
	[sflag:s9] =	ssyncadd.s32 $0xFFFFD800  }
0x1c: {  	[tilespmem:s14], [sflag:$0x1] =	stream.linear.gather [hbm4b:s5+s14], $0x2800, $0x38;
	[tilespmem:$0xA800] =	vst v63  }
0x1d: {  	_ =	swait.ge [sflag:s9], $0x2800  }
0x1e: {  	[sflag:s9] =	ssyncset.done $0x0  }
0x1f: {  	s15 =	simm.s32 $0x0;
	[sflag:s9] =	ssyncadd.s32 $0xFFFFD800  }
0x20: {  	v3 =	vld [tilespmem:s15+$0x70]  }
0x21: {  	v6 =	vld [tilespmem:s15+$0x0]  }
0x22: {  	v7 =	vld [tilespmem:s15+$0x10]  }
0x23: {  	v5 =	vld [tilespmem:s15+$0x20]  }
0x24: {  	v4 =	vld [tilespmem:s15+$0x30]  }
0x25: {  	v2 =	vld [tilespmem:s15+$0x40];
	v8 =	vshra.s32 v3, $0x10  }
0x26: {  	v3 =	vld [tilespmem:s15+$0x50];
	v6 =	vshra.s32 v6, $0x10;
	[tilespmem:s15+$0x2870] =	vst v8  }
0x27: {  	s16 =	simm.s32 $0x400;
	s14 =	simm.s32 $0x80;
	v7 =	vshra.s32 v7, $0x10;
	[tilespmem:s15+$0x2800] =	vst v6;
	v6 =	vld [tilespmem:s15+$0x60]  }
.LBB2_6:
0x28: {  	p0 =	sne.s32 s16, $0x9E00;
	v8 =	vld [tilespmem:s14+$0x70];
	[tilespmem:s15+$0x2810] =	vst v7;
	v5 =	vshra.s32 v5, $0x10  }
0x29: {  	v7 =	vld [tilespmem:s14+$0x0];
	[tilespmem:s15+$0x2820] =	vst v5;
	v4 =	vshra.s32 v4, $0x10  }
0x2a: {  	v9 =	vld [tilespmem:s14+$0x10];
	[tilespmem:s15+$0x2830] =	vst v4;
	v2 =	vshra.s32 v2, $0x10  }
.Ltmp2:
0x2b: {  	v5 =	vld [tilespmem:s14+$0x20];
	[tilespmem:s15+$0x2840] =	vst v2;
	v2 =	vshra.s32 v3, $0x10;
	(pc) =	sbr.rel @p0 .LBB2_6-.Ltmp2, $4  }
0x2c: {  	v4 =	vld [tilespmem:s14+$0x30];
	[tilespmem:s15+$0x2850] =	vst v2;
	v3 =	vshra.s32 v6, $0x10  }
0x2d: {  	v2 =	vld [tilespmem:s14+$0x40];
	v6 =	vshra.s32 v8, $0x10;
	[tilespmem:s15+$0x2860] =	vst v3;
	s15 =	smov.u32 s14  }
0x2e: {  	v7 =	vshra.s32 v7, $0x10;
	v3 =	vld [tilespmem:s15+$0x50];
	[tilespmem:s15+$0x2870] =	vst v6  }
0x2f: {  	s14 =	sshra.s32 s16, $0x2;
	s16 =	sadd.s32 $0x200, s16;
	[tilespmem:s15+$0x2800] =	vst v7;
	v7 =	vshra.s32 v9, $0x10;
	v6 =	vld [tilespmem:s15+$0x60]  }
0x30: {  	v8 =	vld [tilespmem:s14+$0x70];
	[tilespmem:s15+$0x2810] =	vst v7;
	v5 =	vshra.s32 v5, $0x10  }
0x31: {  	v7 =	vld [tilespmem:s14+$0x0];
	[tilespmem:s15+$0x2820] =	vst v5;
	v4 =	vshra.s32 v4, $0x10  }
0x32: {  	v5 =	vld [tilespmem:s14+$0x10];
	[tilespmem:s15+$0x2830] =	vst v4;
	v2 =	vshra.s32 v2, $0x10  }
0x33: {  	v4 =	vld [tilespmem:s14+$0x20];
	[tilespmem:s15+$0x2840] =	vst v2;
	v2 =	vshra.s32 v3, $0x10  }
0x34: {  	v3 =	vld [tilespmem:s14+$0x30];
	[tilespmem:s15+$0x2850] =	vst v2;
	v2 =	vshra.s32 v6, $0x10  }
0x35: {  	v61 =	vld [tilespmem:s14+$0x40];
	[tilespmem:s15+$0x2860] =	vst v2;
	v2 =	vshra.s32 v8, $0x10  }
0x36: {  	v62 =	vld [tilespmem:s14+$0x50];
	v7 =	vshra.s32 v7, $0x10;
	[tilespmem:s14+$0x2870] =	vst v2  }
0x37: {  	v63 =	vld [tilespmem:s14+$0x60];
	[tilespmem:s14+$0x2800] =	vst v7;
	v2 =	vshra.s32 v5, $0x10  }
0x38: {  	[tilespmem:s14+$0x2810] =	vst v2;
	v2 =	vshra.s32 v4, $0x10  }
0x39: {  	[tilespmem:s14+$0x2820] =	vst v2;
	v2 =	vshra.s32 v3, $0x10  }
0x3a: {  	[tilespmem:s14+$0x2830] =	vst v2;
	v2 =	vshra.s32 v61, $0x10  }
0x3b: {  	[tilespmem:s14+$0x2840] =	vst v2;
	v2 =	vshra.s32 v62, $0x10  }
0x3c: {  	[tilespmem:s14+$0x2850] =	vst v2;
	v2 =	vshra.s32 v63, $0x10  }
0x3d: {  	[tilespmem:s14+$0x2860] =	vst v2  }
0x3e: {  	s31 =	simm.s32 $0x2800;
	[bflag:$0x0] =	sbarrier.arrive $0xFFFF  }
0x3f: {  	[spmem:s2] =	stream.indirect.scatter.add.f32 [tilespmem:s11], [sflag:$0x1], $0x10, s31, s10, $0xb8;
	[tilespmem:$0xA800] =	vst v63  }
0x40: {  	s14 =	simm.s32 $0x200;
	_ =	swait.ge [sflag:s9], $0x800  }
.LBB2_8:
0x41: {  	s15 =	sshra.s32 s14, $0x2;
	[sflag:s9] =	ssyncset.done $0x0;
	p0 =	sne.s32 s14, $0x9E00  }
.Ltmp3:
0x42: {  	s15 =	sadd.s32 $0x2800, s15;
	[sflag:s9] =	ssyncadd.s32 $0xFFFFF800;
	(pc) =	sbr.rel @p0 .LBB2_8-.Ltmp3, $3  }
0x43: {  	[spmem:s2] =	stream.indirect.scatter.add.f32 [tilespmem:s11], [sflag:$0x1], $0x10, s15, s10, $0xb8;
	[tilespmem:$0xA800] =	vst v63  }
0x44: {  	s14 =	sadd.s32 $0x200, s14;
	_ =	sdelay $0x1  }
0x45: {  	_ =	swait.ge [sflag:s9], $0x800  }
0x46: {  	[sflag:s9] =	ssyncset.done $0x0;
	s3 =	sadd.s32 $0x1, s3  }
0x47: {  	[sflag:s9] =	ssyncadd.s32 $0xFFFFF800;
	p0 =	sne.s32 s3, s7  }
.Ltmp4:
0x48: {  	[bflag:$0x0] =	sbarrier.arrive $0xFFFF;
	(pc) =	sbr.rel @p0 .LBB2_1-.Ltmp4, $4  }
0x49: {  	[hbm:s6], [sflag:s12] =	dma.local [spmem:s13], $0x500  }
0x4a: {  	_ =	swait.ge [sflag:s9], $0x500  }
0x4b: {  	[sflag:s9] =	ssyncset.done $0x0  }
0x4c: {  	[sflag:s9] =	ssyncadd.s32 $0xFFFFFB00  }
0x4d: {  	_ =	sfence.sel $0x180000  }
0x4e: {  	[bflag:$0x0] =	sbarrier.arrive $0xFFFF  }
0x4f: {  	p0 =	sne.s32 s0, $0x0;
	_ =	strace $0x90000047  }
0x50: {  	s0 =	sadd.s32 @!p0 $0x100000, s1;
	[bflag:$0x2] =	sbarrier.arrive $0xFFFF  }
0x51: {  	[sflag:s0] =	ssyncadd.tile.s32 @!p0 $0x1;
	_ =	shalt  }
.Lfunc_end2:
_tile_overlayer_lowered:
.L_overlay_start_2:
0x52: {  	(tag) =	ssettag $0x2  }
0x53: {  	s0 =	rddreg [dreg:$0x0];
	s2 =	stileid.u32  }
0x54: {  	s1 =	rddreg [dreg:$0x1];
	p0 =	sne.s32 s2, $0x0  }
0x55: {  	s3 =	rddreg [dreg:$0x2];
	[bflag:$0x3] =	sbarrier.arrive $0xFFFF;
	s2 =	simm.s32 @!p0 $0x1C01  }
0x56: {  	[timem:s3], [sflag:s2] =	dma.local @!p0 [hbm:s0], s1  }
0x57: {  	s0 =	simm.s32 @!p0 $0x1  }
0x58: {  	_ =	swait.ge @!p0 [sflag:s0], s1  }
0x59: {  	s1 =	ssub.s32 @!p0 $0x0, s1;
	[sflag:s0] =	ssyncset.done @!p0 $0x0  }
0x5a: {  	[sflag:s0] =	ssyncadd.s32 @!p0 s1  }
0x5b: {  	[bflag:$0x3] =	sbarrier.arrive $0xFFFF  }
0x5c: {  	_ =	shalt  }

// kernel: kernel.15.cloned.1.call-start
scs
__scs_entry_jumppad:
0x0: {  	(pc) =	sbr.rel $0x88, $3  }
0x1: {  	(tag) =	ssettag $0x0;
	lr =	simm.s32 $0x1  }
0x2: {  	[smem:$0x3F96] =	sst lr;
	_ =	strace $0xD0000000  }
0x3: {  	_ = 	snop  }
0x4: {  	_ = 	snop  }
0x5: {  	_ = 	snop  }
0x6: {  	_ = 	snop  }
0x7: {  	_ = 	snop  }
__scs_overlays_trampoline_lowered:
0x8: {  	[smem:$0x3FA5] =	sst s0  }
0x9: {  	[smem:$0x3FA6] =	sst s1  }
0xa: {  	[smem:$0x3FA7] =	sst s2  }
0xb: {  	[smem:$0x3FA8] =	sst s3  }
0xc: {  	[smem:$0x3FA9] =	sst s4  }
0xd: {  	[smem:$0x3FAA] =	sst s5  }
0xe: {  	[smem:$0x3FAB] =	sst s6  }
0xf: {  	[smem:$0x3FAC] =	sst s7  }
0x10: {  	[smem:$0x3FAD] =	sst s8  }
0x11: {  	[smem:$0x3FAE] =	sst s9;
	s0 =	simm.s32 @!p0 $0x0  }
0x12: {  	s1 =	sld [smem:$0x3F94];
	s0 =	simm.s32 @p0 $0x1  }
0x13: {  	[smem:$0x3FAF] =	sst s0;
	s0 =	simm.s32 @!p1 $0x0  }
0x14: {  	s2 =	sld [smem:$0x3F93];
	s0 =	simm.s32 @p1 $0x1  }
0x15: {  	[smem:$0x3FB0] =	sst s0;
	s0 =	simm.s32 @!p2 $0x0  }
0x16: {  	s3 =	sld [smem:$0x3FDB];
	s0 =	simm.s32 @p2 $0x1  }
0x17: {  	s4 =	simm.s32 $0x1BF5;
	[smem:$0x3FB2] =	sst s0  }
0x18: {  	s0 =	sld [smem:$0x3F95];
	_ =	swait.ge [sflag:s4], $0x0  }
0x19: {  	s7 =	sld [smem:$0x3F96]  }
0x1a: {  	s8 =	sadd.s32 $0xFFFFE003, lr  }
0x1b: {  	s9 =	sadd.s32 $0xFFFFFEF7, lr;
	s5 =	simm.s32 $0xFFFFFFFF;
	p2 =	slt.u32 s8, $0xFFFFF086  }
0x1c: {  	p1 =	slt.u32 s9, $0xF7A;
	s5 =	simm.s32 @!p2 $0x0  }
0x1d: {  	s5 =	simm.s32 @p1 $0x1;
	p0 =	seq.s32 s7, s2  }
0x1e: {  	s7 =	smul.u32 @!p0 $0xF7A, s2;
	p2 =	seq.s32 @!p0 s5, $0x0  }
0x1f: {  	s9 =	smul.u32 $0xF7A, s1;
	s8 =	simm.s32 @!p0 $0x1BF5;
	p2 =	por !p2, p0  }
0x20: {  	[sflag:s8] =	ssyncset.s32 @!p0 $0xFFFFF086;
	s6 =	sadd.s32 @!p0 s3, s7;
	s7 =	simm.s32 @!p0 $0x108  }
0x21: {  	s3 =	sadd.s32 s3, s9;
	s6 =	sadd.s32 @!p0 $0x88, s6;
	s7 =	simm.s32 @p2 $0x1082  }
0x22: {  	[simem:s7], [sflag:s8] =	dma.local @!p0 [hbm:s6], $0xF7A  }
0x23: {  	s9 =	sor.u32 $0xD0000000, s2;
	s6 =	simm.s32 $0x108;
	_ =	swait.ge @!p0 [sflag:s8], $0x0  }
0x24: {  	s3 =	sadd.s32 $0x88, s3;
	s6 =	simm.s32 @!p1 $0x1082;
	[sflag:s4] =	ssyncset.s32 $0xFFFFF086  }
0x25: {  	[simem:s6], [sflag:s4] =	dma.local [hbm:s3], $0xF7A  }
0x26: {  	[smem:$0x3F96] =	sst s1;
	(tag) =	ssettag s2;
	_ =	strace s9  }
0x27: {  	s1 =	sld [smem:$0x3FA6]  }
0x28: {  	s2 =	sld [smem:$0x3FA7]  }
0x29: {  	s4 =	sld [smem:$0x3FA9]  }
0x2a: {  	p0 =	seq.s32 s5, $0x0;
	s5 =	sld [smem:$0x3FAA]  }
0x2b: {  	s6 =	sld [smem:$0x3FAB]  }
0x2c: {  	s7 =	sld [smem:$0x3FAC]  }
0x2d: {  	s3 =	simm.s32 $0x108;
	s8 =	sld [smem:$0x3FAD]  }
0x2e: {  	s3 =	simm.s32 @!p0 $0x1082;
	s9 =	sld [smem:$0x3FAE]  }
0x2f: {  	lr =	sadd.s32 s0, s3;
	s0 =	sld [smem:$0x3FA5]  }
0x30: {  	s3 =	sld [smem:$0x3FA8]  }
0x31: {  	[smem:$0x3FB1] =	sst s10  }
0x32: {  	s10 =	sld [smem:$0x3FAF];
	_ =	sdelay $0x3  }
0x33: {  	p0 =	seq.s32 s10, $0x1;
	s10 =	sld [smem:$0x3FB1];
	_ =	sdelay $0x3  }
0x34: {  	[smem:$0x3FB1] =	sst s10  }
0x35: {  	s10 =	sld [smem:$0x3FB0];
	_ =	sdelay $0x3  }
0x36: {  	p1 =	seq.s32 s10, $0x1;
	s10 =	sld [smem:$0x3FB1];
	_ =	sdelay $0x3  }
0x37: {  	[smem:$0x3FB1] =	sst s10  }
0x38: {  	s10 =	sld [smem:$0x3FB2]  }
0x39: {  	_ = 	snop;
	(pc) =	sbr.ind lr, $3  }
0x3a: {  	_ = 	snop  }
0x3b: {  	_ = 	snop  }
0x3c: {  	p2 =	seq.s32 s10, $0x1;
	s10 =	sld [smem:$0x3FB1]  }
0x3d: {  	_ =	shalt  }
0x3e: {  	_ =	shalt  }
0x3f: {  	_ =	shalt  }
0x40: {  	_ =	shalt  }
0x41: {  	_ =	shalt  }
0x42: {  	_ =	shalt  }
0x43: {  	_ =	shalt  }
0x44: {  	_ =	shalt  }
0x45: {  	_ =	shalt  }
0x46: {  	_ =	shalt  }
0x47: {  	_ =	shalt  }
0x48: {  	_ =	shalt  }
0x49: {  	_ =	shalt  }
0x4a: {  	_ =	shalt  }
0x4b: {  	_ =	shalt  }
0x4c: {  	_ =	shalt  }
0x4d: {  	_ =	shalt  }
0x4e: {  	_ =	shalt  }
0x4f: {  	_ =	shalt  }
0x50: {  	_ =	shalt  }
0x51: {  	_ =	shalt  }
0x52: {  	_ =	shalt  }
0x53: {  	_ =	shalt  }
0x54: {  	_ =	shalt  }
0x55: {  	_ =	shalt  }
0x56: {  	_ =	shalt  }
0x57: {  	_ =	shalt  }
0x58: {  	_ =	shalt  }
0x59: {  	_ =	shalt  }
0x5a: {  	_ =	shalt  }
0x5b: {  	_ =	shalt  }
0x5c: {  	_ =	shalt  }
0x5d: {  	_ =	shalt  }
0x5e: {  	_ =	shalt  }
0x5f: {  	_ =	shalt  }
0x60: {  	_ =	shalt  }
0x61: {  	_ =	shalt  }
0x62: {  	_ =	shalt  }
0x63: {  	_ =	shalt  }
0x64: {  	_ =	shalt  }
0x65: {  	_ =	shalt  }
0x66: {  	_ =	shalt  }
0x67: {  	_ =	shalt  }
0x68: {  	_ =	shalt  }
0x69: {  	_ =	shalt  }
0x6a: {  	_ =	shalt  }
0x6b: {  	_ =	shalt  }
0x6c: {  	_ =	shalt  }
0x6d: {  	_ =	shalt  }
0x6e: {  	_ =	shalt  }
0x6f: {  	_ =	shalt  }
0x70: {  	_ =	shalt  }
0x71: {  	_ =	shalt  }
0x72: {  	_ =	shalt  }
0x73: {  	_ =	shalt  }
0x74: {  	_ =	shalt  }
0x75: {  	_ =	shalt  }
0x76: {  	_ =	shalt  }
0x77: {  	_ =	shalt  }
0x78: {  	_ =	shalt  }
0x79: {  	_ =	shalt  }
0x7a: {  	_ =	shalt  }
0x7b: {  	_ =	shalt  }
0x7c: {  	_ =	shalt  }
0x7d: {  	_ =	shalt  }
0x7e: {  	_ =	shalt  }
0x7f: {  	_ =	shalt  }
0x80: {  	_ =	shalt  }
0x81: {  	_ =	shalt  }
0x82: {  	_ =	shalt  }
0x83: {  	_ =	shalt  }
0x84: {  	_ =	shalt  }
0x85: {  	_ =	shalt  }
0x86: {  	_ =	shalt  }
0x87: {  	_ =	shalt  }
.Lfunc_end0:
.L_simem_size_0:
called_computation.1_lowered:
.L_overlay_start_0:
0x88: {  	s2 =	sld [smem:$0x3FD9]  }
0x89: {  	s3 =	sld [smem:$0x3FFE];
	_ =	sdelay $0x1  }
0x8a: {  	s1 =	srdreg.scid  }
0x8b: {  	s0 =	sand.u32 $0x1, s1  }
0x8c: {  	s16 =	sshll.u32 s0, $0xA;
	s2 =	sadd.s32 s3, s2  }
0x8d: {  	s2 =	sadd.s32 s2, s16  }
0x8e: {  	[smem:$0x3FBD] =	sst s2  }
0x8f: {  	_ = 	snop  }
0x90: {  	(tm) =	ssettm $0x1  }
0x91: {  	s17 =	sld [smem:$0x3FFB];
	_ =	sdelay $0x3  }
0x92: {  	_ =	strace s17  }
0x93: {  	s2 =	sld [smem:$0x3FFC];
	_ =	sdelay $0x3  }
0x94: {  	_ =	strace s2  }
0x95: {  	s2 =	sld [smem:$0x3FFD];
	_ =	sdelay $0x3  }
0x96: {  	_ =	strace s2  }
0x97: {  	_ =	strace $0x8FFFFFFF  }
0x98: {  	s18 =	sld [smem:$0x3FDB];
	_ =	sdelay $0x1  }
0x99: {  	s19 =	simm.s32 $_scs_section_size  }
0x9a: {  	s4 =	simm.s32 $_size__tile_overlayer_lowered;
	s5 =	simm.s32 $_tile_overlayer_lowered  }
0x9b: {  	s22 =	simm.s32 $0x1BFF;
	s21 =	sshll.u32 s5, $0x1;
	s2 =	sadd.s32 s19, s18  }
0x9c: {  	s6 =	simm.s32 $0x0;
	s20 =	sshll.u32 s4, $0x1;
	s4 =	sadd.s32 s21, s2  }
0x9d: {  	[timem:s6], [sflag:s22] =	dma.local [hbm:s4], s20  }
0x9e: {  	_ =	swait.ge [sflag:s22], s20  }
0x9f: {  	s3 =	ssub.s32 $0x0, s20;
	[sflag:s22] =	ssyncset.done $0x0  }
0xa0: {  	[sflag:s22] =	ssyncadd.s32 s3;
	_ =	sdelay $0x1  }
0xa1: {  	s23 =	simm.s32 $0x1B8B  }
0xa2: {  	_ =	swait.ge [sflag:s23], $0x1  }
0xa3: {  	[sflag:s23] =	ssyncset.done $0x0  }
0xa4: {  	s25 =	simm.s32 $0x1B8E;
	s24 =	sld [smem:$0x3FFE];
	[sflag:s23] =	ssyncadd.s32 $0xFFFFFFFF  }
0xa5: {  	s26 =	simm.s32 $execute0_lowered;
	[smem:$0x3FD2] =	sst s25  }
0xa6: {  	s4 =	sshll.u32 s26, $0x1;
	_ =	strace $0x80000049;
	[dreg:$0x1] =	wrdreg $0xFFFFFFFF  }
0xa7: {  	s28 =	simm.s32 $_size_execute0_lowered;
	s2 =	sadd.s32 s2, s4;
	[dreg:$0x0] =	wrdreg $0x0  }
0xa8: {  	s4 =	sshll.u32 s28, $0x1;
	[dreg:$0x2] =	wrdreg s2  }
0xa9: {  	[dreg:$0x3] =	wrdreg s4  }
0xaa: {  	[dreg:$0x4] =	wrdreg $0xC0  }
0xab: {  	_ =	task [dreg:s6], $0x5FFFF  }
0xac: {  	[dreg:$0x1] =	wrdreg $0xFFFFFFFF  }
0xad: {  	[dreg:$0x0] =	wrdreg $0x60  }
0xae: {  	[dreg:$0x2] =	wrdreg s24  }
0xaf: {  	[dreg:$0x3] =	wrdreg $0xC0000  }
0xb0: {  	[dreg:$0x4] =	wrdreg $0x98000  }
0xb1: {  	[dreg:$0x5] =	wrdreg $0x9  }
0xb2: {  	_ =	task.clear_ibuf [dreg:s6], $0x6FFFF;
	_ =	strace $0x90000049  }
0xb3: {  	s29 =	simm.s32 $0x9;
	_ =	strace $0x8000004B  }
0xb4: {  	_ =	swait.ge [sflag:s29], $0x1  }
0xb5: {  	[sflag:s29] =	ssyncadd.s32 $0xFFFFFFFF  }
0xb6: {  	_ =	strace $0x9000004B  }
0xb7: {  	_ =	sfence  }
0xb8: {  	s30 =	sld [smem:$0x0];
	_ =	sdelay $0x2  }
0xb9: {  	s31 =	sshll.u32 s1, $0xD;
	s1 =	sshrl.u32 s1, $0x2  }
0xba: {  	s3 =	sand.u32 $0x4000, s31;
	s1 =	sadd.s32 s1, s30  }
0xbb: {  	s0 =	sor.u32 s3, s0;
	s1 =	sshll.u32 s1, $0x11  }
0xbc: {  	s0 =	sor.u32 s1, s0  }
0xbd: {  	s0 =	sadd.s32 $0x8F2B, s0  }
0xbe: {  	[sflag:s0] =	ssyncadd.remote.s32 $0x1  }
0xbf: {  	_ =	sfence.sel $0xFFFF  }
0xc0: {  	[dreg:$0x0] =	wrdreg $0xFFFFFFFF;
	(pc) =	sbr.abs _section_cstart, $3  }
0xc1: {  	[dreg:$0x1] =	wrdreg $0xFFFFFFFF  }
0xc2: {  	_ =	task.clear_ibuf [dreg:s6], $0x2FFFF;
	_ =	strace $0x9FFFFFFF  }
0xc3: {  	(tm) =	ssettm $0x7FFFFFFF  }
tec
execute0_lowered:
.L_overlay_start_1:
0x0: {  	(tag) =	ssettag $0x1  }
0x1: {  	s6 =	rddreg [dreg:$0x0]  }
0x2: {  	s0 =	srdreg.scid;
	s2 =	rddreg [dreg:$0x1]  }
0x3: {  	s3 =	rddreg [dreg:$0x2];
	s4 =	simm.s32 $0x0;
	s17 =	simm.s32 $0x7800  }
0x4: {  	s18 =	simm.s32 $0x80;
	s19 =	simm.s32 $0x8000;
	s20 =	simm.s32 $0x8800  }
0x5: {  	s21 =	simm.s32 $0x9000;
	s5 =	sand.u32 $0x1, s0;
	s0 =	stileid.u32  }
0x6: {  	s22 =	simm.s32 $0x1;
	s23 =	simm.s32 $0x2;
	s7 =	smul.u32 $0x2710, s0  }
0x7: {  	s24 =	simm.s32 $0x3;
	s25 =	simm.s32 $0x4;
	s9 =	smul.u32 $0x2800, s0  }
0x8: {  	[smem:$0x7FF] =	sst s4;
	s1 =	sshll.u32 s5, $0x4;
	s11 =	smul.u32 $0x28000, s5  }
0x9: {  	s5 =	ssub.s32 $0x2, s5;
	s13 =	smul.u32 $0xA000, s0;
	s1 =	sor.u32 s0, s1  }
0xa: {  	s29 =	sshll.u32 s0, $0x6;
	s28 =	sshrl.u32 s5, $0x1;
	s8 =	smul.u32 $0x500, s1  }
0xb: {  	s1 =	rddreg [dreg:$0x3];
	s10 =	sshrl.u32 s7, $0x3;
	_ =	strace $0x8000004A  }
0xc: {  	s26 =	sadd.s32 s9, s11;
	s15 =	ssub.s32 s5, s28;
	s16 =	sadd.s32 s7, s2  }
0xd: {  	s30 =	sshrl.u32 s13, $0x2;
	s7 =	sadd.s32 s9, s3;
	s10 =	sadd.s32 s10, s6  }
0xe: {  	s31 =	sadd.s32 s30, s3;
	s12 =	sadd.s32 s8, s6;
	s8 =	sshrl.u32 s26, $0x3  }
0xf: {  	s5 =	sadd.s32 $0xDE00, s10;
	s9 =	sadd.s32 $0x1000, s31;
	s10 =	sadd.s32 $0x1800, s31  }
0x10: {  	s11 =	sadd.s32 $0x2000, s31;
	s14 =	sadd.s32 s8, s6;
	s6 =	sor.u32 $0x1C05, s29  }
0x11: {  	s8 =	sadd.s32 $0x800, s31;
	s12 =	sadd.s32 $0x3E00, s12;
	s13 =	sadd.s32 $0x12E00, s14  }
0x12: {  	v0 =	vimm.f32 $0.0e+00;
	s14 =	smax.u32 s15, $0x1;
	s15 =	sshrl.u32 s16, $0x3;
	s16 =	simm.s32 $0x5  }
.LBB2_1:
0x13: {  	[spmem:s15], [sflag:s6] =	dma.local [hbm:s5], $0x4E2  }
0x14: {  	_ =	swait.ge [sflag:s16], $0x4E2  }
0x15: {  	[sflag:s16] =	ssyncset.done $0x0  }
0x16: {  	s26 =	simm.s32 $0x40;
	s28 =	simm.s32 $0x0;
	[sflag:s16] =	ssyncadd.s32 $0xFFFFFB1E  }
.LBB2_2:
0x17: {  	p0 =	sne.s32 s26, $0x1FC0;
	[tilespmem:s28+$0x7800] =	vst v0;
	s28 =	smov.u32 s26;
	s26 =	sadd.s32 $0x40, s26  }
.Ltmp0:
0x18: {  	(pc) =	sbr.rel @p0 .LBB2_2-.Ltmp0, $2  }
0x19: {  	_ =	sdelay $0x2  }
0x1a: {  	s28 =	sshra.s32 s28, $0x2  }
0x1b: {  	[tilespmem:s28+$0x7800] =	vst v0  }
0x1c: {  	[spmem:s7] =	stream.linear.scatter [tilespmem:s17], [sflag:$0x5], $0x800, $0x38;
	[tilespmem:$0xE710] =	vst v63  }
0x1d: {  	_ =	swait.ge [sflag:s16], $0x800  }
0x1e: {  	[sflag:s16] =	ssyncset.done $0x0  }
0x1f: {  	[sflag:s16] =	ssyncadd.s32 $0xFFFFF800  }
0x20: {  	[spmem:s8] =	stream.linear.scatter [tilespmem:s17], [sflag:$0x5], $0x800, $0x38;
	[tilespmem:$0xE710] =	vst v63  }
0x21: {  	_ =	swait.ge [sflag:s16], $0x800  }
0x22: {  	[sflag:s16] =	ssyncset.done $0x0  }
0x23: {  	[sflag:s16] =	ssyncadd.s32 $0xFFFFF800  }
0x24: {  	[spmem:s9] =	stream.linear.scatter [tilespmem:s17], [sflag:$0x5], $0x800, $0x38;
	[tilespmem:$0xE710] =	vst v63  }
0x25: {  	_ =	swait.ge [sflag:s16], $0x800  }
0x26: {  	[sflag:s16] =	ssyncset.done $0x0  }
0x27: {  	[sflag:s16] =	ssyncadd.s32 $0xFFFFF800  }
0x28: {  	[spmem:s10] =	stream.linear.scatter [tilespmem:s17], [sflag:$0x5], $0x800, $0x38;
	[tilespmem:$0xE710] =	vst v63  }
0x29: {  	_ =	swait.ge [sflag:s16], $0x800  }
0x2a: {  	[sflag:s16] =	ssyncset.done $0x0  }
0x2b: {  	[sflag:s16] =	ssyncadd.s32 $0xFFFFF800  }
0x2c: {  	[spmem:s11] =	stream.linear.scatter [tilespmem:s17], [sflag:$0x5], $0x800, $0x38;
	[tilespmem:$0xE710] =	vst v63  }
0x2d: {  	_ =	swait.ge [sflag:s16], $0x800  }
0x2e: {  	[sflag:s16] =	ssyncset.done $0x0  }
0x2f: {  	s26 =	simm.s32 $0x0;
	[sflag:s16] =	ssyncadd.s32 $0xFFFFF800  }
0x30: {  	[tilespmem:s26], [sflag:$0x5] =	stream.linear.gather [hbm4b:s12+s26], $0x2800, $0x38;
	[tilespmem:$0xE710] =	vst v63  }
0x31: {  	_ =	swait.ge [sflag:s16], $0x2800  }
0x32: {  	[sflag:s16] =	ssyncset.done $0x0  }
0x33: {  	s26 =	simm.s32 $0x0;
	[sflag:s16] =	ssyncadd.s32 $0xFFFFD800  }
0x34: {  	v1 =	vld [tilespmem:s26+$0x70]  }
0x35: {  	v2 =	vld [tilespmem:s26+$0x0];
	_ =	sdelay $0x1  }
0x36: {  	v3 =	vld [tilespmem:s26+$0x10]  }
0x37: {  	v6 =	vld [tilespmem:s26+$0x40]  }
0x38: {  	v7 =	vshra.s32 v1, $0x10  }
0x39: {  	v4 =	vld [tilespmem:s26+$0x20];
	v9 =	vand.u32 $0xFFFF, v2;
	[tilespmem:s26+$0x5070] =	vst v7  }
0x3a: {  	v2 =	vshra.s32 v2, $0x10;
	[tilespmem:s26+$0x2800] =	vst v9  }
0x3b: {  	v5 =	vld [tilespmem:s26+$0x30];
	v62 =	vand.u32 $0xFFFF, v3;
	[tilespmem:s26+$0x5000] =	vst v2  }
0x3c: {  	v8 =	vld [tilespmem:s26+$0x50];
	v63 =	vand.u32 $0xFFFF, v6;
	[tilespmem:s26+$0x2810] =	vst v62  }
0x3d: {  	v7 =	vld [tilespmem:s26+$0x60];
	v2 =	vshra.s32 v3, $0x10;
	[tilespmem:s26+$0x2840] =	vst v63  }
0x3e: {  	v3 =	vand.u32 $0xFFFF, v4;
	[tilespmem:s26+$0x5010] =	vst v2  }
0x3f: {  	v2 =	vshra.s32 v4, $0x10;
	[tilespmem:s26+$0x2820] =	vst v3  }
0x40: {  	v1 =	vand.u32 $0xFFFF, v1;
	v3 =	vand.u32 $0xFFFF, v5;
	[tilespmem:s26+$0x5020] =	vst v2  }
0x41: {  	v6 =	vshra.s32 v6, $0x10;
	v4 =	vshra.s32 v8, $0x10;
	v2 =	vshra.s32 v5, $0x10;
	[tilespmem:s26+$0x2830] =	vst v3  }
0x42: {  	s28 =	simm.s32 $0x80;
	s29 =	simm.s32 $0x400;
	v5 =	vand.u32 $0xFFFF, v8;
	[tilespmem:s26+$0x5030] =	vst v2;
	v3 =	vand.u32 $0xFFFF, v7;
	v2 =	vshra.s32 v7, $0x10  }
.LBB2_4:
0x43: {  	p0 =	sne.s32 s29, $0x9E00;
	v7 =	vld [tilespmem:s28+$0x70];
	[tilespmem:s26+$0x5040] =	vst v6  }
0x44: {  	v6 =	vld [tilespmem:s28+$0x0];
	[tilespmem:s26+$0x2850] =	vst v5  }
0x45: {  	v5 =	vld [tilespmem:s28+$0x10];
	[tilespmem:s26+$0x5050] =	vst v4  }
0x46: {  	v4 =	vld [tilespmem:s28+$0x20];
	[tilespmem:s26+$0x2860] =	vst v3  }
0x47: {  	v3 =	vld [tilespmem:s28+$0x30];
	[tilespmem:s26+$0x5060] =	vst v2  }
0x48: {  	v2 =	vld [tilespmem:s28+$0x40];
	v8 =	vshra.s32 v7, $0x10;
	[tilespmem:s26+$0x2870] =	vst v1;
	v1 =	vand.u32 $0xFFFF, v7;
	s26 =	smov.u32 s28  }
0x49: {  	v7 =	vand.u32 $0xFFFF, v6;
	v6 =	vshra.s32 v6, $0x10;
	v9 =	vld [tilespmem:s26+$0x50];
	[tilespmem:s26+$0x5070] =	vst v8  }
0x4a: {  	[tilespmem:s26+$0x2800] =	vst v7;
	v7 =	vand.u32 $0xFFFF, v5;
	v5 =	vshra.s32 v5, $0x10;
	v8 =	vld [tilespmem:s26+$0x60]  }
0x4b: {  	[tilespmem:s26+$0x5000] =	vst v6;
	v10 =	vand.u32 $0xFFFF, v4;
	v11 =	vshra.s32 v4, $0x10  }
0x4c: {  	[tilespmem:s26+$0x2810] =	vst v7;
	v7 =	vand.u32 $0xFFFF, v3;
	v12 =	vshra.s32 v3, $0x10  }
0x4d: {  	[tilespmem:s26+$0x5010] =	vst v5;
	v13 =	vand.u32 $0xFFFF, v2;
	v6 =	vshra.s32 v2, $0x10  }
.Ltmp1:
0x4e: {  	[tilespmem:s26+$0x2820] =	vst v10;
	v5 =	vand.u32 $0xFFFF, v9;
	v4 =	vshra.s32 v9, $0x10;
	(pc) =	sbr.rel @p0 .LBB2_4-.Ltmp1, $4  }
0x4f: {  	[tilespmem:s26+$0x5020] =	vst v11;
	v3 =	vand.u32 $0xFFFF, v8;
	v2 =	vshra.s32 v8, $0x10  }
0x50: {  	[tilespmem:s26+$0x2830] =	vst v7  }
0x51: {  	[tilespmem:s26+$0x5030] =	vst v12  }
0x52: {  	s28 =	sshra.s32 s29, $0x2;
	s29 =	sadd.s32 $0x200, s29;
	[tilespmem:s26+$0x2840] =	vst v13  }
0x53: {  	v7 =	vld [tilespmem:s28+$0x70];
	[tilespmem:s26+$0x5040] =	vst v6  }
0x54: {  	v6 =	vld [tilespmem:s28+$0x0];
	[tilespmem:s26+$0x2850] =	vst v5  }
0x55: {  	v5 =	vld [tilespmem:s28+$0x10];
	[tilespmem:s26+$0x5050] =	vst v4  }
0x56: {  	v4 =	vld [tilespmem:s28+$0x20];
	[tilespmem:s26+$0x2860] =	vst v3  }
0x57: {  	v3 =	vld [tilespmem:s28+$0x30];
	[tilespmem:s26+$0x5060] =	vst v2  }
0x58: {  	v2 =	vld [tilespmem:s28+$0x40];
	[tilespmem:s26+$0x2870] =	vst v1;
	v1 =	vshra.s32 v7, $0x10  }
0x59: {  	v9 =	vand.u32 $0xFFFF, v6;
	[tilespmem:s28+$0x5070] =	vst v1  }
0x5a: {  	v1 =	vshra.s32 v6, $0x10;
	[tilespmem:s28+$0x2800] =	vst v9  }
0x5b: {  	v61 =	vand.u32 $0xFFFF, v5;
	[tilespmem:s28+$0x5000] =	vst v1  }
0x5c: {  	v1 =	vshra.s32 v5, $0x10;
	[tilespmem:s28+$0x2810] =	vst v61  }
0x5d: {  	v62 =	vand.u32 $0xFFFF, v4;
	[tilespmem:s28+$0x5010] =	vst v1  }
0x5e: {  	v8 =	vld [tilespmem:s28+$0x50];
	v1 =	vshra.s32 v4, $0x10;
	[tilespmem:s28+$0x2820] =	vst v62  }
0x5f: {  	v63 =	vand.u32 $0xFFFF, v3;
	[tilespmem:s28+$0x5020] =	vst v1  }
0x60: {  	v60 =	vld [tilespmem:s28+$0x60];
	v1 =	vshra.s32 v3, $0x10;
	[tilespmem:s28+$0x2830] =	vst v63  }
0x61: {  	v3 =	vand.u32 $0xFFFF, v2;
	[tilespmem:s28+$0x5030] =	vst v1  }
0x62: {  	v1 =	vshra.s32 v2, $0x10;
	[tilespmem:s28+$0x2840] =	vst v3  }
0x63: {  	v2 =	vand.u32 $0xFFFF, v8;
	[tilespmem:s28+$0x5040] =	vst v1  }
0x64: {  	v1 =	vshra.s32 v8, $0x10;
	[tilespmem:s28+$0x2850] =	vst v2  }
0x65: {  	v2 =	vand.u32 $0xFFFF, v60;
	[tilespmem:s28+$0x5050] =	vst v1  }
0x66: {  	v1 =	vshra.s32 v60, $0x10;
	[tilespmem:s28+$0x2860] =	vst v2  }
0x67: {  	v2 =	vand.u32 $0xFFFF, v7;
	[tilespmem:s28+$0x5060] =	vst v1  }
0x68: {  	[tilespmem:s28+$0x2870] =	vst v2  }
0x69: {  	s29 =	simm.s32 $0x2800;
	[bflag:$0x0] =	sbarrier.arrive $0xFFFF  }
0x6a: {  	[tilespmem:s17], [sflag:$0x1] =	stream.indirect.gather [spmem:s2], $0x10, s29, s18, $0xb8;
	[tilespmem:$0xE710] =	vst v63  }
0x6b: {  	s31 =	simm.s32 $0x2880  }
0x6c: {  	[tilespmem:s19], [sflag:$0x2] =	stream.indirect.gather [spmem:s2], $0x10, s31, s18, $0xb8;
	[tilespmem:$0xE710] =	vst v63  }
0x6d: {  	s28 =	simm.s32 $0x2900  }
0x6e: {  	[tilespmem:s20], [sflag:$0x3] =	stream.indirect.gather [spmem:s2], $0x10, s28, s18, $0xb8;
	[tilespmem:$0xE710] =	vst v63  }
0x6f: {  	s29 =	simm.s32 $0x2980  }
0x70: {  	[tilespmem:s21], [sflag:$0x4] =	stream.indirect.gather [spmem:s2], $0x10, s29, s18, $0xb8;
	[tilespmem:$0xE710] =	vst v63  }
0x71: {  	_ =	swait.ge [sflag:s22], $0x800  }
0x72: {  	[sflag:s22] =	ssyncset.done $0x0  }
0x73: {  	s31 =	simm.s32 $0x5000;
	[sflag:s22] =	ssyncadd.s32 $0xFFFFF800  }
0x74: {  	[spmem:s3] =	stream.indirect.scatter.add.f32 [tilespmem:s17], [sflag:$0x5], $0x10, s31, s18, $0xb8;
	[tilespmem:$0xE710] =	vst v63  }
0x75: {  	_ =	swait.ge [sflag:s16], $0x800  }
0x76: {  	[sflag:s16] =	ssyncset.done $0x0  }
0x77: {  	[sflag:s16] =	ssyncadd.s32 $0xFFFFF800  }
0x78: {  	_ =	swait.ge [sflag:s23], $0x800  }
0x79: {  	[sflag:s23] =	ssyncset.done $0x0  }
0x7a: {  	s28 =	simm.s32 $0x5080;
	[sflag:s23] =	ssyncadd.s32 $0xFFFFF800  }
0x7b: {  	[spmem:s3] =	stream.indirect.scatter.add.f32 [tilespmem:s19], [sflag:$0x5], $0x10, s28, s18, $0xb8;
	[tilespmem:$0xE710] =	vst v63  }
0x7c: {  	_ =	swait.ge [sflag:s16], $0x800  }
0x7d: {  	[sflag:s16] =	ssyncset.done $0x0  }
0x7e: {  	[sflag:s16] =	ssyncadd.s32 $0xFFFFF800  }
0x7f: {  	_ =	swait.ge [sflag:s24], $0x800  }
0x80: {  	[sflag:s24] =	ssyncset.done $0x0  }
0x81: {  	s29 =	simm.s32 $0x5100;
	[sflag:s24] =	ssyncadd.s32 $0xFFFFF800  }
0x82: {  	[spmem:s3] =	stream.indirect.scatter.add.f32 [tilespmem:s20], [sflag:$0x5], $0x10, s29, s18, $0xb8;
	[tilespmem:$0xE710] =	vst v63  }
0x83: {  	_ =	swait.ge [sflag:s16], $0x800  }
0x84: {  	[sflag:s16] =	ssyncset.done $0x0  }
0x85: {  	[sflag:s16] =	ssyncadd.s32 $0xFFFFF800  }
0x86: {  	_ =	swait.ge [sflag:s25], $0x800  }
0x87: {  	[sflag:s25] =	ssyncset.done $0x0  }
0x88: {  	s31 =	simm.s32 $0x5180;
	[sflag:s25] =	ssyncadd.s32 $0xFFFFF800  }
0x89: {  	[spmem:s3] =	stream.indirect.scatter.add.f32 [tilespmem:s21], [sflag:$0x5], $0x10, s31, s18, $0xb8;
	[tilespmem:$0xE710] =	vst v63  }
0x8a: {  	_ =	swait.ge [sflag:s16], $0x800  }
0x8b: {  	s30 =	simm.s32 $0x1000;
	s26 =	simm.s32 $0x200;
	[sflag:s16] =	ssyncset.done $0x0  }
.LBB2_6:
0x8c: {  	s31 =	sadd.s32 $0x2800, s26  }
0x8d: {  	[sflag:s16] =	ssyncadd.s32 $0xFFFFF800;
	s29 =	smov.u32 s30;
	s28 =	sadd.s32 $0x800, s30  }
0x8e: {  	[tilespmem:s17], [sflag:$0x1] =	stream.indirect.gather [spmem:s2], $0x10, s31, s18, $0xb8;
	[tilespmem:$0xE710] =	vst v63  }
0x8f: {  	p0 =	sne.s32 s30, $0x9800;
	s30 =	sadd.s32 $0x2880, s26  }
0x90: {  	[tilespmem:s19], [sflag:$0x2] =	stream.indirect.gather [spmem:s2], $0x10, s30, s18, $0xb8;
	[tilespmem:$0xE710] =	vst v63  }
0x91: {  	s30 =	sadd.s32 $0x2900, s26  }
0x92: {  	[tilespmem:s20], [sflag:$0x3] =	stream.indirect.gather [spmem:s2], $0x10, s30, s18, $0xb8;
	[tilespmem:$0xE710] =	vst v63  }
0x93: {  	s30 =	sadd.s32 $0x2980, s26  }
0x94: {  	[tilespmem:s21], [sflag:$0x4] =	stream.indirect.gather [spmem:s2], $0x10, s30, s18, $0xb8;
	[tilespmem:$0xE710] =	vst v63  }
0x95: {  	_ =	swait.ge [sflag:s22], $0x800  }
0x96: {  	[sflag:s22] =	ssyncset.done $0x0  }
0x97: {  	s30 =	sadd.s32 $0x5000, s26;
	[sflag:s22] =	ssyncadd.s32 $0xFFFFF800  }
0x98: {  	[spmem:s3] =	stream.indirect.scatter.add.f32 [tilespmem:s17], [sflag:$0x5], $0x10, s30, s18, $0xb8;
	[tilespmem:$0xE710] =	vst v63  }
0x99: {  	_ =	swait.ge [sflag:s16], $0x800  }
0x9a: {  	[sflag:s16] =	ssyncset.done $0x0  }
0x9b: {  	[sflag:s16] =	ssyncadd.s32 $0xFFFFF800  }
0x9c: {  	_ =	swait.ge [sflag:s23], $0x800  }
0x9d: {  	[sflag:s23] =	ssyncset.done $0x0  }
0x9e: {  	s30 =	sadd.s32 $0x5080, s26;
	[sflag:s23] =	ssyncadd.s32 $0xFFFFF800  }
0x9f: {  	[spmem:s3] =	stream.indirect.scatter.add.f32 [tilespmem:s19], [sflag:$0x5], $0x10, s30, s18, $0xb8;
	[tilespmem:$0xE710] =	vst v63  }
0xa0: {  	_ =	swait.ge [sflag:s16], $0x800  }
0xa1: {  	[sflag:s16] =	ssyncset.done $0x0  }
0xa2: {  	[sflag:s16] =	ssyncadd.s32 $0xFFFFF800  }
0xa3: {  	_ =	swait.ge [sflag:s24], $0x800  }
0xa4: {  	[sflag:s24] =	ssyncset.done $0x0  }
0xa5: {  	s30 =	sadd.s32 $0x5100, s26;
	[sflag:s24] =	ssyncadd.s32 $0xFFFFF800  }
0xa6: {  	[spmem:s3] =	stream.indirect.scatter.add.f32 [tilespmem:s20], [sflag:$0x5], $0x10, s30, s18, $0xb8;
	[tilespmem:$0xE710] =	vst v63  }
0xa7: {  	_ =	swait.ge [sflag:s16], $0x800  }
0xa8: {  	[sflag:s16] =	ssyncset.done $0x0  }
0xa9: {  	[sflag:s16] =	ssyncadd.s32 $0xFFFFF800  }
0xaa: {  	_ =	swait.ge [sflag:s25], $0x800  }
.Ltmp2:
0xab: {  	[sflag:s25] =	ssyncset.done $0x0;
	(pc) =	sbr.rel @p0 .LBB2_6-.Ltmp2, $4  }
0xac: {  	s26 =	sadd.s32 $0x5180, s26;
	[sflag:s25] =	ssyncadd.s32 $0xFFFFF800  }
0xad: {  	[spmem:s3] =	stream.indirect.scatter.add.f32 [tilespmem:s21], [sflag:$0x5], $0x10, s26, s18, $0xb8;
	[tilespmem:$0xE710] =	vst v63  }
0xae: {  	_ =	swait.ge [sflag:s16], $0x800  }
0xaf: {  	s30 =	smov.u32 s28;
	s26 =	sshra.s32 s29, $0x2;
	[sflag:s16] =	ssyncset.done $0x0  }
0xb0: {  	s28 =	sadd.s32 $0x2800, s26;
	[sflag:s16] =	ssyncadd.s32 $0xFFFFF800  }
0xb1: {  	[tilespmem:s17], [sflag:$0x1] =	stream.indirect.gather [spmem:s2], $0x10, s28, s18, $0xb8;
	[tilespmem:$0xE710] =	vst v63  }
0xb2: {  	s30 =	sadd.s32 $0x2880, s26  }
0xb3: {  	[tilespmem:s19], [sflag:$0x2] =	stream.indirect.gather [spmem:s2], $0x10, s30, s18, $0xb8;
	[tilespmem:$0xE710] =	vst v63  }
0xb4: {  	s31 =	sadd.s32 $0x2900, s26  }
0xb5: {  	[tilespmem:s20], [sflag:$0x3] =	stream.indirect.gather [spmem:s2], $0x10, s31, s18, $0xb8;
	[tilespmem:$0xE710] =	vst v63  }
0xb6: {  	s29 =	sadd.s32 $0x2980, s26  }
0xb7: {  	[tilespmem:s21], [sflag:$0x4] =	stream.indirect.gather [spmem:s2], $0x10, s29, s18, $0xb8;
	[tilespmem:$0xE710] =	vst v63  }
0xb8: {  	_ =	swait.ge [sflag:s22], $0x800  }
0xb9: {  	[sflag:s22] =	ssyncset.done $0x0  }
0xba: {  	s30 =	sadd.s32 $0x5000, s26;
	[sflag:s22] =	ssyncadd.s32 $0xFFFFF800  }
0xbb: {  	[spmem:s3] =	stream.indirect.scatter.add.f32 [tilespmem:s17], [sflag:$0x5], $0x10, s30, s18, $0xb8;
	[tilespmem:$0xE710] =	vst v63  }
0xbc: {  	_ =	swait.ge [sflag:s16], $0x800  }
0xbd: {  	[sflag:s16] =	ssyncset.done $0x0  }
0xbe: {  	[sflag:s16] =	ssyncadd.s32 $0xFFFFF800  }
0xbf: {  	_ =	swait.ge [sflag:s23], $0x800  }
0xc0: {  	[sflag:s23] =	ssyncset.done $0x0  }
0xc1: {  	s31 =	sadd.s32 $0x5080, s26;
	[sflag:s23] =	ssyncadd.s32 $0xFFFFF800  }
0xc2: {  	[spmem:s3] =	stream.indirect.scatter.add.f32 [tilespmem:s19], [sflag:$0x5], $0x10, s31, s18, $0xb8;
	[tilespmem:$0xE710] =	vst v63  }
0xc3: {  	_ =	swait.ge [sflag:s16], $0x800  }
0xc4: {  	[sflag:s16] =	ssyncset.done $0x0  }
0xc5: {  	[sflag:s16] =	ssyncadd.s32 $0xFFFFF800  }
0xc6: {  	_ =	swait.ge [sflag:s24], $0x800  }
0xc7: {  	[sflag:s24] =	ssyncset.done $0x0  }
0xc8: {  	s29 =	sadd.s32 $0x5100, s26;
	[sflag:s24] =	ssyncadd.s32 $0xFFFFF800  }
0xc9: {  	[spmem:s3] =	stream.indirect.scatter.add.f32 [tilespmem:s20], [sflag:$0x5], $0x10, s29, s18, $0xb8;
	[tilespmem:$0xE710] =	vst v63  }
0xca: {  	_ =	swait.ge [sflag:s16], $0x800  }
0xcb: {  	[sflag:s16] =	ssyncset.done $0x0  }
0xcc: {  	[sflag:s16] =	ssyncadd.s32 $0xFFFFF800  }
0xcd: {  	_ =	swait.ge [sflag:s25], $0x800  }
0xce: {  	[sflag:s25] =	ssyncset.done $0x0  }
0xcf: {  	s30 =	sadd.s32 $0x5180, s26;
	[sflag:s25] =	ssyncadd.s32 $0xFFFFF800  }
0xd0: {  	[spmem:s3] =	stream.indirect.scatter.add.f32 [tilespmem:s21], [sflag:$0x5], $0x10, s30, s18, $0xb8;
	[tilespmem:$0xE710] =	vst v63  }
0xd1: {  	_ =	swait.ge [sflag:s16], $0x800  }
0xd2: {  	s4 =	sadd.s32 $0x1, s4;
	[sflag:s16] =	ssyncset.done $0x0  }
0xd3: {  	p0 =	sne.s32 s4, s14;
	[sflag:s16] =	ssyncadd.s32 $0xFFFFF800  }
.Ltmp3:
0xd4: {  	s31 =	sshrl.u32 s7, $0x3;
	[bflag:$0x0] =	sbarrier.arrive $0xFFFF;
	(pc) =	sbr.rel @p0 .LBB2_1-.Ltmp3, $4  }
0xd5: {  	[hbm:s13], [sflag:s6] =	dma.local [spmem:s31], $0x500  }
0xd6: {  	_ =	swait.ge [sflag:s16], $0x500  }
0xd7: {  	[sflag:s16] =	ssyncset.done $0x0  }
0xd8: {  	[sflag:s16] =	ssyncadd.s32 $0xFFFFFB00  }
0xd9: {  	_ =	sfence.sel $0x180000  }
0xda: {  	[bflag:$0x0] =	sbarrier.arrive $0xFFFF  }
0xdb: {  	p0 =	sne.s32 s0, $0x0;
	_ =	strace $0x9000004A  }
0xdc: {  	s0 =	sadd.s32 @!p0 $0x100000, s1;
	[bflag:$0x2] =	sbarrier.arrive $0xFFFF  }
0xdd: {  	[sflag:s0] =	ssyncadd.tile.s32 @!p0 $0x1;
	_ =	shalt  }
.Lfunc_end2:
_tile_overlayer_lowered:
.L_overlay_start_2:
0xde: {  	(tag) =	ssettag $0x2  }
0xdf: {  	s0 =	rddreg [dreg:$0x0];
	s2 =	stileid.u32  }
0xe0: {  	s1 =	rddreg [dreg:$0x1];
	p0 =	sne.s32 s2, $0x0  }
0xe1: {  	s3 =	rddreg [dreg:$0x2];
	[bflag:$0x3] =	sbarrier.arrive $0xFFFF;
	s2 =	simm.s32 @!p0 $0x1C05  }
0xe2: {  	[timem:s3], [sflag:s2] =	dma.local @!p0 [hbm:s0], s1  }
0xe3: {  	s0 =	simm.s32 @!p0 $0x5  }
0xe4: {  	_ =	swait.ge @!p0 [sflag:s0], s1  }
0xe5: {  	s1 =	ssub.s32 @!p0 $0x0, s1;
	[sflag:s0] =	ssyncset.done @!p0 $0x0  }
0xe6: {  	[sflag:s0] =	ssyncadd.s32 @!p0 s1  }
0xe7: {  	[bflag:$0x3] =	sbarrier.arrive $0xFFFF  }
0xe8: {  	_ =	shalt  }

// kernel: kernel.18.cloned.1.call-start
scs
__scs_entry_jumppad:
0x0: {  	(pc) =	sbr.rel $0x88, $3  }
0x1: {  	(tag) =	ssettag $0x0;
	lr =	simm.s32 $0x1  }
0x2: {  	[smem:$0x3F96] =	sst lr;
	_ =	strace $0xD0000000  }
0x3: {  	_ = 	snop  }
0x4: {  	_ = 	snop  }
0x5: {  	_ = 	snop  }
0x6: {  	_ = 	snop  }
0x7: {  	_ = 	snop  }
__scs_overlays_trampoline_lowered:
0x8: {  	[smem:$0x3FA5] =	sst s0  }
0x9: {  	[smem:$0x3FA6] =	sst s1  }
0xa: {  	[smem:$0x3FA7] =	sst s2  }
0xb: {  	[smem:$0x3FA8] =	sst s3  }
0xc: {  	[smem:$0x3FA9] =	sst s4  }
0xd: {  	[smem:$0x3FAA] =	sst s5  }
0xe: {  	[smem:$0x3FAB] =	sst s6  }
0xf: {  	[smem:$0x3FAC] =	sst s7  }
0x10: {  	[smem:$0x3FAD] =	sst s8  }
0x11: {  	[smem:$0x3FAE] =	sst s9;
	s0 =	simm.s32 @!p0 $0x0  }
0x12: {  	s1 =	sld [smem:$0x3F94];
	s0 =	simm.s32 @p0 $0x1  }
0x13: {  	[smem:$0x3FAF] =	sst s0;
	s0 =	simm.s32 @!p1 $0x0  }
0x14: {  	s2 =	sld [smem:$0x3F93];
	s0 =	simm.s32 @p1 $0x1  }
0x15: {  	[smem:$0x3FB0] =	sst s0;
	s0 =	simm.s32 @!p2 $0x0  }
0x16: {  	s3 =	sld [smem:$0x3FDB];
	s0 =	simm.s32 @p2 $0x1  }
0x17: {  	s4 =	simm.s32 $0x1BF5;
	[smem:$0x3FB2] =	sst s0  }
0x18: {  	s0 =	sld [smem:$0x3F95];
	_ =	swait.ge [sflag:s4], $0x0  }
0x19: {  	s7 =	sld [smem:$0x3F96]  }
0x1a: {  	s8 =	sadd.s32 $0xFFFFE003, lr  }
0x1b: {  	s9 =	sadd.s32 $0xFFFFFEF7, lr;
	s5 =	simm.s32 $0xFFFFFFFF;
	p2 =	slt.u32 s8, $0xFFFFF086  }
0x1c: {  	p1 =	slt.u32 s9, $0xF7A;
	s5 =	simm.s32 @!p2 $0x0  }
0x1d: {  	s5 =	simm.s32 @p1 $0x1;
	p0 =	seq.s32 s7, s2  }
0x1e: {  	s7 =	smul.u32 @!p0 $0xF7A, s2;
	p2 =	seq.s32 @!p0 s5, $0x0  }
0x1f: {  	s9 =	smul.u32 $0xF7A, s1;
	s8 =	simm.s32 @!p0 $0x1BF5;
	p2 =	por !p2, p0  }
0x20: {  	[sflag:s8] =	ssyncset.s32 @!p0 $0xFFFFF086;
	s6 =	sadd.s32 @!p0 s3, s7;
	s7 =	simm.s32 @!p0 $0x108  }
0x21: {  	s3 =	sadd.s32 s3, s9;
	s6 =	sadd.s32 @!p0 $0x88, s6;
	s7 =	simm.s32 @p2 $0x1082  }
0x22: {  	[simem:s7], [sflag:s8] =	dma.local @!p0 [hbm:s6], $0xF7A  }
0x23: {  	s9 =	sor.u32 $0xD0000000, s2;
	s6 =	simm.s32 $0x108;
	_ =	swait.ge @!p0 [sflag:s8], $0x0  }
0x24: {  	s3 =	sadd.s32 $0x88, s3;
	s6 =	simm.s32 @!p1 $0x1082;
	[sflag:s4] =	ssyncset.s32 $0xFFFFF086  }
0x25: {  	[simem:s6], [sflag:s4] =	dma.local [hbm:s3], $0xF7A  }
0x26: {  	[smem:$0x3F96] =	sst s1;
	(tag) =	ssettag s2;
	_ =	strace s9  }
0x27: {  	s1 =	sld [smem:$0x3FA6]  }
0x28: {  	s2 =	sld [smem:$0x3FA7]  }
0x29: {  	s4 =	sld [smem:$0x3FA9]  }
0x2a: {  	p0 =	seq.s32 s5, $0x0;
	s5 =	sld [smem:$0x3FAA]  }
0x2b: {  	s6 =	sld [smem:$0x3FAB]  }
0x2c: {  	s7 =	sld [smem:$0x3FAC]  }
0x2d: {  	s3 =	simm.s32 $0x108;
	s8 =	sld [smem:$0x3FAD]  }
0x2e: {  	s3 =	simm.s32 @!p0 $0x1082;
	s9 =	sld [smem:$0x3FAE]  }
0x2f: {  	lr =	sadd.s32 s0, s3;
	s0 =	sld [smem:$0x3FA5]  }
0x30: {  	s3 =	sld [smem:$0x3FA8]  }
0x31: {  	[smem:$0x3FB1] =	sst s10  }
0x32: {  	s10 =	sld [smem:$0x3FAF];
	_ =	sdelay $0x3  }
0x33: {  	p0 =	seq.s32 s10, $0x1;
	s10 =	sld [smem:$0x3FB1];
	_ =	sdelay $0x3  }
0x34: {  	[smem:$0x3FB1] =	sst s10  }
0x35: {  	s10 =	sld [smem:$0x3FB0];
	_ =	sdelay $0x3  }
0x36: {  	p1 =	seq.s32 s10, $0x1;
	s10 =	sld [smem:$0x3FB1];
	_ =	sdelay $0x3  }
0x37: {  	[smem:$0x3FB1] =	sst s10  }
0x38: {  	s10 =	sld [smem:$0x3FB2]  }
0x39: {  	_ = 	snop;
	(pc) =	sbr.ind lr, $3  }
0x3a: {  	_ = 	snop  }
0x3b: {  	_ = 	snop  }
0x3c: {  	p2 =	seq.s32 s10, $0x1;
	s10 =	sld [smem:$0x3FB1]  }
0x3d: {  	_ =	shalt  }
0x3e: {  	_ =	shalt  }
0x3f: {  	_ =	shalt  }
0x40: {  	_ =	shalt  }
0x41: {  	_ =	shalt  }
0x42: {  	_ =	shalt  }
0x43: {  	_ =	shalt  }
0x44: {  	_ =	shalt  }
0x45: {  	_ =	shalt  }
0x46: {  	_ =	shalt  }
0x47: {  	_ =	shalt  }
0x48: {  	_ =	shalt  }
0x49: {  	_ =	shalt  }
0x4a: {  	_ =	shalt  }
0x4b: {  	_ =	shalt  }
0x4c: {  	_ =	shalt  }
0x4d: {  	_ =	shalt  }
0x4e: {  	_ =	shalt  }
0x4f: {  	_ =	shalt  }
0x50: {  	_ =	shalt  }
0x51: {  	_ =	shalt  }
0x52: {  	_ =	shalt  }
0x53: {  	_ =	shalt  }
0x54: {  	_ =	shalt  }
0x55: {  	_ =	shalt  }
0x56: {  	_ =	shalt  }
0x57: {  	_ =	shalt  }
0x58: {  	_ =	shalt  }
0x59: {  	_ =	shalt  }
0x5a: {  	_ =	shalt  }
0x5b: {  	_ =	shalt  }
0x5c: {  	_ =	shalt  }
0x5d: {  	_ =	shalt  }
0x5e: {  	_ =	shalt  }
0x5f: {  	_ =	shalt  }
0x60: {  	_ =	shalt  }
0x61: {  	_ =	shalt  }
0x62: {  	_ =	shalt  }
0x63: {  	_ =	shalt  }
0x64: {  	_ =	shalt  }
0x65: {  	_ =	shalt  }
0x66: {  	_ =	shalt  }
0x67: {  	_ =	shalt  }
0x68: {  	_ =	shalt  }
0x69: {  	_ =	shalt  }
0x6a: {  	_ =	shalt  }
0x6b: {  	_ =	shalt  }
0x6c: {  	_ =	shalt  }
0x6d: {  	_ =	shalt  }
0x6e: {  	_ =	shalt  }
0x6f: {  	_ =	shalt  }
0x70: {  	_ =	shalt  }
0x71: {  	_ =	shalt  }
0x72: {  	_ =	shalt  }
0x73: {  	_ =	shalt  }
0x74: {  	_ =	shalt  }
0x75: {  	_ =	shalt  }
0x76: {  	_ =	shalt  }
0x77: {  	_ =	shalt  }
0x78: {  	_ =	shalt  }
0x79: {  	_ =	shalt  }
0x7a: {  	_ =	shalt  }
0x7b: {  	_ =	shalt  }
0x7c: {  	_ =	shalt  }
0x7d: {  	_ =	shalt  }
0x7e: {  	_ =	shalt  }
0x7f: {  	_ =	shalt  }
0x80: {  	_ =	shalt  }
0x81: {  	_ =	shalt  }
0x82: {  	_ =	shalt  }
0x83: {  	_ =	shalt  }
0x84: {  	_ =	shalt  }
0x85: {  	_ =	shalt  }
0x86: {  	_ =	shalt  }
0x87: {  	_ =	shalt  }
.Lfunc_end0:
.L_simem_size_0:
called_computation.2_lowered:
.L_overlay_start_0:
0x88: {  	s2 =	sld [smem:$0x3FD9]  }
0x89: {  	s3 =	sld [smem:$0x3FFE];
	_ =	sdelay $0x1  }
0x8a: {  	s1 =	srdreg.scid  }
0x8b: {  	s0 =	sand.u32 $0x1, s1  }
0x8c: {  	s16 =	sshll.u32 s0, $0xA;
	s2 =	sadd.s32 s3, s2  }
0x8d: {  	s2 =	sadd.s32 s2, s16  }
0x8e: {  	[smem:$0x3FBD] =	sst s2  }
0x8f: {  	_ = 	snop  }
0x90: {  	(tm) =	ssettm $0x1  }
0x91: {  	s17 =	sld [smem:$0x3FFB];
	_ =	sdelay $0x3  }
0x92: {  	_ =	strace s17  }
0x93: {  	s2 =	sld [smem:$0x3FFC];
	_ =	sdelay $0x3  }
0x94: {  	_ =	strace s2  }
0x95: {  	s2 =	sld [smem:$0x3FFD];
	_ =	sdelay $0x3  }
0x96: {  	_ =	strace s2  }
0x97: {  	_ =	strace $0x8FFFFFFF  }
0x98: {  	s18 =	sld [smem:$0x3FDB];
	_ =	sdelay $0x1  }
0x99: {  	s19 =	simm.s32 $_scs_section_size  }
0x9a: {  	s4 =	simm.s32 $_size__tile_overlayer_lowered;
	s5 =	simm.s32 $_tile_overlayer_lowered  }
0x9b: {  	s22 =	simm.s32 $0x1BFF;
	s21 =	sshll.u32 s5, $0x1;
	s2 =	sadd.s32 s19, s18  }
0x9c: {  	s6 =	simm.s32 $0x0;
	s20 =	sshll.u32 s4, $0x1;
	s4 =	sadd.s32 s21, s2  }
0x9d: {  	[timem:s6], [sflag:s22] =	dma.local [hbm:s4], s20  }
0x9e: {  	_ =	swait.ge [sflag:s22], s20  }
0x9f: {  	s3 =	ssub.s32 $0x0, s20;
	[sflag:s22] =	ssyncset.done $0x0  }
0xa0: {  	[sflag:s22] =	ssyncadd.s32 s3;
	_ =	sdelay $0x1  }
0xa1: {  	s23 =	simm.s32 $0x1B8B  }
0xa2: {  	_ =	swait.ge [sflag:s23], $0x1  }
0xa3: {  	[sflag:s23] =	ssyncset.done $0x0  }
0xa4: {  	s25 =	simm.s32 $0x1B8E;
	s24 =	sld [smem:$0x3FFE];
	[sflag:s23] =	ssyncadd.s32 $0xFFFFFFFF  }
0xa5: {  	s26 =	simm.s32 $execute0_lowered;
	[smem:$0x3FD2] =	sst s25  }
0xa6: {  	s4 =	sshll.u32 s26, $0x1;
	_ =	strace $0x8000004C;
	[dreg:$0x1] =	wrdreg $0xFFFFFFFF  }
0xa7: {  	s28 =	simm.s32 $_size_execute0_lowered;
	s2 =	sadd.s32 s2, s4;
	[dreg:$0x0] =	wrdreg $0x0  }
0xa8: {  	s4 =	sshll.u32 s28, $0x1;
	[dreg:$0x2] =	wrdreg s2  }
0xa9: {  	[dreg:$0x3] =	wrdreg s4  }
0xaa: {  	[dreg:$0x4] =	wrdreg $0xC0  }
0xab: {  	_ =	task [dreg:s6], $0x5FFFF  }
0xac: {  	[dreg:$0x1] =	wrdreg $0xFFFFFFFF  }
0xad: {  	[dreg:$0x0] =	wrdreg $0x60  }
0xae: {  	[dreg:$0x2] =	wrdreg s24  }
0xaf: {  	[dreg:$0x3] =	wrdreg $0x108000  }
0xb0: {  	[dreg:$0x4] =	wrdreg $0xB8000  }
0xb1: {  	[dreg:$0x5] =	wrdreg $0x9  }
0xb2: {  	_ =	task.clear_ibuf [dreg:s6], $0x6FFFF;
	_ =	strace $0x9000004C  }
0xb3: {  	s29 =	simm.s32 $0x9;
	_ =	strace $0x8000004E  }
0xb4: {  	_ =	swait.ge [sflag:s29], $0x1  }
0xb5: {  	[sflag:s29] =	ssyncadd.s32 $0xFFFFFFFF  }
0xb6: {  	_ =	strace $0x9000004E  }
0xb7: {  	_ =	sfence  }
0xb8: {  	s30 =	sld [smem:$0x0];
	_ =	sdelay $0x2  }
0xb9: {  	s31 =	sshll.u32 s1, $0xD;
	s1 =	sshrl.u32 s1, $0x2  }
0xba: {  	s3 =	sand.u32 $0x4000, s31;
	s1 =	sadd.s32 s1, s30  }
0xbb: {  	s0 =	sor.u32 s3, s0;
	s1 =	sshll.u32 s1, $0x11  }
0xbc: {  	s0 =	sor.u32 s1, s0  }
0xbd: {  	s0 =	sadd.s32 $0x8F2B, s0  }
0xbe: {  	[sflag:s0] =	ssyncadd.remote.s32 $0x1  }
0xbf: {  	_ =	sfence.sel $0xFFFF  }
0xc0: {  	[dreg:$0x0] =	wrdreg $0xFFFFFFFF;
	(pc) =	sbr.abs _section_cstart, $3  }
0xc1: {  	[dreg:$0x1] =	wrdreg $0xFFFFFFFF  }
0xc2: {  	_ =	task.clear_ibuf [dreg:s6], $0x2FFFF;
	_ =	strace $0x9FFFFFFF  }
0xc3: {  	(tm) =	ssettm $0x7FFFFFFF  }
tec
execute0_lowered:
.L_overlay_start_1:
0x0: {  	(tag) =	ssettag $0x1  }
0x1: {  	s6 =	rddreg [dreg:$0x0]  }
0x2: {  	s0 =	srdreg.scid;
	s2 =	rddreg [dreg:$0x1]  }
0x3: {  	s3 =	rddreg [dreg:$0x2];
	s4 =	simm.s32 $0x0;
	s17 =	simm.s32 $0x7800  }
0x4: {  	s18 =	simm.s32 $0x80;
	s19 =	simm.s32 $0x8800;
	s20 =	simm.s32 $0x9800  }
0x5: {  	s21 =	simm.s32 $0xA800;
	s5 =	sand.u32 $0x1, s0;
	s0 =	stileid.u32  }
0x6: {  	s22 =	simm.s32 $0x1;
	s23 =	simm.s32 $0x2;
	s7 =	smul.u32 $0x4E20, s0  }
0x7: {  	s24 =	simm.s32 $0x3;
	s25 =	simm.s32 $0x4;
	s9 =	smul.u32 $0x5000, s0  }
0x8: {  	[smem:$0x7FF] =	sst s4;
	s1 =	sshll.u32 s5, $0x4;
	s11 =	smul.u32 $0x50000, s5  }
0x9: {  	s5 =	ssub.s32 $0x2, s5;
	s13 =	smul.u32 $0x14000, s0;
	s1 =	sor.u32 s0, s1  }
0xa: {  	s29 =	sshll.u32 s0, $0x6;
	s28 =	sshrl.u32 s5, $0x1;
	s8 =	smul.u32 $0x500, s1  }
0xb: {  	s1 =	rddreg [dreg:$0x3];
	s10 =	sshrl.u32 s7, $0x3;
	_ =	strace $0x8000004D  }
0xc: {  	s26 =	sadd.s32 s9, s11;
	s15 =	ssub.s32 s5, s28;
	s16 =	sadd.s32 s7, s2  }
0xd: {  	s30 =	sshrl.u32 s13, $0x2;
	s7 =	sadd.s32 s9, s3;
	s10 =	sadd.s32 s10, s6  }
0xe: {  	s31 =	sadd.s32 s30, s3;
	s12 =	sadd.s32 s8, s6;
	s8 =	sshrl.u32 s26, $0x3  }
0xf: {  	s5 =	sadd.s32 $0xDE00, s10;
	s9 =	sadd.s32 $0x2000, s31;
	s10 =	sadd.s32 $0x3000, s31  }
0x10: {  	s11 =	sadd.s32 $0x4000, s31;
	s14 =	sadd.s32 s8, s6;
	s6 =	sor.u32 $0x1C05, s29  }
0x11: {  	s8 =	sadd.s32 $0x1000, s31;
	s12 =	sadd.s32 $0x3E00, s12;
	s13 =	sadd.s32 $0x17C00, s14  }
0x12: {  	v0 =	vimm.f32 $0.0e+00;
	s14 =	smax.u32 s15, $0x1;
	s15 =	sshrl.u32 s16, $0x3;
	s16 =	simm.s32 $0x5  }
.LBB2_1:
0x13: {  	[spmem:s15], [sflag:s6] =	dma.local [hbm:s5], $0x9C4  }
0x14: {  	_ =	swait.ge [sflag:s16], $0x9C4  }
0x15: {  	[sflag:s16] =	ssyncset.done $0x0  }
0x16: {  	s26 =	simm.s32 $0x80;
	s28 =	simm.s32 $0x0;
	[sflag:s16] =	ssyncadd.s32 $0xFFFFF63C  }
.LBB2_2:
0x17: {  	p0 =	sne.s32 s26, $0x3F80;
	[tilespmem:s28+$0x7800] =	vst v0;
	s29 =	smov.u32 s26;
	s26 =	sadd.s32 $0x80, s26  }
.Ltmp0:
0x18: {  	[tilespmem:s28+$0x7810] =	vst v0;
	(pc) =	sbr.rel @p0 .LBB2_2-.Ltmp0, $2  }
0x19: {  	_ =	sdelay $0x2  }
0x1a: {  	s28 =	sshra.s32 s29, $0x2  }
0x1b: {  	[tilespmem:s28+$0x7800] =	vst v0  }
0x1c: {  	[tilespmem:s28+$0x7810] =	vst v0  }
0x1d: {  	[spmem:s7] =	stream.linear.scatter [tilespmem:s17], [sflag:$0x5], $0x1000, $0x38;
	[tilespmem:$0x15620] =	vst v63  }
0x1e: {  	_ =	swait.ge [sflag:s16], $0x1000  }
0x1f: {  	[sflag:s16] =	ssyncset.done $0x0  }
0x20: {  	[sflag:s16] =	ssyncadd.s32 $0xFFFFF000  }
0x21: {  	[spmem:s8] =	stream.linear.scatter [tilespmem:s17], [sflag:$0x5], $0x1000, $0x38;
	[tilespmem:$0x15620] =	vst v63  }
0x22: {  	_ =	swait.ge [sflag:s16], $0x1000  }
0x23: {  	[sflag:s16] =	ssyncset.done $0x0  }
0x24: {  	[sflag:s16] =	ssyncadd.s32 $0xFFFFF000  }
0x25: {  	[spmem:s9] =	stream.linear.scatter [tilespmem:s17], [sflag:$0x5], $0x1000, $0x38;
	[tilespmem:$0x15620] =	vst v63  }
0x26: {  	_ =	swait.ge [sflag:s16], $0x1000  }
0x27: {  	[sflag:s16] =	ssyncset.done $0x0  }
0x28: {  	[sflag:s16] =	ssyncadd.s32 $0xFFFFF000  }
0x29: {  	[spmem:s10] =	stream.linear.scatter [tilespmem:s17], [sflag:$0x5], $0x1000, $0x38;
	[tilespmem:$0x15620] =	vst v63  }
0x2a: {  	_ =	swait.ge [sflag:s16], $0x1000  }
0x2b: {  	[sflag:s16] =	ssyncset.done $0x0  }
0x2c: {  	[sflag:s16] =	ssyncadd.s32 $0xFFFFF000  }
0x2d: {  	[spmem:s11] =	stream.linear.scatter [tilespmem:s17], [sflag:$0x5], $0x1000, $0x38;
	[tilespmem:$0x15620] =	vst v63  }
0x2e: {  	_ =	swait.ge [sflag:s16], $0x1000  }
0x2f: {  	[sflag:s16] =	ssyncset.done $0x0  }
0x30: {  	s26 =	simm.s32 $0x0;
	[sflag:s16] =	ssyncadd.s32 $0xFFFFF000  }
0x31: {  	[tilespmem:s26], [sflag:$0x5] =	stream.linear.gather [hbm4b:s12+s26], $0x2800, $0x38;
	[tilespmem:$0x15620] =	vst v63  }
0x32: {  	_ =	swait.ge [sflag:s16], $0x2800  }
0x33: {  	[sflag:s16] =	ssyncset.done $0x0  }
0x34: {  	s26 =	simm.s32 $0x0;
	[sflag:s16] =	ssyncadd.s32 $0xFFFFD800  }
0x35: {  	v1 =	vld [tilespmem:s26+$0x70]  }
0x36: {  	v2 =	vld [tilespmem:s26+$0x0];
	_ =	sdelay $0x1  }
0x37: {  	v3 =	vld [tilespmem:s26+$0x10]  }
0x38: {  	v6 =	vld [tilespmem:s26+$0x40]  }
0x39: {  	v7 =	vshra.s32 v1, $0x10  }
0x3a: {  	v4 =	vld [tilespmem:s26+$0x20];
	v9 =	vand.u32 $0xFFFF, v2;
	[tilespmem:s26+$0x5070] =	vst v7  }
0x3b: {  	v2 =	vshra.s32 v2, $0x10;
	[tilespmem:s26+$0x2800] =	vst v9  }
0x3c: {  	v5 =	vld [tilespmem:s26+$0x30];
	v62 =	vand.u32 $0xFFFF, v3;
	[tilespmem:s26+$0x5000] =	vst v2  }
0x3d: {  	v8 =	vld [tilespmem:s26+$0x50];
	v63 =	vand.u32 $0xFFFF, v6;
	[tilespmem:s26+$0x2810] =	vst v62  }
0x3e: {  	v7 =	vld [tilespmem:s26+$0x60];
	v2 =	vshra.s32 v3, $0x10;
	[tilespmem:s26+$0x2840] =	vst v63  }
0x3f: {  	v3 =	vand.u32 $0xFFFF, v4;
	[tilespmem:s26+$0x5010] =	vst v2  }
0x40: {  	v2 =	vshra.s32 v4, $0x10;
	[tilespmem:s26+$0x2820] =	vst v3  }
0x41: {  	v1 =	vand.u32 $0xFFFF, v1;
	v3 =	vand.u32 $0xFFFF, v5;
	[tilespmem:s26+$0x5020] =	vst v2  }
0x42: {  	v6 =	vshra.s32 v6, $0x10;
	v4 =	vshra.s32 v8, $0x10;
	v2 =	vshra.s32 v5, $0x10;
	[tilespmem:s26+$0x2830] =	vst v3  }
0x43: {  	s28 =	simm.s32 $0x80;
	s29 =	simm.s32 $0x400;
	v5 =	vand.u32 $0xFFFF, v8;
	[tilespmem:s26+$0x5030] =	vst v2;
	v3 =	vand.u32 $0xFFFF, v7;
	v2 =	vshra.s32 v7, $0x10  }
.LBB2_4:
0x44: {  	p0 =	sne.s32 s29, $0x9E00;
	v7 =	vld [tilespmem:s28+$0x70];
	[tilespmem:s26+$0x5040] =	vst v6  }
0x45: {  	v6 =	vld [tilespmem:s28+$0x0];
	[tilespmem:s26+$0x2850] =	vst v5  }
0x46: {  	v5 =	vld [tilespmem:s28+$0x10];
	[tilespmem:s26+$0x5050] =	vst v4  }
0x47: {  	v4 =	vld [tilespmem:s28+$0x20];
	[tilespmem:s26+$0x2860] =	vst v3  }
0x48: {  	v3 =	vld [tilespmem:s28+$0x30];
	[tilespmem:s26+$0x5060] =	vst v2  }
0x49: {  	v2 =	vld [tilespmem:s28+$0x40];
	v8 =	vshra.s32 v7, $0x10;
	[tilespmem:s26+$0x2870] =	vst v1;
	v1 =	vand.u32 $0xFFFF, v7;
	s26 =	smov.u32 s28  }
0x4a: {  	v7 =	vand.u32 $0xFFFF, v6;
	v6 =	vshra.s32 v6, $0x10;
	v9 =	vld [tilespmem:s26+$0x50];
	[tilespmem:s26+$0x5070] =	vst v8  }
0x4b: {  	[tilespmem:s26+$0x2800] =	vst v7;
	v7 =	vand.u32 $0xFFFF, v5;
	v5 =	vshra.s32 v5, $0x10;
	v8 =	vld [tilespmem:s26+$0x60]  }
0x4c: {  	[tilespmem:s26+$0x5000] =	vst v6;
	v10 =	vand.u32 $0xFFFF, v4;
	v11 =	vshra.s32 v4, $0x10  }
0x4d: {  	[tilespmem:s26+$0x2810] =	vst v7;
	v7 =	vand.u32 $0xFFFF, v3;
	v12 =	vshra.s32 v3, $0x10  }
0x4e: {  	[tilespmem:s26+$0x5010] =	vst v5;
	v13 =	vand.u32 $0xFFFF, v2;
	v6 =	vshra.s32 v2, $0x10  }
.Ltmp1:
0x4f: {  	[tilespmem:s26+$0x2820] =	vst v10;
	v5 =	vand.u32 $0xFFFF, v9;
	v4 =	vshra.s32 v9, $0x10;
	(pc) =	sbr.rel @p0 .LBB2_4-.Ltmp1, $4  }
0x50: {  	[tilespmem:s26+$0x5020] =	vst v11;
	v3 =	vand.u32 $0xFFFF, v8;
	v2 =	vshra.s32 v8, $0x10  }
0x51: {  	[tilespmem:s26+$0x2830] =	vst v7  }
0x52: {  	[tilespmem:s26+$0x5030] =	vst v12  }
0x53: {  	s28 =	sshra.s32 s29, $0x2;
	s29 =	sadd.s32 $0x200, s29;
	[tilespmem:s26+$0x2840] =	vst v13  }
0x54: {  	v7 =	vld [tilespmem:s28+$0x70];
	[tilespmem:s26+$0x5040] =	vst v6  }
0x55: {  	v6 =	vld [tilespmem:s28+$0x0];
	[tilespmem:s26+$0x2850] =	vst v5  }
0x56: {  	v5 =	vld [tilespmem:s28+$0x10];
	[tilespmem:s26+$0x5050] =	vst v4  }
0x57: {  	v4 =	vld [tilespmem:s28+$0x20];
	[tilespmem:s26+$0x2860] =	vst v3  }
0x58: {  	v3 =	vld [tilespmem:s28+$0x30];
	[tilespmem:s26+$0x5060] =	vst v2  }
0x59: {  	v2 =	vld [tilespmem:s28+$0x40];
	[tilespmem:s26+$0x2870] =	vst v1;
	v1 =	vshra.s32 v7, $0x10  }
0x5a: {  	v9 =	vand.u32 $0xFFFF, v6;
	[tilespmem:s28+$0x5070] =	vst v1  }
0x5b: {  	v1 =	vshra.s32 v6, $0x10;
	[tilespmem:s28+$0x2800] =	vst v9  }
0x5c: {  	v61 =	vand.u32 $0xFFFF, v5;
	[tilespmem:s28+$0x5000] =	vst v1  }
0x5d: {  	v1 =	vshra.s32 v5, $0x10;
	[tilespmem:s28+$0x2810] =	vst v61  }
0x5e: {  	v62 =	vand.u32 $0xFFFF, v4;
	[tilespmem:s28+$0x5010] =	vst v1  }
0x5f: {  	v8 =	vld [tilespmem:s28+$0x50];
	v1 =	vshra.s32 v4, $0x10;
	[tilespmem:s28+$0x2820] =	vst v62  }
0x60: {  	v63 =	vand.u32 $0xFFFF, v3;
	[tilespmem:s28+$0x5020] =	vst v1  }
0x61: {  	v60 =	vld [tilespmem:s28+$0x60];
	v1 =	vshra.s32 v3, $0x10;
	[tilespmem:s28+$0x2830] =	vst v63  }
0x62: {  	v3 =	vand.u32 $0xFFFF, v2;
	[tilespmem:s28+$0x5030] =	vst v1  }
0x63: {  	v1 =	vshra.s32 v2, $0x10;
	[tilespmem:s28+$0x2840] =	vst v3  }
0x64: {  	v2 =	vand.u32 $0xFFFF, v8;
	[tilespmem:s28+$0x5040] =	vst v1  }
0x65: {  	v1 =	vshra.s32 v8, $0x10;
	[tilespmem:s28+$0x2850] =	vst v2  }
0x66: {  	v2 =	vand.u32 $0xFFFF, v60;
	[tilespmem:s28+$0x5050] =	vst v1  }
0x67: {  	v1 =	vshra.s32 v60, $0x10;
	[tilespmem:s28+$0x2860] =	vst v2  }
0x68: {  	v2 =	vand.u32 $0xFFFF, v7;
	[tilespmem:s28+$0x5060] =	vst v1  }
0x69: {  	[tilespmem:s28+$0x2870] =	vst v2  }
0x6a: {  	s29 =	simm.s32 $0x2800;
	[bflag:$0x0] =	sbarrier.arrive $0xFFFF  }
0x6b: {  	[tilespmem:s17], [sflag:$0x1] =	stream.indirect.gather [spmem:s2], $0x20, s29, s18, $0xb8;
	[tilespmem:$0x15620] =	vst v63  }
0x6c: {  	s31 =	simm.s32 $0x2880  }
0x6d: {  	[tilespmem:s19], [sflag:$0x2] =	stream.indirect.gather [spmem:s2], $0x20, s31, s18, $0xb8;
	[tilespmem:$0x15620] =	vst v63  }
0x6e: {  	s28 =	simm.s32 $0x2900  }
0x6f: {  	[tilespmem:s20], [sflag:$0x3] =	stream.indirect.gather [spmem:s2], $0x20, s28, s18, $0xb8;
	[tilespmem:$0x15620] =	vst v63  }
0x70: {  	s29 =	simm.s32 $0x2980  }
0x71: {  	[tilespmem:s21], [sflag:$0x4] =	stream.indirect.gather [spmem:s2], $0x20, s29, s18, $0xb8;
	[tilespmem:$0x15620] =	vst v63  }
0x72: {  	_ =	swait.ge [sflag:s22], $0x1000  }
0x73: {  	[sflag:s22] =	ssyncset.done $0x0  }
0x74: {  	s31 =	simm.s32 $0x5000;
	[sflag:s22] =	ssyncadd.s32 $0xFFFFF000  }
0x75: {  	[spmem:s3] =	stream.indirect.scatter.add.f32 [tilespmem:s17], [sflag:$0x5], $0x20, s31, s18, $0xb8;
	[tilespmem:$0x15620] =	vst v63  }
0x76: {  	_ =	swait.ge [sflag:s16], $0x1000  }
0x77: {  	[sflag:s16] =	ssyncset.done $0x0  }
0x78: {  	[sflag:s16] =	ssyncadd.s32 $0xFFFFF000  }
0x79: {  	_ =	swait.ge [sflag:s23], $0x1000  }
0x7a: {  	[sflag:s23] =	ssyncset.done $0x0  }
0x7b: {  	s28 =	simm.s32 $0x5080;
	[sflag:s23] =	ssyncadd.s32 $0xFFFFF000  }
0x7c: {  	[spmem:s3] =	stream.indirect.scatter.add.f32 [tilespmem:s19], [sflag:$0x5], $0x20, s28, s18, $0xb8;
	[tilespmem:$0x15620] =	vst v63  }
0x7d: {  	_ =	swait.ge [sflag:s16], $0x1000  }
0x7e: {  	[sflag:s16] =	ssyncset.done $0x0  }
0x7f: {  	[sflag:s16] =	ssyncadd.s32 $0xFFFFF000  }
0x80: {  	_ =	swait.ge [sflag:s24], $0x1000  }
0x81: {  	[sflag:s24] =	ssyncset.done $0x0  }
0x82: {  	s29 =	simm.s32 $0x5100;
	[sflag:s24] =	ssyncadd.s32 $0xFFFFF000  }
0x83: {  	[spmem:s3] =	stream.indirect.scatter.add.f32 [tilespmem:s20], [sflag:$0x5], $0x20, s29, s18, $0xb8;
	[tilespmem:$0x15620] =	vst v63  }
0x84: {  	_ =	swait.ge [sflag:s16], $0x1000  }
0x85: {  	[sflag:s16] =	ssyncset.done $0x0  }
0x86: {  	[sflag:s16] =	ssyncadd.s32 $0xFFFFF000  }
0x87: {  	_ =	swait.ge [sflag:s25], $0x1000  }
0x88: {  	[sflag:s25] =	ssyncset.done $0x0  }
0x89: {  	s31 =	simm.s32 $0x5180;
	[sflag:s25] =	ssyncadd.s32 $0xFFFFF000  }
0x8a: {  	[spmem:s3] =	stream.indirect.scatter.add.f32 [tilespmem:s21], [sflag:$0x5], $0x20, s31, s18, $0xb8;
	[tilespmem:$0x15620] =	vst v63  }
0x8b: {  	_ =	swait.ge [sflag:s16], $0x1000  }
0x8c: {  	s30 =	simm.s32 $0x1000;
	s26 =	simm.s32 $0x200;
	[sflag:s16] =	ssyncset.done $0x0  }
.LBB2_6:
0x8d: {  	s31 =	sadd.s32 $0x2800, s26  }
0x8e: {  	[sflag:s16] =	ssyncadd.s32 $0xFFFFF000;
	s29 =	smov.u32 s30;
	s28 =	sadd.s32 $0x800, s30  }
0x8f: {  	[tilespmem:s17], [sflag:$0x1] =	stream.indirect.gather [spmem:s2], $0x20, s31, s18, $0xb8;
	[tilespmem:$0x15620] =	vst v63  }
0x90: {  	p0 =	sne.s32 s30, $0x9800;
	s30 =	sadd.s32 $0x2880, s26  }
0x91: {  	[tilespmem:s19], [sflag:$0x2] =	stream.indirect.gather [spmem:s2], $0x20, s30, s18, $0xb8;
	[tilespmem:$0x15620] =	vst v63  }
0x92: {  	s30 =	sadd.s32 $0x2900, s26  }
0x93: {  	[tilespmem:s20], [sflag:$0x3] =	stream.indirect.gather [spmem:s2], $0x20, s30, s18, $0xb8;
	[tilespmem:$0x15620] =	vst v63  }
0x94: {  	s30 =	sadd.s32 $0x2980, s26  }
0x95: {  	[tilespmem:s21], [sflag:$0x4] =	stream.indirect.gather [spmem:s2], $0x20, s30, s18, $0xb8;
	[tilespmem:$0x15620] =	vst v63  }
0x96: {  	_ =	swait.ge [sflag:s22], $0x1000  }
0x97: {  	[sflag:s22] =	ssyncset.done $0x0  }
0x98: {  	s30 =	sadd.s32 $0x5000, s26;
	[sflag:s22] =	ssyncadd.s32 $0xFFFFF000  }
0x99: {  	[spmem:s3] =	stream.indirect.scatter.add.f32 [tilespmem:s17], [sflag:$0x5], $0x20, s30, s18, $0xb8;
	[tilespmem:$0x15620] =	vst v63  }
0x9a: {  	_ =	swait.ge [sflag:s16], $0x1000  }
0x9b: {  	[sflag:s16] =	ssyncset.done $0x0  }
0x9c: {  	[sflag:s16] =	ssyncadd.s32 $0xFFFFF000  }
0x9d: {  	_ =	swait.ge [sflag:s23], $0x1000  }
0x9e: {  	[sflag:s23] =	ssyncset.done $0x0  }
0x9f: {  	s30 =	sadd.s32 $0x5080, s26;
	[sflag:s23] =	ssyncadd.s32 $0xFFFFF000  }
0xa0: {  	[spmem:s3] =	stream.indirect.scatter.add.f32 [tilespmem:s19], [sflag:$0x5], $0x20, s30, s18, $0xb8;
	[tilespmem:$0x15620] =	vst v63  }
0xa1: {  	_ =	swait.ge [sflag:s16], $0x1000  }
0xa2: {  	[sflag:s16] =	ssyncset.done $0x0  }
0xa3: {  	[sflag:s16] =	ssyncadd.s32 $0xFFFFF000  }
0xa4: {  	_ =	swait.ge [sflag:s24], $0x1000  }
0xa5: {  	[sflag:s24] =	ssyncset.done $0x0  }
0xa6: {  	s30 =	sadd.s32 $0x5100, s26;
	[sflag:s24] =	ssyncadd.s32 $0xFFFFF000  }
0xa7: {  	[spmem:s3] =	stream.indirect.scatter.add.f32 [tilespmem:s20], [sflag:$0x5], $0x20, s30, s18, $0xb8;
	[tilespmem:$0x15620] =	vst v63  }
0xa8: {  	_ =	swait.ge [sflag:s16], $0x1000  }
0xa9: {  	[sflag:s16] =	ssyncset.done $0x0  }
0xaa: {  	[sflag:s16] =	ssyncadd.s32 $0xFFFFF000  }
0xab: {  	_ =	swait.ge [sflag:s25], $0x1000  }
.Ltmp2:
0xac: {  	[sflag:s25] =	ssyncset.done $0x0;
	(pc) =	sbr.rel @p0 .LBB2_6-.Ltmp2, $4  }
0xad: {  	s26 =	sadd.s32 $0x5180, s26;
	[sflag:s25] =	ssyncadd.s32 $0xFFFFF000  }
0xae: {  	[spmem:s3] =	stream.indirect.scatter.add.f32 [tilespmem:s21], [sflag:$0x5], $0x20, s26, s18, $0xb8;
	[tilespmem:$0x15620] =	vst v63  }
0xaf: {  	_ =	swait.ge [sflag:s16], $0x1000  }
0xb0: {  	s30 =	smov.u32 s28;
	s26 =	sshra.s32 s29, $0x2;
	[sflag:s16] =	ssyncset.done $0x0  }
0xb1: {  	s28 =	sadd.s32 $0x2800, s26;
	[sflag:s16] =	ssyncadd.s32 $0xFFFFF000  }
0xb2: {  	[tilespmem:s17], [sflag:$0x1] =	stream.indirect.gather [spmem:s2], $0x20, s28, s18, $0xb8;
	[tilespmem:$0x15620] =	vst v63  }
0xb3: {  	s30 =	sadd.s32 $0x2880, s26  }
0xb4: {  	[tilespmem:s19], [sflag:$0x2] =	stream.indirect.gather [spmem:s2], $0x20, s30, s18, $0xb8;
	[tilespmem:$0x15620] =	vst v63  }
0xb5: {  	s31 =	sadd.s32 $0x2900, s26  }
0xb6: {  	[tilespmem:s20], [sflag:$0x3] =	stream.indirect.gather [spmem:s2], $0x20, s31, s18, $0xb8;
	[tilespmem:$0x15620] =	vst v63  }
0xb7: {  	s29 =	sadd.s32 $0x2980, s26  }
0xb8: {  	[tilespmem:s21], [sflag:$0x4] =	stream.indirect.gather [spmem:s2], $0x20, s29, s18, $0xb8;
	[tilespmem:$0x15620] =	vst v63  }
0xb9: {  	_ =	swait.ge [sflag:s22], $0x1000  }
0xba: {  	[sflag:s22] =	ssyncset.done $0x0  }
0xbb: {  	s30 =	sadd.s32 $0x5000, s26;
	[sflag:s22] =	ssyncadd.s32 $0xFFFFF000  }
0xbc: {  	[spmem:s3] =	stream.indirect.scatter.add.f32 [tilespmem:s17], [sflag:$0x5], $0x20, s30, s18, $0xb8;
	[tilespmem:$0x15620] =	vst v63  }
0xbd: {  	_ =	swait.ge [sflag:s16], $0x1000  }
0xbe: {  	[sflag:s16] =	ssyncset.done $0x0  }
0xbf: {  	[sflag:s16] =	ssyncadd.s32 $0xFFFFF000  }
0xc0: {  	_ =	swait.ge [sflag:s23], $0x1000  }
0xc1: {  	[sflag:s23] =	ssyncset.done $0x0  }
0xc2: {  	s31 =	sadd.s32 $0x5080, s26;
	[sflag:s23] =	ssyncadd.s32 $0xFFFFF000  }
0xc3: {  	[spmem:s3] =	stream.indirect.scatter.add.f32 [tilespmem:s19], [sflag:$0x5], $0x20, s31, s18, $0xb8;
	[tilespmem:$0x15620] =	vst v63  }
0xc4: {  	_ =	swait.ge [sflag:s16], $0x1000  }
0xc5: {  	[sflag:s16] =	ssyncset.done $0x0  }
0xc6: {  	[sflag:s16] =	ssyncadd.s32 $0xFFFFF000  }
0xc7: {  	_ =	swait.ge [sflag:s24], $0x1000  }
0xc8: {  	[sflag:s24] =	ssyncset.done $0x0  }
0xc9: {  	s29 =	sadd.s32 $0x5100, s26;
	[sflag:s24] =	ssyncadd.s32 $0xFFFFF000  }
0xca: {  	[spmem:s3] =	stream.indirect.scatter.add.f32 [tilespmem:s20], [sflag:$0x5], $0x20, s29, s18, $0xb8;
	[tilespmem:$0x15620] =	vst v63  }
0xcb: {  	_ =	swait.ge [sflag:s16], $0x1000  }
0xcc: {  	[sflag:s16] =	ssyncset.done $0x0  }
0xcd: {  	[sflag:s16] =	ssyncadd.s32 $0xFFFFF000  }
0xce: {  	_ =	swait.ge [sflag:s25], $0x1000  }
0xcf: {  	[sflag:s25] =	ssyncset.done $0x0  }
0xd0: {  	s30 =	sadd.s32 $0x5180, s26;
	[sflag:s25] =	ssyncadd.s32 $0xFFFFF000  }
0xd1: {  	[spmem:s3] =	stream.indirect.scatter.add.f32 [tilespmem:s21], [sflag:$0x5], $0x20, s30, s18, $0xb8;
	[tilespmem:$0x15620] =	vst v63  }
0xd2: {  	_ =	swait.ge [sflag:s16], $0x1000  }
0xd3: {  	s4 =	sadd.s32 $0x1, s4;
	[sflag:s16] =	ssyncset.done $0x0  }
0xd4: {  	p0 =	sne.s32 s4, s14;
	[sflag:s16] =	ssyncadd.s32 $0xFFFFF000  }
.Ltmp3:
0xd5: {  	s31 =	sshrl.u32 s7, $0x3;
	[bflag:$0x0] =	sbarrier.arrive $0xFFFF;
	(pc) =	sbr.rel @p0 .LBB2_1-.Ltmp3, $4  }
0xd6: {  	[hbm:s13], [sflag:s6] =	dma.local [spmem:s31], $0xA00  }
0xd7: {  	_ =	swait.ge [sflag:s16], $0xA00  }
0xd8: {  	[sflag:s16] =	ssyncset.done $0x0  }
0xd9: {  	[sflag:s16] =	ssyncadd.s32 $0xFFFFF600  }
0xda: {  	_ =	sfence.sel $0x180000  }
0xdb: {  	[bflag:$0x0] =	sbarrier.arrive $0xFFFF  }
0xdc: {  	p0 =	sne.s32 s0, $0x0;
	_ =	strace $0x9000004D  }
0xdd: {  	s0 =	sadd.s32 @!p0 $0x100000, s1;
	[bflag:$0x2] =	sbarrier.arrive $0xFFFF  }
0xde: {  	[sflag:s0] =	ssyncadd.tile.s32 @!p0 $0x1;
	_ =	shalt  }
.Lfunc_end2:
_tile_overlayer_lowered:
.L_overlay_start_2:
0xdf: {  	(tag) =	ssettag $0x2  }
0xe0: {  	s0 =	rddreg [dreg:$0x0];
	s2 =	stileid.u32  }
0xe1: {  	s1 =	rddreg [dreg:$0x1];
	p0 =	sne.s32 s2, $0x0  }
0xe2: {  	s3 =	rddreg [dreg:$0x2];
	[bflag:$0x3] =	sbarrier.arrive $0xFFFF;
	s2 =	simm.s32 @!p0 $0x1C05  }
0xe3: {  	[timem:s3], [sflag:s2] =	dma.local @!p0 [hbm:s0], s1  }
0xe4: {  	s0 =	simm.s32 @!p0 $0x5  }
0xe5: {  	_ =	swait.ge @!p0 [sflag:s0], s1  }
0xe6: {  	s1 =	ssub.s32 @!p0 $0x0, s1;
	[sflag:s0] =	ssyncset.done @!p0 $0x0  }
0xe7: {  	[sflag:s0] =	ssyncadd.s32 @!p0 s1  }
0xe8: {  	[bflag:$0x3] =	sbarrier.arrive $0xFFFF  }
0xe9: {  	_ =	shalt  }

// kernel: kernel.21.cloned.1.call-start
scs
__scs_entry_jumppad:
0x0: {  	(pc) =	sbr.rel $0x88, $3  }
0x1: {  	(tag) =	ssettag $0x0;
	lr =	simm.s32 $0x1  }
0x2: {  	[smem:$0x3F96] =	sst lr;
	_ =	strace $0xD0000000  }
0x3: {  	_ = 	snop  }
0x4: {  	_ = 	snop  }
0x5: {  	_ = 	snop  }
0x6: {  	_ = 	snop  }
0x7: {  	_ = 	snop  }
__scs_overlays_trampoline_lowered:
0x8: {  	[smem:$0x3FA5] =	sst s0  }
0x9: {  	[smem:$0x3FA6] =	sst s1  }
0xa: {  	[smem:$0x3FA7] =	sst s2  }
0xb: {  	[smem:$0x3FA8] =	sst s3  }
0xc: {  	[smem:$0x3FA9] =	sst s4  }
0xd: {  	[smem:$0x3FAA] =	sst s5  }
0xe: {  	[smem:$0x3FAB] =	sst s6  }
0xf: {  	[smem:$0x3FAC] =	sst s7  }
0x10: {  	[smem:$0x3FAD] =	sst s8  }
0x11: {  	[smem:$0x3FAE] =	sst s9;
	s0 =	simm.s32 @!p0 $0x0  }
0x12: {  	s1 =	sld [smem:$0x3F94];
	s0 =	simm.s32 @p0 $0x1  }
0x13: {  	[smem:$0x3FAF] =	sst s0;
	s0 =	simm.s32 @!p1 $0x0  }
0x14: {  	s2 =	sld [smem:$0x3F93];
	s0 =	simm.s32 @p1 $0x1  }
0x15: {  	[smem:$0x3FB0] =	sst s0;
	s0 =	simm.s32 @!p2 $0x0  }
0x16: {  	s3 =	sld [smem:$0x3FDB];
	s0 =	simm.s32 @p2 $0x1  }
0x17: {  	s4 =	simm.s32 $0x1BF5;
	[smem:$0x3FB2] =	sst s0  }
0x18: {  	s0 =	sld [smem:$0x3F95];
	_ =	swait.ge [sflag:s4], $0x0  }
0x19: {  	s7 =	sld [smem:$0x3F96]  }
0x1a: {  	s8 =	sadd.s32 $0xFFFFE003, lr  }
0x1b: {  	s9 =	sadd.s32 $0xFFFFFEF7, lr;
	s5 =	simm.s32 $0xFFFFFFFF;
	p2 =	slt.u32 s8, $0xFFFFF086  }
0x1c: {  	p1 =	slt.u32 s9, $0xF7A;
	s5 =	simm.s32 @!p2 $0x0  }
0x1d: {  	s5 =	simm.s32 @p1 $0x1;
	p0 =	seq.s32 s7, s2  }
0x1e: {  	s7 =	smul.u32 @!p0 $0xF7A, s2;
	p2 =	seq.s32 @!p0 s5, $0x0  }
0x1f: {  	s9 =	smul.u32 $0xF7A, s1;
	s8 =	simm.s32 @!p0 $0x1BF5;
	p2 =	por !p2, p0  }
0x20: {  	[sflag:s8] =	ssyncset.s32 @!p0 $0xFFFFF086;
	s6 =	sadd.s32 @!p0 s3, s7;
	s7 =	simm.s32 @!p0 $0x108  }
0x21: {  	s3 =	sadd.s32 s3, s9;
	s6 =	sadd.s32 @!p0 $0x88, s6;
	s7 =	simm.s32 @p2 $0x1082  }
0x22: {  	[simem:s7], [sflag:s8] =	dma.local @!p0 [hbm:s6], $0xF7A  }
0x23: {  	s9 =	sor.u32 $0xD0000000, s2;
	s6 =	simm.s32 $0x108;
	_ =	swait.ge @!p0 [sflag:s8], $0x0  }
0x24: {  	s3 =	sadd.s32 $0x88, s3;
	s6 =	simm.s32 @!p1 $0x1082;
	[sflag:s4] =	ssyncset.s32 $0xFFFFF086  }
0x25: {  	[simem:s6], [sflag:s4] =	dma.local [hbm:s3], $0xF7A  }
0x26: {  	[smem:$0x3F96] =	sst s1;
	(tag) =	ssettag s2;
	_ =	strace s9  }
0x27: {  	s1 =	sld [smem:$0x3FA6]  }
0x28: {  	s2 =	sld [smem:$0x3FA7]  }
0x29: {  	s4 =	sld [smem:$0x3FA9]  }
0x2a: {  	p0 =	seq.s32 s5, $0x0;
	s5 =	sld [smem:$0x3FAA]  }
0x2b: {  	s6 =	sld [smem:$0x3FAB]  }
0x2c: {  	s7 =	sld [smem:$0x3FAC]  }
0x2d: {  	s3 =	simm.s32 $0x108;
	s8 =	sld [smem:$0x3FAD]  }
0x2e: {  	s3 =	simm.s32 @!p0 $0x1082;
	s9 =	sld [smem:$0x3FAE]  }
0x2f: {  	lr =	sadd.s32 s0, s3;
	s0 =	sld [smem:$0x3FA5]  }
0x30: {  	s3 =	sld [smem:$0x3FA8]  }
0x31: {  	[smem:$0x3FB1] =	sst s10  }
0x32: {  	s10 =	sld [smem:$0x3FAF];
	_ =	sdelay $0x3  }
0x33: {  	p0 =	seq.s32 s10, $0x1;
	s10 =	sld [smem:$0x3FB1];
	_ =	sdelay $0x3  }
0x34: {  	[smem:$0x3FB1] =	sst s10  }
0x35: {  	s10 =	sld [smem:$0x3FB0];
	_ =	sdelay $0x3  }
0x36: {  	p1 =	seq.s32 s10, $0x1;
	s10 =	sld [smem:$0x3FB1];
	_ =	sdelay $0x3  }
0x37: {  	[smem:$0x3FB1] =	sst s10  }
0x38: {  	s10 =	sld [smem:$0x3FB2]  }
0x39: {  	_ = 	snop;
	(pc) =	sbr.ind lr, $3  }
0x3a: {  	_ = 	snop  }
0x3b: {  	_ = 	snop  }
0x3c: {  	p2 =	seq.s32 s10, $0x1;
	s10 =	sld [smem:$0x3FB1]  }
0x3d: {  	_ =	shalt  }
0x3e: {  	_ =	shalt  }
0x3f: {  	_ =	shalt  }
0x40: {  	_ =	shalt  }
0x41: {  	_ =	shalt  }
0x42: {  	_ =	shalt  }
0x43: {  	_ =	shalt  }
0x44: {  	_ =	shalt  }
0x45: {  	_ =	shalt  }
0x46: {  	_ =	shalt  }
0x47: {  	_ =	shalt  }
0x48: {  	_ =	shalt  }
0x49: {  	_ =	shalt  }
0x4a: {  	_ =	shalt  }
0x4b: {  	_ =	shalt  }
0x4c: {  	_ =	shalt  }
0x4d: {  	_ =	shalt  }
0x4e: {  	_ =	shalt  }
0x4f: {  	_ =	shalt  }
0x50: {  	_ =	shalt  }
0x51: {  	_ =	shalt  }
0x52: {  	_ =	shalt  }
0x53: {  	_ =	shalt  }
0x54: {  	_ =	shalt  }
0x55: {  	_ =	shalt  }
0x56: {  	_ =	shalt  }
0x57: {  	_ =	shalt  }
0x58: {  	_ =	shalt  }
0x59: {  	_ =	shalt  }
0x5a: {  	_ =	shalt  }
0x5b: {  	_ =	shalt  }
0x5c: {  	_ =	shalt  }
0x5d: {  	_ =	shalt  }
0x5e: {  	_ =	shalt  }
0x5f: {  	_ =	shalt  }
0x60: {  	_ =	shalt  }
0x61: {  	_ =	shalt  }
0x62: {  	_ =	shalt  }
0x63: {  	_ =	shalt  }
0x64: {  	_ =	shalt  }
0x65: {  	_ =	shalt  }
0x66: {  	_ =	shalt  }
0x67: {  	_ =	shalt  }
0x68: {  	_ =	shalt  }
0x69: {  	_ =	shalt  }
0x6a: {  	_ =	shalt  }
0x6b: {  	_ =	shalt  }
0x6c: {  	_ =	shalt  }
0x6d: {  	_ =	shalt  }
0x6e: {  	_ =	shalt  }
0x6f: {  	_ =	shalt  }
0x70: {  	_ =	shalt  }
0x71: {  	_ =	shalt  }
0x72: {  	_ =	shalt  }
0x73: {  	_ =	shalt  }
0x74: {  	_ =	shalt  }
0x75: {  	_ =	shalt  }
0x76: {  	_ =	shalt  }
0x77: {  	_ =	shalt  }
0x78: {  	_ =	shalt  }
0x79: {  	_ =	shalt  }
0x7a: {  	_ =	shalt  }
0x7b: {  	_ =	shalt  }
0x7c: {  	_ =	shalt  }
0x7d: {  	_ =	shalt  }
0x7e: {  	_ =	shalt  }
0x7f: {  	_ =	shalt  }
0x80: {  	_ =	shalt  }
0x81: {  	_ =	shalt  }
0x82: {  	_ =	shalt  }
0x83: {  	_ =	shalt  }
0x84: {  	_ =	shalt  }
0x85: {  	_ =	shalt  }
0x86: {  	_ =	shalt  }
0x87: {  	_ =	shalt  }
.Lfunc_end0:
.L_simem_size_0:
called_computation.3_lowered:
.L_overlay_start_0:
0x88: {  	s2 =	sld [smem:$0x3FD9]  }
0x89: {  	s3 =	sld [smem:$0x3FFE];
	_ =	sdelay $0x1  }
0x8a: {  	s1 =	srdreg.scid  }
0x8b: {  	s0 =	sand.u32 $0x1, s1  }
0x8c: {  	s16 =	sshll.u32 s0, $0xA;
	s2 =	sadd.s32 s3, s2  }
0x8d: {  	s2 =	sadd.s32 s2, s16  }
0x8e: {  	[smem:$0x3FBD] =	sst s2  }
0x8f: {  	_ = 	snop  }
0x90: {  	(tm) =	ssettm $0x1  }
0x91: {  	s17 =	sld [smem:$0x3FFB];
	_ =	sdelay $0x3  }
0x92: {  	_ =	strace s17  }
0x93: {  	s2 =	sld [smem:$0x3FFC];
	_ =	sdelay $0x3  }
0x94: {  	_ =	strace s2  }
0x95: {  	s2 =	sld [smem:$0x3FFD];
	_ =	sdelay $0x3  }
0x96: {  	_ =	strace s2  }
0x97: {  	_ =	strace $0x8FFFFFFF  }
0x98: {  	s18 =	sld [smem:$0x3FDB];
	_ =	sdelay $0x1  }
0x99: {  	s19 =	simm.s32 $_scs_section_size  }
0x9a: {  	s4 =	simm.s32 $_size__tile_overlayer_lowered;
	s5 =	simm.s32 $_tile_overlayer_lowered  }
0x9b: {  	s22 =	simm.s32 $0x1BFF;
	s21 =	sshll.u32 s5, $0x1;
	s2 =	sadd.s32 s19, s18  }
0x9c: {  	s6 =	simm.s32 $0x0;
	s20 =	sshll.u32 s4, $0x1;
	s4 =	sadd.s32 s21, s2  }
0x9d: {  	[timem:s6], [sflag:s22] =	dma.local [hbm:s4], s20  }
0x9e: {  	_ =	swait.ge [sflag:s22], s20  }
0x9f: {  	s3 =	ssub.s32 $0x0, s20;
	[sflag:s22] =	ssyncset.done $0x0  }
0xa0: {  	[sflag:s22] =	ssyncadd.s32 s3;
	_ =	sdelay $0x1  }
0xa1: {  	s23 =	simm.s32 $0x1B8B  }
0xa2: {  	_ =	swait.ge [sflag:s23], $0x1  }
0xa3: {  	[sflag:s23] =	ssyncset.done $0x0  }
0xa4: {  	s25 =	simm.s32 $0x1B8E;
	s24 =	sld [smem:$0x3FFE];
	[sflag:s23] =	ssyncadd.s32 $0xFFFFFFFF  }
0xa5: {  	s26 =	simm.s32 $execute0_lowered;
	[smem:$0x3FD2] =	sst s25  }
0xa6: {  	s4 =	sshll.u32 s26, $0x1;
	_ =	strace $0x8000004F;
	[dreg:$0x1] =	wrdreg $0xFFFFFFFF  }
0xa7: {  	s28 =	simm.s32 $_size_execute0_lowered;
	s2 =	sadd.s32 s2, s4;
	[dreg:$0x0] =	wrdreg $0x0  }
0xa8: {  	s4 =	sshll.u32 s28, $0x1;
	[dreg:$0x2] =	wrdreg s2  }
0xa9: {  	[dreg:$0x3] =	wrdreg s4  }
0xaa: {  	[dreg:$0x4] =	wrdreg $0xC0  }
0xab: {  	_ =	task [dreg:s6], $0x5FFFF  }
0xac: {  	[dreg:$0x1] =	wrdreg $0xFFFFFFFF  }
0xad: {  	[dreg:$0x0] =	wrdreg $0x60  }
0xae: {  	[dreg:$0x2] =	wrdreg s24  }
0xaf: {  	[dreg:$0x3] =	wrdreg $0x108000  }
0xb0: {  	[dreg:$0x4] =	wrdreg $0xB8000  }
0xb1: {  	[dreg:$0x5] =	wrdreg $0x9  }
0xb2: {  	_ =	task.clear_ibuf [dreg:s6], $0x6FFFF;
	_ =	strace $0x9000004F  }
0xb3: {  	s29 =	simm.s32 $0x9;
	_ =	strace $0x80000051  }
0xb4: {  	_ =	swait.ge [sflag:s29], $0x1  }
0xb5: {  	[sflag:s29] =	ssyncadd.s32 $0xFFFFFFFF  }
0xb6: {  	_ =	strace $0x90000051  }
0xb7: {  	_ =	sfence  }
0xb8: {  	s30 =	sld [smem:$0x0];
	_ =	sdelay $0x2  }
0xb9: {  	s31 =	sshll.u32 s1, $0xD;
	s1 =	sshrl.u32 s1, $0x2  }
0xba: {  	s3 =	sand.u32 $0x4000, s31;
	s1 =	sadd.s32 s1, s30  }
0xbb: {  	s0 =	sor.u32 s3, s0;
	s1 =	sshll.u32 s1, $0x11  }
0xbc: {  	s0 =	sor.u32 s1, s0  }
0xbd: {  	s0 =	sadd.s32 $0x8F2B, s0  }
0xbe: {  	[sflag:s0] =	ssyncadd.remote.s32 $0x1  }
0xbf: {  	_ =	sfence.sel $0xFFFF  }
0xc0: {  	[dreg:$0x0] =	wrdreg $0xFFFFFFFF;
	(pc) =	sbr.abs _section_cstart, $3  }
0xc1: {  	[dreg:$0x1] =	wrdreg $0xFFFFFFFF  }
0xc2: {  	_ =	task.clear_ibuf [dreg:s6], $0x2FFFF;
	_ =	strace $0x9FFFFFFF  }
0xc3: {  	(tm) =	ssettm $0x7FFFFFFF  }
tec
execute0_lowered:
.L_overlay_start_1:
0x0: {  	(tag) =	ssettag $0x1  }
0x1: {  	s0 =	rddreg [dreg:$0x0]  }
0x2: {  	s2 =	rddreg [dreg:$0x1]  }
0x3: {  	s3 =	rddreg [dreg:$0x2];
	s11 =	stileid.u32;
	s4 =	simm.s32 $0x0  }
0x4: {  	s5 =	srdreg.scid;
	s18 =	simm.s32 $0x5;
	s19 =	simm.s32 $0x7800  }
0x5: {  	s20 =	simm.s32 $0x80;
	s21 =	simm.s32 $0x8800;
	s1 =	smul.u32 $0x4E20, s11  }
0x6: {  	s22 =	simm.s32 $0x9800;
	s28 =	simm.s32 $0x4;
	s7 =	smul.u32 $0x5000, s11  }
0x7: {  	[smem:$0x7FF] =	sst s4;
	s5 =	sand.u32 $0x1, s5;
	s10 =	smul.u32 $0x14000, s11  }
0x8: {  	s26 =	sshll.u32 s11, $0x6;
	s8 =	sshll.u32 s5, $0x4;
	s9 =	smul.u32 $0x50000, s5  }
0x9: {  	_ =	strace $0x80000050;
	s5 =	ssub.s32 $0x2, s5;
	s6 =	sshrl.u32 s1, $0x3  }
0xa: {  	s23 =	sor.u32 s11, s8;
	s25 =	sshrl.u32 s5, $0x1;
	s1 =	sadd.s32 s1, s2  }
0xb: {  	s29 =	sshrl.u32 s10, $0x2;
	s14 =	sadd.s32 s6, s0;
	s6 =	smul.u32 $0x500, s23  }
0xc: {  	s24 =	sadd.s32 s7, s9;
	s16 =	ssub.s32 s5, s25;
	s31 =	sadd.s32 s29, s3  }
0xd: {  	s7 =	sadd.s32 s7, s3;
	s17 =	sshrl.u32 s1, $0x3;
	s23 =	simm.s32 $0xA800  }
0xe: {  	s25 =	simm.s32 $0x2;
	s8 =	sshrl.u32 s24, $0x3;
	s30 =	sadd.s32 $0x3EE00, s14  }
0xf: {  	s9 =	sadd.s32 $0x2000, s31;
	s10 =	sadd.s32 $0x3000, s31;
	s11 =	sadd.s32 $0x4000, s31  }
0x10: {  	s14 =	sadd.s32 $0x35000, s14;
	s16 =	smax.u32 s16, $0x1;
	s24 =	simm.s32 $0x1  }
0x11: {  	s12 =	sadd.s32 s6, s0;
	s0 =	sadd.s32 s8, s0;
	[dreg:$0x4] =	wrdreg s30  }
0x12: {  	s6 =	sor.u32 $0x1C05, s26;
	s8 =	sadd.s32 $0x1000, s31;
	s26 =	simm.s32 $0x3  }
0x13: {  	v0 =	vimm.f32 $0.0e+00;
	s12 =	sadd.s32 $0x3E00, s12;
	s13 =	sadd.s32 $0x5CC00, s0;
	s15 =	sadd.s32 $0x48C00, s0  }
.LBB2_1:
0x14: {  	s0 =	rddreg [dreg:$0x4]  }
0x15: {  	[spmem:s17], [sflag:s6] =	dma.local [hbm:s0], $0x9C4  }
0x16: {  	_ =	swait.ge [sflag:s18], $0x9C4  }
0x17: {  	[sflag:s18] =	ssyncset.done $0x0  }
0x18: {  	s1 =	simm.s32 $0x0;
	s0 =	simm.s32 $0x80;
	[sflag:s18] =	ssyncadd.s32 $0xFFFFF63C  }
.LBB2_2:
0x19: {  	p0 =	sne.s32 s0, $0x3F80;
	[tilespmem:s1+$0x7800] =	vst v0;
	s29 =	smov.u32 s0;
	s0 =	sadd.s32 $0x80, s0  }
.Ltmp0:
0x1a: {  	[tilespmem:s1+$0x7810] =	vst v0;
	(pc) =	sbr.rel @p0 .LBB2_2-.Ltmp0, $2  }
0x1b: {  	_ =	sdelay $0x2  }
0x1c: {  	s1 =	sshra.s32 s29, $0x2  }
0x1d: {  	[tilespmem:s1+$0x7800] =	vst v0  }
0x1e: {  	[tilespmem:s1+$0x7810] =	vst v0  }
0x1f: {  	[spmem:s7] =	stream.linear.scatter [tilespmem:s19], [sflag:$0x5], $0x1000, $0x38;
	[tilespmem:$0x15620] =	vst v63  }
0x20: {  	_ =	swait.ge [sflag:s18], $0x1000  }
0x21: {  	[sflag:s18] =	ssyncset.done $0x0  }
0x22: {  	[sflag:s18] =	ssyncadd.s32 $0xFFFFF000  }
0x23: {  	[spmem:s8] =	stream.linear.scatter [tilespmem:s19], [sflag:$0x5], $0x1000, $0x38;
	[tilespmem:$0x15620] =	vst v63  }
0x24: {  	_ =	swait.ge [sflag:s18], $0x1000  }
0x25: {  	[sflag:s18] =	ssyncset.done $0x0  }
0x26: {  	[sflag:s18] =	ssyncadd.s32 $0xFFFFF000  }
0x27: {  	[spmem:s9] =	stream.linear.scatter [tilespmem:s19], [sflag:$0x5], $0x1000, $0x38;
	[tilespmem:$0x15620] =	vst v63  }
0x28: {  	_ =	swait.ge [sflag:s18], $0x1000  }
0x29: {  	[sflag:s18] =	ssyncset.done $0x0  }
0x2a: {  	[sflag:s18] =	ssyncadd.s32 $0xFFFFF000  }
0x2b: {  	[spmem:s10] =	stream.linear.scatter [tilespmem:s19], [sflag:$0x5], $0x1000, $0x38;
	[tilespmem:$0x15620] =	vst v63  }
0x2c: {  	_ =	swait.ge [sflag:s18], $0x1000  }
0x2d: {  	[sflag:s18] =	ssyncset.done $0x0  }
0x2e: {  	[sflag:s18] =	ssyncadd.s32 $0xFFFFF000  }
0x2f: {  	[spmem:s11] =	stream.linear.scatter [tilespmem:s19], [sflag:$0x5], $0x1000, $0x38;
	[tilespmem:$0x15620] =	vst v63  }
0x30: {  	_ =	swait.ge [sflag:s18], $0x1000  }
0x31: {  	[sflag:s18] =	ssyncset.done $0x0  }
0x32: {  	s0 =	simm.s32 $0x0;
	[sflag:s18] =	ssyncadd.s32 $0xFFFFF000  }
0x33: {  	[tilespmem:s0], [sflag:$0x5] =	stream.linear.gather [hbm4b:s12+s0], $0x2800, $0x38;
	[tilespmem:$0x15620] =	vst v63  }
0x34: {  	_ =	swait.ge [sflag:s18], $0x2800  }
0x35: {  	[sflag:s18] =	ssyncset.done $0x0  }
0x36: {  	s29 =	simm.s32 $0x0;
	[sflag:s18] =	ssyncadd.s32 $0xFFFFD800  }
0x37: {  	v1 =	vld [tilespmem:s29+$0x70]  }
0x38: {  	v2 =	vld [tilespmem:s29+$0x0];
	_ =	sdelay $0x1  }
0x39: {  	v3 =	vld [tilespmem:s29+$0x10]  }
0x3a: {  	v6 =	vld [tilespmem:s29+$0x40]  }
0x3b: {  	v7 =	vshra.s32 v1, $0x10  }
0x3c: {  	v4 =	vld [tilespmem:s29+$0x20];
	v9 =	vand.u32 $0xFFFF, v2;
	[tilespmem:s29+$0x5070] =	vst v7  }
0x3d: {  	v2 =	vshra.s32 v2, $0x10;
	[tilespmem:s29+$0x2800] =	vst v9  }
0x3e: {  	v5 =	vld [tilespmem:s29+$0x30];
	v62 =	vand.u32 $0xFFFF, v3;
	[tilespmem:s29+$0x5000] =	vst v2  }
0x3f: {  	v8 =	vld [tilespmem:s29+$0x50];
	v63 =	vand.u32 $0xFFFF, v6;
	[tilespmem:s29+$0x2810] =	vst v62  }
0x40: {  	v7 =	vld [tilespmem:s29+$0x60];
	v2 =	vshra.s32 v3, $0x10;
	[tilespmem:s29+$0x2840] =	vst v63  }
0x41: {  	v3 =	vand.u32 $0xFFFF, v4;
	[tilespmem:s29+$0x5010] =	vst v2  }
0x42: {  	v2 =	vshra.s32 v4, $0x10;
	[tilespmem:s29+$0x2820] =	vst v3  }
0x43: {  	v1 =	vand.u32 $0xFFFF, v1;
	v3 =	vand.u32 $0xFFFF, v5;
	[tilespmem:s29+$0x5020] =	vst v2  }
0x44: {  	v6 =	vshra.s32 v6, $0x10;
	v4 =	vshra.s32 v8, $0x10;
	v2 =	vshra.s32 v5, $0x10;
	[tilespmem:s29+$0x2830] =	vst v3  }
0x45: {  	s30 =	simm.s32 $0x80;
	s0 =	simm.s32 $0x400;
	v5 =	vand.u32 $0xFFFF, v8;
	[tilespmem:s29+$0x5030] =	vst v2;
	v3 =	vand.u32 $0xFFFF, v7;
	v2 =	vshra.s32 v7, $0x10  }
.LBB2_4:
0x46: {  	p0 =	sne.s32 s0, $0x9E00;
	v7 =	vld [tilespmem:s30+$0x70];
	[tilespmem:s29+$0x5040] =	vst v6  }
0x47: {  	v6 =	vld [tilespmem:s30+$0x0];
	[tilespmem:s29+$0x2850] =	vst v5  }
0x48: {  	v5 =	vld [tilespmem:s30+$0x10];
	[tilespmem:s29+$0x5050] =	vst v4  }
0x49: {  	v4 =	vld [tilespmem:s30+$0x20];
	[tilespmem:s29+$0x2860] =	vst v3  }
0x4a: {  	v3 =	vld [tilespmem:s30+$0x30];
	[tilespmem:s29+$0x5060] =	vst v2  }
0x4b: {  	v2 =	vld [tilespmem:s30+$0x40];
	v8 =	vshra.s32 v7, $0x10;
	[tilespmem:s29+$0x2870] =	vst v1;
	v1 =	vand.u32 $0xFFFF, v7;
	s29 =	smov.u32 s30  }
0x4c: {  	v7 =	vand.u32 $0xFFFF, v6;
	v6 =	vshra.s32 v6, $0x10;
	v9 =	vld [tilespmem:s29+$0x50];
	[tilespmem:s29+$0x5070] =	vst v8  }
0x4d: {  	[tilespmem:s29+$0x2800] =	vst v7;
	v7 =	vand.u32 $0xFFFF, v5;
	v5 =	vshra.s32 v5, $0x10;
	v8 =	vld [tilespmem:s29+$0x60]  }
0x4e: {  	[tilespmem:s29+$0x5000] =	vst v6;
	v10 =	vand.u32 $0xFFFF, v4;
	v11 =	vshra.s32 v4, $0x10  }
0x4f: {  	[tilespmem:s29+$0x2810] =	vst v7;
	v7 =	vand.u32 $0xFFFF, v3;
	v12 =	vshra.s32 v3, $0x10  }
0x50: {  	[tilespmem:s29+$0x5010] =	vst v5;
	v13 =	vand.u32 $0xFFFF, v2;
	v6 =	vshra.s32 v2, $0x10  }
.Ltmp1:
0x51: {  	[tilespmem:s29+$0x2820] =	vst v10;
	v5 =	vand.u32 $0xFFFF, v9;
	v4 =	vshra.s32 v9, $0x10;
	(pc) =	sbr.rel @p0 .LBB2_4-.Ltmp1, $4  }
0x52: {  	[tilespmem:s29+$0x5020] =	vst v11;
	v3 =	vand.u32 $0xFFFF, v8;
	v2 =	vshra.s32 v8, $0x10  }
0x53: {  	[tilespmem:s29+$0x2830] =	vst v7  }
0x54: {  	[tilespmem:s29+$0x5030] =	vst v12  }
0x55: {  	s30 =	sshra.s32 s0, $0x2;
	s0 =	sadd.s32 $0x200, s0;
	[tilespmem:s29+$0x2840] =	vst v13  }
0x56: {  	v7 =	vld [tilespmem:s30+$0x70];
	[tilespmem:s29+$0x5040] =	vst v6  }
0x57: {  	v6 =	vld [tilespmem:s30+$0x0];
	[tilespmem:s29+$0x2850] =	vst v5  }
0x58: {  	v5 =	vld [tilespmem:s30+$0x10];
	[tilespmem:s29+$0x5050] =	vst v4  }
0x59: {  	v4 =	vld [tilespmem:s30+$0x20];
	[tilespmem:s29+$0x2860] =	vst v3  }
0x5a: {  	v3 =	vld [tilespmem:s30+$0x30];
	[tilespmem:s29+$0x5060] =	vst v2  }
0x5b: {  	v2 =	vld [tilespmem:s30+$0x40];
	[tilespmem:s29+$0x2870] =	vst v1;
	v1 =	vshra.s32 v7, $0x10  }
0x5c: {  	v9 =	vand.u32 $0xFFFF, v6;
	[tilespmem:s30+$0x5070] =	vst v1  }
0x5d: {  	v1 =	vshra.s32 v6, $0x10;
	[tilespmem:s30+$0x2800] =	vst v9  }
0x5e: {  	v61 =	vand.u32 $0xFFFF, v5;
	[tilespmem:s30+$0x5000] =	vst v1  }
0x5f: {  	v1 =	vshra.s32 v5, $0x10;
	[tilespmem:s30+$0x2810] =	vst v61  }
0x60: {  	v62 =	vand.u32 $0xFFFF, v4;
	[tilespmem:s30+$0x5010] =	vst v1  }
0x61: {  	v8 =	vld [tilespmem:s30+$0x50];
	v1 =	vshra.s32 v4, $0x10;
	[tilespmem:s30+$0x2820] =	vst v62  }
0x62: {  	v63 =	vand.u32 $0xFFFF, v3;
	[tilespmem:s30+$0x5020] =	vst v1  }
0x63: {  	v60 =	vld [tilespmem:s30+$0x60];
	v1 =	vshra.s32 v3, $0x10;
	[tilespmem:s30+$0x2830] =	vst v63  }
0x64: {  	v3 =	vand.u32 $0xFFFF, v2;
	[tilespmem:s30+$0x5030] =	vst v1  }
0x65: {  	v1 =	vshra.s32 v2, $0x10;
	[tilespmem:s30+$0x2840] =	vst v3  }
0x66: {  	v2 =	vand.u32 $0xFFFF, v8;
	[tilespmem:s30+$0x5040] =	vst v1  }
0x67: {  	v1 =	vshra.s32 v8, $0x10;
	[tilespmem:s30+$0x2850] =	vst v2  }
0x68: {  	v2 =	vand.u32 $0xFFFF, v60;
	[tilespmem:s30+$0x5050] =	vst v1  }
0x69: {  	v1 =	vshra.s32 v60, $0x10;
	[tilespmem:s30+$0x2860] =	vst v2  }
0x6a: {  	v2 =	vand.u32 $0xFFFF, v7;
	[tilespmem:s30+$0x5060] =	vst v1  }
0x6b: {  	[tilespmem:s30+$0x2870] =	vst v2  }
0x6c: {  	s0 =	simm.s32 $0x2800;
	[bflag:$0x0] =	sbarrier.arrive $0xFFFF  }
0x6d: {  	[tilespmem:s19], [sflag:$0x1] =	stream.indirect.gather [spmem:s2], $0x20, s0, s20, $0xb8;
	[tilespmem:$0x15620] =	vst v63  }
0x6e: {  	s5 =	simm.s32 $0x2880  }
0x6f: {  	[tilespmem:s21], [sflag:$0x2] =	stream.indirect.gather [spmem:s2], $0x20, s5, s20, $0xb8;
	[tilespmem:$0x15620] =	vst v63  }
0x70: {  	s30 =	simm.s32 $0x2900  }
0x71: {  	[tilespmem:s22], [sflag:$0x3] =	stream.indirect.gather [spmem:s2], $0x20, s30, s20, $0xb8;
	[tilespmem:$0x15620] =	vst v63  }
0x72: {  	s31 =	simm.s32 $0x2980  }
0x73: {  	[tilespmem:s23], [sflag:$0x4] =	stream.indirect.gather [spmem:s2], $0x20, s31, s20, $0xb8;
	[tilespmem:$0x15620] =	vst v63  }
0x74: {  	_ =	swait.ge [sflag:s24], $0x1000  }
0x75: {  	[sflag:s24] =	ssyncset.done $0x0  }
0x76: {  	s1 =	simm.s32 $0x5000;
	[sflag:s24] =	ssyncadd.s32 $0xFFFFF000  }
0x77: {  	[spmem:s3] =	stream.indirect.scatter.add.f32 [tilespmem:s19], [sflag:$0x5], $0x20, s1, s20, $0xb8;
	[tilespmem:$0x15620] =	vst v63  }
0x78: {  	_ =	swait.ge [sflag:s18], $0x1000  }
0x79: {  	[sflag:s18] =	ssyncset.done $0x0  }
0x7a: {  	[sflag:s18] =	ssyncadd.s32 $0xFFFFF000  }
0x7b: {  	_ =	swait.ge [sflag:s25], $0x1000  }
0x7c: {  	[sflag:s25] =	ssyncset.done $0x0  }
0x7d: {  	s5 =	simm.s32 $0x5080;
	[sflag:s25] =	ssyncadd.s32 $0xFFFFF000  }
0x7e: {  	[spmem:s3] =	stream.indirect.scatter.add.f32 [tilespmem:s21], [sflag:$0x5], $0x20, s5, s20, $0xb8;
	[tilespmem:$0x15620] =	vst v63  }
0x7f: {  	_ =	swait.ge [sflag:s18], $0x1000  }
0x80: {  	[sflag:s18] =	ssyncset.done $0x0  }
0x81: {  	[sflag:s18] =	ssyncadd.s32 $0xFFFFF000  }
0x82: {  	_ =	swait.ge [sflag:s26], $0x1000  }
0x83: {  	[sflag:s26] =	ssyncset.done $0x0  }
0x84: {  	s30 =	simm.s32 $0x5100;
	[sflag:s26] =	ssyncadd.s32 $0xFFFFF000  }
0x85: {  	[spmem:s3] =	stream.indirect.scatter.add.f32 [tilespmem:s22], [sflag:$0x5], $0x20, s30, s20, $0xb8;
	[tilespmem:$0x15620] =	vst v63  }
0x86: {  	_ =	swait.ge [sflag:s18], $0x1000  }
0x87: {  	[sflag:s18] =	ssyncset.done $0x0  }
0x88: {  	[sflag:s18] =	ssyncadd.s32 $0xFFFFF000  }
0x89: {  	_ =	swait.ge [sflag:s28], $0x1000  }
0x8a: {  	[sflag:s28] =	ssyncset.done $0x0  }
0x8b: {  	s31 =	simm.s32 $0x5180;
	[sflag:s28] =	ssyncadd.s32 $0xFFFFF000  }
0x8c: {  	[spmem:s3] =	stream.indirect.scatter.add.f32 [tilespmem:s23], [sflag:$0x5], $0x20, s31, s20, $0xb8;
	[tilespmem:$0x15620] =	vst v63  }
0x8d: {  	_ =	swait.ge [sflag:s18], $0x1000  }
0x8e: {  	s29 =	simm.s32 $0x200;
	s0 =	simm.s32 $0x1000;
	[sflag:s18] =	ssyncset.done $0x0  }
.LBB2_6:
0x8f: {  	s1 =	sadd.s32 $0x2800, s29  }
0x90: {  	[sflag:s18] =	ssyncadd.s32 $0xFFFFF000;
	s31 =	smov.u32 s0;
	s30 =	sadd.s32 $0x800, s0  }
0x91: {  	[tilespmem:s19], [sflag:$0x1] =	stream.indirect.gather [spmem:s2], $0x20, s1, s20, $0xb8;
	[tilespmem:$0x15620] =	vst v63  }
0x92: {  	p0 =	sne.s32 s0, $0x9800;
	s0 =	sadd.s32 $0x2880, s29  }
0x93: {  	[tilespmem:s21], [sflag:$0x2] =	stream.indirect.gather [spmem:s2], $0x20, s0, s20, $0xb8;
	[tilespmem:$0x15620] =	vst v63  }
0x94: {  	s0 =	sadd.s32 $0x2900, s29  }
0x95: {  	[tilespmem:s22], [sflag:$0x3] =	stream.indirect.gather [spmem:s2], $0x20, s0, s20, $0xb8;
	[tilespmem:$0x15620] =	vst v63  }
0x96: {  	s0 =	sadd.s32 $0x2980, s29  }
0x97: {  	[tilespmem:s23], [sflag:$0x4] =	stream.indirect.gather [spmem:s2], $0x20, s0, s20, $0xb8;
	[tilespmem:$0x15620] =	vst v63  }
0x98: {  	_ =	swait.ge [sflag:s24], $0x1000  }
0x99: {  	[sflag:s24] =	ssyncset.done $0x0  }
0x9a: {  	s0 =	sadd.s32 $0x5000, s29;
	[sflag:s24] =	ssyncadd.s32 $0xFFFFF000  }
0x9b: {  	[spmem:s3] =	stream.indirect.scatter.add.f32 [tilespmem:s19], [sflag:$0x5], $0x20, s0, s20, $0xb8;
	[tilespmem:$0x15620] =	vst v63  }
0x9c: {  	_ =	swait.ge [sflag:s18], $0x1000  }
0x9d: {  	[sflag:s18] =	ssyncset.done $0x0  }
0x9e: {  	[sflag:s18] =	ssyncadd.s32 $0xFFFFF000  }
0x9f: {  	_ =	swait.ge [sflag:s25], $0x1000  }
0xa0: {  	[sflag:s25] =	ssyncset.done $0x0  }
0xa1: {  	s0 =	sadd.s32 $0x5080, s29;
	[sflag:s25] =	ssyncadd.s32 $0xFFFFF000  }
0xa2: {  	[spmem:s3] =	stream.indirect.scatter.add.f32 [tilespmem:s21], [sflag:$0x5], $0x20, s0, s20, $0xb8;
	[tilespmem:$0x15620] =	vst v63  }
0xa3: {  	_ =	swait.ge [sflag:s18], $0x1000  }
0xa4: {  	[sflag:s18] =	ssyncset.done $0x0  }
0xa5: {  	[sflag:s18] =	ssyncadd.s32 $0xFFFFF000  }
0xa6: {  	_ =	swait.ge [sflag:s26], $0x1000  }
0xa7: {  	[sflag:s26] =	ssyncset.done $0x0  }
0xa8: {  	s0 =	sadd.s32 $0x5100, s29;
	[sflag:s26] =	ssyncadd.s32 $0xFFFFF000  }
0xa9: {  	[spmem:s3] =	stream.indirect.scatter.add.f32 [tilespmem:s22], [sflag:$0x5], $0x20, s0, s20, $0xb8;
	[tilespmem:$0x15620] =	vst v63  }
0xaa: {  	_ =	swait.ge [sflag:s18], $0x1000  }
0xab: {  	[sflag:s18] =	ssyncset.done $0x0  }
0xac: {  	[sflag:s18] =	ssyncadd.s32 $0xFFFFF000  }
0xad: {  	_ =	swait.ge [sflag:s28], $0x1000  }
.Ltmp2:
0xae: {  	[sflag:s28] =	ssyncset.done $0x0;
	(pc) =	sbr.rel @p0 .LBB2_6-.Ltmp2, $4  }
0xaf: {  	s0 =	sadd.s32 $0x5180, s29;
	[sflag:s28] =	ssyncadd.s32 $0xFFFFF000  }
0xb0: {  	[spmem:s3] =	stream.indirect.scatter.add.f32 [tilespmem:s23], [sflag:$0x5], $0x20, s0, s20, $0xb8;
	[tilespmem:$0x15620] =	vst v63  }
0xb1: {  	_ =	swait.ge [sflag:s18], $0x1000  }
0xb2: {  	s29 =	sshra.s32 s31, $0x2;
	s0 =	smov.u32 s30;
	[sflag:s18] =	ssyncset.done $0x0  }
0xb3: {  	s0 =	sadd.s32 $0x2800, s29;
	[sflag:s18] =	ssyncadd.s32 $0xFFFFF000  }
0xb4: {  	[tilespmem:s19], [sflag:$0x1] =	stream.indirect.gather [spmem:s2], $0x20, s0, s20, $0xb8;
	[tilespmem:$0x15620] =	vst v63  }
0xb5: {  	s5 =	sadd.s32 $0x2880, s29  }
0xb6: {  	[tilespmem:s21], [sflag:$0x2] =	stream.indirect.gather [spmem:s2], $0x20, s5, s20, $0xb8;
	[tilespmem:$0x15620] =	vst v63  }
0xb7: {  	s30 =	sadd.s32 $0x2900, s29  }
0xb8: {  	[tilespmem:s22], [sflag:$0x3] =	stream.indirect.gather [spmem:s2], $0x20, s30, s20, $0xb8;
	[tilespmem:$0x15620] =	vst v63  }
0xb9: {  	s31 =	sadd.s32 $0x2980, s29  }
0xba: {  	[tilespmem:s23], [sflag:$0x4] =	stream.indirect.gather [spmem:s2], $0x20, s31, s20, $0xb8;
	[tilespmem:$0x15620] =	vst v63  }
0xbb: {  	_ =	swait.ge [sflag:s24], $0x1000  }
0xbc: {  	[sflag:s24] =	ssyncset.done $0x0  }
0xbd: {  	s1 =	sadd.s32 $0x5000, s29;
	[sflag:s24] =	ssyncadd.s32 $0xFFFFF000  }
0xbe: {  	[spmem:s3] =	stream.indirect.scatter.add.f32 [tilespmem:s19], [sflag:$0x5], $0x20, s1, s20, $0xb8;
	[tilespmem:$0x15620] =	vst v63  }
0xbf: {  	_ =	swait.ge [sflag:s18], $0x1000  }
0xc0: {  	[sflag:s18] =	ssyncset.done $0x0  }
0xc1: {  	[sflag:s18] =	ssyncadd.s32 $0xFFFFF000  }
0xc2: {  	_ =	swait.ge [sflag:s25], $0x1000  }
0xc3: {  	[sflag:s25] =	ssyncset.done $0x0  }
0xc4: {  	s5 =	sadd.s32 $0x5080, s29;
	[sflag:s25] =	ssyncadd.s32 $0xFFFFF000  }
0xc5: {  	[spmem:s3] =	stream.indirect.scatter.add.f32 [tilespmem:s21], [sflag:$0x5], $0x20, s5, s20, $0xb8;
	[tilespmem:$0x15620] =	vst v63  }
0xc6: {  	_ =	swait.ge [sflag:s18], $0x1000  }
0xc7: {  	[sflag:s18] =	ssyncset.done $0x0  }
0xc8: {  	[sflag:s18] =	ssyncadd.s32 $0xFFFFF000  }
0xc9: {  	_ =	swait.ge [sflag:s26], $0x1000  }
0xca: {  	[sflag:s26] =	ssyncset.done $0x0  }
0xcb: {  	s30 =	sadd.s32 $0x5100, s29;
	[sflag:s26] =	ssyncadd.s32 $0xFFFFF000  }
0xcc: {  	[spmem:s3] =	stream.indirect.scatter.add.f32 [tilespmem:s22], [sflag:$0x5], $0x20, s30, s20, $0xb8;
	[tilespmem:$0x15620] =	vst v63  }
0xcd: {  	_ =	swait.ge [sflag:s18], $0x1000  }
0xce: {  	[sflag:s18] =	ssyncset.done $0x0  }
0xcf: {  	[sflag:s18] =	ssyncadd.s32 $0xFFFFF000  }
0xd0: {  	_ =	swait.ge [sflag:s28], $0x1000  }
0xd1: {  	[sflag:s28] =	ssyncset.done $0x0  }
0xd2: {  	s31 =	sadd.s32 $0x5180, s29;
	[sflag:s28] =	ssyncadd.s32 $0xFFFFF000  }
0xd3: {  	[spmem:s3] =	stream.indirect.scatter.add.f32 [tilespmem:s23], [sflag:$0x5], $0x20, s31, s20, $0xb8;
	[tilespmem:$0x15620] =	vst v63  }
0xd4: {  	_ =	swait.ge [sflag:s18], $0x1000  }
0xd5: {  	[sflag:s18] =	ssyncset.done $0x0  }
0xd6: {  	[sflag:s18] =	ssyncadd.s32 $0xFFFFF000  }
0xd7: {  	s29 =	sshrl.u32 s7, $0x3;
	[bflag:$0x0] =	sbarrier.arrive $0xFFFF  }
0xd8: {  	[hbm:s13], [sflag:s6] =	dma.local [spmem:s29], $0xA00  }
0xd9: {  	_ =	swait.ge [sflag:s18], $0xA00  }
0xda: {  	[sflag:s18] =	ssyncset.done $0x0  }
0xdb: {  	s0 =	simm.s32 $0x80;
	s1 =	simm.s32 $0x0;
	[sflag:s18] =	ssyncadd.s32 $0xFFFFF600  }
.LBB2_8:
0xdc: {  	p0 =	sne.s32 s0, $0x3F80;
	[tilespmem:s1+$0x7800] =	vst v0;
	s30 =	smov.u32 s0;
	s0 =	sadd.s32 $0x80, s0  }
.Ltmp3:
0xdd: {  	[tilespmem:s1+$0x7810] =	vst v0;
	(pc) =	sbr.rel @p0 .LBB2_8-.Ltmp3, $2  }
0xde: {  	_ =	sdelay $0x2  }
0xdf: {  	s1 =	sshra.s32 s30, $0x2  }
0xe0: {  	[tilespmem:s1+$0x7800] =	vst v0  }
0xe1: {  	[tilespmem:s1+$0x7810] =	vst v0  }
0xe2: {  	[spmem:s7] =	stream.linear.scatter [tilespmem:s19], [sflag:$0x5], $0x1000, $0x38;
	[tilespmem:$0x15620] =	vst v63  }
0xe3: {  	_ =	swait.ge [sflag:s18], $0x1000  }
0xe4: {  	[sflag:s18] =	ssyncset.done $0x0  }
0xe5: {  	[sflag:s18] =	ssyncadd.s32 $0xFFFFF000  }
0xe6: {  	[spmem:s8] =	stream.linear.scatter [tilespmem:s19], [sflag:$0x5], $0x1000, $0x38;
	[tilespmem:$0x15620] =	vst v63  }
0xe7: {  	_ =	swait.ge [sflag:s18], $0x1000  }
0xe8: {  	[sflag:s18] =	ssyncset.done $0x0  }
0xe9: {  	[sflag:s18] =	ssyncadd.s32 $0xFFFFF000  }
0xea: {  	[spmem:s9] =	stream.linear.scatter [tilespmem:s19], [sflag:$0x5], $0x1000, $0x38;
	[tilespmem:$0x15620] =	vst v63  }
0xeb: {  	_ =	swait.ge [sflag:s18], $0x1000  }
0xec: {  	[sflag:s18] =	ssyncset.done $0x0  }
0xed: {  	[sflag:s18] =	ssyncadd.s32 $0xFFFFF000  }
0xee: {  	[spmem:s10] =	stream.linear.scatter [tilespmem:s19], [sflag:$0x5], $0x1000, $0x38;
	[tilespmem:$0x15620] =	vst v63  }
0xef: {  	_ =	swait.ge [sflag:s18], $0x1000  }
0xf0: {  	[sflag:s18] =	ssyncset.done $0x0  }
0xf1: {  	[sflag:s18] =	ssyncadd.s32 $0xFFFFF000  }
0xf2: {  	[spmem:s11] =	stream.linear.scatter [tilespmem:s19], [sflag:$0x5], $0x1000, $0x38;
	[tilespmem:$0x15620] =	vst v63  }
0xf3: {  	_ =	swait.ge [sflag:s18], $0x1000  }
0xf4: {  	[sflag:s18] =	ssyncset.done $0x0  }
0xf5: {  	[sflag:s18] =	ssyncadd.s32 $0xFFFFF000  }
0xf6: {  	[spmem:s17], [sflag:s6] =	dma.local [hbm:s14], $0x9C4  }
0xf7: {  	_ =	swait.ge [sflag:s18], $0x9C4  }
0xf8: {  	[sflag:s18] =	ssyncset.done $0x0  }
0xf9: {  	[sflag:s18] =	ssyncadd.s32 $0xFFFFF63C  }
0xfa: {  	s0 =	simm.s32 $0x2800;
	[bflag:$0x0] =	sbarrier.arrive $0xFFFF  }
0xfb: {  	[tilespmem:s19], [sflag:$0x1] =	stream.indirect.gather [spmem:s2], $0x20, s0, s20, $0xb8;
	[tilespmem:$0x15620] =	vst v63  }
0xfc: {  	s5 =	simm.s32 $0x2880  }
0xfd: {  	[tilespmem:s21], [sflag:$0x2] =	stream.indirect.gather [spmem:s2], $0x20, s5, s20, $0xb8;
	[tilespmem:$0x15620] =	vst v63  }
0xfe: {  	s1 =	simm.s32 $0x2900  }
0xff: {  	[tilespmem:s22], [sflag:$0x3] =	stream.indirect.gather [spmem:s2], $0x20, s1, s20, $0xb8;
	[tilespmem:$0x15620] =	vst v63  }
0x100: {  	s5 =	simm.s32 $0x2980  }
0x101: {  	[tilespmem:s23], [sflag:$0x4] =	stream.indirect.gather [spmem:s2], $0x20, s5, s20, $0xb8;
	[tilespmem:$0x15620] =	vst v63  }
0x102: {  	_ =	swait.ge [sflag:s24], $0x1000  }
0x103: {  	[sflag:s24] =	ssyncset.done $0x0  }
0x104: {  	s1 =	simm.s32 $0x5000;
	[sflag:s24] =	ssyncadd.s32 $0xFFFFF000  }
0x105: {  	[spmem:s3] =	stream.indirect.scatter.add.f32 [tilespmem:s19], [sflag:$0x5], $0x20, s1, s20, $0xb8;
	[tilespmem:$0x15620] =	vst v63  }
0x106: {  	_ =	swait.ge [sflag:s18], $0x1000  }
0x107: {  	[sflag:s18] =	ssyncset.done $0x0  }
0x108: {  	[sflag:s18] =	ssyncadd.s32 $0xFFFFF000  }
0x109: {  	_ =	swait.ge [sflag:s25], $0x1000  }
0x10a: {  	[sflag:s25] =	ssyncset.done $0x0  }
0x10b: {  	s5 =	simm.s32 $0x5080;
	[sflag:s25] =	ssyncadd.s32 $0xFFFFF000  }
0x10c: {  	[spmem:s3] =	stream.indirect.scatter.add.f32 [tilespmem:s21], [sflag:$0x5], $0x20, s5, s20, $0xb8;
	[tilespmem:$0x15620] =	vst v63  }
0x10d: {  	_ =	swait.ge [sflag:s18], $0x1000  }
0x10e: {  	[sflag:s18] =	ssyncset.done $0x0  }
0x10f: {  	[sflag:s18] =	ssyncadd.s32 $0xFFFFF000  }
0x110: {  	_ =	swait.ge [sflag:s26], $0x1000  }
0x111: {  	[sflag:s26] =	ssyncset.done $0x0  }
0x112: {  	s1 =	simm.s32 $0x5100;
	[sflag:s26] =	ssyncadd.s32 $0xFFFFF000  }
0x113: {  	[spmem:s3] =	stream.indirect.scatter.add.f32 [tilespmem:s22], [sflag:$0x5], $0x20, s1, s20, $0xb8;
	[tilespmem:$0x15620] =	vst v63  }
0x114: {  	_ =	swait.ge [sflag:s18], $0x1000  }
0x115: {  	[sflag:s18] =	ssyncset.done $0x0  }
0x116: {  	[sflag:s18] =	ssyncadd.s32 $0xFFFFF000  }
0x117: {  	_ =	swait.ge [sflag:s28], $0x1000  }
0x118: {  	[sflag:s28] =	ssyncset.done $0x0  }
0x119: {  	s5 =	simm.s32 $0x5180;
	[sflag:s28] =	ssyncadd.s32 $0xFFFFF000  }
0x11a: {  	[spmem:s3] =	stream.indirect.scatter.add.f32 [tilespmem:s23], [sflag:$0x5], $0x20, s5, s20, $0xb8;
	[tilespmem:$0x15620] =	vst v63  }
0x11b: {  	_ =	swait.ge [sflag:s18], $0x1000  }
0x11c: {  	s31 =	simm.s32 $0x1000;
	s30 =	simm.s32 $0x200;
	[sflag:s18] =	ssyncset.done $0x0  }
.LBB2_10:
0x11d: {  	s5 =	sadd.s32 $0x2800, s30  }
0x11e: {  	[sflag:s18] =	ssyncadd.s32 $0xFFFFF000;
	s0 =	smov.u32 s31;
	s1 =	sadd.s32 $0x800, s31  }
0x11f: {  	[tilespmem:s19], [sflag:$0x1] =	stream.indirect.gather [spmem:s2], $0x20, s5, s20, $0xb8;
	[tilespmem:$0x15620] =	vst v63  }
0x120: {  	p0 =	sne.s32 s31, $0x9800;
	s5 =	sadd.s32 $0x2880, s30  }
0x121: {  	[tilespmem:s21], [sflag:$0x2] =	stream.indirect.gather [spmem:s2], $0x20, s5, s20, $0xb8;
	[tilespmem:$0x15620] =	vst v63  }
0x122: {  	s5 =	sadd.s32 $0x2900, s30  }
0x123: {  	[tilespmem:s22], [sflag:$0x3] =	stream.indirect.gather [spmem:s2], $0x20, s5, s20, $0xb8;
	[tilespmem:$0x15620] =	vst v63  }
0x124: {  	s5 =	sadd.s32 $0x2980, s30  }
0x125: {  	[tilespmem:s23], [sflag:$0x4] =	stream.indirect.gather [spmem:s2], $0x20, s5, s20, $0xb8;
	[tilespmem:$0x15620] =	vst v63  }
0x126: {  	_ =	swait.ge [sflag:s24], $0x1000  }
0x127: {  	[sflag:s24] =	ssyncset.done $0x0  }
0x128: {  	s5 =	sadd.s32 $0x5000, s30;
	[sflag:s24] =	ssyncadd.s32 $0xFFFFF000  }
0x129: {  	[spmem:s3] =	stream.indirect.scatter.add.f32 [tilespmem:s19], [sflag:$0x5], $0x20, s5, s20, $0xb8;
	[tilespmem:$0x15620] =	vst v63  }
0x12a: {  	_ =	swait.ge [sflag:s18], $0x1000  }
0x12b: {  	[sflag:s18] =	ssyncset.done $0x0  }
0x12c: {  	[sflag:s18] =	ssyncadd.s32 $0xFFFFF000  }
0x12d: {  	_ =	swait.ge [sflag:s25], $0x1000  }
0x12e: {  	[sflag:s25] =	ssyncset.done $0x0  }
0x12f: {  	s5 =	sadd.s32 $0x5080, s30;
	[sflag:s25] =	ssyncadd.s32 $0xFFFFF000  }
0x130: {  	[spmem:s3] =	stream.indirect.scatter.add.f32 [tilespmem:s21], [sflag:$0x5], $0x20, s5, s20, $0xb8;
	[tilespmem:$0x15620] =	vst v63  }
0x131: {  	_ =	swait.ge [sflag:s18], $0x1000  }
0x132: {  	[sflag:s18] =	ssyncset.done $0x0  }
0x133: {  	[sflag:s18] =	ssyncadd.s32 $0xFFFFF000  }
0x134: {  	_ =	swait.ge [sflag:s26], $0x1000  }
0x135: {  	[sflag:s26] =	ssyncset.done $0x0  }
0x136: {  	s5 =	sadd.s32 $0x5100, s30;
	[sflag:s26] =	ssyncadd.s32 $0xFFFFF000  }
0x137: {  	[spmem:s3] =	stream.indirect.scatter.add.f32 [tilespmem:s22], [sflag:$0x5], $0x20, s5, s20, $0xb8;
	[tilespmem:$0x15620] =	vst v63  }
0x138: {  	_ =	swait.ge [sflag:s18], $0x1000  }
0x139: {  	[sflag:s18] =	ssyncset.done $0x0  }
0x13a: {  	[sflag:s18] =	ssyncadd.s32 $0xFFFFF000  }
0x13b: {  	_ =	swait.ge [sflag:s28], $0x1000  }
.Ltmp4:
0x13c: {  	[sflag:s28] =	ssyncset.done $0x0;
	(pc) =	sbr.rel @p0 .LBB2_10-.Ltmp4, $4  }
0x13d: {  	s5 =	sadd.s32 $0x5180, s30;
	[sflag:s28] =	ssyncadd.s32 $0xFFFFF000  }
0x13e: {  	[spmem:s3] =	stream.indirect.scatter.add.f32 [tilespmem:s23], [sflag:$0x5], $0x20, s5, s20, $0xb8;
	[tilespmem:$0x15620] =	vst v63  }
0x13f: {  	_ =	swait.ge [sflag:s18], $0x1000  }
0x140: {  	s31 =	smov.u32 s1;
	s30 =	sshra.s32 s0, $0x2;
	[sflag:s18] =	ssyncset.done $0x0  }
0x141: {  	s0 =	sadd.s32 $0x2800, s30;
	[sflag:s18] =	ssyncadd.s32 $0xFFFFF000  }
0x142: {  	[tilespmem:s19], [sflag:$0x1] =	stream.indirect.gather [spmem:s2], $0x20, s0, s20, $0xb8;
	[tilespmem:$0x15620] =	vst v63  }
0x143: {  	s31 =	sadd.s32 $0x2880, s30  }
0x144: {  	[tilespmem:s21], [sflag:$0x2] =	stream.indirect.gather [spmem:s2], $0x20, s31, s20, $0xb8;
	[tilespmem:$0x15620] =	vst v63  }
0x145: {  	s1 =	sadd.s32 $0x2900, s30  }
0x146: {  	[tilespmem:s22], [sflag:$0x3] =	stream.indirect.gather [spmem:s2], $0x20, s1, s20, $0xb8;
	[tilespmem:$0x15620] =	vst v63  }
0x147: {  	s5 =	sadd.s32 $0x2980, s30  }
0x148: {  	[tilespmem:s23], [sflag:$0x4] =	stream.indirect.gather [spmem:s2], $0x20, s5, s20, $0xb8;
	[tilespmem:$0x15620] =	vst v63  }
0x149: {  	_ =	swait.ge [sflag:s24], $0x1000  }
0x14a: {  	[sflag:s24] =	ssyncset.done $0x0  }
0x14b: {  	s31 =	sadd.s32 $0x5000, s30;
	[sflag:s24] =	ssyncadd.s32 $0xFFFFF000  }
0x14c: {  	[spmem:s3] =	stream.indirect.scatter.add.f32 [tilespmem:s19], [sflag:$0x5], $0x20, s31, s20, $0xb8;
	[tilespmem:$0x15620] =	vst v63  }
0x14d: {  	_ =	swait.ge [sflag:s18], $0x1000  }
0x14e: {  	[sflag:s18] =	ssyncset.done $0x0  }
0x14f: {  	[sflag:s18] =	ssyncadd.s32 $0xFFFFF000  }
0x150: {  	_ =	swait.ge [sflag:s25], $0x1000  }
0x151: {  	[sflag:s25] =	ssyncset.done $0x0  }
0x152: {  	s1 =	sadd.s32 $0x5080, s30;
	[sflag:s25] =	ssyncadd.s32 $0xFFFFF000  }
0x153: {  	[spmem:s3] =	stream.indirect.scatter.add.f32 [tilespmem:s21], [sflag:$0x5], $0x20, s1, s20, $0xb8;
	[tilespmem:$0x15620] =	vst v63  }
0x154: {  	_ =	swait.ge [sflag:s18], $0x1000  }
0x155: {  	[sflag:s18] =	ssyncset.done $0x0  }
0x156: {  	[sflag:s18] =	ssyncadd.s32 $0xFFFFF000  }
0x157: {  	_ =	swait.ge [sflag:s26], $0x1000  }
0x158: {  	[sflag:s26] =	ssyncset.done $0x0  }
0x159: {  	s5 =	sadd.s32 $0x5100, s30;
	[sflag:s26] =	ssyncadd.s32 $0xFFFFF000  }
0x15a: {  	[spmem:s3] =	stream.indirect.scatter.add.f32 [tilespmem:s22], [sflag:$0x5], $0x20, s5, s20, $0xb8;
	[tilespmem:$0x15620] =	vst v63  }
0x15b: {  	_ =	swait.ge [sflag:s18], $0x1000  }
0x15c: {  	[sflag:s18] =	ssyncset.done $0x0  }
0x15d: {  	[sflag:s18] =	ssyncadd.s32 $0xFFFFF000  }
0x15e: {  	_ =	swait.ge [sflag:s28], $0x1000  }
0x15f: {  	[sflag:s28] =	ssyncset.done $0x0  }
0x160: {  	s31 =	sadd.s32 $0x5180, s30;
	[sflag:s28] =	ssyncadd.s32 $0xFFFFF000  }
0x161: {  	[spmem:s3] =	stream.indirect.scatter.add.f32 [tilespmem:s23], [sflag:$0x5], $0x20, s31, s20, $0xb8;
	[tilespmem:$0x15620] =	vst v63  }
0x162: {  	_ =	swait.ge [sflag:s18], $0x1000  }
0x163: {  	s4 =	sadd.s32 $0x1, s4;
	[sflag:s18] =	ssyncset.done $0x0  }
0x164: {  	p0 =	sne.s32 s4, s16;
	[sflag:s18] =	ssyncadd.s32 $0xFFFFF000  }
.Ltmp5:
0x165: {  	[bflag:$0x0] =	sbarrier.arrive $0xFFFF;
	(pc) =	sbr.rel @p0 .LBB2_1-.Ltmp5, $4  }
0x166: {  	[hbm:s15], [sflag:s6] =	dma.local [spmem:s29], $0xA00  }
0x167: {  	_ =	swait.ge [sflag:s18], $0xA00  }
0x168: {  	[sflag:s18] =	ssyncset.done $0x0  }
0x169: {  	[sflag:s18] =	ssyncadd.s32 $0xFFFFF600  }
0x16a: {  	_ =	sfence.sel $0x180000  }
0x16b: {  	[bflag:$0x0] =	sbarrier.arrive $0xFFFF  }
0x16c: {  	_ =	strace $0x90000050  }
0x16d: {  	s0 =	stileid.u32;
	[bflag:$0x2] =	sbarrier.arrive $0xFFFF  }
0x16e: {  	p0 =	sne.s32 s0, $0x0;
	s0 =	rddreg [dreg:$0x3]  }
0x16f: {  	s0 =	sadd.s32 @!p0 $0x100000, s0  }
0x170: {  	[sflag:s0] =	ssyncadd.tile.s32 @!p0 $0x1;
	_ =	shalt  }
.Lfunc_end2:
_tile_overlayer_lowered:
.L_overlay_start_2:
0x171: {  	(tag) =	ssettag $0x2  }
0x172: {  	s0 =	rddreg [dreg:$0x0];
	s2 =	stileid.u32  }
0x173: {  	s1 =	rddreg [dreg:$0x1];
	p0 =	sne.s32 s2, $0x0  }
0x174: {  	s3 =	rddreg [dreg:$0x2];
	[bflag:$0x3] =	sbarrier.arrive $0xFFFF;
	s2 =	simm.s32 @!p0 $0x1C05  }
0x175: {  	[timem:s3], [sflag:s2] =	dma.local @!p0 [hbm:s0], s1  }
0x176: {  	s0 =	simm.s32 @!p0 $0x5  }
0x177: {  	_ =	swait.ge @!p0 [sflag:s0], s1  }
0x178: {  	s1 =	ssub.s32 @!p0 $0x0, s1;
	[sflag:s0] =	ssyncset.done @!p0 $0x0  }
0x179: {  	[sflag:s0] =	ssyncadd.s32 @!p0 s1  }
0x17a: {  	[bflag:$0x3] =	sbarrier.arrive $0xFFFF  }
0x17b: {  	_ =	shalt  }

// kernel: kernel.24.cloned.1.call-start
scs
__scs_entry_jumppad:
0x0: {  	(pc) =	sbr.rel $0x88, $3  }
0x1: {  	(tag) =	ssettag $0x0;
	lr =	simm.s32 $0x1  }
0x2: {  	[smem:$0x3F96] =	sst lr;
	_ =	strace $0xD0000000  }
0x3: {  	_ = 	snop  }
0x4: {  	_ = 	snop  }
0x5: {  	_ = 	snop  }
0x6: {  	_ = 	snop  }
0x7: {  	_ = 	snop  }
__scs_overlays_trampoline_lowered:
0x8: {  	[smem:$0x3FA5] =	sst s0  }
0x9: {  	[smem:$0x3FA6] =	sst s1  }
0xa: {  	[smem:$0x3FA7] =	sst s2  }
0xb: {  	[smem:$0x3FA8] =	sst s3  }
0xc: {  	[smem:$0x3FA9] =	sst s4  }
0xd: {  	[smem:$0x3FAA] =	sst s5  }
0xe: {  	[smem:$0x3FAB] =	sst s6  }
0xf: {  	[smem:$0x3FAC] =	sst s7  }
0x10: {  	[smem:$0x3FAD] =	sst s8  }
0x11: {  	[smem:$0x3FAE] =	sst s9;
	s0 =	simm.s32 @!p0 $0x0  }
0x12: {  	s1 =	sld [smem:$0x3F94];
	s0 =	simm.s32 @p0 $0x1  }
0x13: {  	[smem:$0x3FAF] =	sst s0;
	s0 =	simm.s32 @!p1 $0x0  }
0x14: {  	s2 =	sld [smem:$0x3F93];
	s0 =	simm.s32 @p1 $0x1  }
0x15: {  	[smem:$0x3FB0] =	sst s0;
	s0 =	simm.s32 @!p2 $0x0  }
0x16: {  	s3 =	sld [smem:$0x3FDB];
	s0 =	simm.s32 @p2 $0x1  }
0x17: {  	s4 =	simm.s32 $0x1BF5;
	[smem:$0x3FB2] =	sst s0  }
0x18: {  	s0 =	sld [smem:$0x3F95];
	_ =	swait.ge [sflag:s4], $0x0  }
0x19: {  	s7 =	sld [smem:$0x3F96]  }
0x1a: {  	s8 =	sadd.s32 $0xFFFFE003, lr  }
0x1b: {  	s9 =	sadd.s32 $0xFFFFFEF7, lr;
	s5 =	simm.s32 $0xFFFFFFFF;
	p2 =	slt.u32 s8, $0xFFFFF086  }
0x1c: {  	p1 =	slt.u32 s9, $0xF7A;
	s5 =	simm.s32 @!p2 $0x0  }
0x1d: {  	s5 =	simm.s32 @p1 $0x1;
	p0 =	seq.s32 s7, s2  }
0x1e: {  	s7 =	smul.u32 @!p0 $0xF7A, s2;
	p2 =	seq.s32 @!p0 s5, $0x0  }
0x1f: {  	s9 =	smul.u32 $0xF7A, s1;
	s8 =	simm.s32 @!p0 $0x1BF5;
	p2 =	por !p2, p0  }
0x20: {  	[sflag:s8] =	ssyncset.s32 @!p0 $0xFFFFF086;
	s6 =	sadd.s32 @!p0 s3, s7;
	s7 =	simm.s32 @!p0 $0x108  }
0x21: {  	s3 =	sadd.s32 s3, s9;
	s6 =	sadd.s32 @!p0 $0x88, s6;
	s7 =	simm.s32 @p2 $0x1082  }
0x22: {  	[simem:s7], [sflag:s8] =	dma.local @!p0 [hbm:s6], $0xF7A  }
0x23: {  	s9 =	sor.u32 $0xD0000000, s2;
	s6 =	simm.s32 $0x108;
	_ =	swait.ge @!p0 [sflag:s8], $0x0  }
0x24: {  	s3 =	sadd.s32 $0x88, s3;
	s6 =	simm.s32 @!p1 $0x1082;
	[sflag:s4] =	ssyncset.s32 $0xFFFFF086  }
0x25: {  	[simem:s6], [sflag:s4] =	dma.local [hbm:s3], $0xF7A  }
0x26: {  	[smem:$0x3F96] =	sst s1;
	(tag) =	ssettag s2;
	_ =	strace s9  }
0x27: {  	s1 =	sld [smem:$0x3FA6]  }
0x28: {  	s2 =	sld [smem:$0x3FA7]  }
0x29: {  	s4 =	sld [smem:$0x3FA9]  }
0x2a: {  	p0 =	seq.s32 s5, $0x0;
	s5 =	sld [smem:$0x3FAA]  }
0x2b: {  	s6 =	sld [smem:$0x3FAB]  }
0x2c: {  	s7 =	sld [smem:$0x3FAC]  }
0x2d: {  	s3 =	simm.s32 $0x108;
	s8 =	sld [smem:$0x3FAD]  }
0x2e: {  	s3 =	simm.s32 @!p0 $0x1082;
	s9 =	sld [smem:$0x3FAE]  }
0x2f: {  	lr =	sadd.s32 s0, s3;
	s0 =	sld [smem:$0x3FA5]  }
0x30: {  	s3 =	sld [smem:$0x3FA8]  }
0x31: {  	[smem:$0x3FB1] =	sst s10  }
0x32: {  	s10 =	sld [smem:$0x3FAF];
	_ =	sdelay $0x3  }
0x33: {  	p0 =	seq.s32 s10, $0x1;
	s10 =	sld [smem:$0x3FB1];
	_ =	sdelay $0x3  }
0x34: {  	[smem:$0x3FB1] =	sst s10  }
0x35: {  	s10 =	sld [smem:$0x3FB0];
	_ =	sdelay $0x3  }
0x36: {  	p1 =	seq.s32 s10, $0x1;
	s10 =	sld [smem:$0x3FB1];
	_ =	sdelay $0x3  }
0x37: {  	[smem:$0x3FB1] =	sst s10  }
0x38: {  	s10 =	sld [smem:$0x3FB2]  }
0x39: {  	_ = 	snop;
	(pc) =	sbr.ind lr, $3  }
0x3a: {  	_ = 	snop  }
0x3b: {  	_ = 	snop  }
0x3c: {  	p2 =	seq.s32 s10, $0x1;
	s10 =	sld [smem:$0x3FB1]  }
0x3d: {  	_ =	shalt  }
0x3e: {  	_ =	shalt  }
0x3f: {  	_ =	shalt  }
0x40: {  	_ =	shalt  }
0x41: {  	_ =	shalt  }
0x42: {  	_ =	shalt  }
0x43: {  	_ =	shalt  }
0x44: {  	_ =	shalt  }
0x45: {  	_ =	shalt  }
0x46: {  	_ =	shalt  }
0x47: {  	_ =	shalt  }
0x48: {  	_ =	shalt  }
0x49: {  	_ =	shalt  }
0x4a: {  	_ =	shalt  }
0x4b: {  	_ =	shalt  }
0x4c: {  	_ =	shalt  }
0x4d: {  	_ =	shalt  }
0x4e: {  	_ =	shalt  }
0x4f: {  	_ =	shalt  }
0x50: {  	_ =	shalt  }
0x51: {  	_ =	shalt  }
0x52: {  	_ =	shalt  }
0x53: {  	_ =	shalt  }
0x54: {  	_ =	shalt  }
0x55: {  	_ =	shalt  }
0x56: {  	_ =	shalt  }
0x57: {  	_ =	shalt  }
0x58: {  	_ =	shalt  }
0x59: {  	_ =	shalt  }
0x5a: {  	_ =	shalt  }
0x5b: {  	_ =	shalt  }
0x5c: {  	_ =	shalt  }
0x5d: {  	_ =	shalt  }
0x5e: {  	_ =	shalt  }
0x5f: {  	_ =	shalt  }
0x60: {  	_ =	shalt  }
0x61: {  	_ =	shalt  }
0x62: {  	_ =	shalt  }
0x63: {  	_ =	shalt  }
0x64: {  	_ =	shalt  }
0x65: {  	_ =	shalt  }
0x66: {  	_ =	shalt  }
0x67: {  	_ =	shalt  }
0x68: {  	_ =	shalt  }
0x69: {  	_ =	shalt  }
0x6a: {  	_ =	shalt  }
0x6b: {  	_ =	shalt  }
0x6c: {  	_ =	shalt  }
0x6d: {  	_ =	shalt  }
0x6e: {  	_ =	shalt  }
0x6f: {  	_ =	shalt  }
0x70: {  	_ =	shalt  }
0x71: {  	_ =	shalt  }
0x72: {  	_ =	shalt  }
0x73: {  	_ =	shalt  }
0x74: {  	_ =	shalt  }
0x75: {  	_ =	shalt  }
0x76: {  	_ =	shalt  }
0x77: {  	_ =	shalt  }
0x78: {  	_ =	shalt  }
0x79: {  	_ =	shalt  }
0x7a: {  	_ =	shalt  }
0x7b: {  	_ =	shalt  }
0x7c: {  	_ =	shalt  }
0x7d: {  	_ =	shalt  }
0x7e: {  	_ =	shalt  }
0x7f: {  	_ =	shalt  }
0x80: {  	_ =	shalt  }
0x81: {  	_ =	shalt  }
0x82: {  	_ =	shalt  }
0x83: {  	_ =	shalt  }
0x84: {  	_ =	shalt  }
0x85: {  	_ =	shalt  }
0x86: {  	_ =	shalt  }
0x87: {  	_ =	shalt  }
.Lfunc_end0:
.L_simem_size_0:
called_computation.4_lowered:
.L_overlay_start_0:
0x88: {  	s2 =	sld [smem:$0x3FD9]  }
0x89: {  	s3 =	sld [smem:$0x3FFE];
	_ =	sdelay $0x1  }
0x8a: {  	s1 =	srdreg.scid  }
0x8b: {  	s0 =	sand.u32 $0x1, s1  }
0x8c: {  	s16 =	sshll.u32 s0, $0xA;
	s2 =	sadd.s32 s3, s2  }
0x8d: {  	s2 =	sadd.s32 s2, s16  }
0x8e: {  	[smem:$0x3FBD] =	sst s2  }
0x8f: {  	_ = 	snop  }
0x90: {  	(tm) =	ssettm $0x1  }
0x91: {  	s17 =	sld [smem:$0x3FFB];
	_ =	sdelay $0x3  }
0x92: {  	_ =	strace s17  }
0x93: {  	s2 =	sld [smem:$0x3FFC];
	_ =	sdelay $0x3  }
0x94: {  	_ =	strace s2  }
0x95: {  	s2 =	sld [smem:$0x3FFD];
	_ =	sdelay $0x3  }
0x96: {  	_ =	strace s2  }
0x97: {  	_ =	strace $0x8FFFFFFF  }
0x98: {  	s18 =	sld [smem:$0x3FDB];
	_ =	sdelay $0x1  }
0x99: {  	s19 =	simm.s32 $_scs_section_size  }
0x9a: {  	s4 =	simm.s32 $_size__tile_overlayer_lowered;
	s5 =	simm.s32 $_tile_overlayer_lowered  }
0x9b: {  	s22 =	simm.s32 $0x1BFF;
	s21 =	sshll.u32 s5, $0x1;
	s2 =	sadd.s32 s19, s18  }
0x9c: {  	s6 =	simm.s32 $0x0;
	s20 =	sshll.u32 s4, $0x1;
	s4 =	sadd.s32 s21, s2  }
0x9d: {  	[timem:s6], [sflag:s22] =	dma.local [hbm:s4], s20  }
0x9e: {  	_ =	swait.ge [sflag:s22], s20  }
0x9f: {  	s3 =	ssub.s32 $0x0, s20;
	[sflag:s22] =	ssyncset.done $0x0  }
0xa0: {  	[sflag:s22] =	ssyncadd.s32 s3;
	_ =	sdelay $0x1  }
0xa1: {  	s23 =	simm.s32 $0x1B8B  }
0xa2: {  	_ =	swait.ge [sflag:s23], $0x1  }
0xa3: {  	[sflag:s23] =	ssyncset.done $0x0  }
0xa4: {  	s25 =	simm.s32 $0x1B8E;
	s24 =	sld [smem:$0x3FFE];
	[sflag:s23] =	ssyncadd.s32 $0xFFFFFFFF  }
0xa5: {  	s26 =	simm.s32 $execute0_lowered;
	[smem:$0x3FD2] =	sst s25  }
0xa6: {  	s4 =	sshll.u32 s26, $0x1;
	_ =	strace $0x80000052;
	[dreg:$0x1] =	wrdreg $0xFFFFFFFF  }
0xa7: {  	s28 =	simm.s32 $_size_execute0_lowered;
	s2 =	sadd.s32 s2, s4;
	[dreg:$0x0] =	wrdreg $0x0  }
0xa8: {  	s4 =	sshll.u32 s28, $0x1;
	[dreg:$0x2] =	wrdreg s2  }
0xa9: {  	[dreg:$0x3] =	wrdreg s4  }
0xaa: {  	[dreg:$0x4] =	wrdreg $0xC0  }
0xab: {  	_ =	task [dreg:s6], $0x5FFFF  }
0xac: {  	[dreg:$0x1] =	wrdreg $0xFFFFFFFF  }
0xad: {  	[dreg:$0x0] =	wrdreg $0x60  }
0xae: {  	[dreg:$0x2] =	wrdreg s24  }
0xaf: {  	[dreg:$0x3] =	wrdreg $0xC0000  }
0xb0: {  	[dreg:$0x4] =	wrdreg $0x98000  }
0xb1: {  	[dreg:$0x5] =	wrdreg $0x9  }
0xb2: {  	_ =	task.clear_ibuf [dreg:s6], $0x6FFFF;
	_ =	strace $0x90000052  }
0xb3: {  	s29 =	simm.s32 $0x9;
	_ =	strace $0x80000054  }
0xb4: {  	_ =	swait.ge [sflag:s29], $0x1  }
0xb5: {  	[sflag:s29] =	ssyncadd.s32 $0xFFFFFFFF  }
0xb6: {  	_ =	strace $0x90000054  }
0xb7: {  	_ =	sfence  }
0xb8: {  	s30 =	sld [smem:$0x0];
	_ =	sdelay $0x2  }
0xb9: {  	s31 =	sshll.u32 s1, $0xD;
	s1 =	sshrl.u32 s1, $0x2  }
0xba: {  	s3 =	sand.u32 $0x4000, s31;
	s1 =	sadd.s32 s1, s30  }
0xbb: {  	s0 =	sor.u32 s3, s0;
	s1 =	sshll.u32 s1, $0x11  }
0xbc: {  	s0 =	sor.u32 s1, s0  }
0xbd: {  	s0 =	sadd.s32 $0x8F2B, s0  }
0xbe: {  	[sflag:s0] =	ssyncadd.remote.s32 $0x1  }
0xbf: {  	_ =	sfence.sel $0xFFFF  }
0xc0: {  	[dreg:$0x0] =	wrdreg $0xFFFFFFFF;
	(pc) =	sbr.abs _section_cstart, $3  }
0xc1: {  	[dreg:$0x1] =	wrdreg $0xFFFFFFFF  }
0xc2: {  	_ =	task.clear_ibuf [dreg:s6], $0x2FFFF;
	_ =	strace $0x9FFFFFFF  }
0xc3: {  	(tm) =	ssettm $0x7FFFFFFF  }
tec
execute0_lowered:
.L_overlay_start_1:
0x0: {  	(tag) =	ssettag $0x1  }
0x1: {  	s6 =	rddreg [dreg:$0x0]  }
0x2: {  	s0 =	srdreg.scid;
	s2 =	rddreg [dreg:$0x1]  }
0x3: {  	s3 =	rddreg [dreg:$0x2];
	s4 =	simm.s32 $0x0;
	s17 =	simm.s32 $0x7800  }
0x4: {  	s18 =	simm.s32 $0x80;
	s19 =	simm.s32 $0x8000;
	s20 =	simm.s32 $0x8800  }
0x5: {  	s21 =	simm.s32 $0x9000;
	s5 =	sand.u32 $0x1, s0;
	s0 =	stileid.u32  }
0x6: {  	s22 =	simm.s32 $0x1;
	s23 =	simm.s32 $0x2;
	s7 =	smul.u32 $0x2710, s0  }
0x7: {  	s24 =	simm.s32 $0x3;
	s25 =	simm.s32 $0x4;
	s9 =	smul.u32 $0x2800, s0  }
0x8: {  	[smem:$0x7FF] =	sst s4;
	s1 =	sshll.u32 s5, $0x4;
	s11 =	smul.u32 $0x28000, s5  }
0x9: {  	s5 =	ssub.s32 $0x2, s5;
	s13 =	smul.u32 $0xA000, s0;
	s1 =	sor.u32 s0, s1  }
0xa: {  	s29 =	sshll.u32 s0, $0x6;
	s28 =	sshrl.u32 s5, $0x1;
	s8 =	smul.u32 $0x500, s1  }
0xb: {  	s1 =	rddreg [dreg:$0x3];
	s10 =	sshrl.u32 s7, $0x3;
	_ =	strace $0x80000053  }
0xc: {  	s26 =	sadd.s32 s9, s11;
	s15 =	ssub.s32 s5, s28;
	s16 =	sadd.s32 s7, s2  }
0xd: {  	s30 =	sshrl.u32 s13, $0x2;
	s7 =	sadd.s32 s9, s3;
	s10 =	sadd.s32 s10, s6  }
0xe: {  	s31 =	sadd.s32 s30, s3;
	s12 =	sadd.s32 s8, s6;
	s8 =	sshrl.u32 s26, $0x3  }
0xf: {  	s5 =	sadd.s32 $0xDE00, s10;
	s9 =	sadd.s32 $0x1000, s31;
	s10 =	sadd.s32 $0x1800, s31  }
0x10: {  	s11 =	sadd.s32 $0x2000, s31;
	s14 =	sadd.s32 s8, s6;
	s6 =	sor.u32 $0x1C05, s29  }
0x11: {  	s8 =	sadd.s32 $0x800, s31;
	s12 =	sadd.s32 $0x3E00, s12;
	s13 =	sadd.s32 $0x12E00, s14  }
0x12: {  	v0 =	vimm.f32 $0.0e+00;
	s14 =	smax.u32 s15, $0x1;
	s15 =	sshrl.u32 s16, $0x3;
	s16 =	simm.s32 $0x5  }
.LBB2_1:
0x13: {  	[spmem:s15], [sflag:s6] =	dma.local [hbm:s5], $0x4E2  }
0x14: {  	_ =	swait.ge [sflag:s16], $0x4E2  }
0x15: {  	[sflag:s16] =	ssyncset.done $0x0  }
0x16: {  	s26 =	simm.s32 $0x40;
	s28 =	simm.s32 $0x0;
	[sflag:s16] =	ssyncadd.s32 $0xFFFFFB1E  }
.LBB2_2:
0x17: {  	p0 =	sne.s32 s26, $0x1FC0;
	[tilespmem:s28+$0x7800] =	vst v0;
	s28 =	smov.u32 s26;
	s26 =	sadd.s32 $0x40, s26  }
.Ltmp0:
0x18: {  	(pc) =	sbr.rel @p0 .LBB2_2-.Ltmp0, $2  }
0x19: {  	_ =	sdelay $0x2  }
0x1a: {  	s28 =	sshra.s32 s28, $0x2  }
0x1b: {  	[tilespmem:s28+$0x7800] =	vst v0  }
0x1c: {  	[spmem:s7] =	stream.linear.scatter [tilespmem:s17], [sflag:$0x5], $0x800, $0x38;
	[tilespmem:$0xE710] =	vst v63  }
0x1d: {  	_ =	swait.ge [sflag:s16], $0x800  }
0x1e: {  	[sflag:s16] =	ssyncset.done $0x0  }
0x1f: {  	[sflag:s16] =	ssyncadd.s32 $0xFFFFF800  }
0x20: {  	[spmem:s8] =	stream.linear.scatter [tilespmem:s17], [sflag:$0x5], $0x800, $0x38;
	[tilespmem:$0xE710] =	vst v63  }
0x21: {  	_ =	swait.ge [sflag:s16], $0x800  }
0x22: {  	[sflag:s16] =	ssyncset.done $0x0  }
0x23: {  	[sflag:s16] =	ssyncadd.s32 $0xFFFFF800  }
0x24: {  	[spmem:s9] =	stream.linear.scatter [tilespmem:s17], [sflag:$0x5], $0x800, $0x38;
	[tilespmem:$0xE710] =	vst v63  }
0x25: {  	_ =	swait.ge [sflag:s16], $0x800  }
0x26: {  	[sflag:s16] =	ssyncset.done $0x0  }
0x27: {  	[sflag:s16] =	ssyncadd.s32 $0xFFFFF800  }
0x28: {  	[spmem:s10] =	stream.linear.scatter [tilespmem:s17], [sflag:$0x5], $0x800, $0x38;
	[tilespmem:$0xE710] =	vst v63  }
0x29: {  	_ =	swait.ge [sflag:s16], $0x800  }
0x2a: {  	[sflag:s16] =	ssyncset.done $0x0  }
0x2b: {  	[sflag:s16] =	ssyncadd.s32 $0xFFFFF800  }
0x2c: {  	[spmem:s11] =	stream.linear.scatter [tilespmem:s17], [sflag:$0x5], $0x800, $0x38;
	[tilespmem:$0xE710] =	vst v63  }
0x2d: {  	_ =	swait.ge [sflag:s16], $0x800  }
0x2e: {  	[sflag:s16] =	ssyncset.done $0x0  }
0x2f: {  	s26 =	simm.s32 $0x0;
	[sflag:s16] =	ssyncadd.s32 $0xFFFFF800  }
0x30: {  	[tilespmem:s26], [sflag:$0x5] =	stream.linear.gather [hbm4b:s12+s26], $0x2800, $0x38;
	[tilespmem:$0xE710] =	vst v63  }
0x31: {  	_ =	swait.ge [sflag:s16], $0x2800  }
0x32: {  	[sflag:s16] =	ssyncset.done $0x0  }
0x33: {  	s26 =	simm.s32 $0x0;
	[sflag:s16] =	ssyncadd.s32 $0xFFFFD800  }
0x34: {  	v1 =	vld [tilespmem:s26+$0x70]  }
0x35: {  	v2 =	vld [tilespmem:s26+$0x0];
	_ =	sdelay $0x1  }
0x36: {  	v3 =	vld [tilespmem:s26+$0x10]  }
0x37: {  	v6 =	vld [tilespmem:s26+$0x40]  }
0x38: {  	v7 =	vshra.s32 v1, $0x10  }
0x39: {  	v4 =	vld [tilespmem:s26+$0x20];
	v9 =	vand.u32 $0xFFFF, v2;
	[tilespmem:s26+$0x5070] =	vst v7  }
0x3a: {  	v2 =	vshra.s32 v2, $0x10;
	[tilespmem:s26+$0x2800] =	vst v9  }
0x3b: {  	v5 =	vld [tilespmem:s26+$0x30];
	v62 =	vand.u32 $0xFFFF, v3;
	[tilespmem:s26+$0x5000] =	vst v2  }
0x3c: {  	v8 =	vld [tilespmem:s26+$0x50];
	v63 =	vand.u32 $0xFFFF, v6;
	[tilespmem:s26+$0x2810] =	vst v62  }
0x3d: {  	v7 =	vld [tilespmem:s26+$0x60];
	v2 =	vshra.s32 v3, $0x10;
	[tilespmem:s26+$0x2840] =	vst v63  }
0x3e: {  	v3 =	vand.u32 $0xFFFF, v4;
	[tilespmem:s26+$0x5010] =	vst v2  }
0x3f: {  	v2 =	vshra.s32 v4, $0x10;
	[tilespmem:s26+$0x2820] =	vst v3  }
0x40: {  	v1 =	vand.u32 $0xFFFF, v1;
	v3 =	vand.u32 $0xFFFF, v5;
	[tilespmem:s26+$0x5020] =	vst v2  }
0x41: {  	v6 =	vshra.s32 v6, $0x10;
	v4 =	vshra.s32 v8, $0x10;
	v2 =	vshra.s32 v5, $0x10;
	[tilespmem:s26+$0x2830] =	vst v3  }
0x42: {  	s28 =	simm.s32 $0x80;
	s29 =	simm.s32 $0x400;
	v5 =	vand.u32 $0xFFFF, v8;
	[tilespmem:s26+$0x5030] =	vst v2;
	v3 =	vand.u32 $0xFFFF, v7;
	v2 =	vshra.s32 v7, $0x10  }
.LBB2_4:
0x43: {  	p0 =	sne.s32 s29, $0x9E00;
	v7 =	vld [tilespmem:s28+$0x70];
	[tilespmem:s26+$0x5040] =	vst v6  }
0x44: {  	v6 =	vld [tilespmem:s28+$0x0];
	[tilespmem:s26+$0x2850] =	vst v5  }
0x45: {  	v5 =	vld [tilespmem:s28+$0x10];
	[tilespmem:s26+$0x5050] =	vst v4  }
0x46: {  	v4 =	vld [tilespmem:s28+$0x20];
	[tilespmem:s26+$0x2860] =	vst v3  }
0x47: {  	v3 =	vld [tilespmem:s28+$0x30];
	[tilespmem:s26+$0x5060] =	vst v2  }
0x48: {  	v2 =	vld [tilespmem:s28+$0x40];
	v8 =	vshra.s32 v7, $0x10;
	[tilespmem:s26+$0x2870] =	vst v1;
	v1 =	vand.u32 $0xFFFF, v7;
	s26 =	smov.u32 s28  }
0x49: {  	v7 =	vand.u32 $0xFFFF, v6;
	v6 =	vshra.s32 v6, $0x10;
	v9 =	vld [tilespmem:s26+$0x50];
	[tilespmem:s26+$0x5070] =	vst v8  }
0x4a: {  	[tilespmem:s26+$0x2800] =	vst v7;
	v7 =	vand.u32 $0xFFFF, v5;
	v5 =	vshra.s32 v5, $0x10;
	v8 =	vld [tilespmem:s26+$0x60]  }
0x4b: {  	[tilespmem:s26+$0x5000] =	vst v6;
	v10 =	vand.u32 $0xFFFF, v4;
	v11 =	vshra.s32 v4, $0x10  }
0x4c: {  	[tilespmem:s26+$0x2810] =	vst v7;
	v7 =	vand.u32 $0xFFFF, v3;
	v12 =	vshra.s32 v3, $0x10  }
0x4d: {  	[tilespmem:s26+$0x5010] =	vst v5;
	v13 =	vand.u32 $0xFFFF, v2;
	v6 =	vshra.s32 v2, $0x10  }
.Ltmp1:
0x4e: {  	[tilespmem:s26+$0x2820] =	vst v10;
	v5 =	vand.u32 $0xFFFF, v9;
	v4 =	vshra.s32 v9, $0x10;
	(pc) =	sbr.rel @p0 .LBB2_4-.Ltmp1, $4  }
0x4f: {  	[tilespmem:s26+$0x5020] =	vst v11;
	v3 =	vand.u32 $0xFFFF, v8;
	v2 =	vshra.s32 v8, $0x10  }
0x50: {  	[tilespmem:s26+$0x2830] =	vst v7  }
0x51: {  	[tilespmem:s26+$0x5030] =	vst v12  }
0x52: {  	s28 =	sshra.s32 s29, $0x2;
	s29 =	sadd.s32 $0x200, s29;
	[tilespmem:s26+$0x2840] =	vst v13  }
0x53: {  	v7 =	vld [tilespmem:s28+$0x70];
	[tilespmem:s26+$0x5040] =	vst v6  }
0x54: {  	v6 =	vld [tilespmem:s28+$0x0];
	[tilespmem:s26+$0x2850] =	vst v5  }
0x55: {  	v5 =	vld [tilespmem:s28+$0x10];
	[tilespmem:s26+$0x5050] =	vst v4  }
0x56: {  	v4 =	vld [tilespmem:s28+$0x20];
	[tilespmem:s26+$0x2860] =	vst v3  }
0x57: {  	v3 =	vld [tilespmem:s28+$0x30];
	[tilespmem:s26+$0x5060] =	vst v2  }
0x58: {  	v2 =	vld [tilespmem:s28+$0x40];
	[tilespmem:s26+$0x2870] =	vst v1;
	v1 =	vshra.s32 v7, $0x10  }
0x59: {  	v9 =	vand.u32 $0xFFFF, v6;
	[tilespmem:s28+$0x5070] =	vst v1  }
0x5a: {  	v1 =	vshra.s32 v6, $0x10;
	[tilespmem:s28+$0x2800] =	vst v9  }
0x5b: {  	v61 =	vand.u32 $0xFFFF, v5;
	[tilespmem:s28+$0x5000] =	vst v1  }
0x5c: {  	v1 =	vshra.s32 v5, $0x10;
	[tilespmem:s28+$0x2810] =	vst v61  }
0x5d: {  	v62 =	vand.u32 $0xFFFF, v4;
	[tilespmem:s28+$0x5010] =	vst v1  }
0x5e: {  	v8 =	vld [tilespmem:s28+$0x50];
	v1 =	vshra.s32 v4, $0x10;
	[tilespmem:s28+$0x2820] =	vst v62  }
0x5f: {  	v63 =	vand.u32 $0xFFFF, v3;
	[tilespmem:s28+$0x5020] =	vst v1  }
0x60: {  	v60 =	vld [tilespmem:s28+$0x60];
	v1 =	vshra.s32 v3, $0x10;
	[tilespmem:s28+$0x2830] =	vst v63  }
0x61: {  	v3 =	vand.u32 $0xFFFF, v2;
	[tilespmem:s28+$0x5030] =	vst v1  }
0x62: {  	v1 =	vshra.s32 v2, $0x10;
	[tilespmem:s28+$0x2840] =	vst v3  }
0x63: {  	v2 =	vand.u32 $0xFFFF, v8;
	[tilespmem:s28+$0x5040] =	vst v1  }
0x64: {  	v1 =	vshra.s32 v8, $0x10;
	[tilespmem:s28+$0x2850] =	vst v2  }
0x65: {  	v2 =	vand.u32 $0xFFFF, v60;
	[tilespmem:s28+$0x5050] =	vst v1  }
0x66: {  	v1 =	vshra.s32 v60, $0x10;
	[tilespmem:s28+$0x2860] =	vst v2  }
0x67: {  	v2 =	vand.u32 $0xFFFF, v7;
	[tilespmem:s28+$0x5060] =	vst v1  }
0x68: {  	[tilespmem:s28+$0x2870] =	vst v2  }
0x69: {  	s29 =	simm.s32 $0x2800;
	[bflag:$0x0] =	sbarrier.arrive $0xFFFF  }
0x6a: {  	[tilespmem:s17], [sflag:$0x1] =	stream.indirect.gather [spmem:s2], $0x10, s29, s18, $0xb8;
	[tilespmem:$0xE710] =	vst v63  }
0x6b: {  	s31 =	simm.s32 $0x2880  }
0x6c: {  	[tilespmem:s19], [sflag:$0x2] =	stream.indirect.gather [spmem:s2], $0x10, s31, s18, $0xb8;
	[tilespmem:$0xE710] =	vst v63  }
0x6d: {  	s28 =	simm.s32 $0x2900  }
0x6e: {  	[tilespmem:s20], [sflag:$0x3] =	stream.indirect.gather [spmem:s2], $0x10, s28, s18, $0xb8;
	[tilespmem:$0xE710] =	vst v63  }
0x6f: {  	s29 =	simm.s32 $0x2980  }
0x70: {  	[tilespmem:s21], [sflag:$0x4] =	stream.indirect.gather [spmem:s2], $0x10, s29, s18, $0xb8;
	[tilespmem:$0xE710] =	vst v63  }
0x71: {  	_ =	swait.ge [sflag:s22], $0x800  }
0x72: {  	[sflag:s22] =	ssyncset.done $0x0  }
0x73: {  	s31 =	simm.s32 $0x5000;
	[sflag:s22] =	ssyncadd.s32 $0xFFFFF800  }
0x74: {  	[spmem:s3] =	stream.indirect.scatter.add.f32 [tilespmem:s17], [sflag:$0x5], $0x10, s31, s18, $0xb8;
	[tilespmem:$0xE710] =	vst v63  }
0x75: {  	_ =	swait.ge [sflag:s16], $0x800  }
0x76: {  	[sflag:s16] =	ssyncset.done $0x0  }
0x77: {  	[sflag:s16] =	ssyncadd.s32 $0xFFFFF800  }
0x78: {  	_ =	swait.ge [sflag:s23], $0x800  }
0x79: {  	[sflag:s23] =	ssyncset.done $0x0  }
0x7a: {  	s28 =	simm.s32 $0x5080;
	[sflag:s23] =	ssyncadd.s32 $0xFFFFF800  }
0x7b: {  	[spmem:s3] =	stream.indirect.scatter.add.f32 [tilespmem:s19], [sflag:$0x5], $0x10, s28, s18, $0xb8;
	[tilespmem:$0xE710] =	vst v63  }
0x7c: {  	_ =	swait.ge [sflag:s16], $0x800  }
0x7d: {  	[sflag:s16] =	ssyncset.done $0x0  }
0x7e: {  	[sflag:s16] =	ssyncadd.s32 $0xFFFFF800  }
0x7f: {  	_ =	swait.ge [sflag:s24], $0x800  }
0x80: {  	[sflag:s24] =	ssyncset.done $0x0  }
0x81: {  	s29 =	simm.s32 $0x5100;
	[sflag:s24] =	ssyncadd.s32 $0xFFFFF800  }
0x82: {  	[spmem:s3] =	stream.indirect.scatter.add.f32 [tilespmem:s20], [sflag:$0x5], $0x10, s29, s18, $0xb8;
	[tilespmem:$0xE710] =	vst v63  }
0x83: {  	_ =	swait.ge [sflag:s16], $0x800  }
0x84: {  	[sflag:s16] =	ssyncset.done $0x0  }
0x85: {  	[sflag:s16] =	ssyncadd.s32 $0xFFFFF800  }
0x86: {  	_ =	swait.ge [sflag:s25], $0x800  }
0x87: {  	[sflag:s25] =	ssyncset.done $0x0  }
0x88: {  	s31 =	simm.s32 $0x5180;
	[sflag:s25] =	ssyncadd.s32 $0xFFFFF800  }
0x89: {  	[spmem:s3] =	stream.indirect.scatter.add.f32 [tilespmem:s21], [sflag:$0x5], $0x10, s31, s18, $0xb8;
	[tilespmem:$0xE710] =	vst v63  }
0x8a: {  	_ =	swait.ge [sflag:s16], $0x800  }
0x8b: {  	s30 =	simm.s32 $0x1000;
	s26 =	simm.s32 $0x200;
	[sflag:s16] =	ssyncset.done $0x0  }
.LBB2_6:
0x8c: {  	s31 =	sadd.s32 $0x2800, s26  }
0x8d: {  	[sflag:s16] =	ssyncadd.s32 $0xFFFFF800;
	s29 =	smov.u32 s30;
	s28 =	sadd.s32 $0x800, s30  }
0x8e: {  	[tilespmem:s17], [sflag:$0x1] =	stream.indirect.gather [spmem:s2], $0x10, s31, s18, $0xb8;
	[tilespmem:$0xE710] =	vst v63  }
0x8f: {  	p0 =	sne.s32 s30, $0x9800;
	s30 =	sadd.s32 $0x2880, s26  }
0x90: {  	[tilespmem:s19], [sflag:$0x2] =	stream.indirect.gather [spmem:s2], $0x10, s30, s18, $0xb8;
	[tilespmem:$0xE710] =	vst v63  }
0x91: {  	s30 =	sadd.s32 $0x2900, s26  }
0x92: {  	[tilespmem:s20], [sflag:$0x3] =	stream.indirect.gather [spmem:s2], $0x10, s30, s18, $0xb8;
	[tilespmem:$0xE710] =	vst v63  }
0x93: {  	s30 =	sadd.s32 $0x2980, s26  }
0x94: {  	[tilespmem:s21], [sflag:$0x4] =	stream.indirect.gather [spmem:s2], $0x10, s30, s18, $0xb8;
	[tilespmem:$0xE710] =	vst v63  }
0x95: {  	_ =	swait.ge [sflag:s22], $0x800  }
0x96: {  	[sflag:s22] =	ssyncset.done $0x0  }
0x97: {  	s30 =	sadd.s32 $0x5000, s26;
	[sflag:s22] =	ssyncadd.s32 $0xFFFFF800  }
0x98: {  	[spmem:s3] =	stream.indirect.scatter.add.f32 [tilespmem:s17], [sflag:$0x5], $0x10, s30, s18, $0xb8;
	[tilespmem:$0xE710] =	vst v63  }
0x99: {  	_ =	swait.ge [sflag:s16], $0x800  }
0x9a: {  	[sflag:s16] =	ssyncset.done $0x0  }
0x9b: {  	[sflag:s16] =	ssyncadd.s32 $0xFFFFF800  }
0x9c: {  	_ =	swait.ge [sflag:s23], $0x800  }
0x9d: {  	[sflag:s23] =	ssyncset.done $0x0  }
0x9e: {  	s30 =	sadd.s32 $0x5080, s26;
	[sflag:s23] =	ssyncadd.s32 $0xFFFFF800  }
0x9f: {  	[spmem:s3] =	stream.indirect.scatter.add.f32 [tilespmem:s19], [sflag:$0x5], $0x10, s30, s18, $0xb8;
	[tilespmem:$0xE710] =	vst v63  }
0xa0: {  	_ =	swait.ge [sflag:s16], $0x800  }
0xa1: {  	[sflag:s16] =	ssyncset.done $0x0  }
0xa2: {  	[sflag:s16] =	ssyncadd.s32 $0xFFFFF800  }
0xa3: {  	_ =	swait.ge [sflag:s24], $0x800  }
0xa4: {  	[sflag:s24] =	ssyncset.done $0x0  }
0xa5: {  	s30 =	sadd.s32 $0x5100, s26;
	[sflag:s24] =	ssyncadd.s32 $0xFFFFF800  }
0xa6: {  	[spmem:s3] =	stream.indirect.scatter.add.f32 [tilespmem:s20], [sflag:$0x5], $0x10, s30, s18, $0xb8;
	[tilespmem:$0xE710] =	vst v63  }
0xa7: {  	_ =	swait.ge [sflag:s16], $0x800  }
0xa8: {  	[sflag:s16] =	ssyncset.done $0x0  }
0xa9: {  	[sflag:s16] =	ssyncadd.s32 $0xFFFFF800  }
0xaa: {  	_ =	swait.ge [sflag:s25], $0x800  }
.Ltmp2:
0xab: {  	[sflag:s25] =	ssyncset.done $0x0;
	(pc) =	sbr.rel @p0 .LBB2_6-.Ltmp2, $4  }
0xac: {  	s26 =	sadd.s32 $0x5180, s26;
	[sflag:s25] =	ssyncadd.s32 $0xFFFFF800  }
0xad: {  	[spmem:s3] =	stream.indirect.scatter.add.f32 [tilespmem:s21], [sflag:$0x5], $0x10, s26, s18, $0xb8;
	[tilespmem:$0xE710] =	vst v63  }
0xae: {  	_ =	swait.ge [sflag:s16], $0x800  }
0xaf: {  	s30 =	smov.u32 s28;
	s26 =	sshra.s32 s29, $0x2;
	[sflag:s16] =	ssyncset.done $0x0  }
0xb0: {  	s28 =	sadd.s32 $0x2800, s26;
	[sflag:s16] =	ssyncadd.s32 $0xFFFFF800  }
0xb1: {  	[tilespmem:s17], [sflag:$0x1] =	stream.indirect.gather [spmem:s2], $0x10, s28, s18, $0xb8;
	[tilespmem:$0xE710] =	vst v63  }
0xb2: {  	s30 =	sadd.s32 $0x2880, s26  }
0xb3: {  	[tilespmem:s19], [sflag:$0x2] =	stream.indirect.gather [spmem:s2], $0x10, s30, s18, $0xb8;
	[tilespmem:$0xE710] =	vst v63  }
0xb4: {  	s31 =	sadd.s32 $0x2900, s26  }
0xb5: {  	[tilespmem:s20], [sflag:$0x3] =	stream.indirect.gather [spmem:s2], $0x10, s31, s18, $0xb8;
	[tilespmem:$0xE710] =	vst v63  }
0xb6: {  	s29 =	sadd.s32 $0x2980, s26  }
0xb7: {  	[tilespmem:s21], [sflag:$0x4] =	stream.indirect.gather [spmem:s2], $0x10, s29, s18, $0xb8;
	[tilespmem:$0xE710] =	vst v63  }
0xb8: {  	_ =	swait.ge [sflag:s22], $0x800  }
0xb9: {  	[sflag:s22] =	ssyncset.done $0x0  }
0xba: {  	s30 =	sadd.s32 $0x5000, s26;
	[sflag:s22] =	ssyncadd.s32 $0xFFFFF800  }
0xbb: {  	[spmem:s3] =	stream.indirect.scatter.add.f32 [tilespmem:s17], [sflag:$0x5], $0x10, s30, s18, $0xb8;
	[tilespmem:$0xE710] =	vst v63  }
0xbc: {  	_ =	swait.ge [sflag:s16], $0x800  }
0xbd: {  	[sflag:s16] =	ssyncset.done $0x0  }
0xbe: {  	[sflag:s16] =	ssyncadd.s32 $0xFFFFF800  }
0xbf: {  	_ =	swait.ge [sflag:s23], $0x800  }
0xc0: {  	[sflag:s23] =	ssyncset.done $0x0  }
0xc1: {  	s31 =	sadd.s32 $0x5080, s26;
	[sflag:s23] =	ssyncadd.s32 $0xFFFFF800  }
0xc2: {  	[spmem:s3] =	stream.indirect.scatter.add.f32 [tilespmem:s19], [sflag:$0x5], $0x10, s31, s18, $0xb8;
	[tilespmem:$0xE710] =	vst v63  }
0xc3: {  	_ =	swait.ge [sflag:s16], $0x800  }
0xc4: {  	[sflag:s16] =	ssyncset.done $0x0  }
0xc5: {  	[sflag:s16] =	ssyncadd.s32 $0xFFFFF800  }
0xc6: {  	_ =	swait.ge [sflag:s24], $0x800  }
0xc7: {  	[sflag:s24] =	ssyncset.done $0x0  }
0xc8: {  	s29 =	sadd.s32 $0x5100, s26;
	[sflag:s24] =	ssyncadd.s32 $0xFFFFF800  }
0xc9: {  	[spmem:s3] =	stream.indirect.scatter.add.f32 [tilespmem:s20], [sflag:$0x5], $0x10, s29, s18, $0xb8;
	[tilespmem:$0xE710] =	vst v63  }
0xca: {  	_ =	swait.ge [sflag:s16], $0x800  }
0xcb: {  	[sflag:s16] =	ssyncset.done $0x0  }
0xcc: {  	[sflag:s16] =	ssyncadd.s32 $0xFFFFF800  }
0xcd: {  	_ =	swait.ge [sflag:s25], $0x800  }
0xce: {  	[sflag:s25] =	ssyncset.done $0x0  }
0xcf: {  	s30 =	sadd.s32 $0x5180, s26;
	[sflag:s25] =	ssyncadd.s32 $0xFFFFF800  }
0xd0: {  	[spmem:s3] =	stream.indirect.scatter.add.f32 [tilespmem:s21], [sflag:$0x5], $0x10, s30, s18, $0xb8;
	[tilespmem:$0xE710] =	vst v63  }
0xd1: {  	_ =	swait.ge [sflag:s16], $0x800  }
0xd2: {  	s4 =	sadd.s32 $0x1, s4;
	[sflag:s16] =	ssyncset.done $0x0  }
0xd3: {  	p0 =	sne.s32 s4, s14;
	[sflag:s16] =	ssyncadd.s32 $0xFFFFF800  }
.Ltmp3:
0xd4: {  	s31 =	sshrl.u32 s7, $0x3;
	[bflag:$0x0] =	sbarrier.arrive $0xFFFF;
	(pc) =	sbr.rel @p0 .LBB2_1-.Ltmp3, $4  }
0xd5: {  	[hbm:s13], [sflag:s6] =	dma.local [spmem:s31], $0x500  }
0xd6: {  	_ =	swait.ge [sflag:s16], $0x500  }
0xd7: {  	[sflag:s16] =	ssyncset.done $0x0  }
0xd8: {  	[sflag:s16] =	ssyncadd.s32 $0xFFFFFB00  }
0xd9: {  	_ =	sfence.sel $0x180000  }
0xda: {  	[bflag:$0x0] =	sbarrier.arrive $0xFFFF  }
0xdb: {  	p0 =	sne.s32 s0, $0x0;
	_ =	strace $0x90000053  }
0xdc: {  	s0 =	sadd.s32 @!p0 $0x100000, s1;
	[bflag:$0x2] =	sbarrier.arrive $0xFFFF  }
0xdd: {  	[sflag:s0] =	ssyncadd.tile.s32 @!p0 $0x1;
	_ =	shalt  }
.Lfunc_end2:
_tile_overlayer_lowered:
.L_overlay_start_2:
0xde: {  	(tag) =	ssettag $0x2  }
0xdf: {  	s0 =	rddreg [dreg:$0x0];
	s2 =	stileid.u32  }
0xe0: {  	s1 =	rddreg [dreg:$0x1];
	p0 =	sne.s32 s2, $0x0  }
0xe1: {  	s3 =	rddreg [dreg:$0x2];
	[bflag:$0x3] =	sbarrier.arrive $0xFFFF;
	s2 =	simm.s32 @!p0 $0x1C05  }
0xe2: {  	[timem:s3], [sflag:s2] =	dma.local @!p0 [hbm:s0], s1  }
0xe3: {  	s0 =	simm.s32 @!p0 $0x5  }
0xe4: {  	_ =	swait.ge @!p0 [sflag:s0], s1  }
0xe5: {  	s1 =	ssub.s32 @!p0 $0x0, s1;
	[sflag:s0] =	ssyncset.done @!p0 $0x0  }
0xe6: {  	[sflag:s0] =	ssyncadd.s32 @!p0 s1  }
0xe7: {  	[bflag:$0x3] =	sbarrier.arrive $0xFFFF  }
0xe8: {  	_ =	shalt  }

</sc_bundles>
